<compile_context>
chip_gen: v7x
topology: tpu7x:2x2x1
jax: 0.10.2.dev20260603
libtpu: 0.0.44.dev20260713+nightly
codegen_flags: <defaults>
</compile_context>

<pallas_src>
import functools

import jax
import jax.numpy as jnp
from jax import lax
from jax.experimental import pallas as pl
from jax.experimental.pallas import tpu as pltpu
from jax.experimental.pallas import tpu_sc as plsc

HID = 4096
H4 = 1024
RD = 256
MEMN = 500
WSP = 512
TOPK = 3
FUSION = 0.5

NK = 8
BK = HID // NK
NB = 8
BB = HID // NB

NC, NS, L = 2, 16, 16
NW = NC * NS
RPW = 1024 // NW
NCH = WSP // L

_PD = lax.Precision.DEFAULT
_NEG = float("-inf")


def _dotT(a, b, prec=_PD):
    return lax.dot_general(a, b, (((1,), (1,)), ((), ())),
                           precision=prec, preferred_element_type=jnp.float32)



def _tc_a(state_ref, w1_ref, b1_ref, w2_ref, b2r_ref, bank_ref, mv_ref,
          rs_ref, ws_ref, h_s):
    i = pl.program_id(0)

    @pl.when(i == 0)
    def _k0():
        h_s[...] = _dotT(state_ref[...], w1_ref[...])

    @pl.when(i > 0)
    def _kacc():
        h_s[...] += _dotT(state_ref[...], w1_ref[...])

    @pl.when(i == NK - 1)
    def _tail():
        h = jnp.maximum(h_s[...] + b1_ref[...].reshape(1, H4), 0.0)
        rs = _dotT(h, w2_ref[...]) + b2r_ref[...].reshape(1, RD)
        rs_ref[...] = rs
        nrm = jnp.sqrt(jnp.sum(rs * rs, axis=1, keepdims=True))
        ns = rs / jnp.maximum(nrm, 1e-12)
        bk = bank_ref[...]
        bnrm = jnp.sqrt(jnp.sum(bk * bk, axis=1, keepdims=True))
        nb = bk / jnp.maximum(bnrm, 1e-12)
        sims = _dotT(ns, nb)
        ws = sims * (mv_ref[...].reshape(1, MEMN) + 1e-8)
        ws_ref[...] = jnp.concatenate(
            [ws, jnp.full((1024, WSP - MEMN), _NEG, jnp.float32)], axis=1)



def _sc_retrieve(ws_hbm, bank_hbm, out_hbm, ws_v, idx_v, rows_v, avg_v, sem):
    wid = lax.axis_index("s") * NC + lax.axis_index("c")
    base = wid * RPW
    pltpu.sync_copy(ws_hbm.at[pl.ds(base, RPW)], ws_v)
    lane = lax.iota(jnp.int32, L)
    zero = jnp.zeros((L,), jnp.int32)

    def _bcast_red(x, op):
        for s in (8, 4, 2, 1):
            x = op(x, x.at[lane ^ s].get(mode="promise_in_bounds"))
        return x

    def row_body(r, carry):
        picks = list(carry)
        r = pl.multiple_of(r, 1)
        m1 = jnp.full((L,), _NEG, jnp.float32)
        m2 = jnp.full((L,), _NEG, jnp.float32)
        m3 = jnp.full((L,), _NEG, jnp.float32)
        i1 = zero
        i2 = zero
        i3 = zero
        for c in range(NCH):
            v = ws_v[r, pl.ds(c * L, L)]
            iv = lane + (c * L)
            gt1 = v > m1
            dv = jnp.where(gt1, m1, v)
            di = jnp.where(gt1, i1, iv)
            m1 = jnp.where(gt1, v, m1)
            i1 = jnp.where(gt1, iv, i1)
            gt2 = dv > m2
            dv2 = jnp.where(gt2, m2, dv)
            di2 = jnp.where(gt2, i2, di)
            m2 = jnp.where(gt2, dv, m2)
            i2 = jnp.where(gt2, di, i2)
            gt3 = dv2 > m3
            m3 = jnp.where(gt3, dv2, m3)
            i3 = jnp.where(gt3, di2, i3)
        selA = lane == r
        selB = lane == (r - L)
        for k in range(TOPK):
            mm = jnp.maximum(jnp.maximum(m1, m2), m3)
            gv = _bcast_red(mm, jnp.maximum)
            e1 = jnp.where(m1 == gv, i1, WSP)
            e2 = jnp.where(m2 == gv, i2, WSP)
            e3 = jnp.where(m3 == gv, i3, WSP)
            gi = _bcast_red(jnp.minimum(jnp.minimum(e1, e2), e3),
                            jnp.minimum)
            picks[2 * k] = jnp.where(selA, gi, picks[2 * k])
            picks[2 * k + 1] = jnp.where(selB, gi, picks[2 * k + 1])
            m1 = jnp.where(i1 == gi, _NEG, m1)
            m2 = jnp.where(i2 == gi, _NEG, m2)
            m3 = jnp.where(i3 == gi, _NEG, m3)
        return tuple(picks)

    picks = plsc.parallel_loop(0, RPW, carry=(zero,) * (2 * TOPK))(row_body)
    for k in range(TOPK):
        idx_v[pl.ds(2 * k * L, L)] = picks[2 * k]
        idx_v[pl.ds((2 * k + 1) * L, L)] = picks[2 * k + 1]
    pltpu.async_copy(bank_hbm.at[idx_v], rows_v, sem).wait()

    def avg_body(r, carry):
        for c in range(RD // L):
            s = pl.ds(c * L, L)
            avg_v[r, s] = (rows_v[r, s] + rows_v[RPW + r, s]
                           + rows_v[2 * RPW + r, s]) / 3.0
        return carry

    plsc.parallel_loop(0, RPW, carry=jnp.int32(0))(avg_body)
    pltpu.sync_copy(avg_v, out_hbm.at[pl.ds(base, RPW)])


_sc_call = functools.partial(
    pl.kernel,
    _sc_retrieve,
    out_type=jax.ShapeDtypeStruct((1024, RD), jnp.float32),
    mesh=plsc.VectorSubcoreMesh(core_axis_name="c", subcore_axis_name="s"),
    scratch_types=[
        pltpu.VMEM((RPW, WSP), jnp.float32),
        pltpu.VMEM((TOPK * RPW,), jnp.int32),
        pltpu.VMEM((TOPK * RPW, RD), jnp.float32),
        pltpu.VMEM((RPW, RD), jnp.float32),
        pltpu.SemaphoreType.DMA,
    ],
)



def _tc_b(rs_ref, avg_ref, bank_ref, mv_ref, chw1_ref, chb1_ref, chw2_ref,
          chb2_ref, dirw_ref, dirb_ref, ssw_ref, ssb_ref, vw_ref, vb_ref,
          tpw1_ref, tpb1_ref, tpw2_ref, tpb2_ref,
          lat_ref, np_ref, p0_ref, act_ref, lp_ref, val_ref, ent_ref,
          nbank_ref, nvals_ref, g_s):
    i = pl.program_id(0)

    @pl.when(i == 0)
    def _epilogue():
        rs = rs_ref[...]
        rs_f = (1.0 - FUSION) * rs + FUSION * avg_ref[...]
        c1 = jnp.maximum(_dotT(rs_f, chw1_ref[...])
                         + chb1_ref[...].reshape(1, 128), 0.0)
        logits = _dotT(c1, chw2_ref[...]) + chb2_ref[...].reshape(1, 2)
        mx = jnp.max(logits, axis=1, keepdims=True)
        e = jnp.exp(logits - mx)
        p = e / jnp.sum(e, axis=1, keepdims=True)
        p0 = p[:, 0:1]
        p1 = p[:, 1:2]
        act = (p1 > p0).astype(jnp.int32)
        p0_ref[...] = p0.T
        act_ref[...] = act.T
        lp_ref[...] = jnp.log(jnp.where(act > 0, p1, p0)).T
        ent_ref[...] = (-(p0 * jnp.log(p0 + 1e-8)
                          + p1 * jnp.log(p1 + 1e-8))).T
        d0 = _dotT(rs_f, dirw_ref[...]) + dirb_ref[...].reshape(1, RD)
        dnrm = jnp.sqrt(jnp.sum(d0 * d0, axis=1, keepdims=True))
        dn = d0 / jnp.maximum(dnrm, 1e-12)
        ssz = (jnp.sum(rs_f * ssw_ref[...], axis=1, keepdims=True)
               + ssb_ref[...].reshape(1, 1))
        ssz = 2.0 / (1.0 + jnp.exp(-ssz))
        val = (jnp.sum(rs_f * vw_ref[...], axis=1, keepdims=True)
               + vb_ref[...].reshape(1, 1))
        val_ref[...] = val.T
        npos = rs_f + ssz * dn
        np_ref[...] = npos
        pos_mean = jnp.sum(npos, axis=0, keepdims=True) / 1024.0
        val_mean = jnp.sum(val) / 1024.0
        r0 = lax.broadcasted_iota(jnp.int32, (MEMN, RD), 0) == 0
        nbank_ref[...] = jnp.where(r0, pos_mean, bank_ref[...])
        mv = mv_ref[...].reshape(1, MEMN)
        c0 = lax.broadcasted_iota(jnp.int32, (1, MEMN), 1) == 0
        nvals_ref[...] = jnp.where(c0, val_mean, mv)
        g_s[...] = jnp.maximum(
            _dotT(npos, tpw1_ref[...]) + tpb1_ref[...].reshape(1, H4), 0.0)

    @pl.when(i > 0)
    def _phase_b():
        lat_ref[...] = (_dotT(g_s[...], tpw2_ref[...])
                        + tpb2_ref[...].reshape(1, BB))


def kernel(state, step_num, sp_W1, sp_b1, sp_W2, sp_b2, tp_W1, tp_b1, tp_W2,
           tp_b2, ch_W1, ch_b1, ch_W2, ch_b2, dir_W, dir_b, ss_W, ss_b, v_W,
           v_b, memory_bank, memory_values):
    f32 = jnp.float32
    se = jnp.sin(jnp.asarray(step_num, f32) * 0.5)
    b2r = sp_b2 + 0.1 * se

    const = lambda shape: pl.BlockSpec(shape, lambda i: (0,) * len(shape))
    rs, ws = pl.pallas_call(
        _tc_a,
        grid=(NK,),
        in_specs=[
            pl.BlockSpec((1024, BK), lambda i: (0, i)),
            pl.BlockSpec((1024, BK), lambda i: (0, i)),
            const((H4,)),
            const((RD, H4)),
            const((RD,)),
            const((MEMN, RD)),
            const((MEMN,)),
        ],
        out_specs=[const((1024, RD)), const((1024, WSP))],
        out_shape=(jax.ShapeDtypeStruct((1024, RD), f32),
                   jax.ShapeDtypeStruct((1024, WSP), f32)),
        scratch_shapes=[pltpu.VMEM((1024, H4), f32)],
        compiler_params=pltpu.CompilerParams(
            dimension_semantics=("arbitrary",)),
    )(state, sp_W1, sp_b1, sp_W2, b2r, memory_bank, memory_values)

    avg = _sc_call()(ws, memory_bank)

    outs = (
        jax.ShapeDtypeStruct((1024, HID), f32),
        jax.ShapeDtypeStruct((1024, RD), f32),
        jax.ShapeDtypeStruct((1, 1024), f32),
        jax.ShapeDtypeStruct((1, 1024), jnp.int32),
        jax.ShapeDtypeStruct((1, 1024), f32),
        jax.ShapeDtypeStruct((1, 1024), f32),
        jax.ShapeDtypeStruct((1, 1024), f32),
        jax.ShapeDtypeStruct((MEMN, RD), f32),
        jax.ShapeDtypeStruct((1, MEMN), f32),
    )
    (lat, npos, p0, act, lp, val, ent, nbank, nvals) = pl.pallas_call(
        _tc_b,
        grid=(1 + NB,),
        in_specs=[
            const((1024, RD)),
            const((1024, RD)),
            const((MEMN, RD)),
            const((MEMN,)),
            const((128, RD)),
            const((128,)),
            const((2, 128)),
            const((2,)),
            const((RD, RD)),
            const((RD,)),
            const((1, RD)),
            const((1,)),
            const((1, RD)),
            const((1,)),
            const((H4, RD)),
            const((H4,)),
            pl.BlockSpec((BB, H4), lambda i: (jnp.maximum(i - 1, 0), 0)),
            pl.BlockSpec((BB,), lambda i: (jnp.maximum(i - 1, 0),)),
        ],
        out_specs=[
            pl.BlockSpec((1024, BB), lambda i: (0, jnp.maximum(i - 1, 0))),
            const((1024, RD)),
            const((1, 1024)),
            const((1, 1024)),
            const((1, 1024)),
            const((1, 1024)),
            const((1, 1024)),
            const((MEMN, RD)),
            const((1, MEMN)),
        ],
        out_shape=outs,
        scratch_shapes=[pltpu.VMEM((1024, H4), f32)],
        compiler_params=pltpu.CompilerParams(
            dimension_semantics=("arbitrary",)),
    )(rs, avg, memory_bank, memory_values, ch_W1, ch_b1, ch_W2, ch_b2,
      dir_W, dir_b, ss_W, ss_b, v_W, v_b, tp_W1, tp_b1, tp_W2, tp_b2)

    return (lat, npos, p0[0], act[0], lp[0], val[0],
            ent[0], nbank, nvals[0])

# --- scband reference (transcript-rebuilt; emitter-appended) ---
"""Pipeline reference for scband-coconut-ppo-11158325035491 (READ-ONLY COPY).

The authoritative reference and input builder live on the scoring server;
editing this copy changes nothing except your own understanding.
"""

import jax, jax.numpy as jnp
import numpy as np

HIDDEN = 4096
RDIM = 256
MEM = 500
TOPK = 3
FUSION = 0.5

def _linear(x, W, b):
    return x @ W.T + b

def setup_inputs(seed: int = 0) -> dict:
    key = jax.random.key(seed)
    ks = jax.random.split(key, 20)
    state = jax.random.normal(ks[0], (1024, HIDDEN), dtype=jnp.float32)
    # state_projection: Linear(H, H//4) -> ReLU -> Linear(H//4, RDIM)
    h4 = HIDDEN // 4
    sp_W1 = jax.random.normal(ks[1], (h4, HIDDEN), dtype=jnp.float32) * (1.0 / np.sqrt(HIDDEN))
    sp_b1 = jnp.zeros((h4,), dtype=jnp.float32)
    sp_W2 = jax.random.normal(ks[2], (RDIM, h4), dtype=jnp.float32) * (1.0 / np.sqrt(h4))
    sp_b2 = jnp.zeros((RDIM,), dtype=jnp.float32)
    # thought_projection: Linear(RDIM, H//4) -> ReLU -> Linear(H//4, H)
    tp_W1 = jax.random.normal(ks[3], (h4, RDIM), dtype=jnp.float32) * (1.0 / np.sqrt(RDIM))
    tp_b1 = jnp.zeros((h4,), dtype=jnp.float32)
    tp_W2 = jax.random.normal(ks[4], (HIDDEN, h4), dtype=jnp.float32) * (1.0 / np.sqrt(h4))
    tp_b2 = jnp.zeros((HIDDEN,), dtype=jnp.float32)
    # continue_head: Linear(RDIM, RDIM//2) -> ReLU -> Linear(RDIM//2, 2)
    r2 = RDIM // 2
    ch_W1 = jax.random.normal(ks[5], (r2, RDIM), dtype=jnp.float32) * (1.0 / np.sqrt(RDIM))
    ch_b1 = jnp.zeros((r2,), dtype=jnp.float32)
    ch_W2 = jax.random.normal(ks[6], (2, r2), dtype=jnp.float32) * (1.0 / np.sqrt(r2))
    ch_b2 = jnp.zeros((2,), dtype=jnp.float32)
    dir_W = jax.random.normal(ks[7], (RDIM, RDIM), dtype=jnp.float32) * (1.0 / np.sqrt(RDIM))
    dir_b = jnp.zeros((RDIM,), dtype=jnp.float32)
    ss_W = jax.random.normal(ks[8], (1, RDIM), dtype=jnp.float32) * (1.0 / np.sqrt(RDIM))
    ss_b = jnp.zeros((1,), dtype=jnp.float32)
    v_W = jax.random.normal(ks[9], (1, RDIM), dtype=jnp.float32) * (1.0 / np.sqrt(RDIM))
    v_b = jnp.zeros((1,), dtype=jnp.float32)
    # memory bank: pre-filled so retrieval path is exercised
    memory_bank = jax.random.normal(ks[10], (MEM, RDIM), dtype=jnp.float32)
    memory_values = jax.random.uniform(ks[11], (MEM,), dtype=jnp.float32)
    return {
        'state': state, 'step_num': 2,
        'sp_W1': sp_W1, 'sp_b1': sp_b1, 'sp_W2': sp_W2, 'sp_b2': sp_b2,
        'tp_W1': tp_W1, 'tp_b1': tp_b1, 'tp_W2': tp_W2, 'tp_b2': tp_b2,
        'ch_W1': ch_W1, 'ch_b1': ch_b1, 'ch_W2': ch_W2, 'ch_b2': ch_b2,
        'dir_W': dir_W, 'dir_b': dir_b,
        'ss_W': ss_W, 'ss_b': ss_b,
        'v_W': v_W, 'v_b': v_b,
        'memory_bank': memory_bank, 'memory_values': memory_values,
    }

def _l2norm(x, axis=-1, eps=1e-12):
    n = jnp.sqrt(jnp.sum(x * x, axis=axis, keepdims=True))
    return x / jnp.maximum(n, eps)

def reference(state, step_num, sp_W1, sp_b1, sp_W2, sp_b2, tp_W1, tp_b1, tp_W2, tp_b2,
              ch_W1, ch_b1, ch_W2, ch_b2, dir_W, dir_b, ss_W, ss_b, v_W, v_b,
              memory_bank, memory_values):
    temperature = 1.0
    # state_projection (eval mode: dropout = identity)
    h = jnp.maximum(_linear(state, sp_W1, sp_b1), 0.0)
    reasoning_state = _linear(h, sp_W2, sp_b2)
    step_embed = jnp.sin(jnp.asarray(step_num, dtype=jnp.float32) * 0.5)
    reasoning_state = reasoning_state + 0.1 * step_embed
    # memory retrieval (memory_filled=True): gather top-k rows from bank
    norm_state = _l2norm(reasoning_state)
    norm_bank = _l2norm(memory_bank)
    similarities = norm_state @ norm_bank.T  # [B, MEM]
    weighted_sims = similarities * (memory_values + 1e-08)
    # torch ref averages over single query; for batched input similarities is [B, MEM].
    # Torch code squeezes dim0 only for single input; for batch it topks per flat valid mask.
    # Faithful batched behavior: topk over last axis per row, gather bank rows, mean.
    _, topk_idx = jax.lax.top_k(weighted_sims, TOPK)  # [B, TOPK]
    retrieved_states = jnp.take(memory_bank, topk_idx, axis=0)  # [B, TOPK, RDIM] gather
    avg_retrieved = retrieved_states.mean(axis=1)  # [B, RDIM]
    reasoning_state = (1 - FUSION) * reasoning_state + FUSION * avg_retrieved
    # continue head
    ch = jnp.maximum(_linear(reasoning_state, ch_W1, ch_b1), 0.0)
    continue_logits = _linear(ch, ch_W2, ch_b2) / temperature
    continue_probs = jax.nn.softmax(continue_logits, axis=-1)
    continue_action = jnp.argmax(continue_probs, axis=-1)
    # direction / step size / value
    direction = _l2norm(_linear(reasoning_state, dir_W, dir_b))
    step_size = jax.nn.sigmoid(_linear(reasoning_state, ss_W, ss_b)) * 2.0
    value = _linear(reasoning_state, v_W, v_b)
    next_position = reasoning_state + step_size * direction
    latent_thought = _linear(jnp.maximum(_linear(next_position, tp_W1, tp_b1), 0.0), tp_W2, tp_b2)
    # memory write: scatter-overwrite at ptr (ptr=0), mean over batch
    pos_mean = next_position.mean(axis=0)
    val_mean = value.mean()
    new_bank = memory_bank.at[0].set(pos_mean)
    new_vals = memory_values.at[0].set(val_mean)
    # policy info (eval path)
    log_prob = jnp.log(jnp.take_along_axis(continue_probs, continue_action[:, None], axis=1)[:, 0])
    entropy = -jnp.sum(continue_probs * jnp.log(continue_probs + 1e-08), axis=-1)
    return (latent_thought, next_position, continue_probs[:, 0], continue_action,
            log_prob, value[:, 0], entropy, new_bank, new_vals)

if __name__ == "__main__":
    import jax
    _d = setup_inputs()
    print(jax.jit(kernel)(*tuple(_d.values())))

</pallas_src>

<mosaic_0001>
#map = affine_map<(d0, d1) -> (0, 0)>
module attributes {stable_mosaic.version = 14 : i64} {
  func.func @_sc_retrieve(%arg0: i32, %arg1: i32, %arg2: memref<1024x512xf32, #tpu.memory_space<hbm>>, %arg3: memref<500x256xf32, #tpu.memory_space<hbm>>, %arg4: memref<1024x256xf32, #tpu.memory_space<hbm>>, %arg5: memref<32x512xf32, #tpu.memory_space<vmem>>, %arg6: memref<96xi32, #tpu.memory_space<vmem>>, %arg7: memref<96x256xf32, #tpu.memory_space<vmem>>, %arg8: memref<32x256xf32, #tpu.memory_space<vmem>>, %arg9: memref<!tpu.dma_semaphore, #tpu.memory_space<semaphore_mem>>) attributes {dimension_semantics = [#tpu.dimension_semantics<core_parallel>, #tpu.dimension_semantics<subcore_parallel>], iteration_bounds = array<i64: 2, 16>, scalar_prefetch = 0 : i64, scratch_operands = 5 : i64, tpu.core_type = #tpu.core_type<sc_vector_subcore>, window_params = [{transform_indices = #map}, {transform_indices = #map}, {transform_indices = #map}]} {
    %mul3A = arith.constant 2 : i32
    %mul3A_0 = arith.muli %arg1, %mul3A : i32
    %add3A = arith.addi %mul3A_0, %arg0 : i32
    %mul3A_1 = arith.constant 32 : i32
    %mul3A_2 = arith.muli %add3A, %mul3A_1 : i32
    "tpu.region"() ({
      %run_scoped3A = tpu.sem_alloc : memref<!tpu.dma_semaphore, #tpu.memory_space<semaphore_mem>>
      %dma_start3A_39 = arith.constant 0 : i32
      %dma_start3A_40 = tpu.memref_slice %arg2[%mul3A_2, %dma_start3A_39] : memref<1024x512xf32, #tpu.memory_space<hbm>> -> memref<32x512xf32, #tpu.memory_space<hbm>>
      %dma_start3A_41 = arith.constant 0 : i32
      %dma_start3A_42 = tpu.memref_slice %arg2[%mul3A_2, %dma_start3A_41] : memref<1024x512xf32, #tpu.memory_space<hbm>> -> memref<32x512xf32, #tpu.memory_space<hbm>>
      tpu.enqueue_dma source(%dma_start3A_42 : memref<32x512xf32, #tpu.memory_space<hbm>>) target(%arg5 : memref<32x512xf32, #tpu.memory_space<vmem>>) target_semaphore(%run_scoped3A : memref<!tpu.dma_semaphore, #tpu.memory_space<semaphore_mem>>)
      %dma_wait3A_43 = arith.constant 0 : i32
      %dma_wait3A_44 = tpu.memref_slice %arg2[%mul3A_2, %dma_wait3A_43] : memref<1024x512xf32, #tpu.memory_space<hbm>> -> memref<32x512xf32, #tpu.memory_space<hbm>>
      %dma_wait3A_45 = arith.constant 0 : i32
      %dma_wait3A_46 = tpu.memref_slice %arg2[%mul3A_2, %dma_wait3A_45] : memref<1024x512xf32, #tpu.memory_space<hbm>> -> memref<32x512xf32, #tpu.memory_space<hbm>>
      tpu.wait_dma2 semaphore(%run_scoped3A : memref<!tpu.dma_semaphore, #tpu.memory_space<semaphore_mem>>) src(%dma_wait3A_46 : memref<32x512xf32, #tpu.memory_space<hbm>>) dst(%arg5 : memref<32x512xf32, #tpu.memory_space<vmem>>)
      tpu.yield
    }) : () -> ()
    %iota3A = tpu.iota {dimensions = array<i32: 0>} : vector<16xi32>
    %broadcast_in_dim3A = arith.constant 0 : i32
    %broadcast_in_dim3A_3 = vector.broadcast %broadcast_in_dim3A : i32 to vector<16xi32>
    %parallel_loop3A = arith.constant 0 : i32
    %parallel_loop3A_4 = arith.constant 32 : i32
    %parallel_loop3A_5 = arith.constant 1 : i32
    %parallel_loop3A_6:6 = scf.for %parallel_loop3A_39 = %parallel_loop3A to %parallel_loop3A_4 step %parallel_loop3A_5 iter_args(%parallel_loop3A_40 = %broadcast_in_dim3A_3, %parallel_loop3A_41 = %broadcast_in_dim3A_3, %parallel_loop3A_42 = %broadcast_in_dim3A_3, %parallel_loop3A_43 = %broadcast_in_dim3A_3, %parallel_loop3A_44 = %broadcast_in_dim3A_3, %parallel_loop3A_45 = %broadcast_in_dim3A_3) -> (vector<16xi32>, vector<16xi32>, vector<16xi32>, vector<16xi32>, vector<16xi32>, vector<16xi32>)  : i32 {
      %parallel_loop3A_46 = tpu.assume_multiple %parallel_loop3A_39, 1 : i32
      %parallel_loop3A_47 = arith.constant 0xFF800000 : f32
      %parallel_loop3A_48 = vector.broadcast %parallel_loop3A_47 : f32 to vector<16xf32>
      %parallel_loop3A_49 = arith.constant 0xFF800000 : f32
      %parallel_loop3A_50 = vector.broadcast %parallel_loop3A_49 : f32 to vector<16xf32>
      %parallel_loop3A_51 = arith.constant 0xFF800000 : f32
      %parallel_loop3A_52 = vector.broadcast %parallel_loop3A_51 : f32 to vector<16xf32>
      %parallel_loop3A_53 = arith.index_cast %parallel_loop3A_46 : i32 to index
      %parallel_loop3A_54 = arith.constant 0 : index
      %parallel_loop3A_55 = tpu.vector_load %arg5[%parallel_loop3A_53, %parallel_loop3A_54] {strides = array<i32>} : memref<32x512xf32, #tpu.memory_space<vmem>>, vector<1x16xf32>,
      %parallel_loop3A_56 = vector.shape_cast %parallel_loop3A_55 : vector<1x16xf32> to vector<16xf32>
      %parallel_loop3A_57 = arith.constant 0 : i32
      %parallel_loop3A_58 = vector.broadcast %parallel_loop3A_57 : i32 to vector<16xi32>
      %parallel_loop3A_59 = arith.addi %iota3A, %parallel_loop3A_58 : vector<16xi32>
      %parallel_loop3A_60 = arith.cmpf ogt, %parallel_loop3A_56, %parallel_loop3A_48 : vector<16xf32>
      %parallel_loop3A_61 = arith.select %parallel_loop3A_60, %parallel_loop3A_48, %parallel_loop3A_56 : vector<16xi1>, vector<16xf32>
      %parallel_loop3A_62 = arith.select %parallel_loop3A_60, %broadcast_in_dim3A_3, %parallel_loop3A_59 : vector<16xi1>, vector<16xi32>
      %parallel_loop3A_63 = arith.select %parallel_loop3A_60, %parallel_loop3A_56, %parallel_loop3A_48 : vector<16xi1>, vector<16xf32>
      %parallel_loop3A_64 = arith.select %parallel_loop3A_60, %parallel_loop3A_59, %broadcast_in_dim3A_3 : vector<16xi1>, vector<16xi32>
      %parallel_loop3A_65 = arith.cmpf ogt, %parallel_loop3A_61, %parallel_loop3A_50 : vector<16xf32>
      %parallel_loop3A_66 = arith.select %parallel_loop3A_65, %parallel_loop3A_50, %parallel_loop3A_61 : vector<16xi1>, vector<16xf32>
      %parallel_loop3A_67 = arith.select %parallel_loop3A_65, %broadcast_in_dim3A_3, %parallel_loop3A_62 : vector<16xi1>, vector<16xi32>
      %parallel_loop3A_68 = arith.select %parallel_loop3A_65, %parallel_loop3A_61, %parallel_loop3A_50 : vector<16xi1>, vector<16xf32>
      %parallel_loop3A_69 = arith.select %parallel_loop3A_65, %parallel_loop3A_62, %broadcast_in_dim3A_3 : vector<16xi1>, vector<16xi32>
      %parallel_loop3A_70 = arith.cmpf ogt, %parallel_loop3A_66, %parallel_loop3A_52 : vector<16xf32>
      %parallel_loop3A_71 = arith.select %parallel_loop3A_70, %parallel_loop3A_66, %parallel_loop3A_52 : vector<16xi1>, vector<16xf32>
      %parallel_loop3A_72 = arith.select %parallel_loop3A_70, %parallel_loop3A_67, %broadcast_in_dim3A_3 : vector<16xi1>, vector<16xi32>
      %parallel_loop3A_73 = arith.index_cast %parallel_loop3A_46 : i32 to index
      %parallel_loop3A_74 = arith.constant 16 : index
      %parallel_loop3A_75 = tpu.vector_load %arg5[%parallel_loop3A_73, %parallel_loop3A_74] {strides = array<i32>} : memref<32x512xf32, #tpu.memory_space<vmem>>, vector<1x16xf32>,
      %parallel_loop3A_76 = vector.shape_cast %parallel_loop3A_75 : vector<1x16xf32> to vector<16xf32>
      %parallel_loop3A_77 = arith.constant 16 : i32
      %parallel_loop3A_78 = vector.broadcast %parallel_loop3A_77 : i32 to vector<16xi32>
      %parallel_loop3A_79 = arith.addi %iota3A, %parallel_loop3A_78 : vector<16xi32>
      %parallel_loop3A_80 = arith.cmpf ogt, %parallel_loop3A_76, %parallel_loop3A_63 : vector<16xf32>
      %parallel_loop3A_81 = arith.select %parallel_loop3A_80, %parallel_loop3A_63, %parallel_loop3A_76 : vector<16xi1>, vector<16xf32>
      %parallel_loop3A_82 = arith.select %parallel_loop3A_80, %parallel_loop3A_64, %parallel_loop3A_79 : vector<16xi1>, vector<16xi32>
      %parallel_loop3A_83 = arith.select %parallel_loop3A_80, %parallel_loop3A_76, %parallel_loop3A_63 : vector<16xi1>, vector<16xf32>
      %parallel_loop3A_84 = arith.select %parallel_loop3A_80, %parallel_loop3A_79, %parallel_loop3A_64 : vector<16xi1>, vector<16xi32>
      %parallel_loop3A_85 = arith.cmpf ogt, %parallel_loop3A_81, %parallel_loop3A_68 : vector<16xf32>
      %parallel_loop3A_86 = arith.select %parallel_loop3A_85, %parallel_loop3A_68, %parallel_loop3A_81 : vector<16xi1>, vector<16xf32>
      %parallel_loop3A_87 = arith.select %parallel_loop3A_85, %parallel_loop3A_69, %parallel_loop3A_82 : vector<16xi1>, vector<16xi32>
      %parallel_loop3A_88 = arith.select %parallel_loop3A_85, %parallel_loop3A_81, %parallel_loop3A_68 : vector<16xi1>, vector<16xf32>
      %parallel_loop3A_89 = arith.select %parallel_loop3A_85, %parallel_loop3A_82, %parallel_loop3A_69 : vector<16xi1>, vector<16xi32>
      %parallel_loop3A_90 = arith.cmpf ogt, %parallel_loop3A_86, %parallel_loop3A_71 : vector<16xf32>
      %parallel_loop3A_91 = arith.select %parallel_loop3A_90, %parallel_loop3A_86, %parallel_loop3A_71 : vector<16xi1>, vector<16xf32>
      %parallel_loop3A_92 = arith.select %parallel_loop3A_90, %parallel_loop3A_87, %parallel_loop3A_72 : vector<16xi1>, vector<16xi32>
      %parallel_loop3A_93 = arith.index_cast %parallel_loop3A_46 : i32 to index
      %parallel_loop3A_94 = arith.constant 32 : index
      %parallel_loop3A_95 = tpu.vector_load %arg5[%parallel_loop3A_93, %parallel_loop3A_94] {strides = array<i32>} : memref<32x512xf32, #tpu.memory_space<vmem>>, vector<1x16xf32>,
      %parallel_loop3A_96 = vector.shape_cast %parallel_loop3A_95 : vector<1x16xf32> to vector<16xf32>
      %parallel_loop3A_97 = arith.constant 32 : i32
      %parallel_loop3A_98 = vector.broadcast %parallel_loop3A_97 : i32 to vector<16xi32>
      %parallel_loop3A_99 = arith.addi %iota3A, %parallel_loop3A_98 : vector<16xi32>
      %parallel_loop3A_100 = arith.cmpf ogt, %parallel_loop3A_96, %parallel_loop3A_83 : vector<16xf32>
      %parallel_loop3A_101 = arith.select %parallel_loop3A_100, %parallel_loop3A_83, %parallel_loop3A_96 : vector<16xi1>, vector<16xf32>
      %parallel_loop3A_102 = arith.select %parallel_loop3A_100, %parallel_loop3A_84, %parallel_loop3A_99 : vector<16xi1>, vector<16xi32>
      %parallel_loop3A_103 = arith.select %parallel_loop3A_100, %parallel_loop3A_96, %parallel_loop3A_83 : vector<16xi1>, vector<16xf32>
      %parallel_loop3A_104 = arith.select %parallel_loop3A_100, %parallel_loop3A_99, %parallel_loop3A_84 : vector<16xi1>, vector<16xi32>
      %parallel_loop3A_105 = arith.cmpf ogt, %parallel_loop3A_101, %parallel_loop3A_88 : vector<16xf32>
      %parallel_loop3A_106 = arith.select %parallel_loop3A_105, %parallel_loop3A_88, %parallel_loop3A_101 : vector<16xi1>, vector<16xf32>
      %parallel_loop3A_107 = arith.select %parallel_loop3A_105, %parallel_loop3A_89, %parallel_loop3A_102 : vector<16xi1>, vector<16xi32>
      %parallel_loop3A_108 = arith.select %parallel_loop3A_105, %parallel_loop3A_101, %parallel_loop3A_88 : vector<16xi1>, vector<16xf32>
      %parallel_loop3A_109 = arith.select %parallel_loop3A_105, %parallel_loop3A_102, %parallel_loop3A_89 : vector<16xi1>, vector<16xi32>
      %parallel_loop3A_110 = arith.cmpf ogt, %parallel_loop3A_106, %parallel_loop3A_91 : vector<16xf32>
      %parallel_loop3A_111 = arith.select %parallel_loop3A_110, %parallel_loop3A_106, %parallel_loop3A_91 : vector<16xi1>, vector<16xf32>
      %parallel_loop3A_112 = arith.select %parallel_loop3A_110, %parallel_loop3A_107, %parallel_loop3A_92 : vector<16xi1>, vector<16xi32>
      %parallel_loop3A_113 = arith.index_cast %parallel_loop3A_46 : i32 to index
      %parallel_loop3A_114 = arith.constant 48 : index
      %parallel_loop3A_115 = tpu.vector_load %arg5[%parallel_loop3A_113, %parallel_loop3A_114] {strides = array<i32>} : memref<32x512xf32, #tpu.memory_space<vmem>>, vector<1x16xf32>,
      %parallel_loop3A_116 = vector.shape_cast %parallel_loop3A_115 : vector<1x16xf32> to vector<16xf32>
      %parallel_loop3A_117 = arith.constant 48 : i32
      %parallel_loop3A_118 = vector.broadcast %parallel_loop3A_117 : i32 to vector<16xi32>
      %parallel_loop3A_119 = arith.addi %iota3A, %parallel_loop3A_118 : vector<16xi32>
      %parallel_loop3A_120 = arith.cmpf ogt, %parallel_loop3A_116, %parallel_loop3A_103 : vector<16xf32>
      %parallel_loop3A_121 = arith.select %parallel_loop3A_120, %parallel_loop3A_103, %parallel_loop3A_116 : vector<16xi1>, vector<16xf32>
      %parallel_loop3A_122 = arith.select %parallel_loop3A_120, %parallel_loop3A_104, %parallel_loop3A_119 : vector<16xi1>, vector<16xi32>
      %parallel_loop3A_123 = arith.select %parallel_loop3A_120, %parallel_loop3A_116, %parallel_loop3A_103 : vector<16xi1>, vector<16xf32>
      %parallel_loop3A_124 = arith.select %parallel_loop3A_120, %parallel_loop3A_119, %parallel_loop3A_104 : vector<16xi1>, vector<16xi32>
      %parallel_loop3A_125 = arith.cmpf ogt, %parallel_loop3A_121, %parallel_loop3A_108 : vector<16xf32>
      %parallel_loop3A_126 = arith.select %parallel_loop3A_125, %parallel_loop3A_108, %parallel_loop3A_121 : vector<16xi1>, vector<16xf32>
      %parallel_loop3A_127 = arith.select %parallel_loop3A_125, %parallel_loop3A_109, %parallel_loop3A_122 : vector<16xi1>, vector<16xi32>
      %parallel_loop3A_128 = arith.select %parallel_loop3A_125, %parallel_loop3A_121, %parallel_loop3A_108 : vector<16xi1>, vector<16xf32>
      %parallel_loop3A_129 = arith.select %parallel_loop3A_125, %parallel_loop3A_122, %parallel_loop3A_109 : vector<16xi1>, vector<16xi32>
      %parallel_loop3A_130 = arith.cmpf ogt, %parallel_loop3A_126, %parallel_loop3A_111 : vector<16xf32>
      %parallel_loop3A_131 = arith.select %parallel_loop3A_130, %parallel_loop3A_126, %parallel_loop3A_111 : vector<16xi1>, vector<16xf32>
      %parallel_loop3A_132 = arith.select %parallel_loop3A_130, %parallel_loop3A_127, %parallel_loop3A_112 : vector<16xi1>, vector<16xi32>
      %parallel_loop3A_133 = arith.index_cast %parallel_loop3A_46 : i32 to index
      %parallel_loop3A_134 = arith.constant 64 : index
      %parallel_loop3A_135 = tpu.vector_load %arg5[%parallel_loop3A_133, %parallel_loop3A_134] {strides = array<i32>} : memref<32x512xf32, #tpu.memory_space<vmem>>, vector<1x16xf32>,
      %parallel_loop3A_136 = vector.shape_cast %parallel_loop3A_135 : vector<1x16xf32> to vector<16xf32>
      %parallel_loop3A_137 = arith.constant 64 : i32
      %parallel_loop3A_138 = vector.broadcast %parallel_loop3A_137 : i32 to vector<16xi32>
      %parallel_loop3A_139 = arith.addi %iota3A, %parallel_loop3A_138 : vector<16xi32>
      %parallel_loop3A_140 = arith.cmpf ogt, %parallel_loop3A_136, %parallel_loop3A_123 : vector<16xf32>
      %parallel_loop3A_141 = arith.select %parallel_loop3A_140, %parallel_loop3A_123, %parallel_loop3A_136 : vector<16xi1>, vector<16xf32>
      %parallel_loop3A_142 = arith.select %parallel_loop3A_140, %parallel_loop3A_124, %parallel_loop3A_139 : vector<16xi1>, vector<16xi32>
      %parallel_loop3A_143 = arith.select %parallel_loop3A_140, %parallel_loop3A_136, %parallel_loop3A_123 : vector<16xi1>, vector<16xf32>
      %parallel_loop3A_144 = arith.select %parallel_loop3A_140, %parallel_loop3A_139, %parallel_loop3A_124 : vector<16xi1>, vector<16xi32>
      %parallel_loop3A_145 = arith.cmpf ogt, %parallel_loop3A_141, %parallel_loop3A_128 : vector<16xf32>
      %parallel_loop3A_146 = arith.select %parallel_loop3A_145, %parallel_loop3A_128, %parallel_loop3A_141 : vector<16xi1>, vector<16xf32>
      %parallel_loop3A_147 = arith.select %parallel_loop3A_145, %parallel_loop3A_129, %parallel_loop3A_142 : vector<16xi1>, vector<16xi32>
      %parallel_loop3A_148 = arith.select %parallel_loop3A_145, %parallel_loop3A_141, %parallel_loop3A_128 : vector<16xi1>, vector<16xf32>
      %parallel_loop3A_149 = arith.select %parallel_loop3A_145, %parallel_loop3A_142, %parallel_loop3A_129 : vector<16xi1>, vector<16xi32>
      %parallel_loop3A_150 = arith.cmpf ogt, %parallel_loop3A_146, %parallel_loop3A_131 : vector<16xf32>
      %parallel_loop3A_151 = arith.select %parallel_loop3A_150, %parallel_loop3A_146, %parallel_loop3A_131 : vector<16xi1>, vector<16xf32>
      %parallel_loop3A_152 = arith.select %parallel_loop3A_150, %parallel_loop3A_147, %parallel_loop3A_132 : vector<16xi1>, vector<16xi32>
      %parallel_loop3A_153 = arith.index_cast %parallel_loop3A_46 : i32 to index
      %parallel_loop3A_154 = arith.constant 80 : index
      %parallel_loop3A_155 = tpu.vector_load %arg5[%parallel_loop3A_153, %parallel_loop3A_154] {strides = array<i32>} : memref<32x512xf32, #tpu.memory_space<vmem>>, vector<1x16xf32>,
      %parallel_loop3A_156 = vector.shape_cast %parallel_loop3A_155 : vector<1x16xf32> to vector<16xf32>
      %parallel_loop3A_157 = arith.constant 80 : i32
      %parallel_loop3A_158 = vector.broadcast %parallel_loop3A_157 : i32 to vector<16xi32>
      %parallel_loop3A_159 = arith.addi %iota3A, %parallel_loop3A_158 : vector<16xi32>
      %parallel_loop3A_160 = arith.cmpf ogt, %parallel_loop3A_156, %parallel_loop3A_143 : vector<16xf32>
      %parallel_loop3A_161 = arith.select %parallel_loop3A_160, %parallel_loop3A_143, %parallel_loop3A_156 : vector<16xi1>, vector<16xf32>
      %parallel_loop3A_162 = arith.select %parallel_loop3A_160, %parallel_loop3A_144, %parallel_loop3A_159 : vector<16xi1>, vector<16xi32>
      %parallel_loop3A_163 = arith.select %parallel_loop3A_160, %parallel_loop3A_156, %parallel_loop3A_143 : vector<16xi1>, vector<16xf32>
      %parallel_loop3A_164 = arith.select %parallel_loop3A_160, %parallel_loop3A_159, %parallel_loop3A_144 : vector<16xi1>, vector<16xi32>
      %parallel_loop3A_165 = arith.cmpf ogt, %parallel_loop3A_161, %parallel_loop3A_148 : vector<16xf32>
      %parallel_loop3A_166 = arith.select %parallel_loop3A_165, %parallel_loop3A_148, %parallel_loop3A_161 : vector<16xi1>, vector<16xf32>
      %parallel_loop3A_167 = arith.select %parallel_loop3A_165, %parallel_loop3A_149, %parallel_loop3A_162 : vector<16xi1>, vector<16xi32>
      %parallel_loop3A_168 = arith.select %parallel_loop3A_165, %parallel_loop3A_161, %parallel_loop3A_148 : vector<16xi1>, vector<16xf32>
      %parallel_loop3A_169 = arith.select %parallel_loop3A_165, %parallel_loop3A_162, %parallel_loop3A_149 : vector<16xi1>, vector<16xi32>
      %parallel_loop3A_170 = arith.cmpf ogt, %parallel_loop3A_166, %parallel_loop3A_151 : vector<16xf32>
      %parallel_loop3A_171 = arith.select %parallel_loop3A_170, %parallel_loop3A_166, %parallel_loop3A_151 : vector<16xi1>, vector<16xf32>
      %parallel_loop3A_172 = arith.select %parallel_loop3A_170, %parallel_loop3A_167, %parallel_loop3A_152 : vector<16xi1>, vector<16xi32>
      %parallel_loop3A_173 = arith.index_cast %parallel_loop3A_46 : i32 to index
      %parallel_loop3A_174 = arith.constant 96 : index
      %parallel_loop3A_175 = tpu.vector_load %arg5[%parallel_loop3A_173, %parallel_loop3A_174] {strides = array<i32>} : memref<32x512xf32, #tpu.memory_space<vmem>>, vector<1x16xf32>,
      %parallel_loop3A_176 = vector.shape_cast %parallel_loop3A_175 : vector<1x16xf32> to vector<16xf32>
      %parallel_loop3A_177 = arith.constant 96 : i32
      %parallel_loop3A_178 = vector.broadcast %parallel_loop3A_177 : i32 to vector<16xi32>
      %parallel_loop3A_179 = arith.addi %iota3A, %parallel_loop3A_178 : vector<16xi32>
      %parallel_loop3A_180 = arith.cmpf ogt, %parallel_loop3A_176, %parallel_loop3A_163 : vector<16xf32>
      %parallel_loop3A_181 = arith.select %parallel_loop3A_180, %parallel_loop3A_163, %parallel_loop3A_176 : vector<16xi1>, vector<16xf32>
      %parallel_loop3A_182 = arith.select %parallel_loop3A_180, %parallel_loop3A_164, %parallel_loop3A_179 : vector<16xi1>, vector<16xi32>
      %parallel_loop3A_183 = arith.select %parallel_loop3A_180, %parallel_loop3A_176, %parallel_loop3A_163 : vector<16xi1>, vector<16xf32>
      %parallel_loop3A_184 = arith.select %parallel_loop3A_180, %parallel_loop3A_179, %parallel_loop3A_164 : vector<16xi1>, vector<16xi32>
      %parallel_loop3A_185 = arith.cmpf ogt, %parallel_loop3A_181, %parallel_loop3A_168 : vector<16xf32>
      %parallel_loop3A_186 = arith.select %parallel_loop3A_185, %parallel_loop3A_168, %parallel_loop3A_181 : vector<16xi1>, vector<16xf32>
      %parallel_loop3A_187 = arith.select %parallel_loop3A_185, %parallel_loop3A_169, %parallel_loop3A_182 : vector<16xi1>, vector<16xi32>
      %parallel_loop3A_188 = arith.select %parallel_loop3A_185, %parallel_loop3A_181, %parallel_loop3A_168 : vector<16xi1>, vector<16xf32>
      %parallel_loop3A_189 = arith.select %parallel_loop3A_185, %parallel_loop3A_182, %parallel_loop3A_169 : vector<16xi1>, vector<16xi32>
      %parallel_loop3A_190 = arith.cmpf ogt, %parallel_loop3A_186, %parallel_loop3A_171 : vector<16xf32>
      %parallel_loop3A_191 = arith.select %parallel_loop3A_190, %parallel_loop3A_186, %parallel_loop3A_171 : vector<16xi1>, vector<16xf32>
      %parallel_loop3A_192 = arith.select %parallel_loop3A_190, %parallel_loop3A_187, %parallel_loop3A_172 : vector<16xi1>, vector<16xi32>
      %parallel_loop3A_193 = arith.index_cast %parallel_loop3A_46 : i32 to index
      %parallel_loop3A_194 = arith.constant 112 : index
      %parallel_loop3A_195 = tpu.vector_load %arg5[%parallel_loop3A_193, %parallel_loop3A_194] {strides = array<i32>} : memref<32x512xf32, #tpu.memory_space<vmem>>, vector<1x16xf32>,
      %parallel_loop3A_196 = vector.shape_cast %parallel_loop3A_195 : vector<1x16xf32> to vector<16xf32>
      %parallel_loop3A_197 = arith.constant 112 : i32
      %parallel_loop3A_198 = vector.broadcast %parallel_loop3A_197 : i32 to vector<16xi32>
      %parallel_loop3A_199 = arith.addi %iota3A, %parallel_loop3A_198 : vector<16xi32>
      %parallel_loop3A_200 = arith.cmpf ogt, %parallel_loop3A_196, %parallel_loop3A_183 : vector<16xf32>
      %parallel_loop3A_201 = arith.select %parallel_loop3A_200, %parallel_loop3A_183, %parallel_loop3A_196 : vector<16xi1>, vector<16xf32>
      %parallel_loop3A_202 = arith.select %parallel_loop3A_200, %parallel_loop3A_184, %parallel_loop3A_199 : vector<16xi1>, vector<16xi32>
      %parallel_loop3A_203 = arith.select %parallel_loop3A_200, %parallel_loop3A_196, %parallel_loop3A_183 : vector<16xi1>, vector<16xf32>
      %parallel_loop3A_204 = arith.select %parallel_loop3A_200, %parallel_loop3A_199, %parallel_loop3A_184 : vector<16xi1>, vector<16xi32>
      %parallel_loop3A_205 = arith.cmpf ogt, %parallel_loop3A_201, %parallel_loop3A_188 : vector<16xf32>
      %parallel_loop3A_206 = arith.select %parallel_loop3A_205, %parallel_loop3A_188, %parallel_loop3A_201 : vector<16xi1>, vector<16xf32>
      %parallel_loop3A_207 = arith.select %parallel_loop3A_205, %parallel_loop3A_189, %parallel_loop3A_202 : vector<16xi1>, vector<16xi32>
      %parallel_loop3A_208 = arith.select %parallel_loop3A_205, %parallel_loop3A_201, %parallel_loop3A_188 : vector<16xi1>, vector<16xf32>
      %parallel_loop3A_209 = arith.select %parallel_loop3A_205, %parallel_loop3A_202, %parallel_loop3A_189 : vector<16xi1>, vector<16xi32>
      %parallel_loop3A_210 = arith.cmpf ogt, %parallel_loop3A_206, %parallel_loop3A_191 : vector<16xf32>
      %parallel_loop3A_211 = arith.select %parallel_loop3A_210, %parallel_loop3A_206, %parallel_loop3A_191 : vector<16xi1>, vector<16xf32>
      %parallel_loop3A_212 = arith.select %parallel_loop3A_210, %parallel_loop3A_207, %parallel_loop3A_192 : vector<16xi1>, vector<16xi32>
      %parallel_loop3A_213 = arith.index_cast %parallel_loop3A_46 : i32 to index
      %parallel_loop3A_214 = arith.constant 128 : index
      %parallel_loop3A_215 = tpu.vector_load %arg5[%parallel_loop3A_213, %parallel_loop3A_214] {strides = array<i32>} : memref<32x512xf32, #tpu.memory_space<vmem>>, vector<1x16xf32>,
      %parallel_loop3A_216 = vector.shape_cast %parallel_loop3A_215 : vector<1x16xf32> to vector<16xf32>
      %parallel_loop3A_217 = arith.constant 128 : i32
      %parallel_loop3A_218 = vector.broadcast %parallel_loop3A_217 : i32 to vector<16xi32>
      %parallel_loop3A_219 = arith.addi %iota3A, %parallel_loop3A_218 : vector<16xi32>
      %parallel_loop3A_220 = arith.cmpf ogt, %parallel_loop3A_216, %parallel_loop3A_203 : vector<16xf32>
      %parallel_loop3A_221 = arith.select %parallel_loop3A_220, %parallel_loop3A_203, %parallel_loop3A_216 : vector<16xi1>, vector<16xf32>
      %parallel_loop3A_222 = arith.select %parallel_loop3A_220, %parallel_loop3A_204, %parallel_loop3A_219 : vector<16xi1>, vector<16xi32>
      %parallel_loop3A_223 = arith.select %parallel_loop3A_220, %parallel_loop3A_216, %parallel_loop3A_203 : vector<16xi1>, vector<16xf32>
      %parallel_loop3A_224 = arith.select %parallel_loop3A_220, %parallel_loop3A_219, %parallel_loop3A_204 : vector<16xi1>, vector<16xi32>
      %parallel_loop3A_225 = arith.cmpf ogt, %parallel_loop3A_221, %parallel_loop3A_208 : vector<16xf32>
      %parallel_loop3A_226 = arith.select %parallel_loop3A_225, %parallel_loop3A_208, %parallel_loop3A_221 : vector<16xi1>, vector<16xf32>
      %parallel_loop3A_227 = arith.select %parallel_loop3A_225, %parallel_loop3A_209, %parallel_loop3A_222 : vector<16xi1>, vector<16xi32>
      %parallel_loop3A_228 = arith.select %parallel_loop3A_225, %parallel_loop3A_221, %parallel_loop3A_208 : vector<16xi1>, vector<16xf32>
      %parallel_loop3A_229 = arith.select %parallel_loop3A_225, %parallel_loop3A_222, %parallel_loop3A_209 : vector<16xi1>, vector<16xi32>
      %parallel_loop3A_230 = arith.cmpf ogt, %parallel_loop3A_226, %parallel_loop3A_211 : vector<16xf32>
      %parallel_loop3A_231 = arith.select %parallel_loop3A_230, %parallel_loop3A_226, %parallel_loop3A_211 : vector<16xi1>, vector<16xf32>
      %parallel_loop3A_232 = arith.select %parallel_loop3A_230, %parallel_loop3A_227, %parallel_loop3A_212 : vector<16xi1>, vector<16xi32>
      %parallel_loop3A_233 = arith.index_cast %parallel_loop3A_46 : i32 to index
      %parallel_loop3A_234 = arith.constant 144 : index
      %parallel_loop3A_235 = tpu.vector_load %arg5[%parallel_loop3A_233, %parallel_loop3A_234] {strides = array<i32>} : memref<32x512xf32, #tpu.memory_space<vmem>>, vector<1x16xf32>,
      %parallel_loop3A_236 = vector.shape_cast %parallel_loop3A_235 : vector<1x16xf32> to vector<16xf32>
      %parallel_loop3A_237 = arith.constant 144 : i32
      %parallel_loop3A_238 = vector.broadcast %parallel_loop3A_237 : i32 to vector<16xi32>
      %parallel_loop3A_239 = arith.addi %iota3A, %parallel_loop3A_238 : vector<16xi32>
      %parallel_loop3A_240 = arith.cmpf ogt, %parallel_loop3A_236, %parallel_loop3A_223 : vector<16xf32>
      %parallel_loop3A_241 = arith.select %parallel_loop3A_240, %parallel_loop3A_223, %parallel_loop3A_236 : vector<16xi1>, vector<16xf32>
      %parallel_loop3A_242 = arith.select %parallel_loop3A_240, %parallel_loop3A_224, %parallel_loop3A_239 : vector<16xi1>, vector<16xi32>
      %parallel_loop3A_243 = arith.select %parallel_loop3A_240, %parallel_loop3A_236, %parallel_loop3A_223 : vector<16xi1>, vector<16xf32>
      %parallel_loop3A_244 = arith.select %parallel_loop3A_240, %parallel_loop3A_239, %parallel_loop3A_224 : vector<16xi1>, vector<16xi32>
      %parallel_loop3A_245 = arith.cmpf ogt, %parallel_loop3A_241, %parallel_loop3A_228 : vector<16xf32>
      %parallel_loop3A_246 = arith.select %parallel_loop3A_245, %parallel_loop3A_228, %parallel_loop3A_241 : vector<16xi1>, vector<16xf32>
      %parallel_loop3A_247 = arith.select %parallel_loop3A_245, %parallel_loop3A_229, %parallel_loop3A_242 : vector<16xi1>, vector<16xi32>
      %parallel_loop3A_248 = arith.select %parallel_loop3A_245, %parallel_loop3A_241, %parallel_loop3A_228 : vector<16xi1>, vector<16xf32>
      %parallel_loop3A_249 = arith.select %parallel_loop3A_245, %parallel_loop3A_242, %parallel_loop3A_229 : vector<16xi1>, vector<16xi32>
      %parallel_loop3A_250 = arith.cmpf ogt, %parallel_loop3A_246, %parallel_loop3A_231 : vector<16xf32>
      %parallel_loop3A_251 = arith.select %parallel_loop3A_250, %parallel_loop3A_246, %parallel_loop3A_231 : vector<16xi1>, vector<16xf32>
      %parallel_loop3A_252 = arith.select %parallel_loop3A_250, %parallel_loop3A_247, %parallel_loop3A_232 : vector<16xi1>, vector<16xi32>
      %parallel_loop3A_253 = arith.index_cast %parallel_loop3A_46 : i32 to index
      %parallel_loop3A_254 = arith.constant 160 : index
      %parallel_loop3A_255 = tpu.vector_load %arg5[%parallel_loop3A_253, %parallel_loop3A_254] {strides = array<i32>} : memref<32x512xf32, #tpu.memory_space<vmem>>, vector<1x16xf32>,
      %parallel_loop3A_256 = vector.shape_cast %parallel_loop3A_255 : vector<1x16xf32> to vector<16xf32>
      %parallel_loop3A_257 = arith.constant 160 : i32
      %parallel_loop3A_258 = vector.broadcast %parallel_loop3A_257 : i32 to vector<16xi32>
      %parallel_loop3A_259 = arith.addi %iota3A, %parallel_loop3A_258 : vector<16xi32>
      %parallel_loop3A_260 = arith.cmpf ogt, %parallel_loop3A_256, %parallel_loop3A_243 : vector<16xf32>
      %parallel_loop3A_261 = arith.select %parallel_loop3A_260, %parallel_loop3A_243, %parallel_loop3A_256 : vector<16xi1>, vector<16xf32>
      %parallel_loop3A_262 = arith.select %parallel_loop3A_260, %parallel_loop3A_244, %parallel_loop3A_259 : vector<16xi1>, vector<16xi32>
      %parallel_loop3A_263 = arith.select %parallel_loop3A_260, %parallel_loop3A_256, %parallel_loop3A_243 : vector<16xi1>, vector<16xf32>
      %parallel_loop3A_264 = arith.select %parallel_loop3A_260, %parallel_loop3A_259, %parallel_loop3A_244 : vector<16xi1>, vector<16xi32>
      %parallel_loop3A_265 = arith.cmpf ogt, %parallel_loop3A_261, %parallel_loop3A_248 : vector<16xf32>
      %parallel_loop3A_266 = arith.select %parallel_loop3A_265, %parallel_loop3A_248, %parallel_loop3A_261 : vector<16xi1>, vector<16xf32>
      %parallel_loop3A_267 = arith.select %parallel_loop3A_265, %parallel_loop3A_249, %parallel_loop3A_262 : vector<16xi1>, vector<16xi32>
      %parallel_loop3A_268 = arith.select %parallel_loop3A_265, %parallel_loop3A_261, %parallel_loop3A_248 : vector<16xi1>, vector<16xf32>
      %parallel_loop3A_269 = arith.select %parallel_loop3A_265, %parallel_loop3A_262, %parallel_loop3A_249 : vector<16xi1>, vector<16xi32>
      %parallel_loop3A_270 = arith.cmpf ogt, %parallel_loop3A_266, %parallel_loop3A_251 : vector<16xf32>
      %parallel_loop3A_271 = arith.select %parallel_loop3A_270, %parallel_loop3A_266, %parallel_loop3A_251 : vector<16xi1>, vector<16xf32>
      %parallel_loop3A_272 = arith.select %parallel_loop3A_270, %parallel_loop3A_267, %parallel_loop3A_252 : vector<16xi1>, vector<16xi32>
      %parallel_loop3A_273 = arith.index_cast %parallel_loop3A_46 : i32 to index
      %parallel_loop3A_274 = arith.constant 176 : index
      %parallel_loop3A_275 = tpu.vector_load %arg5[%parallel_loop3A_273, %parallel_loop3A_274] {strides = array<i32>} : memref<32x512xf32, #tpu.memory_space<vmem>>, vector<1x16xf32>,
      %parallel_loop3A_276 = vector.shape_cast %parallel_loop3A_275 : vector<1x16xf32> to vector<16xf32>
      %parallel_loop3A_277 = arith.constant 176 : i32
      %parallel_loop3A_278 = vector.broadcast %parallel_loop3A_277 : i32 to vector<16xi32>
      %parallel_loop3A_279 = arith.addi %iota3A, %parallel_loop3A_278 : vector<16xi32>
      %parallel_loop3A_280 = arith.cmpf ogt, %parallel_loop3A_276, %parallel_loop3A_263 : vector<16xf32>
      %parallel_loop3A_281 = arith.select %parallel_loop3A_280, %parallel_loop3A_263, %parallel_loop3A_276 : vector<16xi1>, vector<16xf32>
      %parallel_loop3A_282 = arith.select %parallel_loop3A_280, %parallel_loop3A_264, %parallel_loop3A_279 : vector<16xi1>, vector<16xi32>
      %parallel_loop3A_283 = arith.select %parallel_loop3A_280, %parallel_loop3A_276, %parallel_loop3A_263 : vector<16xi1>, vector<16xf32>
      %parallel_loop3A_284 = arith.select %parallel_loop3A_280, %parallel_loop3A_279, %parallel_loop3A_264 : vector<16xi1>, vector<16xi32>
      %parallel_loop3A_285 = arith.cmpf ogt, %parallel_loop3A_281, %parallel_loop3A_268 : vector<16xf32>
      %parallel_loop3A_286 = arith.select %parallel_loop3A_285, %parallel_loop3A_268, %parallel_loop3A_281 : vector<16xi1>, vector<16xf32>
      %parallel_loop3A_287 = arith.select %parallel_loop3A_285, %parallel_loop3A_269, %parallel_loop3A_282 : vector<16xi1>, vector<16xi32>
      %parallel_loop3A_288 = arith.select %parallel_loop3A_285, %parallel_loop3A_281, %parallel_loop3A_268 : vector<16xi1>, vector<16xf32>
      %parallel_loop3A_289 = arith.select %parallel_loop3A_285, %parallel_loop3A_282, %parallel_loop3A_269 : vector<16xi1>, vector<16xi32>
      %parallel_loop3A_290 = arith.cmpf ogt, %parallel_loop3A_286, %parallel_loop3A_271 : vector<16xf32>
      %parallel_loop3A_291 = arith.select %parallel_loop3A_290, %parallel_loop3A_286, %parallel_loop3A_271 : vector<16xi1>, vector<16xf32>
      %parallel_loop3A_292 = arith.select %parallel_loop3A_290, %parallel_loop3A_287, %parallel_loop3A_272 : vector<16xi1>, vector<16xi32>
      %parallel_loop3A_293 = arith.index_cast %parallel_loop3A_46 : i32 to index
      %parallel_loop3A_294 = arith.constant 192 : index
      %parallel_loop3A_295 = tpu.vector_load %arg5[%parallel_loop3A_293, %parallel_loop3A_294] {strides = array<i32>} : memref<32x512xf32, #tpu.memory_space<vmem>>, vector<1x16xf32>,
      %parallel_loop3A_296 = vector.shape_cast %parallel_loop3A_295 : vector<1x16xf32> to vector<16xf32>
      %parallel_loop3A_297 = arith.constant 192 : i32
      %parallel_loop3A_298 = vector.broadcast %parallel_loop3A_297 : i32 to vector<16xi32>
      %parallel_loop3A_299 = arith.addi %iota3A, %parallel_loop3A_298 : vector<16xi32>
      %parallel_loop3A_300 = arith.cmpf ogt, %parallel_loop3A_296, %parallel_loop3A_283 : vector<16xf32>
      %parallel_loop3A_301 = arith.select %parallel_loop3A_300, %parallel_loop3A_283, %parallel_loop3A_296 : vector<16xi1>, vector<16xf32>
      %parallel_loop3A_302 = arith.select %parallel_loop3A_300, %parallel_loop3A_284, %parallel_loop3A_299 : vector<16xi1>, vector<16xi32>
      %parallel_loop3A_303 = arith.select %parallel_loop3A_300, %parallel_loop3A_296, %parallel_loop3A_283 : vector<16xi1>, vector<16xf32>
      %parallel_loop3A_304 = arith.select %parallel_loop3A_300, %parallel_loop3A_299, %parallel_loop3A_284 : vector<16xi1>, vector<16xi32>
      %parallel_loop3A_305 = arith.cmpf ogt, %parallel_loop3A_301, %parallel_loop3A_288 : vector<16xf32>
      %parallel_loop3A_306 = arith.select %parallel_loop3A_305, %parallel_loop3A_288, %parallel_loop3A_301 : vector<16xi1>, vector<16xf32>
      %parallel_loop3A_307 = arith.select %parallel_loop3A_305, %parallel_loop3A_289, %parallel_loop3A_302 : vector<16xi1>, vector<16xi32>
      %parallel_loop3A_308 = arith.select %parallel_loop3A_305, %parallel_loop3A_301, %parallel_loop3A_288 : vector<16xi1>, vector<16xf32>
      %parallel_loop3A_309 = arith.select %parallel_loop3A_305, %parallel_loop3A_302, %parallel_loop3A_289 : vector<16xi1>, vector<16xi32>
      %parallel_loop3A_310 = arith.cmpf ogt, %parallel_loop3A_306, %parallel_loop3A_291 : vector<16xf32>
      %parallel_loop3A_311 = arith.select %parallel_loop3A_310, %parallel_loop3A_306, %parallel_loop3A_291 : vector<16xi1>, vector<16xf32>
      %parallel_loop3A_312 = arith.select %parallel_loop3A_310, %parallel_loop3A_307, %parallel_loop3A_292 : vector<16xi1>, vector<16xi32>
      %parallel_loop3A_313 = arith.index_cast %parallel_loop3A_46 : i32 to index
      %parallel_loop3A_314 = arith.constant 208 : index
      %parallel_loop3A_315 = tpu.vector_load %arg5[%parallel_loop3A_313, %parallel_loop3A_314] {strides = array<i32>} : memref<32x512xf32, #tpu.memory_space<vmem>>, vector<1x16xf32>,
      %parallel_loop3A_316 = vector.shape_cast %parallel_loop3A_315 : vector<1x16xf32> to vector<16xf32>
      %parallel_loop3A_317 = arith.constant 208 : i32
      %parallel_loop3A_318 = vector.broadcast %parallel_loop3A_317 : i32 to vector<16xi32>
      %parallel_loop3A_319 = arith.addi %iota3A, %parallel_loop3A_318 : vector<16xi32>
      %parallel_loop3A_320 = arith.cmpf ogt, %parallel_loop3A_316, %parallel_loop3A_303 : vector<16xf32>
      %parallel_loop3A_321 = arith.select %parallel_loop3A_320, %parallel_loop3A_303, %parallel_loop3A_316 : vector<16xi1>, vector<16xf32>
      %parallel_loop3A_322 = arith.select %parallel_loop3A_320, %parallel_loop3A_304, %parallel_loop3A_319 : vector<16xi1>, vector<16xi32>
      %parallel_loop3A_323 = arith.select %parallel_loop3A_320, %parallel_loop3A_316, %parallel_loop3A_303 : vector<16xi1>, vector<16xf32>
      %parallel_loop3A_324 = arith.select %parallel_loop3A_320, %parallel_loop3A_319, %parallel_loop3A_304 : vector<16xi1>, vector<16xi32>
      %parallel_loop3A_325 = arith.cmpf ogt, %parallel_loop3A_321, %parallel_loop3A_308 : vector<16xf32>
      %parallel_loop3A_326 = arith.select %parallel_loop3A_325, %parallel_loop3A_308, %parallel_loop3A_321 : vector<16xi1>, vector<16xf32>
      %parallel_loop3A_327 = arith.select %parallel_loop3A_325, %parallel_loop3A_309, %parallel_loop3A_322 : vector<16xi1>, vector<16xi32>
      %parallel_loop3A_328 = arith.select %parallel_loop3A_325, %parallel_loop3A_321, %parallel_loop3A_308 : vector<16xi1>, vector<16xf32>
      %parallel_loop3A_329 = arith.select %parallel_loop3A_325, %parallel_loop3A_322, %parallel_loop3A_309 : vector<16xi1>, vector<16xi32>
      %parallel_loop3A_330 = arith.cmpf ogt, %parallel_loop3A_326, %parallel_loop3A_311 : vector<16xf32>
      %parallel_loop3A_331 = arith.select %parallel_loop3A_330, %parallel_loop3A_326, %parallel_loop3A_311 : vector<16xi1>, vector<16xf32>
      %parallel_loop3A_332 = arith.select %parallel_loop3A_330, %parallel_loop3A_327, %parallel_loop3A_312 : vector<16xi1>, vector<16xi32>
      %parallel_loop3A_333 = arith.index_cast %parallel_loop3A_46 : i32 to index
      %parallel_loop3A_334 = arith.constant 224 : index
      %parallel_loop3A_335 = tpu.vector_load %arg5[%parallel_loop3A_333, %parallel_loop3A_334] {strides = array<i32>} : memref<32x512xf32, #tpu.memory_space<vmem>>, vector<1x16xf32>,
      %parallel_loop3A_336 = vector.shape_cast %parallel_loop3A_335 : vector<1x16xf32> to vector<16xf32>
      %parallel_loop3A_337 = arith.constant 224 : i32
      %parallel_loop3A_338 = vector.broadcast %parallel_loop3A_337 : i32 to vector<16xi32>
      %parallel_loop3A_339 = arith.addi %iota3A, %parallel_loop3A_338 : vector<16xi32>
      %parallel_loop3A_340 = arith.cmpf ogt, %parallel_loop3A_336, %parallel_loop3A_323 : vector<16xf32>
      %parallel_loop3A_341 = arith.select %parallel_loop3A_340, %parallel_loop3A_323, %parallel_loop3A_336 : vector<16xi1>, vector<16xf32>
      %parallel_loop3A_342 = arith.select %parallel_loop3A_340, %parallel_loop3A_324, %parallel_loop3A_339 : vector<16xi1>, vector<16xi32>
      %parallel_loop3A_343 = arith.select %parallel_loop3A_340, %parallel_loop3A_336, %parallel_loop3A_323 : vector<16xi1>, vector<16xf32>
      %parallel_loop3A_344 = arith.select %parallel_loop3A_340, %parallel_loop3A_339, %parallel_loop3A_324 : vector<16xi1>, vector<16xi32>
      %parallel_loop3A_345 = arith.cmpf ogt, %parallel_loop3A_341, %parallel_loop3A_328 : vector<16xf32>
      %parallel_loop3A_346 = arith.select %parallel_loop3A_345, %parallel_loop3A_328, %parallel_loop3A_341 : vector<16xi1>, vector<16xf32>
      %parallel_loop3A_347 = arith.select %parallel_loop3A_345, %parallel_loop3A_329, %parallel_loop3A_342 : vector<16xi1>, vector<16xi32>
      %parallel_loop3A_348 = arith.select %parallel_loop3A_345, %parallel_loop3A_341, %parallel_loop3A_328 : vector<16xi1>, vector<16xf32>
      %parallel_loop3A_349 = arith.select %parallel_loop3A_345, %parallel_loop3A_342, %parallel_loop3A_329 : vector<16xi1>, vector<16xi32>
      %parallel_loop3A_350 = arith.cmpf ogt, %parallel_loop3A_346, %parallel_loop3A_331 : vector<16xf32>
      %parallel_loop3A_351 = arith.select %parallel_loop3A_350, %parallel_loop3A_346, %parallel_loop3A_331 : vector<16xi1>, vector<16xf32>
      %parallel_loop3A_352 = arith.select %parallel_loop3A_350, %parallel_loop3A_347, %parallel_loop3A_332 : vector<16xi1>, vector<16xi32>
      %parallel_loop3A_353 = arith.index_cast %parallel_loop3A_46 : i32 to index
      %parallel_loop3A_354 = arith.constant 240 : index
      %parallel_loop3A_355 = tpu.vector_load %arg5[%parallel_loop3A_353, %parallel_loop3A_354] {strides = array<i32>} : memref<32x512xf32, #tpu.memory_space<vmem>>, vector<1x16xf32>,
      %parallel_loop3A_356 = vector.shape_cast %parallel_loop3A_355 : vector<1x16xf32> to vector<16xf32>
      %parallel_loop3A_357 = arith.constant 240 : i32
      %parallel_loop3A_358 = vector.broadcast %parallel_loop3A_357 : i32 to vector<16xi32>
      %parallel_loop3A_359 = arith.addi %iota3A, %parallel_loop3A_358 : vector<16xi32>
      %parallel_loop3A_360 = arith.cmpf ogt, %parallel_loop3A_356, %parallel_loop3A_343 : vector<16xf32>
      %parallel_loop3A_361 = arith.select %parallel_loop3A_360, %parallel_loop3A_343, %parallel_loop3A_356 : vector<16xi1>, vector<16xf32>
      %parallel_loop3A_362 = arith.select %parallel_loop3A_360, %parallel_loop3A_344, %parallel_loop3A_359 : vector<16xi1>, vector<16xi32>
      %parallel_loop3A_363 = arith.select %parallel_loop3A_360, %parallel_loop3A_356, %parallel_loop3A_343 : vector<16xi1>, vector<16xf32>
      %parallel_loop3A_364 = arith.select %parallel_loop3A_360, %parallel_loop3A_359, %parallel_loop3A_344 : vector<16xi1>, vector<16xi32>
      %parallel_loop3A_365 = arith.cmpf ogt, %parallel_loop3A_361, %parallel_loop3A_348 : vector<16xf32>
      %parallel_loop3A_366 = arith.select %parallel_loop3A_365, %parallel_loop3A_348, %parallel_loop3A_361 : vector<16xi1>, vector<16xf32>
      %parallel_loop3A_367 = arith.select %parallel_loop3A_365, %parallel_loop3A_349, %parallel_loop3A_362 : vector<16xi1>, vector<16xi32>
      %parallel_loop3A_368 = arith.select %parallel_loop3A_365, %parallel_loop3A_361, %parallel_loop3A_348 : vector<16xi1>, vector<16xf32>
      %parallel_loop3A_369 = arith.select %parallel_loop3A_365, %parallel_loop3A_362, %parallel_loop3A_349 : vector<16xi1>, vector<16xi32>
      %parallel_loop3A_370 = arith.cmpf ogt, %parallel_loop3A_366, %parallel_loop3A_351 : vector<16xf32>
      %parallel_loop3A_371 = arith.select %parallel_loop3A_370, %parallel_loop3A_366, %parallel_loop3A_351 : vector<16xi1>, vector<16xf32>
      %parallel_loop3A_372 = arith.select %parallel_loop3A_370, %parallel_loop3A_367, %parallel_loop3A_352 : vector<16xi1>, vector<16xi32>
      %parallel_loop3A_373 = arith.index_cast %parallel_loop3A_46 : i32 to index
      %parallel_loop3A_374 = arith.constant 256 : index
      %parallel_loop3A_375 = tpu.vector_load %arg5[%parallel_loop3A_373, %parallel_loop3A_374] {strides = array<i32>} : memref<32x512xf32, #tpu.memory_space<vmem>>, vector<1x16xf32>,
      %parallel_loop3A_376 = vector.shape_cast %parallel_loop3A_375 : vector<1x16xf32> to vector<16xf32>
      %parallel_loop3A_377 = arith.constant 256 : i32
      %parallel_loop3A_378 = vector.broadcast %parallel_loop3A_377 : i32 to vector<16xi32>
      %parallel_loop3A_379 = arith.addi %iota3A, %parallel_loop3A_378 : vector<16xi32>
      %parallel_loop3A_380 = arith.cmpf ogt, %parallel_loop3A_376, %parallel_loop3A_363 : vector<16xf32>
      %parallel_loop3A_381 = arith.select %parallel_loop3A_380, %parallel_loop3A_363, %parallel_loop3A_376 : vector<16xi1>, vector<16xf32>
      %parallel_loop3A_382 = arith.select %parallel_loop3A_380, %parallel_loop3A_364, %parallel_loop3A_379 : vector<16xi1>, vector<16xi32>
      %parallel_loop3A_383 = arith.select %parallel_loop3A_380, %parallel_loop3A_376, %parallel_loop3A_363 : vector<16xi1>, vector<16xf32>
      %parallel_loop3A_384 = arith.select %parallel_loop3A_380, %parallel_loop3A_379, %parallel_loop3A_364 : vector<16xi1>, vector<16xi32>
      %parallel_loop3A_385 = arith.cmpf ogt, %parallel_loop3A_381, %parallel_loop3A_368 : vector<16xf32>
      %parallel_loop3A_386 = arith.select %parallel_loop3A_385, %parallel_loop3A_368, %parallel_loop3A_381 : vector<16xi1>, vector<16xf32>
      %parallel_loop3A_387 = arith.select %parallel_loop3A_385, %parallel_loop3A_369, %parallel_loop3A_382 : vector<16xi1>, vector<16xi32>
      %parallel_loop3A_388 = arith.select %parallel_loop3A_385, %parallel_loop3A_381, %parallel_loop3A_368 : vector<16xi1>, vector<16xf32>
      %parallel_loop3A_389 = arith.select %parallel_loop3A_385, %parallel_loop3A_382, %parallel_loop3A_369 : vector<16xi1>, vector<16xi32>
      %parallel_loop3A_390 = arith.cmpf ogt, %parallel_loop3A_386, %parallel_loop3A_371 : vector<16xf32>
      %parallel_loop3A_391 = arith.select %parallel_loop3A_390, %parallel_loop3A_386, %parallel_loop3A_371 : vector<16xi1>, vector<16xf32>
      %parallel_loop3A_392 = arith.select %parallel_loop3A_390, %parallel_loop3A_387, %parallel_loop3A_372 : vector<16xi1>, vector<16xi32>
      %parallel_loop3A_393 = arith.index_cast %parallel_loop3A_46 : i32 to index
      %parallel_loop3A_394 = arith.constant 272 : index
      %parallel_loop3A_395 = tpu.vector_load %arg5[%parallel_loop3A_393, %parallel_loop3A_394] {strides = array<i32>} : memref<32x512xf32, #tpu.memory_space<vmem>>, vector<1x16xf32>,
      %parallel_loop3A_396 = vector.shape_cast %parallel_loop3A_395 : vector<1x16xf32> to vector<16xf32>
      %parallel_loop3A_397 = arith.constant 272 : i32
      %parallel_loop3A_398 = vector.broadcast %parallel_loop3A_397 : i32 to vector<16xi32>
      %parallel_loop3A_399 = arith.addi %iota3A, %parallel_loop3A_398 : vector<16xi32>
      %parallel_loop3A_400 = arith.cmpf ogt, %parallel_loop3A_396, %parallel_loop3A_383 : vector<16xf32>
      %parallel_loop3A_401 = arith.select %parallel_loop3A_400, %parallel_loop3A_383, %parallel_loop3A_396 : vector<16xi1>, vector<16xf32>
      %parallel_loop3A_402 = arith.select %parallel_loop3A_400, %parallel_loop3A_384, %parallel_loop3A_399 : vector<16xi1>, vector<16xi32>
      %parallel_loop3A_403 = arith.select %parallel_loop3A_400, %parallel_loop3A_396, %parallel_loop3A_383 : vector<16xi1>, vector<16xf32>
      %parallel_loop3A_404 = arith.select %parallel_loop3A_400, %parallel_loop3A_399, %parallel_loop3A_384 : vector<16xi1>, vector<16xi32>
      %parallel_loop3A_405 = arith.cmpf ogt, %parallel_loop3A_401, %parallel_loop3A_388 : vector<16xf32>
      %parallel_loop3A_406 = arith.select %parallel_loop3A_405, %parallel_loop3A_388, %parallel_loop3A_401 : vector<16xi1>, vector<16xf32>
      %parallel_loop3A_407 = arith.select %parallel_loop3A_405, %parallel_loop3A_389, %parallel_loop3A_402 : vector<16xi1>, vector<16xi32>
      %parallel_loop3A_408 = arith.select %parallel_loop3A_405, %parallel_loop3A_401, %parallel_loop3A_388 : vector<16xi1>, vector<16xf32>
      %parallel_loop3A_409 = arith.select %parallel_loop3A_405, %parallel_loop3A_402, %parallel_loop3A_389 : vector<16xi1>, vector<16xi32>
      %parallel_loop3A_410 = arith.cmpf ogt, %parallel_loop3A_406, %parallel_loop3A_391 : vector<16xf32>
      %parallel_loop3A_411 = arith.select %parallel_loop3A_410, %parallel_loop3A_406, %parallel_loop3A_391 : vector<16xi1>, vector<16xf32>
      %parallel_loop3A_412 = arith.select %parallel_loop3A_410, %parallel_loop3A_407, %parallel_loop3A_392 : vector<16xi1>, vector<16xi32>
      %parallel_loop3A_413 = arith.index_cast %parallel_loop3A_46 : i32 to index
      %parallel_loop3A_414 = arith.constant 288 : index
      %parallel_loop3A_415 = tpu.vector_load %arg5[%parallel_loop3A_413, %parallel_loop3A_414] {strides = array<i32>} : memref<32x512xf32, #tpu.memory_space<vmem>>, vector<1x16xf32>,
      %parallel_loop3A_416 = vector.shape_cast %parallel_loop3A_415 : vector<1x16xf32> to vector<16xf32>
      %parallel_loop3A_417 = arith.constant 288 : i32
      %parallel_loop3A_418 = vector.broadcast %parallel_loop3A_417 : i32 to vector<16xi32>
      %parallel_loop3A_419 = arith.addi %iota3A, %parallel_loop3A_418 : vector<16xi32>
      %parallel_loop3A_420 = arith.cmpf ogt, %parallel_loop3A_416, %parallel_loop3A_403 : vector<16xf32>
      %parallel_loop3A_421 = arith.select %parallel_loop3A_420, %parallel_loop3A_403, %parallel_loop3A_416 : vector<16xi1>, vector<16xf32>
      %parallel_loop3A_422 = arith.select %parallel_loop3A_420, %parallel_loop3A_404, %parallel_loop3A_419 : vector<16xi1>, vector<16xi32>
      %parallel_loop3A_423 = arith.select %parallel_loop3A_420, %parallel_loop3A_416, %parallel_loop3A_403 : vector<16xi1>, vector<16xf32>
      %parallel_loop3A_424 = arith.select %parallel_loop3A_420, %parallel_loop3A_419, %parallel_loop3A_404 : vector<16xi1>, vector<16xi32>
      %parallel_loop3A_425 = arith.cmpf ogt, %parallel_loop3A_421, %parallel_loop3A_408 : vector<16xf32>
      %parallel_loop3A_426 = arith.select %parallel_loop3A_425, %parallel_loop3A_408, %parallel_loop3A_421 : vector<16xi1>, vector<16xf32>
      %parallel_loop3A_427 = arith.select %parallel_loop3A_425, %parallel_loop3A_409, %parallel_loop3A_422 : vector<16xi1>, vector<16xi32>
      %parallel_loop3A_428 = arith.select %parallel_loop3A_425, %parallel_loop3A_421, %parallel_loop3A_408 : vector<16xi1>, vector<16xf32>
      %parallel_loop3A_429 = arith.select %parallel_loop3A_425, %parallel_loop3A_422, %parallel_loop3A_409 : vector<16xi1>, vector<16xi32>
      %parallel_loop3A_430 = arith.cmpf ogt, %parallel_loop3A_426, %parallel_loop3A_411 : vector<16xf32>
      %parallel_loop3A_431 = arith.select %parallel_loop3A_430, %parallel_loop3A_426, %parallel_loop3A_411 : vector<16xi1>, vector<16xf32>
      %parallel_loop3A_432 = arith.select %parallel_loop3A_430, %parallel_loop3A_427, %parallel_loop3A_412 : vector<16xi1>, vector<16xi32>
      %parallel_loop3A_433 = arith.index_cast %parallel_loop3A_46 : i32 to index
      %parallel_loop3A_434 = arith.constant 304 : index
      %parallel_loop3A_435 = tpu.vector_load %arg5[%parallel_loop3A_433, %parallel_loop3A_434] {strides = array<i32>} : memref<32x512xf32, #tpu.memory_space<vmem>>, vector<1x16xf32>,
      %parallel_loop3A_436 = vector.shape_cast %parallel_loop3A_435 : vector<1x16xf32> to vector<16xf32>
      %parallel_loop3A_437 = arith.constant 304 : i32
      %parallel_loop3A_438 = vector.broadcast %parallel_loop3A_437 : i32 to vector<16xi32>
      %parallel_loop3A_439 = arith.addi %iota3A, %parallel_loop3A_438 : vector<16xi32>
      %parallel_loop3A_440 = arith.cmpf ogt, %parallel_loop3A_436, %parallel_loop3A_423 : vector<16xf32>
      %parallel_loop3A_441 = arith.select %parallel_loop3A_440, %parallel_loop3A_423, %parallel_loop3A_436 : vector<16xi1>, vector<16xf32>
      %parallel_loop3A_442 = arith.select %parallel_loop3A_440, %parallel_loop3A_424, %parallel_loop3A_439 : vector<16xi1>, vector<16xi32>
      %parallel_loop3A_443 = arith.select %parallel_loop3A_440, %parallel_loop3A_436, %parallel_loop3A_423 : vector<16xi1>, vector<16xf32>
      %parallel_loop3A_444 = arith.select %parallel_loop3A_440, %parallel_loop3A_439, %parallel_loop3A_424 : vector<16xi1>, vector<16xi32>
      %parallel_loop3A_445 = arith.cmpf ogt, %parallel_loop3A_441, %parallel_loop3A_428 : vector<16xf32>
      %parallel_loop3A_446 = arith.select %parallel_loop3A_445, %parallel_loop3A_428, %parallel_loop3A_441 : vector<16xi1>, vector<16xf32>
      %parallel_loop3A_447 = arith.select %parallel_loop3A_445, %parallel_loop3A_429, %parallel_loop3A_442 : vector<16xi1>, vector<16xi32>
      %parallel_loop3A_448 = arith.select %parallel_loop3A_445, %parallel_loop3A_441, %parallel_loop3A_428 : vector<16xi1>, vector<16xf32>
      %parallel_loop3A_449 = arith.select %parallel_loop3A_445, %parallel_loop3A_442, %parallel_loop3A_429 : vector<16xi1>, vector<16xi32>
      %parallel_loop3A_450 = arith.cmpf ogt, %parallel_loop3A_446, %parallel_loop3A_431 : vector<16xf32>
      %parallel_loop3A_451 = arith.select %parallel_loop3A_450, %parallel_loop3A_446, %parallel_loop3A_431 : vector<16xi1>, vector<16xf32>
      %parallel_loop3A_452 = arith.select %parallel_loop3A_450, %parallel_loop3A_447, %parallel_loop3A_432 : vector<16xi1>, vector<16xi32>
      %parallel_loop3A_453 = arith.index_cast %parallel_loop3A_46 : i32 to index
      %parallel_loop3A_454 = arith.constant 320 : index
      %parallel_loop3A_455 = tpu.vector_load %arg5[%parallel_loop3A_453, %parallel_loop3A_454] {strides = array<i32>} : memref<32x512xf32, #tpu.memory_space<vmem>>, vector<1x16xf32>,
      %parallel_loop3A_456 = vector.shape_cast %parallel_loop3A_455 : vector<1x16xf32> to vector<16xf32>
      %parallel_loop3A_457 = arith.constant 320 : i32
      %parallel_loop3A_458 = vector.broadcast %parallel_loop3A_457 : i32 to vector<16xi32>
      %parallel_loop3A_459 = arith.addi %iota3A, %parallel_loop3A_458 : vector<16xi32>
      %parallel_loop3A_460 = arith.cmpf ogt, %parallel_loop3A_456, %parallel_loop3A_443 : vector<16xf32>
      %parallel_loop3A_461 = arith.select %parallel_loop3A_460, %parallel_loop3A_443, %parallel_loop3A_456 : vector<16xi1>, vector<16xf32>
      %parallel_loop3A_462 = arith.select %parallel_loop3A_460, %parallel_loop3A_444, %parallel_loop3A_459 : vector<16xi1>, vector<16xi32>
      %parallel_loop3A_463 = arith.select %parallel_loop3A_460, %parallel_loop3A_456, %parallel_loop3A_443 : vector<16xi1>, vector<16xf32>
      %parallel_loop3A_464 = arith.select %parallel_loop3A_460, %parallel_loop3A_459, %parallel_loop3A_444 : vector<16xi1>, vector<16xi32>
      %parallel_loop3A_465 = arith.cmpf ogt, %parallel_loop3A_461, %parallel_loop3A_448 : vector<16xf32>
      %parallel_loop3A_466 = arith.select %parallel_loop3A_465, %parallel_loop3A_448, %parallel_loop3A_461 : vector<16xi1>, vector<16xf32>
      %parallel_loop3A_467 = arith.select %parallel_loop3A_465, %parallel_loop3A_449, %parallel_loop3A_462 : vector<16xi1>, vector<16xi32>
      %parallel_loop3A_468 = arith.select %parallel_loop3A_465, %parallel_loop3A_461, %parallel_loop3A_448 : vector<16xi1>, vector<16xf32>
      %parallel_loop3A_469 = arith.select %parallel_loop3A_465, %parallel_loop3A_462, %parallel_loop3A_449 : vector<16xi1>, vector<16xi32>
      %parallel_loop3A_470 = arith.cmpf ogt, %parallel_loop3A_466, %parallel_loop3A_451 : vector<16xf32>
      %parallel_loop3A_471 = arith.select %parallel_loop3A_470, %parallel_loop3A_466, %parallel_loop3A_451 : vector<16xi1>, vector<16xf32>
      %parallel_loop3A_472 = arith.select %parallel_loop3A_470, %parallel_loop3A_467, %parallel_loop3A_452 : vector<16xi1>, vector<16xi32>
      %parallel_loop3A_473 = arith.index_cast %parallel_loop3A_46 : i32 to index
      %parallel_loop3A_474 = arith.constant 336 : index
      %parallel_loop3A_475 = tpu.vector_load %arg5[%parallel_loop3A_473, %parallel_loop3A_474] {strides = array<i32>} : memref<32x512xf32, #tpu.memory_space<vmem>>, vector<1x16xf32>,
      %parallel_loop3A_476 = vector.shape_cast %parallel_loop3A_475 : vector<1x16xf32> to vector<16xf32>
      %parallel_loop3A_477 = arith.constant 336 : i32
      %parallel_loop3A_478 = vector.broadcast %parallel_loop3A_477 : i32 to vector<16xi32>
      %parallel_loop3A_479 = arith.addi %iota3A, %parallel_loop3A_478 : vector<16xi32>
      %parallel_loop3A_480 = arith.cmpf ogt, %parallel_loop3A_476, %parallel_loop3A_463 : vector<16xf32>
      %parallel_loop3A_481 = arith.select %parallel_loop3A_480, %parallel_loop3A_463, %parallel_loop3A_476 : vector<16xi1>, vector<16xf32>
      %parallel_loop3A_482 = arith.select %parallel_loop3A_480, %parallel_loop3A_464, %parallel_loop3A_479 : vector<16xi1>, vector<16xi32>
      %parallel_loop3A_483 = arith.select %parallel_loop3A_480, %parallel_loop3A_476, %parallel_loop3A_463 : vector<16xi1>, vector<16xf32>
      %parallel_loop3A_484 = arith.select %parallel_loop3A_480, %parallel_loop3A_479, %parallel_loop3A_464 : vector<16xi1>, vector<16xi32>
      %parallel_loop3A_485 = arith.cmpf ogt, %parallel_loop3A_481, %parallel_loop3A_468 : vector<16xf32>
      %parallel_loop3A_486 = arith.select %parallel_loop3A_485, %parallel_loop3A_468, %parallel_loop3A_481 : vector<16xi1>, vector<16xf32>
      %parallel_loop3A_487 = arith.select %parallel_loop3A_485, %parallel_loop3A_469, %parallel_loop3A_482 : vector<16xi1>, vector<16xi32>
      %parallel_loop3A_488 = arith.select %parallel_loop3A_485, %parallel_loop3A_481, %parallel_loop3A_468 : vector<16xi1>, vector<16xf32>
      %parallel_loop3A_489 = arith.select %parallel_loop3A_485, %parallel_loop3A_482, %parallel_loop3A_469 : vector<16xi1>, vector<16xi32>
      %parallel_loop3A_490 = arith.cmpf ogt, %parallel_loop3A_486, %parallel_loop3A_471 : vector<16xf32>
      %parallel_loop3A_491 = arith.select %parallel_loop3A_490, %parallel_loop3A_486, %parallel_loop3A_471 : vector<16xi1>, vector<16xf32>
      %parallel_loop3A_492 = arith.select %parallel_loop3A_490, %parallel_loop3A_487, %parallel_loop3A_472 : vector<16xi1>, vector<16xi32>
      %parallel_loop3A_493 = arith.index_cast %parallel_loop3A_46 : i32 to index
      %parallel_loop3A_494 = arith.constant 352 : index
      %parallel_loop3A_495 = tpu.vector_load %arg5[%parallel_loop3A_493, %parallel_loop3A_494] {strides = array<i32>} : memref<32x512xf32, #tpu.memory_space<vmem>>, vector<1x16xf32>,
      %parallel_loop3A_496 = vector.shape_cast %parallel_loop3A_495 : vector<1x16xf32> to vector<16xf32>
      %parallel_loop3A_497 = arith.constant 352 : i32
      %parallel_loop3A_498 = vector.broadcast %parallel_loop3A_497 : i32 to vector<16xi32>
      %parallel_loop3A_499 = arith.addi %iota3A, %parallel_loop3A_498 : vector<16xi32>
      %parallel_loop3A_500 = arith.cmpf ogt, %parallel_loop3A_496, %parallel_loop3A_483 : vector<16xf32>
      %parallel_loop3A_501 = arith.select %parallel_loop3A_500, %parallel_loop3A_483, %parallel_loop3A_496 : vector<16xi1>, vector<16xf32>
      %parallel_loop3A_502 = arith.select %parallel_loop3A_500, %parallel_loop3A_484, %parallel_loop3A_499 : vector<16xi1>, vector<16xi32>
      %parallel_loop3A_503 = arith.select %parallel_loop3A_500, %parallel_loop3A_496, %parallel_loop3A_483 : vector<16xi1>, vector<16xf32>
      %parallel_loop3A_504 = arith.select %parallel_loop3A_500, %parallel_loop3A_499, %parallel_loop3A_484 : vector<16xi1>, vector<16xi32>
      %parallel_loop3A_505 = arith.cmpf ogt, %parallel_loop3A_501, %parallel_loop3A_488 : vector<16xf32>
      %parallel_loop3A_506 = arith.select %parallel_loop3A_505, %parallel_loop3A_488, %parallel_loop3A_501 : vector<16xi1>, vector<16xf32>
      %parallel_loop3A_507 = arith.select %parallel_loop3A_505, %parallel_loop3A_489, %parallel_loop3A_502 : vector<16xi1>, vector<16xi32>
      %parallel_loop3A_508 = arith.select %parallel_loop3A_505, %parallel_loop3A_501, %parallel_loop3A_488 : vector<16xi1>, vector<16xf32>
      %parallel_loop3A_509 = arith.select %parallel_loop3A_505, %parallel_loop3A_502, %parallel_loop3A_489 : vector<16xi1>, vector<16xi32>
      %parallel_loop3A_510 = arith.cmpf ogt, %parallel_loop3A_506, %parallel_loop3A_491 : vector<16xf32>
      %parallel_loop3A_511 = arith.select %parallel_loop3A_510, %parallel_loop3A_506, %parallel_loop3A_491 : vector<16xi1>, vector<16xf32>
      %parallel_loop3A_512 = arith.select %parallel_loop3A_510, %parallel_loop3A_507, %parallel_loop3A_492 : vector<16xi1>, vector<16xi32>
      %parallel_loop3A_513 = arith.index_cast %parallel_loop3A_46 : i32 to index
      %parallel_loop3A_514 = arith.constant 368 : index
      %parallel_loop3A_515 = tpu.vector_load %arg5[%parallel_loop3A_513, %parallel_loop3A_514] {strides = array<i32>} : memref<32x512xf32, #tpu.memory_space<vmem>>, vector<1x16xf32>,
      %parallel_loop3A_516 = vector.shape_cast %parallel_loop3A_515 : vector<1x16xf32> to vector<16xf32>
      %parallel_loop3A_517 = arith.constant 368 : i32
      %parallel_loop3A_518 = vector.broadcast %parallel_loop3A_517 : i32 to vector<16xi32>
      %parallel_loop3A_519 = arith.addi %iota3A, %parallel_loop3A_518 : vector<16xi32>
      %parallel_loop3A_520 = arith.cmpf ogt, %parallel_loop3A_516, %parallel_loop3A_503 : vector<16xf32>
      %parallel_loop3A_521 = arith.select %parallel_loop3A_520, %parallel_loop3A_503, %parallel_loop3A_516 : vector<16xi1>, vector<16xf32>
      %parallel_loop3A_522 = arith.select %parallel_loop3A_520, %parallel_loop3A_504, %parallel_loop3A_519 : vector<16xi1>, vector<16xi32>
      %parallel_loop3A_523 = arith.select %parallel_loop3A_520, %parallel_loop3A_516, %parallel_loop3A_503 : vector<16xi1>, vector<16xf32>
      %parallel_loop3A_524 = arith.select %parallel_loop3A_520, %parallel_loop3A_519, %parallel_loop3A_504 : vector<16xi1>, vector<16xi32>
      %parallel_loop3A_525 = arith.cmpf ogt, %parallel_loop3A_521, %parallel_loop3A_508 : vector<16xf32>
      %parallel_loop3A_526 = arith.select %parallel_loop3A_525, %parallel_loop3A_508, %parallel_loop3A_521 : vector<16xi1>, vector<16xf32>
      %parallel_loop3A_527 = arith.select %parallel_loop3A_525, %parallel_loop3A_509, %parallel_loop3A_522 : vector<16xi1>, vector<16xi32>
      %parallel_loop3A_528 = arith.select %parallel_loop3A_525, %parallel_loop3A_521, %parallel_loop3A_508 : vector<16xi1>, vector<16xf32>
      %parallel_loop3A_529 = arith.select %parallel_loop3A_525, %parallel_loop3A_522, %parallel_loop3A_509 : vector<16xi1>, vector<16xi32>
      %parallel_loop3A_530 = arith.cmpf ogt, %parallel_loop3A_526, %parallel_loop3A_511 : vector<16xf32>
      %parallel_loop3A_531 = arith.select %parallel_loop3A_530, %parallel_loop3A_526, %parallel_loop3A_511 : vector<16xi1>, vector<16xf32>
      %parallel_loop3A_532 = arith.select %parallel_loop3A_530, %parallel_loop3A_527, %parallel_loop3A_512 : vector<16xi1>, vector<16xi32>
      %parallel_loop3A_533 = arith.index_cast %parallel_loop3A_46 : i32 to index
      %parallel_loop3A_534 = arith.constant 384 : index
      %parallel_loop3A_535 = tpu.vector_load %arg5[%parallel_loop3A_533, %parallel_loop3A_534] {strides = array<i32>} : memref<32x512xf32, #tpu.memory_space<vmem>>, vector<1x16xf32>,
      %parallel_loop3A_536 = vector.shape_cast %parallel_loop3A_535 : vector<1x16xf32> to vector<16xf32>
      %parallel_loop3A_537 = arith.constant 384 : i32
      %parallel_loop3A_538 = vector.broadcast %parallel_loop3A_537 : i32 to vector<16xi32>
      %parallel_loop3A_539 = arith.addi %iota3A, %parallel_loop3A_538 : vector<16xi32>
      %parallel_loop3A_540 = arith.cmpf ogt, %parallel_loop3A_536, %parallel_loop3A_523 : vector<16xf32>
      %parallel_loop3A_541 = arith.select %parallel_loop3A_540, %parallel_loop3A_523, %parallel_loop3A_536 : vector<16xi1>, vector<16xf32>
      %parallel_loop3A_542 = arith.select %parallel_loop3A_540, %parallel_loop3A_524, %parallel_loop3A_539 : vector<16xi1>, vector<16xi32>
      %parallel_loop3A_543 = arith.select %parallel_loop3A_540, %parallel_loop3A_536, %parallel_loop3A_523 : vector<16xi1>, vector<16xf32>
      %parallel_loop3A_544 = arith.select %parallel_loop3A_540, %parallel_loop3A_539, %parallel_loop3A_524 : vector<16xi1>, vector<16xi32>
      %parallel_loop3A_545 = arith.cmpf ogt, %parallel_loop3A_541, %parallel_loop3A_528 : vector<16xf32>
      %parallel_loop3A_546 = arith.select %parallel_loop3A_545, %parallel_loop3A_528, %parallel_loop3A_541 : vector<16xi1>, vector<16xf32>
      %parallel_loop3A_547 = arith.select %parallel_loop3A_545, %parallel_loop3A_529, %parallel_loop3A_542 : vector<16xi1>, vector<16xi32>
      %parallel_loop3A_548 = arith.select %parallel_loop3A_545, %parallel_loop3A_541, %parallel_loop3A_528 : vector<16xi1>, vector<16xf32>
      %parallel_loop3A_549 = arith.select %parallel_loop3A_545, %parallel_loop3A_542, %parallel_loop3A_529 : vector<16xi1>, vector<16xi32>
      %parallel_loop3A_550 = arith.cmpf ogt, %parallel_loop3A_546, %parallel_loop3A_531 : vector<16xf32>
      %parallel_loop3A_551 = arith.select %parallel_loop3A_550, %parallel_loop3A_546, %parallel_loop3A_531 : vector<16xi1>, vector<16xf32>
      %parallel_loop3A_552 = arith.select %parallel_loop3A_550, %parallel_loop3A_547, %parallel_loop3A_532 : vector<16xi1>, vector<16xi32>
      %parallel_loop3A_553 = arith.index_cast %parallel_loop3A_46 : i32 to index
      %parallel_loop3A_554 = arith.constant 400 : index
      %parallel_loop3A_555 = tpu.vector_load %arg5[%parallel_loop3A_553, %parallel_loop3A_554] {strides = array<i32>} : memref<32x512xf32, #tpu.memory_space<vmem>>, vector<1x16xf32>,
      %parallel_loop3A_556 = vector.shape_cast %parallel_loop3A_555 : vector<1x16xf32> to vector<16xf32>
      %parallel_loop3A_557 = arith.constant 400 : i32
      %parallel_loop3A_558 = vector.broadcast %parallel_loop3A_557 : i32 to vector<16xi32>
      %parallel_loop3A_559 = arith.addi %iota3A, %parallel_loop3A_558 : vector<16xi32>
      %parallel_loop3A_560 = arith.cmpf ogt, %parallel_loop3A_556, %parallel_loop3A_543 : vector<16xf32>
      %parallel_loop3A_561 = arith.select %parallel_loop3A_560, %parallel_loop3A_543, %parallel_loop3A_556 : vector<16xi1>, vector<16xf32>
      %parallel_loop3A_562 = arith.select %parallel_loop3A_560, %parallel_loop3A_544, %parallel_loop3A_559 : vector<16xi1>, vector<16xi32>
      %parallel_loop3A_563 = arith.select %parallel_loop3A_560, %parallel_loop3A_556, %parallel_loop3A_543 : vector<16xi1>, vector<16xf32>
      %parallel_loop3A_564 = arith.select %parallel_loop3A_560, %parallel_loop3A_559, %parallel_loop3A_544 : vector<16xi1>, vector<16xi32>
      %parallel_loop3A_565 = arith.cmpf ogt, %parallel_loop3A_561, %parallel_loop3A_548 : vector<16xf32>
      %parallel_loop3A_566 = arith.select %parallel_loop3A_565, %parallel_loop3A_548, %parallel_loop3A_561 : vector<16xi1>, vector<16xf32>
      %parallel_loop3A_567 = arith.select %parallel_loop3A_565, %parallel_loop3A_549, %parallel_loop3A_562 : vector<16xi1>, vector<16xi32>
      %parallel_loop3A_568 = arith.select %parallel_loop3A_565, %parallel_loop3A_561, %parallel_loop3A_548 : vector<16xi1>, vector<16xf32>
      %parallel_loop3A_569 = arith.select %parallel_loop3A_565, %parallel_loop3A_562, %parallel_loop3A_549 : vector<16xi1>, vector<16xi32>
      %parallel_loop3A_570 = arith.cmpf ogt, %parallel_loop3A_566, %parallel_loop3A_551 : vector<16xf32>
      %parallel_loop3A_571 = arith.select %parallel_loop3A_570, %parallel_loop3A_566, %parallel_loop3A_551 : vector<16xi1>, vector<16xf32>
      %parallel_loop3A_572 = arith.select %parallel_loop3A_570, %parallel_loop3A_567, %parallel_loop3A_552 : vector<16xi1>, vector<16xi32>
      %parallel_loop3A_573 = arith.index_cast %parallel_loop3A_46 : i32 to index
      %parallel_loop3A_574 = arith.constant 416 : index
      %parallel_loop3A_575 = tpu.vector_load %arg5[%parallel_loop3A_573, %parallel_loop3A_574] {strides = array<i32>} : memref<32x512xf32, #tpu.memory_space<vmem>>, vector<1x16xf32>,
      %parallel_loop3A_576 = vector.shape_cast %parallel_loop3A_575 : vector<1x16xf32> to vector<16xf32>
      %parallel_loop3A_577 = arith.constant 416 : i32
      %parallel_loop3A_578 = vector.broadcast %parallel_loop3A_577 : i32 to vector<16xi32>
      %parallel_loop3A_579 = arith.addi %iota3A, %parallel_loop3A_578 : vector<16xi32>
      %parallel_loop3A_580 = arith.cmpf ogt, %parallel_loop3A_576, %parallel_loop3A_563 : vector<16xf32>
      %parallel_loop3A_581 = arith.select %parallel_loop3A_580, %parallel_loop3A_563, %parallel_loop3A_576 : vector<16xi1>, vector<16xf32>
      %parallel_loop3A_582 = arith.select %parallel_loop3A_580, %parallel_loop3A_564, %parallel_loop3A_579 : vector<16xi1>, vector<16xi32>
      %parallel_loop3A_583 = arith.select %parallel_loop3A_580, %parallel_loop3A_576, %parallel_loop3A_563 : vector<16xi1>, vector<16xf32>
      %parallel_loop3A_584 = arith.select %parallel_loop3A_580, %parallel_loop3A_579, %parallel_loop3A_564 : vector<16xi1>, vector<16xi32>
      %parallel_loop3A_585 = arith.cmpf ogt, %parallel_loop3A_581, %parallel_loop3A_568 : vector<16xf32>
      %parallel_loop3A_586 = arith.select %parallel_loop3A_585, %parallel_loop3A_568, %parallel_loop3A_581 : vector<16xi1>, vector<16xf32>
      %parallel_loop3A_587 = arith.select %parallel_loop3A_585, %parallel_loop3A_569, %parallel_loop3A_582 : vector<16xi1>, vector<16xi32>
      %parallel_loop3A_588 = arith.select %parallel_loop3A_585, %parallel_loop3A_581, %parallel_loop3A_568 : vector<16xi1>, vector<16xf32>
      %parallel_loop3A_589 = arith.select %parallel_loop3A_585, %parallel_loop3A_582, %parallel_loop3A_569 : vector<16xi1>, vector<16xi32>
      %parallel_loop3A_590 = arith.cmpf ogt, %parallel_loop3A_586, %parallel_loop3A_571 : vector<16xf32>
      %parallel_loop3A_591 = arith.select %parallel_loop3A_590, %parallel_loop3A_586, %parallel_loop3A_571 : vector<16xi1>, vector<16xf32>
      %parallel_loop3A_592 = arith.select %parallel_loop3A_590, %parallel_loop3A_587, %parallel_loop3A_572 : vector<16xi1>, vector<16xi32>
      %parallel_loop3A_593 = arith.index_cast %parallel_loop3A_46 : i32 to index
      %parallel_loop3A_594 = arith.constant 432 : index
      %parallel_loop3A_595 = tpu.vector_load %arg5[%parallel_loop3A_593, %parallel_loop3A_594] {strides = array<i32>} : memref<32x512xf32, #tpu.memory_space<vmem>>, vector<1x16xf32>,
      %parallel_loop3A_596 = vector.shape_cast %parallel_loop3A_595 : vector<1x16xf32> to vector<16xf32>
      %parallel_loop3A_597 = arith.constant 432 : i32
      %parallel_loop3A_598 = vector.broadcast %parallel_loop3A_597 : i32 to vector<16xi32>
      %parallel_loop3A_599 = arith.addi %iota3A, %parallel_loop3A_598 : vector<16xi32>
      %parallel_loop3A_600 = arith.cmpf ogt, %parallel_loop3A_596, %parallel_loop3A_583 : vector<16xf32>
      %parallel_loop3A_601 = arith.select %parallel_loop3A_600, %parallel_loop3A_583, %parallel_loop3A_596 : vector<16xi1>, vector<16xf32>
      %parallel_loop3A_602 = arith.select %parallel_loop3A_600, %parallel_loop3A_584, %parallel_loop3A_599 : vector<16xi1>, vector<16xi32>
      %parallel_loop3A_603 = arith.select %parallel_loop3A_600, %parallel_loop3A_596, %parallel_loop3A_583 : vector<16xi1>, vector<16xf32>
      %parallel_loop3A_604 = arith.select %parallel_loop3A_600, %parallel_loop3A_599, %parallel_loop3A_584 : vector<16xi1>, vector<16xi32>
      %parallel_loop3A_605 = arith.cmpf ogt, %parallel_loop3A_601, %parallel_loop3A_588 : vector<16xf32>
      %parallel_loop3A_606 = arith.select %parallel_loop3A_605, %parallel_loop3A_588, %parallel_loop3A_601 : vector<16xi1>, vector<16xf32>
      %parallel_loop3A_607 = arith.select %parallel_loop3A_605, %parallel_loop3A_589, %parallel_loop3A_602 : vector<16xi1>, vector<16xi32>
      %parallel_loop3A_608 = arith.select %parallel_loop3A_605, %parallel_loop3A_601, %parallel_loop3A_588 : vector<16xi1>, vector<16xf32>
      %parallel_loop3A_609 = arith.select %parallel_loop3A_605, %parallel_loop3A_602, %parallel_loop3A_589 : vector<16xi1>, vector<16xi32>
      %parallel_loop3A_610 = arith.cmpf ogt, %parallel_loop3A_606, %parallel_loop3A_591 : vector<16xf32>
      %parallel_loop3A_611 = arith.select %parallel_loop3A_610, %parallel_loop3A_606, %parallel_loop3A_591 : vector<16xi1>, vector<16xf32>
      %parallel_loop3A_612 = arith.select %parallel_loop3A_610, %parallel_loop3A_607, %parallel_loop3A_592 : vector<16xi1>, vector<16xi32>
      %parallel_loop3A_613 = arith.index_cast %parallel_loop3A_46 : i32 to index
      %parallel_loop3A_614 = arith.constant 448 : index
      %parallel_loop3A_615 = tpu.vector_load %arg5[%parallel_loop3A_613, %parallel_loop3A_614] {strides = array<i32>} : memref<32x512xf32, #tpu.memory_space<vmem>>, vector<1x16xf32>,
      %parallel_loop3A_616 = vector.shape_cast %parallel_loop3A_615 : vector<1x16xf32> to vector<16xf32>
      %parallel_loop3A_617 = arith.constant 448 : i32
      %parallel_loop3A_618 = vector.broadcast %parallel_loop3A_617 : i32 to vector<16xi32>
      %parallel_loop3A_619 = arith.addi %iota3A, %parallel_loop3A_618 : vector<16xi32>
      %parallel_loop3A_620 = arith.cmpf ogt, %parallel_loop3A_616, %parallel_loop3A_603 : vector<16xf32>
      %parallel_loop3A_621 = arith.select %parallel_loop3A_620, %parallel_loop3A_603, %parallel_loop3A_616 : vector<16xi1>, vector<16xf32>
      %parallel_loop3A_622 = arith.select %parallel_loop3A_620, %parallel_loop3A_604, %parallel_loop3A_619 : vector<16xi1>, vector<16xi32>
      %parallel_loop3A_623 = arith.select %parallel_loop3A_620, %parallel_loop3A_616, %parallel_loop3A_603 : vector<16xi1>, vector<16xf32>
      %parallel_loop3A_624 = arith.select %parallel_loop3A_620, %parallel_loop3A_619, %parallel_loop3A_604 : vector<16xi1>, vector<16xi32>
      %parallel_loop3A_625 = arith.cmpf ogt, %parallel_loop3A_621, %parallel_loop3A_608 : vector<16xf32>
      %parallel_loop3A_626 = arith.select %parallel_loop3A_625, %parallel_loop3A_608, %parallel_loop3A_621 : vector<16xi1>, vector<16xf32>
      %parallel_loop3A_627 = arith.select %parallel_loop3A_625, %parallel_loop3A_609, %parallel_loop3A_622 : vector<16xi1>, vector<16xi32>
      %parallel_loop3A_628 = arith.select %parallel_loop3A_625, %parallel_loop3A_621, %parallel_loop3A_608 : vector<16xi1>, vector<16xf32>
      %parallel_loop3A_629 = arith.select %parallel_loop3A_625, %parallel_loop3A_622, %parallel_loop3A_609 : vector<16xi1>, vector<16xi32>
      %parallel_loop3A_630 = arith.cmpf ogt, %parallel_loop3A_626, %parallel_loop3A_611 : vector<16xf32>
      %parallel_loop3A_631 = arith.select %parallel_loop3A_630, %parallel_loop3A_626, %parallel_loop3A_611 : vector<16xi1>, vector<16xf32>
      %parallel_loop3A_632 = arith.select %parallel_loop3A_630, %parallel_loop3A_627, %parallel_loop3A_612 : vector<16xi1>, vector<16xi32>
      %parallel_loop3A_633 = arith.index_cast %parallel_loop3A_46 : i32 to index
      %parallel_loop3A_634 = arith.constant 464 : index
      %parallel_loop3A_635 = tpu.vector_load %arg5[%parallel_loop3A_633, %parallel_loop3A_634] {strides = array<i32>} : memref<32x512xf32, #tpu.memory_space<vmem>>, vector<1x16xf32>,
      %parallel_loop3A_636 = vector.shape_cast %parallel_loop3A_635 : vector<1x16xf32> to vector<16xf32>
      %parallel_loop3A_637 = arith.constant 464 : i32
      %parallel_loop3A_638 = vector.broadcast %parallel_loop3A_637 : i32 to vector<16xi32>
      %parallel_loop3A_639 = arith.addi %iota3A, %parallel_loop3A_638 : vector<16xi32>
      %parallel_loop3A_640 = arith.cmpf ogt, %parallel_loop3A_636, %parallel_loop3A_623 : vector<16xf32>
      %parallel_loop3A_641 = arith.select %parallel_loop3A_640, %parallel_loop3A_623, %parallel_loop3A_636 : vector<16xi1>, vector<16xf32>
      %parallel_loop3A_642 = arith.select %parallel_loop3A_640, %parallel_loop3A_624, %parallel_loop3A_639 : vector<16xi1>, vector<16xi32>
      %parallel_loop3A_643 = arith.select %parallel_loop3A_640, %parallel_loop3A_636, %parallel_loop3A_623 : vector<16xi1>, vector<16xf32>
      %parallel_loop3A_644 = arith.select %parallel_loop3A_640, %parallel_loop3A_639, %parallel_loop3A_624 : vector<16xi1>, vector<16xi32>
      %parallel_loop3A_645 = arith.cmpf ogt, %parallel_loop3A_641, %parallel_loop3A_628 : vector<16xf32>
      %parallel_loop3A_646 = arith.select %parallel_loop3A_645, %parallel_loop3A_628, %parallel_loop3A_641 : vector<16xi1>, vector<16xf32>
      %parallel_loop3A_647 = arith.select %parallel_loop3A_645, %parallel_loop3A_629, %parallel_loop3A_642 : vector<16xi1>, vector<16xi32>
      %parallel_loop3A_648 = arith.select %parallel_loop3A_645, %parallel_loop3A_641, %parallel_loop3A_628 : vector<16xi1>, vector<16xf32>
      %parallel_loop3A_649 = arith.select %parallel_loop3A_645, %parallel_loop3A_642, %parallel_loop3A_629 : vector<16xi1>, vector<16xi32>
      %parallel_loop3A_650 = arith.cmpf ogt, %parallel_loop3A_646, %parallel_loop3A_631 : vector<16xf32>
      %parallel_loop3A_651 = arith.select %parallel_loop3A_650, %parallel_loop3A_646, %parallel_loop3A_631 : vector<16xi1>, vector<16xf32>
      %parallel_loop3A_652 = arith.select %parallel_loop3A_650, %parallel_loop3A_647, %parallel_loop3A_632 : vector<16xi1>, vector<16xi32>
      %parallel_loop3A_653 = arith.index_cast %parallel_loop3A_46 : i32 to index
      %parallel_loop3A_654 = arith.constant 480 : index
      %parallel_loop3A_655 = tpu.vector_load %arg5[%parallel_loop3A_653, %parallel_loop3A_654] {strides = array<i32>} : memref<32x512xf32, #tpu.memory_space<vmem>>, vector<1x16xf32>,
      %parallel_loop3A_656 = vector.shape_cast %parallel_loop3A_655 : vector<1x16xf32> to vector<16xf32>
      %parallel_loop3A_657 = arith.constant 480 : i32
      %parallel_loop3A_658 = vector.broadcast %parallel_loop3A_657 : i32 to vector<16xi32>
      %parallel_loop3A_659 = arith.addi %iota3A, %parallel_loop3A_658 : vector<16xi32>
      %parallel_loop3A_660 = arith.cmpf ogt, %parallel_loop3A_656, %parallel_loop3A_643 : vector<16xf32>
      %parallel_loop3A_661 = arith.select %parallel_loop3A_660, %parallel_loop3A_643, %parallel_loop3A_656 : vector<16xi1>, vector<16xf32>
      %parallel_loop3A_662 = arith.select %parallel_loop3A_660, %parallel_loop3A_644, %parallel_loop3A_659 : vector<16xi1>, vector<16xi32>
      %parallel_loop3A_663 = arith.select %parallel_loop3A_660, %parallel_loop3A_656, %parallel_loop3A_643 : vector<16xi1>, vector<16xf32>
      %parallel_loop3A_664 = arith.select %parallel_loop3A_660, %parallel_loop3A_659, %parallel_loop3A_644 : vector<16xi1>, vector<16xi32>
      %parallel_loop3A_665 = arith.cmpf ogt, %parallel_loop3A_661, %parallel_loop3A_648 : vector<16xf32>
      %parallel_loop3A_666 = arith.select %parallel_loop3A_665, %parallel_loop3A_648, %parallel_loop3A_661 : vector<16xi1>, vector<16xf32>
      %parallel_loop3A_667 = arith.select %parallel_loop3A_665, %parallel_loop3A_649, %parallel_loop3A_662 : vector<16xi1>, vector<16xi32>
      %parallel_loop3A_668 = arith.select %parallel_loop3A_665, %parallel_loop3A_661, %parallel_loop3A_648 : vector<16xi1>, vector<16xf32>
      %parallel_loop3A_669 = arith.select %parallel_loop3A_665, %parallel_loop3A_662, %parallel_loop3A_649 : vector<16xi1>, vector<16xi32>
      %parallel_loop3A_670 = arith.cmpf ogt, %parallel_loop3A_666, %parallel_loop3A_651 : vector<16xf32>
      %parallel_loop3A_671 = arith.select %parallel_loop3A_670, %parallel_loop3A_666, %parallel_loop3A_651 : vector<16xi1>, vector<16xf32>
      %parallel_loop3A_672 = arith.select %parallel_loop3A_670, %parallel_loop3A_667, %parallel_loop3A_652 : vector<16xi1>, vector<16xi32>
      %parallel_loop3A_673 = arith.index_cast %parallel_loop3A_46 : i32 to index
      %parallel_loop3A_674 = arith.constant 496 : index
      %parallel_loop3A_675 = tpu.vector_load %arg5[%parallel_loop3A_673, %parallel_loop3A_674] {strides = array<i32>} : memref<32x512xf32, #tpu.memory_space<vmem>>, vector<1x16xf32>,
      %parallel_loop3A_676 = vector.shape_cast %parallel_loop3A_675 : vector<1x16xf32> to vector<16xf32>
      %parallel_loop3A_677 = arith.constant 496 : i32
      %parallel_loop3A_678 = vector.broadcast %parallel_loop3A_677 : i32 to vector<16xi32>
      %parallel_loop3A_679 = arith.addi %iota3A, %parallel_loop3A_678 : vector<16xi32>
      %parallel_loop3A_680 = arith.cmpf ogt, %parallel_loop3A_676, %parallel_loop3A_663 : vector<16xf32>
      %parallel_loop3A_681 = arith.select %parallel_loop3A_680, %parallel_loop3A_663, %parallel_loop3A_676 : vector<16xi1>, vector<16xf32>
      %parallel_loop3A_682 = arith.select %parallel_loop3A_680, %parallel_loop3A_664, %parallel_loop3A_679 : vector<16xi1>, vector<16xi32>
      %parallel_loop3A_683 = arith.select %parallel_loop3A_680, %parallel_loop3A_676, %parallel_loop3A_663 : vector<16xi1>, vector<16xf32>
      %parallel_loop3A_684 = arith.select %parallel_loop3A_680, %parallel_loop3A_679, %parallel_loop3A_664 : vector<16xi1>, vector<16xi32>
      %parallel_loop3A_685 = arith.cmpf ogt, %parallel_loop3A_681, %parallel_loop3A_668 : vector<16xf32>
      %parallel_loop3A_686 = arith.select %parallel_loop3A_685, %parallel_loop3A_668, %parallel_loop3A_681 : vector<16xi1>, vector<16xf32>
      %parallel_loop3A_687 = arith.select %parallel_loop3A_685, %parallel_loop3A_669, %parallel_loop3A_682 : vector<16xi1>, vector<16xi32>
      %parallel_loop3A_688 = arith.select %parallel_loop3A_685, %parallel_loop3A_681, %parallel_loop3A_668 : vector<16xi1>, vector<16xf32>
      %parallel_loop3A_689 = arith.select %parallel_loop3A_685, %parallel_loop3A_682, %parallel_loop3A_669 : vector<16xi1>, vector<16xi32>
      %parallel_loop3A_690 = arith.cmpf ogt, %parallel_loop3A_686, %parallel_loop3A_671 : vector<16xf32>
      %parallel_loop3A_691 = arith.select %parallel_loop3A_690, %parallel_loop3A_686, %parallel_loop3A_671 : vector<16xi1>, vector<16xf32>
      %parallel_loop3A_692 = arith.select %parallel_loop3A_690, %parallel_loop3A_687, %parallel_loop3A_672 : vector<16xi1>, vector<16xi32>
      %parallel_loop3A_693 = vector.broadcast %parallel_loop3A_46 : i32 to vector<16xi32>
      %parallel_loop3A_694 = arith.cmpi eq, %iota3A, %parallel_loop3A_693 : vector<16xi32>
      %parallel_loop3A_695 = arith.constant 16 : i32
      %parallel_loop3A_696 = arith.subi %parallel_loop3A_46, %parallel_loop3A_695 : i32
      %parallel_loop3A_697 = vector.broadcast %parallel_loop3A_696 : i32 to vector<16xi32>
      %parallel_loop3A_698 = arith.cmpi eq, %iota3A, %parallel_loop3A_697 : vector<16xi32>
      %parallel_loop3A_699 = arith.maximumf %parallel_loop3A_683, %parallel_loop3A_688 : vector<16xf32>
      %parallel_loop3A_700 = arith.maximumf %parallel_loop3A_699, %parallel_loop3A_691 : vector<16xf32>
      %parallel_loop3A_701 = arith.constant 8 : i32
      %parallel_loop3A_702 = vector.broadcast %parallel_loop3A_701 : i32 to vector<16xi32>
      %parallel_loop3A_703 = arith.xori %iota3A, %parallel_loop3A_702 : vector<16xi32>
      %parallel_loop3A_704 = arith.constant 0 : i32
      %parallel_loop3A_705 = vector.broadcast %parallel_loop3A_704 : i32 to vector<16xi32>
      %parallel_loop3A_706 = arith.cmpi slt, %parallel_loop3A_703, %parallel_loop3A_705 : vector<16xi32>
      %parallel_loop3A_707 = arith.constant 16 : i32
      %parallel_loop3A_708 = vector.broadcast %parallel_loop3A_707 : i32 to vector<16xi32>
      %parallel_loop3A_709 = arith.addi %parallel_loop3A_703, %parallel_loop3A_708 : vector<16xi32>
      %parallel_loop3A_710 = arith.select %parallel_loop3A_706, %parallel_loop3A_709, %parallel_loop3A_703 : vector<16xi1>, vector<16xi32>
      %parallel_loop3A_711 = vector.shape_cast %parallel_loop3A_710 : vector<16xi32> to vector<16x1xi32>
      %parallel_loop3A_712 = vector.shape_cast %parallel_loop3A_711 : vector<16x1xi32> to vector<16xi32>
      %parallel_loop3A_713 = tpu.dynamic_gather %parallel_loop3A_700[%parallel_loop3A_712] in [0] : vector<16xf32>, vector<16xi32> -> vector<16xf32>
      %parallel_loop3A_714 = arith.maximumf %parallel_loop3A_700, %parallel_loop3A_713 : vector<16xf32>
      %parallel_loop3A_715 = arith.constant 4 : i32
      %parallel_loop3A_716 = vector.broadcast %parallel_loop3A_715 : i32 to vector<16xi32>
      %parallel_loop3A_717 = arith.xori %iota3A, %parallel_loop3A_716 : vector<16xi32>
      %parallel_loop3A_718 = arith.constant 0 : i32
      %parallel_loop3A_719 = vector.broadcast %parallel_loop3A_718 : i32 to vector<16xi32>
      %parallel_loop3A_720 = arith.cmpi slt, %parallel_loop3A_717, %parallel_loop3A_719 : vector<16xi32>
      %parallel_loop3A_721 = arith.constant 16 : i32
      %parallel_loop3A_722 = vector.broadcast %parallel_loop3A_721 : i32 to vector<16xi32>
      %parallel_loop3A_723 = arith.addi %parallel_loop3A_717, %parallel_loop3A_722 : vector<16xi32>
      %parallel_loop3A_724 = arith.select %parallel_loop3A_720, %parallel_loop3A_723, %parallel_loop3A_717 : vector<16xi1>, vector<16xi32>
      %parallel_loop3A_725 = vector.shape_cast %parallel_loop3A_724 : vector<16xi32> to vector<16x1xi32>
      %parallel_loop3A_726 = vector.shape_cast %parallel_loop3A_725 : vector<16x1xi32> to vector<16xi32>
      %parallel_loop3A_727 = tpu.dynamic_gather %parallel_loop3A_714[%parallel_loop3A_726] in [0] : vector<16xf32>, vector<16xi32> -> vector<16xf32>
      %parallel_loop3A_728 = arith.maximumf %parallel_loop3A_714, %parallel_loop3A_727 : vector<16xf32>
      %parallel_loop3A_729 = arith.constant 2 : i32
      %parallel_loop3A_730 = vector.broadcast %parallel_loop3A_729 : i32 to vector<16xi32>
      %parallel_loop3A_731 = arith.xori %iota3A, %parallel_loop3A_730 : vector<16xi32>
      %parallel_loop3A_732 = arith.constant 0 : i32
      %parallel_loop3A_733 = vector.broadcast %parallel_loop3A_732 : i32 to vector<16xi32>
      %parallel_loop3A_734 = arith.cmpi slt, %parallel_loop3A_731, %parallel_loop3A_733 : vector<16xi32>
      %parallel_loop3A_735 = arith.constant 16 : i32
      %parallel_loop3A_736 = vector.broadcast %parallel_loop3A_735 : i32 to vector<16xi32>
      %parallel_loop3A_737 = arith.addi %parallel_loop3A_731, %parallel_loop3A_736 : vector<16xi32>
      %parallel_loop3A_738 = arith.select %parallel_loop3A_734, %parallel_loop3A_737, %parallel_loop3A_731 : vector<16xi1>, vector<16xi32>
      %parallel_loop3A_739 = vector.shape_cast %parallel_loop3A_738 : vector<16xi32> to vector<16x1xi32>
      %parallel_loop3A_740 = vector.shape_cast %parallel_loop3A_739 : vector<16x1xi32> to vector<16xi32>
      %parallel_loop3A_741 = tpu.dynamic_gather %parallel_loop3A_728[%parallel_loop3A_740] in [0] : vector<16xf32>, vector<16xi32> -> vector<16xf32>
      %parallel_loop3A_742 = arith.maximumf %parallel_loop3A_728, %parallel_loop3A_741 : vector<16xf32>
      %parallel_loop3A_743 = arith.constant 1 : i32
      %parallel_loop3A_744 = vector.broadcast %parallel_loop3A_743 : i32 to vector<16xi32>
      %parallel_loop3A_745 = arith.xori %iota3A, %parallel_loop3A_744 : vector<16xi32>
      %parallel_loop3A_746 = arith.constant 0 : i32
      %parallel_loop3A_747 = vector.broadcast %parallel_loop3A_746 : i32 to vector<16xi32>
      %parallel_loop3A_748 = arith.cmpi slt, %parallel_loop3A_745, %parallel_loop3A_747 : vector<16xi32>
      %parallel_loop3A_749 = arith.constant 16 : i32
      %parallel_loop3A_750 = vector.broadcast %parallel_loop3A_749 : i32 to vector<16xi32>
      %parallel_loop3A_751 = arith.addi %parallel_loop3A_745, %parallel_loop3A_750 : vector<16xi32>
      %parallel_loop3A_752 = arith.select %parallel_loop3A_748, %parallel_loop3A_751, %parallel_loop3A_745 : vector<16xi1>, vector<16xi32>
      %parallel_loop3A_753 = vector.shape_cast %parallel_loop3A_752 : vector<16xi32> to vector<16x1xi32>
      %parallel_loop3A_754 = vector.shape_cast %parallel_loop3A_753 : vector<16x1xi32> to vector<16xi32>
      %parallel_loop3A_755 = tpu.dynamic_gather %parallel_loop3A_742[%parallel_loop3A_754] in [0] : vector<16xf32>, vector<16xi32> -> vector<16xf32>
      %parallel_loop3A_756 = arith.maximumf %parallel_loop3A_742, %parallel_loop3A_755 : vector<16xf32>
      %parallel_loop3A_757 = arith.cmpf oeq, %parallel_loop3A_683, %parallel_loop3A_756 : vector<16xf32>
      %parallel_loop3A_758 = arith.constant 512 : i32
      %parallel_loop3A_759 = vector.broadcast %parallel_loop3A_758 : i32 to vector<16xi32>
      %parallel_loop3A_760 = arith.select %parallel_loop3A_757, %parallel_loop3A_684, %parallel_loop3A_759 : vector<16xi1>, vector<16xi32>
      %parallel_loop3A_761 = arith.cmpf oeq, %parallel_loop3A_688, %parallel_loop3A_756 : vector<16xf32>
      %parallel_loop3A_762 = arith.constant 512 : i32
      %parallel_loop3A_763 = vector.broadcast %parallel_loop3A_762 : i32 to vector<16xi32>
      %parallel_loop3A_764 = arith.select %parallel_loop3A_761, %parallel_loop3A_689, %parallel_loop3A_763 : vector<16xi1>, vector<16xi32>
      %parallel_loop3A_765 = arith.cmpf oeq, %parallel_loop3A_691, %parallel_loop3A_756 : vector<16xf32>
      %parallel_loop3A_766 = arith.constant 512 : i32
      %parallel_loop3A_767 = vector.broadcast %parallel_loop3A_766 : i32 to vector<16xi32>
      %parallel_loop3A_768 = arith.select %parallel_loop3A_765, %parallel_loop3A_692, %parallel_loop3A_767 : vector<16xi1>, vector<16xi32>
      %parallel_loop3A_769 = arith.minsi %parallel_loop3A_760, %parallel_loop3A_764 : vector<16xi32>
      %parallel_loop3A_770 = arith.minsi %parallel_loop3A_769, %parallel_loop3A_768 : vector<16xi32>
      %parallel_loop3A_771 = arith.constant 8 : i32
      %parallel_loop3A_772 = vector.broadcast %parallel_loop3A_771 : i32 to vector<16xi32>
      %parallel_loop3A_773 = arith.xori %iota3A, %parallel_loop3A_772 : vector<16xi32>
      %parallel_loop3A_774 = arith.constant 0 : i32
      %parallel_loop3A_775 = vector.broadcast %parallel_loop3A_774 : i32 to vector<16xi32>
      %parallel_loop3A_776 = arith.cmpi slt, %parallel_loop3A_773, %parallel_loop3A_775 : vector<16xi32>
      %parallel_loop3A_777 = arith.constant 16 : i32
      %parallel_loop3A_778 = vector.broadcast %parallel_loop3A_777 : i32 to vector<16xi32>
      %parallel_loop3A_779 = arith.addi %parallel_loop3A_773, %parallel_loop3A_778 : vector<16xi32>
      %parallel_loop3A_780 = arith.select %parallel_loop3A_776, %parallel_loop3A_779, %parallel_loop3A_773 : vector<16xi1>, vector<16xi32>
      %parallel_loop3A_781 = vector.shape_cast %parallel_loop3A_780 : vector<16xi32> to vector<16x1xi32>
      %parallel_loop3A_782 = vector.shape_cast %parallel_loop3A_781 : vector<16x1xi32> to vector<16xi32>
      %parallel_loop3A_783 = tpu.dynamic_gather %parallel_loop3A_770[%parallel_loop3A_782] in [0] : vector<16xi32>, vector<16xi32> -> vector<16xi32>
      %parallel_loop3A_784 = arith.minsi %parallel_loop3A_770, %parallel_loop3A_783 : vector<16xi32>
      %parallel_loop3A_785 = arith.constant 4 : i32
      %parallel_loop3A_786 = vector.broadcast %parallel_loop3A_785 : i32 to vector<16xi32>
      %parallel_loop3A_787 = arith.xori %iota3A, %parallel_loop3A_786 : vector<16xi32>
      %parallel_loop3A_788 = arith.constant 0 : i32
      %parallel_loop3A_789 = vector.broadcast %parallel_loop3A_788 : i32 to vector<16xi32>
      %parallel_loop3A_790 = arith.cmpi slt, %parallel_loop3A_787, %parallel_loop3A_789 : vector<16xi32>
      %parallel_loop3A_791 = arith.constant 16 : i32
      %parallel_loop3A_792 = vector.broadcast %parallel_loop3A_791 : i32 to vector<16xi32>
      %parallel_loop3A_793 = arith.addi %parallel_loop3A_787, %parallel_loop3A_792 : vector<16xi32>
      %parallel_loop3A_794 = arith.select %parallel_loop3A_790, %parallel_loop3A_793, %parallel_loop3A_787 : vector<16xi1>, vector<16xi32>
      %parallel_loop3A_795 = vector.shape_cast %parallel_loop3A_794 : vector<16xi32> to vector<16x1xi32>
      %parallel_loop3A_796 = vector.shape_cast %parallel_loop3A_795 : vector<16x1xi32> to vector<16xi32>
      %parallel_loop3A_797 = tpu.dynamic_gather %parallel_loop3A_784[%parallel_loop3A_796] in [0] : vector<16xi32>, vector<16xi32> -> vector<16xi32>
      %parallel_loop3A_798 = arith.minsi %parallel_loop3A_784, %parallel_loop3A_797 : vector<16xi32>
      %parallel_loop3A_799 = arith.constant 2 : i32
      %parallel_loop3A_800 = vector.broadcast %parallel_loop3A_799 : i32 to vector<16xi32>
      %parallel_loop3A_801 = arith.xori %iota3A, %parallel_loop3A_800 : vector<16xi32>
      %parallel_loop3A_802 = arith.constant 0 : i32
      %parallel_loop3A_803 = vector.broadcast %parallel_loop3A_802 : i32 to vector<16xi32>
      %parallel_loop3A_804 = arith.cmpi slt, %parallel_loop3A_801, %parallel_loop3A_803 : vector<16xi32>
      %parallel_loop3A_805 = arith.constant 16 : i32
      %parallel_loop3A_806 = vector.broadcast %parallel_loop3A_805 : i32 to vector<16xi32>
      %parallel_loop3A_807 = arith.addi %parallel_loop3A_801, %parallel_loop3A_806 : vector<16xi32>
      %parallel_loop3A_808 = arith.select %parallel_loop3A_804, %parallel_loop3A_807, %parallel_loop3A_801 : vector<16xi1>, vector<16xi32>
      %parallel_loop3A_809 = vector.shape_cast %parallel_loop3A_808 : vector<16xi32> to vector<16x1xi32>
      %parallel_loop3A_810 = vector.shape_cast %parallel_loop3A_809 : vector<16x1xi32> to vector<16xi32>
      %parallel_loop3A_811 = tpu.dynamic_gather %parallel_loop3A_798[%parallel_loop3A_810] in [0] : vector<16xi32>, vector<16xi32> -> vector<16xi32>
      %parallel_loop3A_812 = arith.minsi %parallel_loop3A_798, %parallel_loop3A_811 : vector<16xi32>
      %parallel_loop3A_813 = arith.constant 1 : i32
      %parallel_loop3A_814 = vector.broadcast %parallel_loop3A_813 : i32 to vector<16xi32>
      %parallel_loop3A_815 = arith.xori %iota3A, %parallel_loop3A_814 : vector<16xi32>
      %parallel_loop3A_816 = arith.constant 0 : i32
      %parallel_loop3A_817 = vector.broadcast %parallel_loop3A_816 : i32 to vector<16xi32>
      %parallel_loop3A_818 = arith.cmpi slt, %parallel_loop3A_815, %parallel_loop3A_817 : vector<16xi32>
      %parallel_loop3A_819 = arith.constant 16 : i32
      %parallel_loop3A_820 = vector.broadcast %parallel_loop3A_819 : i32 to vector<16xi32>
      %parallel_loop3A_821 = arith.addi %parallel_loop3A_815, %parallel_loop3A_820 : vector<16xi32>
      %parallel_loop3A_822 = arith.select %parallel_loop3A_818, %parallel_loop3A_821, %parallel_loop3A_815 : vector<16xi1>, vector<16xi32>
      %parallel_loop3A_823 = vector.shape_cast %parallel_loop3A_822 : vector<16xi32> to vector<16x1xi32>
      %parallel_loop3A_824 = vector.shape_cast %parallel_loop3A_823 : vector<16x1xi32> to vector<16xi32>
      %parallel_loop3A_825 = tpu.dynamic_gather %parallel_loop3A_812[%parallel_loop3A_824] in [0] : vector<16xi32>, vector<16xi32> -> vector<16xi32>
      %parallel_loop3A_826 = arith.minsi %parallel_loop3A_812, %parallel_loop3A_825 : vector<16xi32>
      %parallel_loop3A_827 = arith.select %parallel_loop3A_694, %parallel_loop3A_826, %parallel_loop3A_40 : vector<16xi1>, vector<16xi32>
      %parallel_loop3A_828 = arith.select %parallel_loop3A_698, %parallel_loop3A_826, %parallel_loop3A_41 : vector<16xi1>, vector<16xi32>
      %parallel_loop3A_829 = arith.cmpi eq, %parallel_loop3A_684, %parallel_loop3A_826 : vector<16xi32>
      %parallel_loop3A_830 = arith.constant 0xFF800000 : f32
      %parallel_loop3A_831 = vector.broadcast %parallel_loop3A_830 : f32 to vector<16xf32>
      %parallel_loop3A_832 = arith.select %parallel_loop3A_829, %parallel_loop3A_831, %parallel_loop3A_683 : vector<16xi1>, vector<16xf32>
      %parallel_loop3A_833 = arith.cmpi eq, %parallel_loop3A_689, %parallel_loop3A_826 : vector<16xi32>
      %parallel_loop3A_834 = arith.constant 0xFF800000 : f32
      %parallel_loop3A_835 = vector.broadcast %parallel_loop3A_834 : f32 to vector<16xf32>
      %parallel_loop3A_836 = arith.select %parallel_loop3A_833, %parallel_loop3A_835, %parallel_loop3A_688 : vector<16xi1>, vector<16xf32>
      %parallel_loop3A_837 = arith.cmpi eq, %parallel_loop3A_692, %parallel_loop3A_826 : vector<16xi32>
      %parallel_loop3A_838 = arith.constant 0xFF800000 : f32
      %parallel_loop3A_839 = vector.broadcast %parallel_loop3A_838 : f32 to vector<16xf32>
      %parallel_loop3A_840 = arith.select %parallel_loop3A_837, %parallel_loop3A_839, %parallel_loop3A_691 : vector<16xi1>, vector<16xf32>
      %parallel_loop3A_841 = arith.maximumf %parallel_loop3A_832, %parallel_loop3A_836 : vector<16xf32>
      %parallel_loop3A_842 = arith.maximumf %parallel_loop3A_841, %parallel_loop3A_840 : vector<16xf32>
      %parallel_loop3A_843 = arith.constant 8 : i32
      %parallel_loop3A_844 = vector.broadcast %parallel_loop3A_843 : i32 to vector<16xi32>
      %parallel_loop3A_845 = arith.xori %iota3A, %parallel_loop3A_844 : vector<16xi32>
      %parallel_loop3A_846 = arith.constant 0 : i32
      %parallel_loop3A_847 = vector.broadcast %parallel_loop3A_846 : i32 to vector<16xi32>
      %parallel_loop3A_848 = arith.cmpi slt, %parallel_loop3A_845, %parallel_loop3A_847 : vector<16xi32>
      %parallel_loop3A_849 = arith.constant 16 : i32
      %parallel_loop3A_850 = vector.broadcast %parallel_loop3A_849 : i32 to vector<16xi32>
      %parallel_loop3A_851 = arith.addi %parallel_loop3A_845, %parallel_loop3A_850 : vector<16xi32>
      %parallel_loop3A_852 = arith.select %parallel_loop3A_848, %parallel_loop3A_851, %parallel_loop3A_845 : vector<16xi1>, vector<16xi32>
      %parallel_loop3A_853 = vector.shape_cast %parallel_loop3A_852 : vector<16xi32> to vector<16x1xi32>
      %parallel_loop3A_854 = vector.shape_cast %parallel_loop3A_853 : vector<16x1xi32> to vector<16xi32>
      %parallel_loop3A_855 = tpu.dynamic_gather %parallel_loop3A_842[%parallel_loop3A_854] in [0] : vector<16xf32>, vector<16xi32> -> vector<16xf32>
      %parallel_loop3A_856 = arith.maximumf %parallel_loop3A_842, %parallel_loop3A_855 : vector<16xf32>
      %parallel_loop3A_857 = arith.constant 4 : i32
      %parallel_loop3A_858 = vector.broadcast %parallel_loop3A_857 : i32 to vector<16xi32>
      %parallel_loop3A_859 = arith.xori %iota3A, %parallel_loop3A_858 : vector<16xi32>
      %parallel_loop3A_860 = arith.constant 0 : i32
      %parallel_loop3A_861 = vector.broadcast %parallel_loop3A_860 : i32 to vector<16xi32>
      %parallel_loop3A_862 = arith.cmpi slt, %parallel_loop3A_859, %parallel_loop3A_861 : vector<16xi32>
      %parallel_loop3A_863 = arith.constant 16 : i32
      %parallel_loop3A_864 = vector.broadcast %parallel_loop3A_863 : i32 to vector<16xi32>
      %parallel_loop3A_865 = arith.addi %parallel_loop3A_859, %parallel_loop3A_864 : vector<16xi32>
      %parallel_loop3A_866 = arith.select %parallel_loop3A_862, %parallel_loop3A_865, %parallel_loop3A_859 : vector<16xi1>, vector<16xi32>
      %parallel_loop3A_867 = vector.shape_cast %parallel_loop3A_866 : vector<16xi32> to vector<16x1xi32>
      %parallel_loop3A_868 = vector.shape_cast %parallel_loop3A_867 : vector<16x1xi32> to vector<16xi32>
      %parallel_loop3A_869 = tpu.dynamic_gather %parallel_loop3A_856[%parallel_loop3A_868] in [0] : vector<16xf32>, vector<16xi32> -> vector<16xf32>
      %parallel_loop3A_870 = arith.maximumf %parallel_loop3A_856, %parallel_loop3A_869 : vector<16xf32>
      %parallel_loop3A_871 = arith.constant 2 : i32
      %parallel_loop3A_872 = vector.broadcast %parallel_loop3A_871 : i32 to vector<16xi32>
      %parallel_loop3A_873 = arith.xori %iota3A, %parallel_loop3A_872 : vector<16xi32>
      %parallel_loop3A_874 = arith.constant 0 : i32
      %parallel_loop3A_875 = vector.broadcast %parallel_loop3A_874 : i32 to vector<16xi32>
      %parallel_loop3A_876 = arith.cmpi slt, %parallel_loop3A_873, %parallel_loop3A_875 : vector<16xi32>
      %parallel_loop3A_877 = arith.constant 16 : i32
      %parallel_loop3A_878 = vector.broadcast %parallel_loop3A_877 : i32 to vector<16xi32>
      %parallel_loop3A_879 = arith.addi %parallel_loop3A_873, %parallel_loop3A_878 : vector<16xi32>
      %parallel_loop3A_880 = arith.select %parallel_loop3A_876, %parallel_loop3A_879, %parallel_loop3A_873 : vector<16xi1>, vector<16xi32>
      %parallel_loop3A_881 = vector.shape_cast %parallel_loop3A_880 : vector<16xi32> to vector<16x1xi32>
      %parallel_loop3A_882 = vector.shape_cast %parallel_loop3A_881 : vector<16x1xi32> to vector<16xi32>
      %parallel_loop3A_883 = tpu.dynamic_gather %parallel_loop3A_870[%parallel_loop3A_882] in [0] : vector<16xf32>, vector<16xi32> -> vector<16xf32>
      %parallel_loop3A_884 = arith.maximumf %parallel_loop3A_870, %parallel_loop3A_883 : vector<16xf32>
      %parallel_loop3A_885 = arith.constant 1 : i32
      %parallel_loop3A_886 = vector.broadcast %parallel_loop3A_885 : i32 to vector<16xi32>
      %parallel_loop3A_887 = arith.xori %iota3A, %parallel_loop3A_886 : vector<16xi32>
      %parallel_loop3A_888 = arith.constant 0 : i32
      %parallel_loop3A_889 = vector.broadcast %parallel_loop3A_888 : i32 to vector<16xi32>
      %parallel_loop3A_890 = arith.cmpi slt, %parallel_loop3A_887, %parallel_loop3A_889 : vector<16xi32>
      %parallel_loop3A_891 = arith.constant 16 : i32
      %parallel_loop3A_892 = vector.broadcast %parallel_loop3A_891 : i32 to vector<16xi32>
      %parallel_loop3A_893 = arith.addi %parallel_loop3A_887, %parallel_loop3A_892 : vector<16xi32>
      %parallel_loop3A_894 = arith.select %parallel_loop3A_890, %parallel_loop3A_893, %parallel_loop3A_887 : vector<16xi1>, vector<16xi32>
      %parallel_loop3A_895 = vector.shape_cast %parallel_loop3A_894 : vector<16xi32> to vector<16x1xi32>
      %parallel_loop3A_896 = vector.shape_cast %parallel_loop3A_895 : vector<16x1xi32> to vector<16xi32>
      %parallel_loop3A_897 = tpu.dynamic_gather %parallel_loop3A_884[%parallel_loop3A_896] in [0] : vector<16xf32>, vector<16xi32> -> vector<16xf32>
      %parallel_loop3A_898 = arith.maximumf %parallel_loop3A_884, %parallel_loop3A_897 : vector<16xf32>
      %parallel_loop3A_899 = arith.cmpf oeq, %parallel_loop3A_832, %parallel_loop3A_898 : vector<16xf32>
      %parallel_loop3A_900 = arith.constant 512 : i32
      %parallel_loop3A_901 = vector.broadcast %parallel_loop3A_900 : i32 to vector<16xi32>
      %parallel_loop3A_902 = arith.select %parallel_loop3A_899, %parallel_loop3A_684, %parallel_loop3A_901 : vector<16xi1>, vector<16xi32>
      %parallel_loop3A_903 = arith.cmpf oeq, %parallel_loop3A_836, %parallel_loop3A_898 : vector<16xf32>
      %parallel_loop3A_904 = arith.constant 512 : i32
      %parallel_loop3A_905 = vector.broadcast %parallel_loop3A_904 : i32 to vector<16xi32>
      %parallel_loop3A_906 = arith.select %parallel_loop3A_903, %parallel_loop3A_689, %parallel_loop3A_905 : vector<16xi1>, vector<16xi32>
      %parallel_loop3A_907 = arith.cmpf oeq, %parallel_loop3A_840, %parallel_loop3A_898 : vector<16xf32>
      %parallel_loop3A_908 = arith.constant 512 : i32
      %parallel_loop3A_909 = vector.broadcast %parallel_loop3A_908 : i32 to vector<16xi32>
      %parallel_loop3A_910 = arith.select %parallel_loop3A_907, %parallel_loop3A_692, %parallel_loop3A_909 : vector<16xi1>, vector<16xi32>
      %parallel_loop3A_911 = arith.minsi %parallel_loop3A_902, %parallel_loop3A_906 : vector<16xi32>
      %parallel_loop3A_912 = arith.minsi %parallel_loop3A_911, %parallel_loop3A_910 : vector<16xi32>
      %parallel_loop3A_913 = arith.constant 8 : i32
      %parallel_loop3A_914 = vector.broadcast %parallel_loop3A_913 : i32 to vector<16xi32>
      %parallel_loop3A_915 = arith.xori %iota3A, %parallel_loop3A_914 : vector<16xi32>
      %parallel_loop3A_916 = arith.constant 0 : i32
      %parallel_loop3A_917 = vector.broadcast %parallel_loop3A_916 : i32 to vector<16xi32>
      %parallel_loop3A_918 = arith.cmpi slt, %parallel_loop3A_915, %parallel_loop3A_917 : vector<16xi32>
      %parallel_loop3A_919 = arith.constant 16 : i32
      %parallel_loop3A_920 = vector.broadcast %parallel_loop3A_919 : i32 to vector<16xi32>
      %parallel_loop3A_921 = arith.addi %parallel_loop3A_915, %parallel_loop3A_920 : vector<16xi32>
      %parallel_loop3A_922 = arith.select %parallel_loop3A_918, %parallel_loop3A_921, %parallel_loop3A_915 : vector<16xi1>, vector<16xi32>
      %parallel_loop3A_923 = vector.shape_cast %parallel_loop3A_922 : vector<16xi32> to vector<16x1xi32>
      %parallel_loop3A_924 = vector.shape_cast %parallel_loop3A_923 : vector<16x1xi32> to vector<16xi32>
      %parallel_loop3A_925 = tpu.dynamic_gather %parallel_loop3A_912[%parallel_loop3A_924] in [0] : vector<16xi32>, vector<16xi32> -> vector<16xi32>
      %parallel_loop3A_926 = arith.minsi %parallel_loop3A_912, %parallel_loop3A_925 : vector<16xi32>
      %parallel_loop3A_927 = arith.constant 4 : i32
      %parallel_loop3A_928 = vector.broadcast %parallel_loop3A_927 : i32 to vector<16xi32>
      %parallel_loop3A_929 = arith.xori %iota3A, %parallel_loop3A_928 : vector<16xi32>
      %parallel_loop3A_930 = arith.constant 0 : i32
      %parallel_loop3A_931 = vector.broadcast %parallel_loop3A_930 : i32 to vector<16xi32>
      %parallel_loop3A_932 = arith.cmpi slt, %parallel_loop3A_929, %parallel_loop3A_931 : vector<16xi32>
      %parallel_loop3A_933 = arith.constant 16 : i32
      %parallel_loop3A_934 = vector.broadcast %parallel_loop3A_933 : i32 to vector<16xi32>
      %parallel_loop3A_935 = arith.addi %parallel_loop3A_929, %parallel_loop3A_934 : vector<16xi32>
      %parallel_loop3A_936 = arith.select %parallel_loop3A_932, %parallel_loop3A_935, %parallel_loop3A_929 : vector<16xi1>, vector<16xi32>
      %parallel_loop3A_937 = vector.shape_cast %parallel_loop3A_936 : vector<16xi32> to vector<16x1xi32>
      %parallel_loop3A_938 = vector.shape_cast %parallel_loop3A_937 : vector<16x1xi32> to vector<16xi32>
      %parallel_loop3A_939 = tpu.dynamic_gather %parallel_loop3A_926[%parallel_loop3A_938] in [0] : vector<16xi32>, vector<16xi32> -> vector<16xi32>
      %parallel_loop3A_940 = arith.minsi %parallel_loop3A_926, %parallel_loop3A_939 : vector<16xi32>
      %parallel_loop3A_941 = arith.constant 2 : i32
      %parallel_loop3A_942 = vector.broadcast %parallel_loop3A_941 : i32 to vector<16xi32>
      %parallel_loop3A_943 = arith.xori %iota3A, %parallel_loop3A_942 : vector<16xi32>
      %parallel_loop3A_944 = arith.constant 0 : i32
      %parallel_loop3A_945 = vector.broadcast %parallel_loop3A_944 : i32 to vector<16xi32>
      %parallel_loop3A_946 = arith.cmpi slt, %parallel_loop3A_943, %parallel_loop3A_945 : vector<16xi32>
      %parallel_loop3A_947 = arith.constant 16 : i32
      %parallel_loop3A_948 = vector.broadcast %parallel_loop3A_947 : i32 to vector<16xi32>
      %parallel_loop3A_949 = arith.addi %parallel_loop3A_943, %parallel_loop3A_948 : vector<16xi32>
      %parallel_loop3A_950 = arith.select %parallel_loop3A_946, %parallel_loop3A_949, %parallel_loop3A_943 : vector<16xi1>, vector<16xi32>
      %parallel_loop3A_951 = vector.shape_cast %parallel_loop3A_950 : vector<16xi32> to vector<16x1xi32>
      %parallel_loop3A_952 = vector.shape_cast %parallel_loop3A_951 : vector<16x1xi32> to vector<16xi32>
      %parallel_loop3A_953 = tpu.dynamic_gather %parallel_loop3A_940[%parallel_loop3A_952] in [0] : vector<16xi32>, vector<16xi32> -> vector<16xi32>
      %parallel_loop3A_954 = arith.minsi %parallel_loop3A_940, %parallel_loop3A_953 : vector<16xi32>
      %parallel_loop3A_955 = arith.constant 1 : i32
      %parallel_loop3A_956 = vector.broadcast %parallel_loop3A_955 : i32 to vector<16xi32>
      %parallel_loop3A_957 = arith.xori %iota3A, %parallel_loop3A_956 : vector<16xi32>
      %parallel_loop3A_958 = arith.constant 0 : i32
      %parallel_loop3A_959 = vector.broadcast %parallel_loop3A_958 : i32 to vector<16xi32>
      %parallel_loop3A_960 = arith.cmpi slt, %parallel_loop3A_957, %parallel_loop3A_959 : vector<16xi32>
      %parallel_loop3A_961 = arith.constant 16 : i32
      %parallel_loop3A_962 = vector.broadcast %parallel_loop3A_961 : i32 to vector<16xi32>
      %parallel_loop3A_963 = arith.addi %parallel_loop3A_957, %parallel_loop3A_962 : vector<16xi32>
      %parallel_loop3A_964 = arith.select %parallel_loop3A_960, %parallel_loop3A_963, %parallel_loop3A_957 : vector<16xi1>, vector<16xi32>
      %parallel_loop3A_965 = vector.shape_cast %parallel_loop3A_964 : vector<16xi32> to vector<16x1xi32>
      %parallel_loop3A_966 = vector.shape_cast %parallel_loop3A_965 : vector<16x1xi32> to vector<16xi32>
      %parallel_loop3A_967 = tpu.dynamic_gather %parallel_loop3A_954[%parallel_loop3A_966] in [0] : vector<16xi32>, vector<16xi32> -> vector<16xi32>
      %parallel_loop3A_968 = arith.minsi %parallel_loop3A_954, %parallel_loop3A_967 : vector<16xi32>
      %parallel_loop3A_969 = arith.select %parallel_loop3A_694, %parallel_loop3A_968, %parallel_loop3A_42 : vector<16xi1>, vector<16xi32>
      %parallel_loop3A_970 = arith.select %parallel_loop3A_698, %parallel_loop3A_968, %parallel_loop3A_43 : vector<16xi1>, vector<16xi32>
      %parallel_loop3A_971 = arith.cmpi eq, %parallel_loop3A_684, %parallel_loop3A_968 : vector<16xi32>
      %parallel_loop3A_972 = arith.constant 0xFF800000 : f32
      %parallel_loop3A_973 = vector.broadcast %parallel_loop3A_972 : f32 to vector<16xf32>
      %parallel_loop3A_974 = arith.select %parallel_loop3A_971, %parallel_loop3A_973, %parallel_loop3A_832 : vector<16xi1>, vector<16xf32>
      %parallel_loop3A_975 = arith.cmpi eq, %parallel_loop3A_689, %parallel_loop3A_968 : vector<16xi32>
      %parallel_loop3A_976 = arith.constant 0xFF800000 : f32
      %parallel_loop3A_977 = vector.broadcast %parallel_loop3A_976 : f32 to vector<16xf32>
      %parallel_loop3A_978 = arith.select %parallel_loop3A_975, %parallel_loop3A_977, %parallel_loop3A_836 : vector<16xi1>, vector<16xf32>
      %parallel_loop3A_979 = arith.cmpi eq, %parallel_loop3A_692, %parallel_loop3A_968 : vector<16xi32>
      %parallel_loop3A_980 = arith.constant 0xFF800000 : f32
      %parallel_loop3A_981 = vector.broadcast %parallel_loop3A_980 : f32 to vector<16xf32>
      %parallel_loop3A_982 = arith.select %parallel_loop3A_979, %parallel_loop3A_981, %parallel_loop3A_840 : vector<16xi1>, vector<16xf32>
      %parallel_loop3A_983 = arith.maximumf %parallel_loop3A_974, %parallel_loop3A_978 : vector<16xf32>
      %parallel_loop3A_984 = arith.maximumf %parallel_loop3A_983, %parallel_loop3A_982 : vector<16xf32>
      %parallel_loop3A_985 = arith.constant 8 : i32
      %parallel_loop3A_986 = vector.broadcast %parallel_loop3A_985 : i32 to vector<16xi32>
      %parallel_loop3A_987 = arith.xori %iota3A, %parallel_loop3A_986 : vector<16xi32>
      %parallel_loop3A_988 = arith.constant 0 : i32
      %parallel_loop3A_989 = vector.broadcast %parallel_loop3A_988 : i32 to vector<16xi32>
      %parallel_loop3A_990 = arith.cmpi slt, %parallel_loop3A_987, %parallel_loop3A_989 : vector<16xi32>
      %parallel_loop3A_991 = arith.constant 16 : i32
      %parallel_loop3A_992 = vector.broadcast %parallel_loop3A_991 : i32 to vector<16xi32>
      %parallel_loop3A_993 = arith.addi %parallel_loop3A_987, %parallel_loop3A_992 : vector<16xi32>
      %parallel_loop3A_994 = arith.select %parallel_loop3A_990, %parallel_loop3A_993, %parallel_loop3A_987 : vector<16xi1>, vector<16xi32>
      %parallel_loop3A_995 = vector.shape_cast %parallel_loop3A_994 : vector<16xi32> to vector<16x1xi32>
      %parallel_loop3A_996 = vector.shape_cast %parallel_loop3A_995 : vector<16x1xi32> to vector<16xi32>
      %parallel_loop3A_997 = tpu.dynamic_gather %parallel_loop3A_984[%parallel_loop3A_996] in [0] : vector<16xf32>, vector<16xi32> -> vector<16xf32>
      %parallel_loop3A_998 = arith.maximumf %parallel_loop3A_984, %parallel_loop3A_997 : vector<16xf32>
      %parallel_loop3A_999 = arith.constant 4 : i32
      %parallel_loop3A_1000 = vector.broadcast %parallel_loop3A_999 : i32 to vector<16xi32>
      %parallel_loop3A_1001 = arith.xori %iota3A, %parallel_loop3A_1000 : vector<16xi32>
      %parallel_loop3A_1002 = arith.constant 0 : i32
      %parallel_loop3A_1003 = vector.broadcast %parallel_loop3A_1002 : i32 to vector<16xi32>
      %parallel_loop3A_1004 = arith.cmpi slt, %parallel_loop3A_1001, %parallel_loop3A_1003 : vector<16xi32>
      %parallel_loop3A_1005 = arith.constant 16 : i32
      %parallel_loop3A_1006 = vector.broadcast %parallel_loop3A_1005 : i32 to vector<16xi32>
      %parallel_loop3A_1007 = arith.addi %parallel_loop3A_1001, %parallel_loop3A_1006 : vector<16xi32>
      %parallel_loop3A_1008 = arith.select %parallel_loop3A_1004, %parallel_loop3A_1007, %parallel_loop3A_1001 : vector<16xi1>, vector<16xi32>
      %parallel_loop3A_1009 = vector.shape_cast %parallel_loop3A_1008 : vector<16xi32> to vector<16x1xi32>
      %parallel_loop3A_1010 = vector.shape_cast %parallel_loop3A_1009 : vector<16x1xi32> to vector<16xi32>
      %parallel_loop3A_1011 = tpu.dynamic_gather %parallel_loop3A_998[%parallel_loop3A_1010] in [0] : vector<16xf32>, vector<16xi32> -> vector<16xf32>
      %parallel_loop3A_1012 = arith.maximumf %parallel_loop3A_998, %parallel_loop3A_1011 : vector<16xf32>
      %parallel_loop3A_1013 = arith.constant 2 : i32
      %parallel_loop3A_1014 = vector.broadcast %parallel_loop3A_1013 : i32 to vector<16xi32>
      %parallel_loop3A_1015 = arith.xori %iota3A, %parallel_loop3A_1014 : vector<16xi32>
      %parallel_loop3A_1016 = arith.constant 0 : i32
      %parallel_loop3A_1017 = vector.broadcast %parallel_loop3A_1016 : i32 to vector<16xi32>
      %parallel_loop3A_1018 = arith.cmpi slt, %parallel_loop3A_1015, %parallel_loop3A_1017 : vector<16xi32>
      %parallel_loop3A_1019 = arith.constant 16 : i32
      %parallel_loop3A_1020 = vector.broadcast %parallel_loop3A_1019 : i32 to vector<16xi32>
      %parallel_loop3A_1021 = arith.addi %parallel_loop3A_1015, %parallel_loop3A_1020 : vector<16xi32>
      %parallel_loop3A_1022 = arith.select %parallel_loop3A_1018, %parallel_loop3A_1021, %parallel_loop3A_1015 : vector<16xi1>, vector<16xi32>
      %parallel_loop3A_1023 = vector.shape_cast %parallel_loop3A_1022 : vector<16xi32> to vector<16x1xi32>
      %parallel_loop3A_1024 = vector.shape_cast %parallel_loop3A_1023 : vector<16x1xi32> to vector<16xi32>
      %parallel_loop3A_1025 = tpu.dynamic_gather %parallel_loop3A_1012[%parallel_loop3A_1024] in [0] : vector<16xf32>, vector<16xi32> -> vector<16xf32>
      %parallel_loop3A_1026 = arith.maximumf %parallel_loop3A_1012, %parallel_loop3A_1025 : vector<16xf32>
      %parallel_loop3A_1027 = arith.constant 1 : i32
      %parallel_loop3A_1028 = vector.broadcast %parallel_loop3A_1027 : i32 to vector<16xi32>
      %parallel_loop3A_1029 = arith.xori %iota3A, %parallel_loop3A_1028 : vector<16xi32>
      %parallel_loop3A_1030 = arith.constant 0 : i32
      %parallel_loop3A_1031 = vector.broadcast %parallel_loop3A_1030 : i32 to vector<16xi32>
      %parallel_loop3A_1032 = arith.cmpi slt, %parallel_loop3A_1029, %parallel_loop3A_1031 : vector<16xi32>
      %parallel_loop3A_1033 = arith.constant 16 : i32
      %parallel_loop3A_1034 = vector.broadcast %parallel_loop3A_1033 : i32 to vector<16xi32>
      %parallel_loop3A_1035 = arith.addi %parallel_loop3A_1029, %parallel_loop3A_1034 : vector<16xi32>
      %parallel_loop3A_1036 = arith.select %parallel_loop3A_1032, %parallel_loop3A_1035, %parallel_loop3A_1029 : vector<16xi1>, vector<16xi32>
      %parallel_loop3A_1037 = vector.shape_cast %parallel_loop3A_1036 : vector<16xi32> to vector<16x1xi32>
      %parallel_loop3A_1038 = vector.shape_cast %parallel_loop3A_1037 : vector<16x1xi32> to vector<16xi32>
      %parallel_loop3A_1039 = tpu.dynamic_gather %parallel_loop3A_1026[%parallel_loop3A_1038] in [0] : vector<16xf32>, vector<16xi32> -> vector<16xf32>
      %parallel_loop3A_1040 = arith.maximumf %parallel_loop3A_1026, %parallel_loop3A_1039 : vector<16xf32>
      %parallel_loop3A_1041 = arith.cmpf oeq, %parallel_loop3A_974, %parallel_loop3A_1040 : vector<16xf32>
      %parallel_loop3A_1042 = arith.constant 512 : i32
      %parallel_loop3A_1043 = vector.broadcast %parallel_loop3A_1042 : i32 to vector<16xi32>
      %parallel_loop3A_1044 = arith.select %parallel_loop3A_1041, %parallel_loop3A_684, %parallel_loop3A_1043 : vector<16xi1>, vector<16xi32>
      %parallel_loop3A_1045 = arith.cmpf oeq, %parallel_loop3A_978, %parallel_loop3A_1040 : vector<16xf32>
      %parallel_loop3A_1046 = arith.constant 512 : i32
      %parallel_loop3A_1047 = vector.broadcast %parallel_loop3A_1046 : i32 to vector<16xi32>
      %parallel_loop3A_1048 = arith.select %parallel_loop3A_1045, %parallel_loop3A_689, %parallel_loop3A_1047 : vector<16xi1>, vector<16xi32>
      %parallel_loop3A_1049 = arith.cmpf oeq, %parallel_loop3A_982, %parallel_loop3A_1040 : vector<16xf32>
      %parallel_loop3A_1050 = arith.constant 512 : i32
      %parallel_loop3A_1051 = vector.broadcast %parallel_loop3A_1050 : i32 to vector<16xi32>
      %parallel_loop3A_1052 = arith.select %parallel_loop3A_1049, %parallel_loop3A_692, %parallel_loop3A_1051 : vector<16xi1>, vector<16xi32>
      %parallel_loop3A_1053 = arith.minsi %parallel_loop3A_1044, %parallel_loop3A_1048 : vector<16xi32>
      %parallel_loop3A_1054 = arith.minsi %parallel_loop3A_1053, %parallel_loop3A_1052 : vector<16xi32>
      %parallel_loop3A_1055 = arith.constant 8 : i32
      %parallel_loop3A_1056 = vector.broadcast %parallel_loop3A_1055 : i32 to vector<16xi32>
      %parallel_loop3A_1057 = arith.xori %iota3A, %parallel_loop3A_1056 : vector<16xi32>
      %parallel_loop3A_1058 = arith.constant 0 : i32
      %parallel_loop3A_1059 = vector.broadcast %parallel_loop3A_1058 : i32 to vector<16xi32>
      %parallel_loop3A_1060 = arith.cmpi slt, %parallel_loop3A_1057, %parallel_loop3A_1059 : vector<16xi32>
      %parallel_loop3A_1061 = arith.constant 16 : i32
      %parallel_loop3A_1062 = vector.broadcast %parallel_loop3A_1061 : i32 to vector<16xi32>
      %parallel_loop3A_1063 = arith.addi %parallel_loop3A_1057, %parallel_loop3A_1062 : vector<16xi32>
      %parallel_loop3A_1064 = arith.select %parallel_loop3A_1060, %parallel_loop3A_1063, %parallel_loop3A_1057 : vector<16xi1>, vector<16xi32>
      %parallel_loop3A_1065 = vector.shape_cast %parallel_loop3A_1064 : vector<16xi32> to vector<16x1xi32>
      %parallel_loop3A_1066 = vector.shape_cast %parallel_loop3A_1065 : vector<16x1xi32> to vector<16xi32>
      %parallel_loop3A_1067 = tpu.dynamic_gather %parallel_loop3A_1054[%parallel_loop3A_1066] in [0] : vector<16xi32>, vector<16xi32> -> vector<16xi32>
      %parallel_loop3A_1068 = arith.minsi %parallel_loop3A_1054, %parallel_loop3A_1067 : vector<16xi32>
      %parallel_loop3A_1069 = arith.constant 4 : i32
      %parallel_loop3A_1070 = vector.broadcast %parallel_loop3A_1069 : i32 to vector<16xi32>
      %parallel_loop3A_1071 = arith.xori %iota3A, %parallel_loop3A_1070 : vector<16xi32>
      %parallel_loop3A_1072 = arith.constant 0 : i32
      %parallel_loop3A_1073 = vector.broadcast %parallel_loop3A_1072 : i32 to vector<16xi32>
      %parallel_loop3A_1074 = arith.cmpi slt, %parallel_loop3A_1071, %parallel_loop3A_1073 : vector<16xi32>
      %parallel_loop3A_1075 = arith.constant 16 : i32
      %parallel_loop3A_1076 = vector.broadcast %parallel_loop3A_1075 : i32 to vector<16xi32>
      %parallel_loop3A_1077 = arith.addi %parallel_loop3A_1071, %parallel_loop3A_1076 : vector<16xi32>
      %parallel_loop3A_1078 = arith.select %parallel_loop3A_1074, %parallel_loop3A_1077, %parallel_loop3A_1071 : vector<16xi1>, vector<16xi32>
      %parallel_loop3A_1079 = vector.shape_cast %parallel_loop3A_1078 : vector<16xi32> to vector<16x1xi32>
      %parallel_loop3A_1080 = vector.shape_cast %parallel_loop3A_1079 : vector<16x1xi32> to vector<16xi32>
      %parallel_loop3A_1081 = tpu.dynamic_gather %parallel_loop3A_1068[%parallel_loop3A_1080] in [0] : vector<16xi32>, vector<16xi32> -> vector<16xi32>
      %parallel_loop3A_1082 = arith.minsi %parallel_loop3A_1068, %parallel_loop3A_1081 : vector<16xi32>
      %parallel_loop3A_1083 = arith.constant 2 : i32
      %parallel_loop3A_1084 = vector.broadcast %parallel_loop3A_1083 : i32 to vector<16xi32>
      %parallel_loop3A_1085 = arith.xori %iota3A, %parallel_loop3A_1084 : vector<16xi32>
      %parallel_loop3A_1086 = arith.constant 0 : i32
      %parallel_loop3A_1087 = vector.broadcast %parallel_loop3A_1086 : i32 to vector<16xi32>
      %parallel_loop3A_1088 = arith.cmpi slt, %parallel_loop3A_1085, %parallel_loop3A_1087 : vector<16xi32>
      %parallel_loop3A_1089 = arith.constant 16 : i32
      %parallel_loop3A_1090 = vector.broadcast %parallel_loop3A_1089 : i32 to vector<16xi32>
      %parallel_loop3A_1091 = arith.addi %parallel_loop3A_1085, %parallel_loop3A_1090 : vector<16xi32>
      %parallel_loop3A_1092 = arith.select %parallel_loop3A_1088, %parallel_loop3A_1091, %parallel_loop3A_1085 : vector<16xi1>, vector<16xi32>
      %parallel_loop3A_1093 = vector.shape_cast %parallel_loop3A_1092 : vector<16xi32> to vector<16x1xi32>
      %parallel_loop3A_1094 = vector.shape_cast %parallel_loop3A_1093 : vector<16x1xi32> to vector<16xi32>
      %parallel_loop3A_1095 = tpu.dynamic_gather %parallel_loop3A_1082[%parallel_loop3A_1094] in [0] : vector<16xi32>, vector<16xi32> -> vector<16xi32>
      %parallel_loop3A_1096 = arith.minsi %parallel_loop3A_1082, %parallel_loop3A_1095 : vector<16xi32>
      %parallel_loop3A_1097 = arith.constant 1 : i32
      %parallel_loop3A_1098 = vector.broadcast %parallel_loop3A_1097 : i32 to vector<16xi32>
      %parallel_loop3A_1099 = arith.xori %iota3A, %parallel_loop3A_1098 : vector<16xi32>
      %parallel_loop3A_1100 = arith.constant 0 : i32
      %parallel_loop3A_1101 = vector.broadcast %parallel_loop3A_1100 : i32 to vector<16xi32>
      %parallel_loop3A_1102 = arith.cmpi slt, %parallel_loop3A_1099, %parallel_loop3A_1101 : vector<16xi32>
      %parallel_loop3A_1103 = arith.constant 16 : i32
      %parallel_loop3A_1104 = vector.broadcast %parallel_loop3A_1103 : i32 to vector<16xi32>
      %parallel_loop3A_1105 = arith.addi %parallel_loop3A_1099, %parallel_loop3A_1104 : vector<16xi32>
      %parallel_loop3A_1106 = arith.select %parallel_loop3A_1102, %parallel_loop3A_1105, %parallel_loop3A_1099 : vector<16xi1>, vector<16xi32>
      %parallel_loop3A_1107 = vector.shape_cast %parallel_loop3A_1106 : vector<16xi32> to vector<16x1xi32>
      %parallel_loop3A_1108 = vector.shape_cast %parallel_loop3A_1107 : vector<16x1xi32> to vector<16xi32>
      %parallel_loop3A_1109 = tpu.dynamic_gather %parallel_loop3A_1096[%parallel_loop3A_1108] in [0] : vector<16xi32>, vector<16xi32> -> vector<16xi32>
      %parallel_loop3A_1110 = arith.minsi %parallel_loop3A_1096, %parallel_loop3A_1109 : vector<16xi32>
      %parallel_loop3A_1111 = arith.select %parallel_loop3A_694, %parallel_loop3A_1110, %parallel_loop3A_44 : vector<16xi1>, vector<16xi32>
      %parallel_loop3A_1112 = arith.select %parallel_loop3A_698, %parallel_loop3A_1110, %parallel_loop3A_45 : vector<16xi1>, vector<16xi32>
      %parallel_loop3A_1113 = arith.cmpi eq, %parallel_loop3A_684, %parallel_loop3A_1110 : vector<16xi32>
      %parallel_loop3A_1114 = arith.constant 0xFF800000 : f32
      %parallel_loop3A_1115 = vector.broadcast %parallel_loop3A_1114 : f32 to vector<16xf32>
      %parallel_loop3A_1116 = arith.select %parallel_loop3A_1113, %parallel_loop3A_1115, %parallel_loop3A_974 : vector<16xi1>, vector<16xf32>
      %parallel_loop3A_1117 = arith.cmpi eq, %parallel_loop3A_689, %parallel_loop3A_1110 : vector<16xi32>
      %parallel_loop3A_1118 = arith.constant 0xFF800000 : f32
      %parallel_loop3A_1119 = vector.broadcast %parallel_loop3A_1118 : f32 to vector<16xf32>
      %parallel_loop3A_1120 = arith.select %parallel_loop3A_1117, %parallel_loop3A_1119, %parallel_loop3A_978 : vector<16xi1>, vector<16xf32>
      %parallel_loop3A_1121 = arith.cmpi eq, %parallel_loop3A_692, %parallel_loop3A_1110 : vector<16xi32>
      %parallel_loop3A_1122 = arith.constant 0xFF800000 : f32
      %parallel_loop3A_1123 = vector.broadcast %parallel_loop3A_1122 : f32 to vector<16xf32>
      %parallel_loop3A_1124 = arith.select %parallel_loop3A_1121, %parallel_loop3A_1123, %parallel_loop3A_982 : vector<16xi1>, vector<16xf32>
      scf.yield %parallel_loop3A_827, %parallel_loop3A_828, %parallel_loop3A_969, %parallel_loop3A_970, %parallel_loop3A_1111, %parallel_loop3A_1112 : vector<16xi32>, vector<16xi32>, vector<16xi32>, vector<16xi32>, vector<16xi32>, vector<16xi32>
    } {sc.loop_unroll_factor = 1 : i64, sc.parallel_access}
    %swap3A = arith.constant 0 : index
    %swap3A_7 = tpu.vector_load %arg6[%swap3A] {strides = array<i32>} : memref<96xi32, #tpu.memory_space<vmem>>, vector<16xi32>,
    %swap3A_8 = vector.shape_cast %swap3A_7 : vector<16xi32> to vector<16xi32>
    %swap3A_9 = vector.shape_cast %parallel_loop3A_6#0 : vector<16xi32> to vector<16xi32>
    tpu.vector_store %arg6[%swap3A], %swap3A_9 {strides = array<i32>} : memref<96xi32, #tpu.memory_space<vmem>>, vector<16xi32>,
    %swap3A_10 = arith.constant 16 : index
    %swap3A_11 = tpu.vector_load %arg6[%swap3A_10] {strides = array<i32>} : memref<96xi32, #tpu.memory_space<vmem>>, vector<16xi32>,
    %swap3A_12 = vector.shape_cast %swap3A_11 : vector<16xi32> to vector<16xi32>
    %swap3A_13 = vector.shape_cast %parallel_loop3A_6#1 : vector<16xi32> to vector<16xi32>
    tpu.vector_store %arg6[%swap3A_10], %swap3A_13 {strides = array<i32>} : memref<96xi32, #tpu.memory_space<vmem>>, vector<16xi32>,
    %swap3A_14 = arith.constant 32 : index
    %swap3A_15 = tpu.vector_load %arg6[%swap3A_14] {strides = array<i32>} : memref<96xi32, #tpu.memory_space<vmem>>, vector<16xi32>,
    %swap3A_16 = vector.shape_cast %swap3A_15 : vector<16xi32> to vector<16xi32>
    %swap3A_17 = vector.shape_cast %parallel_loop3A_6#2 : vector<16xi32> to vector<16xi32>
    tpu.vector_store %arg6[%swap3A_14], %swap3A_17 {strides = array<i32>} : memref<96xi32, #tpu.memory_space<vmem>>, vector<16xi32>,
    %swap3A_18 = arith.constant 48 : index
    %swap3A_19 = tpu.vector_load %arg6[%swap3A_18] {strides = array<i32>} : memref<96xi32, #tpu.memory_space<vmem>>, vector<16xi32>,
    %swap3A_20 = vector.shape_cast %swap3A_19 : vector<16xi32> to vector<16xi32>
    %swap3A_21 = vector.shape_cast %parallel_loop3A_6#3 : vector<16xi32> to vector<16xi32>
    tpu.vector_store %arg6[%swap3A_18], %swap3A_21 {strides = array<i32>} : memref<96xi32, #tpu.memory_space<vmem>>, vector<16xi32>,
    %swap3A_22 = arith.constant 64 : index
    %swap3A_23 = tpu.vector_load %arg6[%swap3A_22] {strides = array<i32>} : memref<96xi32, #tpu.memory_space<vmem>>, vector<16xi32>,
    %swap3A_24 = vector.shape_cast %swap3A_23 : vector<16xi32> to vector<16xi32>
    %swap3A_25 = vector.shape_cast %parallel_loop3A_6#4 : vector<16xi32> to vector<16xi32>
    tpu.vector_store %arg6[%swap3A_22], %swap3A_25 {strides = array<i32>} : memref<96xi32, #tpu.memory_space<vmem>>, vector<16xi32>,
    %swap3A_26 = arith.constant 80 : index
    %swap3A_27 = tpu.vector_load %arg6[%swap3A_26] {strides = array<i32>} : memref<96xi32, #tpu.memory_space<vmem>>, vector<16xi32>,
    %swap3A_28 = vector.shape_cast %swap3A_27 : vector<16xi32> to vector<16xi32>
    %swap3A_29 = vector.shape_cast %parallel_loop3A_6#5 : vector<16xi32> to vector<16xi32>
    tpu.vector_store %arg6[%swap3A_26], %swap3A_29 {strides = array<i32>} : memref<96xi32, #tpu.memory_space<vmem>>, vector<16xi32>,
    %dma_start3A = arith.constant 0 : i32
    %dma_start3A_30 = arith.constant 0 : i32
    %dma_start3A_31 = tpu.memref_slice %arg3[%dma_start3A, %dma_start3A_30] : memref<500x256xf32, #tpu.memory_space<hbm>> -> memref<500x256xf32, #tpu.memory_space<hbm>>
    tpu.enqueue_indirect_dma source(%dma_start3A_31 : memref<500x256xf32, #tpu.memory_space<hbm>>) target(%arg7 : memref<96x256xf32, #tpu.memory_space<vmem>>) offsets(%arg6 : memref<96xi32, #tpu.memory_space<vmem>>) semaphore(%arg9 : memref<!tpu.dma_semaphore, #tpu.memory_space<semaphore_mem>>)
    %dma_wait3A = arith.constant 0 : i32
    %dma_wait3A_32 = arith.constant 0 : i32
    %dma_wait3A_33 = tpu.memref_slice %arg3[%dma_wait3A, %dma_wait3A_32] : memref<500x256xf32, #tpu.memory_space<hbm>> -> memref<500x256xf32, #tpu.memory_space<hbm>>
    tpu.wait_indirect_dma semaphore(%arg9 : memref<!tpu.dma_semaphore, #tpu.memory_space<semaphore_mem>>) src(%dma_wait3A_33 : memref<500x256xf32, #tpu.memory_space<hbm>>) dst(%arg7 : memref<96x256xf32, #tpu.memory_space<vmem>>)
    %parallel_loop3A_34 = arith.constant 0 : i32
    %parallel_loop3A_35 = arith.constant 32 : i32
    %parallel_loop3A_36 = arith.constant 1 : i32
    %parallel_loop3A_37 = arith.constant 0 : i32
    %parallel_loop3A_38 = scf.for %parallel_loop3A_39 = %parallel_loop3A_34 to %parallel_loop3A_35 step %parallel_loop3A_36 iter_args(%parallel_loop3A_40 = %parallel_loop3A_37) -> (i32)  : i32 {
      %parallel_loop3A_41 = arith.index_cast %parallel_loop3A_39 : i32 to index
      %parallel_loop3A_42 = arith.constant 0 : index
      %parallel_loop3A_43 = tpu.vector_load %arg7[%parallel_loop3A_41, %parallel_loop3A_42] {strides = array<i32>} : memref<96x256xf32, #tpu.memory_space<vmem>>, vector<1x16xf32>,
      %parallel_loop3A_44 = vector.shape_cast %parallel_loop3A_43 : vector<1x16xf32> to vector<16xf32>
      %parallel_loop3A_45 = arith.constant 32 : i32
      %parallel_loop3A_46 = arith.addi %parallel_loop3A_45, %parallel_loop3A_39 : i32
      %parallel_loop3A_47 = arith.index_cast %parallel_loop3A_46 : i32 to index
      %parallel_loop3A_48 = arith.constant 0 : index
      %parallel_loop3A_49 = tpu.vector_load %arg7[%parallel_loop3A_47, %parallel_loop3A_48] {strides = array<i32>} : memref<96x256xf32, #tpu.memory_space<vmem>>, vector<1x16xf32>,
      %parallel_loop3A_50 = vector.shape_cast %parallel_loop3A_49 : vector<1x16xf32> to vector<16xf32>
      %parallel_loop3A_51 = arith.addf %parallel_loop3A_44, %parallel_loop3A_50 : vector<16xf32>
      %parallel_loop3A_52 = arith.constant 64 : i32
      %parallel_loop3A_53 = arith.addi %parallel_loop3A_52, %parallel_loop3A_39 : i32
      %parallel_loop3A_54 = arith.index_cast %parallel_loop3A_53 : i32 to index
      %parallel_loop3A_55 = arith.constant 0 : index
      %parallel_loop3A_56 = tpu.vector_load %arg7[%parallel_loop3A_54, %parallel_loop3A_55] {strides = array<i32>} : memref<96x256xf32, #tpu.memory_space<vmem>>, vector<1x16xf32>,
      %parallel_loop3A_57 = vector.shape_cast %parallel_loop3A_56 : vector<1x16xf32> to vector<16xf32>
      %parallel_loop3A_58 = arith.addf %parallel_loop3A_51, %parallel_loop3A_57 : vector<16xf32>
      %parallel_loop3A_59 = arith.constant 3.000000e+00 : f32
      %parallel_loop3A_60 = vector.broadcast %parallel_loop3A_59 : f32 to vector<16xf32>
      %parallel_loop3A_61 = arith.divf %parallel_loop3A_58, %parallel_loop3A_60 : vector<16xf32>
      %parallel_loop3A_62 = arith.index_cast %parallel_loop3A_39 : i32 to index
      %parallel_loop3A_63 = arith.constant 0 : index
      %parallel_loop3A_64 = tpu.vector_load %arg8[%parallel_loop3A_62, %parallel_loop3A_63] {strides = array<i32>} : memref<32x256xf32, #tpu.memory_space<vmem>>, vector<1x16xf32>,
      %parallel_loop3A_65 = vector.shape_cast %parallel_loop3A_64 : vector<1x16xf32> to vector<16xf32>
      %parallel_loop3A_66 = vector.shape_cast %parallel_loop3A_61 : vector<16xf32> to vector<1x16xf32>
      tpu.vector_store %arg8[%parallel_loop3A_62, %parallel_loop3A_63], %parallel_loop3A_66 {strides = array<i32>} : memref<32x256xf32, #tpu.memory_space<vmem>>, vector<1x16xf32>,
      %parallel_loop3A_67 = arith.index_cast %parallel_loop3A_39 : i32 to index
      %parallel_loop3A_68 = arith.constant 16 : index
      %parallel_loop3A_69 = tpu.vector_load %arg7[%parallel_loop3A_67, %parallel_loop3A_68] {strides = array<i32>} : memref<96x256xf32, #tpu.memory_space<vmem>>, vector<1x16xf32>,
      %parallel_loop3A_70 = vector.shape_cast %parallel_loop3A_69 : vector<1x16xf32> to vector<16xf32>
      %parallel_loop3A_71 = arith.constant 32 : i32
      %parallel_loop3A_72 = arith.addi %parallel_loop3A_71, %parallel_loop3A_39 : i32
      %parallel_loop3A_73 = arith.index_cast %parallel_loop3A_72 : i32 to index
      %parallel_loop3A_74 = arith.constant 16 : index
      %parallel_loop3A_75 = tpu.vector_load %arg7[%parallel_loop3A_73, %parallel_loop3A_74] {strides = array<i32>} : memref<96x256xf32, #tpu.memory_space<vmem>>, vector<1x16xf32>,
      %parallel_loop3A_76 = vector.shape_cast %parallel_loop3A_75 : vector<1x16xf32> to vector<16xf32>
      %parallel_loop3A_77 = arith.addf %parallel_loop3A_70, %parallel_loop3A_76 : vector<16xf32>
      %parallel_loop3A_78 = arith.constant 64 : i32
      %parallel_loop3A_79 = arith.addi %parallel_loop3A_78, %parallel_loop3A_39 : i32
      %parallel_loop3A_80 = arith.index_cast %parallel_loop3A_79 : i32 to index
      %parallel_loop3A_81 = arith.constant 16 : index
      %parallel_loop3A_82 = tpu.vector_load %arg7[%parallel_loop3A_80, %parallel_loop3A_81] {strides = array<i32>} : memref<96x256xf32, #tpu.memory_space<vmem>>, vector<1x16xf32>,
      %parallel_loop3A_83 = vector.shape_cast %parallel_loop3A_82 : vector<1x16xf32> to vector<16xf32>
      %parallel_loop3A_84 = arith.addf %parallel_loop3A_77, %parallel_loop3A_83 : vector<16xf32>
      %parallel_loop3A_85 = arith.constant 3.000000e+00 : f32
      %parallel_loop3A_86 = vector.broadcast %parallel_loop3A_85 : f32 to vector<16xf32>
      %parallel_loop3A_87 = arith.divf %parallel_loop3A_84, %parallel_loop3A_86 : vector<16xf32>
      %parallel_loop3A_88 = arith.index_cast %parallel_loop3A_39 : i32 to index
      %parallel_loop3A_89 = arith.constant 16 : index
      %parallel_loop3A_90 = tpu.vector_load %arg8[%parallel_loop3A_88, %parallel_loop3A_89] {strides = array<i32>} : memref<32x256xf32, #tpu.memory_space<vmem>>, vector<1x16xf32>,
      %parallel_loop3A_91 = vector.shape_cast %parallel_loop3A_90 : vector<1x16xf32> to vector<16xf32>
      %parallel_loop3A_92 = vector.shape_cast %parallel_loop3A_87 : vector<16xf32> to vector<1x16xf32>
      tpu.vector_store %arg8[%parallel_loop3A_88, %parallel_loop3A_89], %parallel_loop3A_92 {strides = array<i32>} : memref<32x256xf32, #tpu.memory_space<vmem>>, vector<1x16xf32>,
      %parallel_loop3A_93 = arith.index_cast %parallel_loop3A_39 : i32 to index
      %parallel_loop3A_94 = arith.constant 32 : index
      %parallel_loop3A_95 = tpu.vector_load %arg7[%parallel_loop3A_93, %parallel_loop3A_94] {strides = array<i32>} : memref<96x256xf32, #tpu.memory_space<vmem>>, vector<1x16xf32>,
      %parallel_loop3A_96 = vector.shape_cast %parallel_loop3A_95 : vector<1x16xf32> to vector<16xf32>
      %parallel_loop3A_97 = arith.constant 32 : i32
      %parallel_loop3A_98 = arith.addi %parallel_loop3A_97, %parallel_loop3A_39 : i32
      %parallel_loop3A_99 = arith.index_cast %parallel_loop3A_98 : i32 to index
      %parallel_loop3A_100 = arith.constant 32 : index
      %parallel_loop3A_101 = tpu.vector_load %arg7[%parallel_loop3A_99, %parallel_loop3A_100] {strides = array<i32>} : memref<96x256xf32, #tpu.memory_space<vmem>>, vector<1x16xf32>,
      %parallel_loop3A_102 = vector.shape_cast %parallel_loop3A_101 : vector<1x16xf32> to vector<16xf32>
      %parallel_loop3A_103 = arith.addf %parallel_loop3A_96, %parallel_loop3A_102 : vector<16xf32>
      %parallel_loop3A_104 = arith.constant 64 : i32
      %parallel_loop3A_105 = arith.addi %parallel_loop3A_104, %parallel_loop3A_39 : i32
      %parallel_loop3A_106 = arith.index_cast %parallel_loop3A_105 : i32 to index
      %parallel_loop3A_107 = arith.constant 32 : index
      %parallel_loop3A_108 = tpu.vector_load %arg7[%parallel_loop3A_106, %parallel_loop3A_107] {strides = array<i32>} : memref<96x256xf32, #tpu.memory_space<vmem>>, vector<1x16xf32>,
      %parallel_loop3A_109 = vector.shape_cast %parallel_loop3A_108 : vector<1x16xf32> to vector<16xf32>
      %parallel_loop3A_110 = arith.addf %parallel_loop3A_103, %parallel_loop3A_109 : vector<16xf32>
      %parallel_loop3A_111 = arith.constant 3.000000e+00 : f32
      %parallel_loop3A_112 = vector.broadcast %parallel_loop3A_111 : f32 to vector<16xf32>
      %parallel_loop3A_113 = arith.divf %parallel_loop3A_110, %parallel_loop3A_112 : vector<16xf32>
      %parallel_loop3A_114 = arith.index_cast %parallel_loop3A_39 : i32 to index
      %parallel_loop3A_115 = arith.constant 32 : index
      %parallel_loop3A_116 = tpu.vector_load %arg8[%parallel_loop3A_114, %parallel_loop3A_115] {strides = array<i32>} : memref<32x256xf32, #tpu.memory_space<vmem>>, vector<1x16xf32>,
      %parallel_loop3A_117 = vector.shape_cast %parallel_loop3A_116 : vector<1x16xf32> to vector<16xf32>
      %parallel_loop3A_118 = vector.shape_cast %parallel_loop3A_113 : vector<16xf32> to vector<1x16xf32>
      tpu.vector_store %arg8[%parallel_loop3A_114, %parallel_loop3A_115], %parallel_loop3A_118 {strides = array<i32>} : memref<32x256xf32, #tpu.memory_space<vmem>>, vector<1x16xf32>,
      %parallel_loop3A_119 = arith.index_cast %parallel_loop3A_39 : i32 to index
      %parallel_loop3A_120 = arith.constant 48 : index
      %parallel_loop3A_121 = tpu.vector_load %arg7[%parallel_loop3A_119, %parallel_loop3A_120] {strides = array<i32>} : memref<96x256xf32, #tpu.memory_space<vmem>>, vector<1x16xf32>,
      %parallel_loop3A_122 = vector.shape_cast %parallel_loop3A_121 : vector<1x16xf32> to vector<16xf32>
      %parallel_loop3A_123 = arith.constant 32 : i32
      %parallel_loop3A_124 = arith.addi %parallel_loop3A_123, %parallel_loop3A_39 : i32
      %parallel_loop3A_125 = arith.index_cast %parallel_loop3A_124 : i32 to index
      %parallel_loop3A_126 = arith.constant 48 : index
      %parallel_loop3A_127 = tpu.vector_load %arg7[%parallel_loop3A_125, %parallel_loop3A_126] {strides = array<i32>} : memref<96x256xf32, #tpu.memory_space<vmem>>, vector<1x16xf32>,
      %parallel_loop3A_128 = vector.shape_cast %parallel_loop3A_127 : vector<1x16xf32> to vector<16xf32>
      %parallel_loop3A_129 = arith.addf %parallel_loop3A_122, %parallel_loop3A_128 : vector<16xf32>
      %parallel_loop3A_130 = arith.constant 64 : i32
      %parallel_loop3A_131 = arith.addi %parallel_loop3A_130, %parallel_loop3A_39 : i32
      %parallel_loop3A_132 = arith.index_cast %parallel_loop3A_131 : i32 to index
      %parallel_loop3A_133 = arith.constant 48 : index
      %parallel_loop3A_134 = tpu.vector_load %arg7[%parallel_loop3A_132, %parallel_loop3A_133] {strides = array<i32>} : memref<96x256xf32, #tpu.memory_space<vmem>>, vector<1x16xf32>,
      %parallel_loop3A_135 = vector.shape_cast %parallel_loop3A_134 : vector<1x16xf32> to vector<16xf32>
      %parallel_loop3A_136 = arith.addf %parallel_loop3A_129, %parallel_loop3A_135 : vector<16xf32>
      %parallel_loop3A_137 = arith.constant 3.000000e+00 : f32
      %parallel_loop3A_138 = vector.broadcast %parallel_loop3A_137 : f32 to vector<16xf32>
      %parallel_loop3A_139 = arith.divf %parallel_loop3A_136, %parallel_loop3A_138 : vector<16xf32>
      %parallel_loop3A_140 = arith.index_cast %parallel_loop3A_39 : i32 to index
      %parallel_loop3A_141 = arith.constant 48 : index
      %parallel_loop3A_142 = tpu.vector_load %arg8[%parallel_loop3A_140, %parallel_loop3A_141] {strides = array<i32>} : memref<32x256xf32, #tpu.memory_space<vmem>>, vector<1x16xf32>,
      %parallel_loop3A_143 = vector.shape_cast %parallel_loop3A_142 : vector<1x16xf32> to vector<16xf32>
      %parallel_loop3A_144 = vector.shape_cast %parallel_loop3A_139 : vector<16xf32> to vector<1x16xf32>
      tpu.vector_store %arg8[%parallel_loop3A_140, %parallel_loop3A_141], %parallel_loop3A_144 {strides = array<i32>} : memref<32x256xf32, #tpu.memory_space<vmem>>, vector<1x16xf32>,
      %parallel_loop3A_145 = arith.index_cast %parallel_loop3A_39 : i32 to index
      %parallel_loop3A_146 = arith.constant 64 : index
      %parallel_loop3A_147 = tpu.vector_load %arg7[%parallel_loop3A_145, %parallel_loop3A_146] {strides = array<i32>} : memref<96x256xf32, #tpu.memory_space<vmem>>, vector<1x16xf32>,
      %parallel_loop3A_148 = vector.shape_cast %parallel_loop3A_147 : vector<1x16xf32> to vector<16xf32>
      %parallel_loop3A_149 = arith.constant 32 : i32
      %parallel_loop3A_150 = arith.addi %parallel_loop3A_149, %parallel_loop3A_39 : i32
      %parallel_loop3A_151 = arith.index_cast %parallel_loop3A_150 : i32 to index
      %parallel_loop3A_152 = arith.constant 64 : index
      %parallel_loop3A_153 = tpu.vector_load %arg7[%parallel_loop3A_151, %parallel_loop3A_152] {strides = array<i32>} : memref<96x256xf32, #tpu.memory_space<vmem>>, vector<1x16xf32>,
      %parallel_loop3A_154 = vector.shape_cast %parallel_loop3A_153 : vector<1x16xf32> to vector<16xf32>
      %parallel_loop3A_155 = arith.addf %parallel_loop3A_148, %parallel_loop3A_154 : vector<16xf32>
      %parallel_loop3A_156 = arith.constant 64 : i32
      %parallel_loop3A_157 = arith.addi %parallel_loop3A_156, %parallel_loop3A_39 : i32
      %parallel_loop3A_158 = arith.index_cast %parallel_loop3A_157 : i32 to index
      %parallel_loop3A_159 = arith.constant 64 : index
      %parallel_loop3A_160 = tpu.vector_load %arg7[%parallel_loop3A_158, %parallel_loop3A_159] {strides = array<i32>} : memref<96x256xf32, #tpu.memory_space<vmem>>, vector<1x16xf32>,
      %parallel_loop3A_161 = vector.shape_cast %parallel_loop3A_160 : vector<1x16xf32> to vector<16xf32>
      %parallel_loop3A_162 = arith.addf %parallel_loop3A_155, %parallel_loop3A_161 : vector<16xf32>
      %parallel_loop3A_163 = arith.constant 3.000000e+00 : f32
      %parallel_loop3A_164 = vector.broadcast %parallel_loop3A_163 : f32 to vector<16xf32>
      %parallel_loop3A_165 = arith.divf %parallel_loop3A_162, %parallel_loop3A_164 : vector<16xf32>
      %parallel_loop3A_166 = arith.index_cast %parallel_loop3A_39 : i32 to index
      %parallel_loop3A_167 = arith.constant 64 : index
      %parallel_loop3A_168 = tpu.vector_load %arg8[%parallel_loop3A_166, %parallel_loop3A_167] {strides = array<i32>} : memref<32x256xf32, #tpu.memory_space<vmem>>, vector<1x16xf32>,
      %parallel_loop3A_169 = vector.shape_cast %parallel_loop3A_168 : vector<1x16xf32> to vector<16xf32>
      %parallel_loop3A_170 = vector.shape_cast %parallel_loop3A_165 : vector<16xf32> to vector<1x16xf32>
      tpu.vector_store %arg8[%parallel_loop3A_166, %parallel_loop3A_167], %parallel_loop3A_170 {strides = array<i32>} : memref<32x256xf32, #tpu.memory_space<vmem>>, vector<1x16xf32>,
      %parallel_loop3A_171 = arith.index_cast %parallel_loop3A_39 : i32 to index
      %parallel_loop3A_172 = arith.constant 80 : index
      %parallel_loop3A_173 = tpu.vector_load %arg7[%parallel_loop3A_171, %parallel_loop3A_172] {strides = array<i32>} : memref<96x256xf32, #tpu.memory_space<vmem>>, vector<1x16xf32>,
      %parallel_loop3A_174 = vector.shape_cast %parallel_loop3A_173 : vector<1x16xf32> to vector<16xf32>
      %parallel_loop3A_175 = arith.constant 32 : i32
      %parallel_loop3A_176 = arith.addi %parallel_loop3A_175, %parallel_loop3A_39 : i32
      %parallel_loop3A_177 = arith.index_cast %parallel_loop3A_176 : i32 to index
      %parallel_loop3A_178 = arith.constant 80 : index
      %parallel_loop3A_179 = tpu.vector_load %arg7[%parallel_loop3A_177, %parallel_loop3A_178] {strides = array<i32>} : memref<96x256xf32, #tpu.memory_space<vmem>>, vector<1x16xf32>,
      %parallel_loop3A_180 = vector.shape_cast %parallel_loop3A_179 : vector<1x16xf32> to vector<16xf32>
      %parallel_loop3A_181 = arith.addf %parallel_loop3A_174, %parallel_loop3A_180 : vector<16xf32>
      %parallel_loop3A_182 = arith.constant 64 : i32
      %parallel_loop3A_183 = arith.addi %parallel_loop3A_182, %parallel_loop3A_39 : i32
      %parallel_loop3A_184 = arith.index_cast %parallel_loop3A_183 : i32 to index
      %parallel_loop3A_185 = arith.constant 80 : index
      %parallel_loop3A_186 = tpu.vector_load %arg7[%parallel_loop3A_184, %parallel_loop3A_185] {strides = array<i32>} : memref<96x256xf32, #tpu.memory_space<vmem>>, vector<1x16xf32>,
      %parallel_loop3A_187 = vector.shape_cast %parallel_loop3A_186 : vector<1x16xf32> to vector<16xf32>
      %parallel_loop3A_188 = arith.addf %parallel_loop3A_181, %parallel_loop3A_187 : vector<16xf32>
      %parallel_loop3A_189 = arith.constant 3.000000e+00 : f32
      %parallel_loop3A_190 = vector.broadcast %parallel_loop3A_189 : f32 to vector<16xf32>
      %parallel_loop3A_191 = arith.divf %parallel_loop3A_188, %parallel_loop3A_190 : vector<16xf32>
      %parallel_loop3A_192 = arith.index_cast %parallel_loop3A_39 : i32 to index
      %parallel_loop3A_193 = arith.constant 80 : index
      %parallel_loop3A_194 = tpu.vector_load %arg8[%parallel_loop3A_192, %parallel_loop3A_193] {strides = array<i32>} : memref<32x256xf32, #tpu.memory_space<vmem>>, vector<1x16xf32>,
      %parallel_loop3A_195 = vector.shape_cast %parallel_loop3A_194 : vector<1x16xf32> to vector<16xf32>
      %parallel_loop3A_196 = vector.shape_cast %parallel_loop3A_191 : vector<16xf32> to vector<1x16xf32>
      tpu.vector_store %arg8[%parallel_loop3A_192, %parallel_loop3A_193], %parallel_loop3A_196 {strides = array<i32>} : memref<32x256xf32, #tpu.memory_space<vmem>>, vector<1x16xf32>,
      %parallel_loop3A_197 = arith.index_cast %parallel_loop3A_39 : i32 to index
      %parallel_loop3A_198 = arith.constant 96 : index
      %parallel_loop3A_199 = tpu.vector_load %arg7[%parallel_loop3A_197, %parallel_loop3A_198] {strides = array<i32>} : memref<96x256xf32, #tpu.memory_space<vmem>>, vector<1x16xf32>,
      %parallel_loop3A_200 = vector.shape_cast %parallel_loop3A_199 : vector<1x16xf32> to vector<16xf32>
      %parallel_loop3A_201 = arith.constant 32 : i32
      %parallel_loop3A_202 = arith.addi %parallel_loop3A_201, %parallel_loop3A_39 : i32
      %parallel_loop3A_203 = arith.index_cast %parallel_loop3A_202 : i32 to index
      %parallel_loop3A_204 = arith.constant 96 : index
      %parallel_loop3A_205 = tpu.vector_load %arg7[%parallel_loop3A_203, %parallel_loop3A_204] {strides = array<i32>} : memref<96x256xf32, #tpu.memory_space<vmem>>, vector<1x16xf32>,
      %parallel_loop3A_206 = vector.shape_cast %parallel_loop3A_205 : vector<1x16xf32> to vector<16xf32>
      %parallel_loop3A_207 = arith.addf %parallel_loop3A_200, %parallel_loop3A_206 : vector<16xf32>
      %parallel_loop3A_208 = arith.constant 64 : i32
      %parallel_loop3A_209 = arith.addi %parallel_loop3A_208, %parallel_loop3A_39 : i32
      %parallel_loop3A_210 = arith.index_cast %parallel_loop3A_209 : i32 to index
      %parallel_loop3A_211 = arith.constant 96 : index
      %parallel_loop3A_212 = tpu.vector_load %arg7[%parallel_loop3A_210, %parallel_loop3A_211] {strides = array<i32>} : memref<96x256xf32, #tpu.memory_space<vmem>>, vector<1x16xf32>,
      %parallel_loop3A_213 = vector.shape_cast %parallel_loop3A_212 : vector<1x16xf32> to vector<16xf32>
      %parallel_loop3A_214 = arith.addf %parallel_loop3A_207, %parallel_loop3A_213 : vector<16xf32>
      %parallel_loop3A_215 = arith.constant 3.000000e+00 : f32
      %parallel_loop3A_216 = vector.broadcast %parallel_loop3A_215 : f32 to vector<16xf32>
      %parallel_loop3A_217 = arith.divf %parallel_loop3A_214, %parallel_loop3A_216 : vector<16xf32>
      %parallel_loop3A_218 = arith.index_cast %parallel_loop3A_39 : i32 to index
      %parallel_loop3A_219 = arith.constant 96 : index
      %parallel_loop3A_220 = tpu.vector_load %arg8[%parallel_loop3A_218, %parallel_loop3A_219] {strides = array<i32>} : memref<32x256xf32, #tpu.memory_space<vmem>>, vector<1x16xf32>,
      %parallel_loop3A_221 = vector.shape_cast %parallel_loop3A_220 : vector<1x16xf32> to vector<16xf32>
      %parallel_loop3A_222 = vector.shape_cast %parallel_loop3A_217 : vector<16xf32> to vector<1x16xf32>
      tpu.vector_store %arg8[%parallel_loop3A_218, %parallel_loop3A_219], %parallel_loop3A_222 {strides = array<i32>} : memref<32x256xf32, #tpu.memory_space<vmem>>, vector<1x16xf32>,
      %parallel_loop3A_223 = arith.index_cast %parallel_loop3A_39 : i32 to index
      %parallel_loop3A_224 = arith.constant 112 : index
      %parallel_loop3A_225 = tpu.vector_load %arg7[%parallel_loop3A_223, %parallel_loop3A_224] {strides = array<i32>} : memref<96x256xf32, #tpu.memory_space<vmem>>, vector<1x16xf32>,
      %parallel_loop3A_226 = vector.shape_cast %parallel_loop3A_225 : vector<1x16xf32> to vector<16xf32>
      %parallel_loop3A_227 = arith.constant 32 : i32
      %parallel_loop3A_228 = arith.addi %parallel_loop3A_227, %parallel_loop3A_39 : i32
      %parallel_loop3A_229 = arith.index_cast %parallel_loop3A_228 : i32 to index
      %parallel_loop3A_230 = arith.constant 112 : index
      %parallel_loop3A_231 = tpu.vector_load %arg7[%parallel_loop3A_229, %parallel_loop3A_230] {strides = array<i32>} : memref<96x256xf32, #tpu.memory_space<vmem>>, vector<1x16xf32>,
      %parallel_loop3A_232 = vector.shape_cast %parallel_loop3A_231 : vector<1x16xf32> to vector<16xf32>
      %parallel_loop3A_233 = arith.addf %parallel_loop3A_226, %parallel_loop3A_232 : vector<16xf32>
      %parallel_loop3A_234 = arith.constant 64 : i32
      %parallel_loop3A_235 = arith.addi %parallel_loop3A_234, %parallel_loop3A_39 : i32
      %parallel_loop3A_236 = arith.index_cast %parallel_loop3A_235 : i32 to index
      %parallel_loop3A_237 = arith.constant 112 : index
      %parallel_loop3A_238 = tpu.vector_load %arg7[%parallel_loop3A_236, %parallel_loop3A_237] {strides = array<i32>} : memref<96x256xf32, #tpu.memory_space<vmem>>, vector<1x16xf32>,
      %parallel_loop3A_239 = vector.shape_cast %parallel_loop3A_238 : vector<1x16xf32> to vector<16xf32>
      %parallel_loop3A_240 = arith.addf %parallel_loop3A_233, %parallel_loop3A_239 : vector<16xf32>
      %parallel_loop3A_241 = arith.constant 3.000000e+00 : f32
      %parallel_loop3A_242 = vector.broadcast %parallel_loop3A_241 : f32 to vector<16xf32>
      %parallel_loop3A_243 = arith.divf %parallel_loop3A_240, %parallel_loop3A_242 : vector<16xf32>
      %parallel_loop3A_244 = arith.index_cast %parallel_loop3A_39 : i32 to index
      %parallel_loop3A_245 = arith.constant 112 : index
      %parallel_loop3A_246 = tpu.vector_load %arg8[%parallel_loop3A_244, %parallel_loop3A_245] {strides = array<i32>} : memref<32x256xf32, #tpu.memory_space<vmem>>, vector<1x16xf32>,
      %parallel_loop3A_247 = vector.shape_cast %parallel_loop3A_246 : vector<1x16xf32> to vector<16xf32>
      %parallel_loop3A_248 = vector.shape_cast %parallel_loop3A_243 : vector<16xf32> to vector<1x16xf32>
      tpu.vector_store %arg8[%parallel_loop3A_244, %parallel_loop3A_245], %parallel_loop3A_248 {strides = array<i32>} : memref<32x256xf32, #tpu.memory_space<vmem>>, vector<1x16xf32>,
      %parallel_loop3A_249 = arith.index_cast %parallel_loop3A_39 : i32 to index
      %parallel_loop3A_250 = arith.constant 128 : index
      %parallel_loop3A_251 = tpu.vector_load %arg7[%parallel_loop3A_249, %parallel_loop3A_250] {strides = array<i32>} : memref<96x256xf32, #tpu.memory_space<vmem>>, vector<1x16xf32>,
      %parallel_loop3A_252 = vector.shape_cast %parallel_loop3A_251 : vector<1x16xf32> to vector<16xf32>
      %parallel_loop3A_253 = arith.constant 32 : i32
      %parallel_loop3A_254 = arith.addi %parallel_loop3A_253, %parallel_loop3A_39 : i32
      %parallel_loop3A_255 = arith.index_cast %parallel_loop3A_254 : i32 to index
      %parallel_loop3A_256 = arith.constant 128 : index
      %parallel_loop3A_257 = tpu.vector_load %arg7[%parallel_loop3A_255, %parallel_loop3A_256] {strides = array<i32>} : memref<96x256xf32, #tpu.memory_space<vmem>>, vector<1x16xf32>,
      %parallel_loop3A_258 = vector.shape_cast %parallel_loop3A_257 : vector<1x16xf32> to vector<16xf32>
      %parallel_loop3A_259 = arith.addf %parallel_loop3A_252, %parallel_loop3A_258 : vector<16xf32>
      %parallel_loop3A_260 = arith.constant 64 : i32
      %parallel_loop3A_261 = arith.addi %parallel_loop3A_260, %parallel_loop3A_39 : i32
      %parallel_loop3A_262 = arith.index_cast %parallel_loop3A_261 : i32 to index
      %parallel_loop3A_263 = arith.constant 128 : index
      %parallel_loop3A_264 = tpu.vector_load %arg7[%parallel_loop3A_262, %parallel_loop3A_263] {strides = array<i32>} : memref<96x256xf32, #tpu.memory_space<vmem>>, vector<1x16xf32>,
      %parallel_loop3A_265 = vector.shape_cast %parallel_loop3A_264 : vector<1x16xf32> to vector<16xf32>
      %parallel_loop3A_266 = arith.addf %parallel_loop3A_259, %parallel_loop3A_265 : vector<16xf32>
      %parallel_loop3A_267 = arith.constant 3.000000e+00 : f32
      %parallel_loop3A_268 = vector.broadcast %parallel_loop3A_267 : f32 to vector<16xf32>
      %parallel_loop3A_269 = arith.divf %parallel_loop3A_266, %parallel_loop3A_268 : vector<16xf32>
      %parallel_loop3A_270 = arith.index_cast %parallel_loop3A_39 : i32 to index
      %parallel_loop3A_271 = arith.constant 128 : index
      %parallel_loop3A_272 = tpu.vector_load %arg8[%parallel_loop3A_270, %parallel_loop3A_271] {strides = array<i32>} : memref<32x256xf32, #tpu.memory_space<vmem>>, vector<1x16xf32>,
      %parallel_loop3A_273 = vector.shape_cast %parallel_loop3A_272 : vector<1x16xf32> to vector<16xf32>
      %parallel_loop3A_274 = vector.shape_cast %parallel_loop3A_269 : vector<16xf32> to vector<1x16xf32>
      tpu.vector_store %arg8[%parallel_loop3A_270, %parallel_loop3A_271], %parallel_loop3A_274 {strides = array<i32>} : memref<32x256xf32, #tpu.memory_space<vmem>>, vector<1x16xf32>,
      %parallel_loop3A_275 = arith.index_cast %parallel_loop3A_39 : i32 to index
      %parallel_loop3A_276 = arith.constant 144 : index
      %parallel_loop3A_277 = tpu.vector_load %arg7[%parallel_loop3A_275, %parallel_loop3A_276] {strides = array<i32>} : memref<96x256xf32, #tpu.memory_space<vmem>>, vector<1x16xf32>,
      %parallel_loop3A_278 = vector.shape_cast %parallel_loop3A_277 : vector<1x16xf32> to vector<16xf32>
      %parallel_loop3A_279 = arith.constant 32 : i32
      %parallel_loop3A_280 = arith.addi %parallel_loop3A_279, %parallel_loop3A_39 : i32
      %parallel_loop3A_281 = arith.index_cast %parallel_loop3A_280 : i32 to index
      %parallel_loop3A_282 = arith.constant 144 : index
      %parallel_loop3A_283 = tpu.vector_load %arg7[%parallel_loop3A_281, %parallel_loop3A_282] {strides = array<i32>} : memref<96x256xf32, #tpu.memory_space<vmem>>, vector<1x16xf32>,
      %parallel_loop3A_284 = vector.shape_cast %parallel_loop3A_283 : vector<1x16xf32> to vector<16xf32>
      %parallel_loop3A_285 = arith.addf %parallel_loop3A_278, %parallel_loop3A_284 : vector<16xf32>
      %parallel_loop3A_286 = arith.constant 64 : i32
      %parallel_loop3A_287 = arith.addi %parallel_loop3A_286, %parallel_loop3A_39 : i32
      %parallel_loop3A_288 = arith.index_cast %parallel_loop3A_287 : i32 to index
      %parallel_loop3A_289 = arith.constant 144 : index
      %parallel_loop3A_290 = tpu.vector_load %arg7[%parallel_loop3A_288, %parallel_loop3A_289] {strides = array<i32>} : memref<96x256xf32, #tpu.memory_space<vmem>>, vector<1x16xf32>,
      %parallel_loop3A_291 = vector.shape_cast %parallel_loop3A_290 : vector<1x16xf32> to vector<16xf32>
      %parallel_loop3A_292 = arith.addf %parallel_loop3A_285, %parallel_loop3A_291 : vector<16xf32>
      %parallel_loop3A_293 = arith.constant 3.000000e+00 : f32
      %parallel_loop3A_294 = vector.broadcast %parallel_loop3A_293 : f32 to vector<16xf32>
      %parallel_loop3A_295 = arith.divf %parallel_loop3A_292, %parallel_loop3A_294 : vector<16xf32>
      %parallel_loop3A_296 = arith.index_cast %parallel_loop3A_39 : i32 to index
      %parallel_loop3A_297 = arith.constant 144 : index
      %parallel_loop3A_298 = tpu.vector_load %arg8[%parallel_loop3A_296, %parallel_loop3A_297] {strides = array<i32>} : memref<32x256xf32, #tpu.memory_space<vmem>>, vector<1x16xf32>,
      %parallel_loop3A_299 = vector.shape_cast %parallel_loop3A_298 : vector<1x16xf32> to vector<16xf32>
      %parallel_loop3A_300 = vector.shape_cast %parallel_loop3A_295 : vector<16xf32> to vector<1x16xf32>
      tpu.vector_store %arg8[%parallel_loop3A_296, %parallel_loop3A_297], %parallel_loop3A_300 {strides = array<i32>} : memref<32x256xf32, #tpu.memory_space<vmem>>, vector<1x16xf32>,
      %parallel_loop3A_301 = arith.index_cast %parallel_loop3A_39 : i32 to index
      %parallel_loop3A_302 = arith.constant 160 : index
      %parallel_loop3A_303 = tpu.vector_load %arg7[%parallel_loop3A_301, %parallel_loop3A_302] {strides = array<i32>} : memref<96x256xf32, #tpu.memory_space<vmem>>, vector<1x16xf32>,
      %parallel_loop3A_304 = vector.shape_cast %parallel_loop3A_303 : vector<1x16xf32> to vector<16xf32>
      %parallel_loop3A_305 = arith.constant 32 : i32
      %parallel_loop3A_306 = arith.addi %parallel_loop3A_305, %parallel_loop3A_39 : i32
      %parallel_loop3A_307 = arith.index_cast %parallel_loop3A_306 : i32 to index
      %parallel_loop3A_308 = arith.constant 160 : index
      %parallel_loop3A_309 = tpu.vector_load %arg7[%parallel_loop3A_307, %parallel_loop3A_308] {strides = array<i32>} : memref<96x256xf32, #tpu.memory_space<vmem>>, vector<1x16xf32>,
      %parallel_loop3A_310 = vector.shape_cast %parallel_loop3A_309 : vector<1x16xf32> to vector<16xf32>
      %parallel_loop3A_311 = arith.addf %parallel_loop3A_304, %parallel_loop3A_310 : vector<16xf32>
      %parallel_loop3A_312 = arith.constant 64 : i32
      %parallel_loop3A_313 = arith.addi %parallel_loop3A_312, %parallel_loop3A_39 : i32
      %parallel_loop3A_314 = arith.index_cast %parallel_loop3A_313 : i32 to index
      %parallel_loop3A_315 = arith.constant 160 : index
      %parallel_loop3A_316 = tpu.vector_load %arg7[%parallel_loop3A_314, %parallel_loop3A_315] {strides = array<i32>} : memref<96x256xf32, #tpu.memory_space<vmem>>, vector<1x16xf32>,
      %parallel_loop3A_317 = vector.shape_cast %parallel_loop3A_316 : vector<1x16xf32> to vector<16xf32>
      %parallel_loop3A_318 = arith.addf %parallel_loop3A_311, %parallel_loop3A_317 : vector<16xf32>
      %parallel_loop3A_319 = arith.constant 3.000000e+00 : f32
      %parallel_loop3A_320 = vector.broadcast %parallel_loop3A_319 : f32 to vector<16xf32>
      %parallel_loop3A_321 = arith.divf %parallel_loop3A_318, %parallel_loop3A_320 : vector<16xf32>
      %parallel_loop3A_322 = arith.index_cast %parallel_loop3A_39 : i32 to index
      %parallel_loop3A_323 = arith.constant 160 : index
      %parallel_loop3A_324 = tpu.vector_load %arg8[%parallel_loop3A_322, %parallel_loop3A_323] {strides = array<i32>} : memref<32x256xf32, #tpu.memory_space<vmem>>, vector<1x16xf32>,
      %parallel_loop3A_325 = vector.shape_cast %parallel_loop3A_324 : vector<1x16xf32> to vector<16xf32>
      %parallel_loop3A_326 = vector.shape_cast %parallel_loop3A_321 : vector<16xf32> to vector<1x16xf32>
      tpu.vector_store %arg8[%parallel_loop3A_322, %parallel_loop3A_323], %parallel_loop3A_326 {strides = array<i32>} : memref<32x256xf32, #tpu.memory_space<vmem>>, vector<1x16xf32>,
      %parallel_loop3A_327 = arith.index_cast %parallel_loop3A_39 : i32 to index
      %parallel_loop3A_328 = arith.constant 176 : index
      %parallel_loop3A_329 = tpu.vector_load %arg7[%parallel_loop3A_327, %parallel_loop3A_328] {strides = array<i32>} : memref<96x256xf32, #tpu.memory_space<vmem>>, vector<1x16xf32>,
      %parallel_loop3A_330 = vector.shape_cast %parallel_loop3A_329 : vector<1x16xf32> to vector<16xf32>
      %parallel_loop3A_331 = arith.constant 32 : i32
      %parallel_loop3A_332 = arith.addi %parallel_loop3A_331, %parallel_loop3A_39 : i32
      %parallel_loop3A_333 = arith.index_cast %parallel_loop3A_332 : i32 to index
      %parallel_loop3A_334 = arith.constant 176 : index
      %parallel_loop3A_335 = tpu.vector_load %arg7[%parallel_loop3A_333, %parallel_loop3A_334] {strides = array<i32>} : memref<96x256xf32, #tpu.memory_space<vmem>>, vector<1x16xf32>,
      %parallel_loop3A_336 = vector.shape_cast %parallel_loop3A_335 : vector<1x16xf32> to vector<16xf32>
      %parallel_loop3A_337 = arith.addf %parallel_loop3A_330, %parallel_loop3A_336 : vector<16xf32>
      %parallel_loop3A_338 = arith.constant 64 : i32
      %parallel_loop3A_339 = arith.addi %parallel_loop3A_338, %parallel_loop3A_39 : i32
      %parallel_loop3A_340 = arith.index_cast %parallel_loop3A_339 : i32 to index
      %parallel_loop3A_341 = arith.constant 176 : index
      %parallel_loop3A_342 = tpu.vector_load %arg7[%parallel_loop3A_340, %parallel_loop3A_341] {strides = array<i32>} : memref<96x256xf32, #tpu.memory_space<vmem>>, vector<1x16xf32>,
      %parallel_loop3A_343 = vector.shape_cast %parallel_loop3A_342 : vector<1x16xf32> to vector<16xf32>
      %parallel_loop3A_344 = arith.addf %parallel_loop3A_337, %parallel_loop3A_343 : vector<16xf32>
      %parallel_loop3A_345 = arith.constant 3.000000e+00 : f32
      %parallel_loop3A_346 = vector.broadcast %parallel_loop3A_345 : f32 to vector<16xf32>
      %parallel_loop3A_347 = arith.divf %parallel_loop3A_344, %parallel_loop3A_346 : vector<16xf32>
      %parallel_loop3A_348 = arith.index_cast %parallel_loop3A_39 : i32 to index
      %parallel_loop3A_349 = arith.constant 176 : index
      %parallel_loop3A_350 = tpu.vector_load %arg8[%parallel_loop3A_348, %parallel_loop3A_349] {strides = array<i32>} : memref<32x256xf32, #tpu.memory_space<vmem>>, vector<1x16xf32>,
      %parallel_loop3A_351 = vector.shape_cast %parallel_loop3A_350 : vector<1x16xf32> to vector<16xf32>
      %parallel_loop3A_352 = vector.shape_cast %parallel_loop3A_347 : vector<16xf32> to vector<1x16xf32>
      tpu.vector_store %arg8[%parallel_loop3A_348, %parallel_loop3A_349], %parallel_loop3A_352 {strides = array<i32>} : memref<32x256xf32, #tpu.memory_space<vmem>>, vector<1x16xf32>,
      %parallel_loop3A_353 = arith.index_cast %parallel_loop3A_39 : i32 to index
      %parallel_loop3A_354 = arith.constant 192 : index
      %parallel_loop3A_355 = tpu.vector_load %arg7[%parallel_loop3A_353, %parallel_loop3A_354] {strides = array<i32>} : memref<96x256xf32, #tpu.memory_space<vmem>>, vector<1x16xf32>,
      %parallel_loop3A_356 = vector.shape_cast %parallel_loop3A_355 : vector<1x16xf32> to vector<16xf32>
      %parallel_loop3A_357 = arith.constant 32 : i32
      %parallel_loop3A_358 = arith.addi %parallel_loop3A_357, %parallel_loop3A_39 : i32
      %parallel_loop3A_359 = arith.index_cast %parallel_loop3A_358 : i32 to index
      %parallel_loop3A_360 = arith.constant 192 : index
      %parallel_loop3A_361 = tpu.vector_load %arg7[%parallel_loop3A_359, %parallel_loop3A_360] {strides = array<i32>} : memref<96x256xf32, #tpu.memory_space<vmem>>, vector<1x16xf32>,
      %parallel_loop3A_362 = vector.shape_cast %parallel_loop3A_361 : vector<1x16xf32> to vector<16xf32>
      %parallel_loop3A_363 = arith.addf %parallel_loop3A_356, %parallel_loop3A_362 : vector<16xf32>
      %parallel_loop3A_364 = arith.constant 64 : i32
      %parallel_loop3A_365 = arith.addi %parallel_loop3A_364, %parallel_loop3A_39 : i32
      %parallel_loop3A_366 = arith.index_cast %parallel_loop3A_365 : i32 to index
      %parallel_loop3A_367 = arith.constant 192 : index
      %parallel_loop3A_368 = tpu.vector_load %arg7[%parallel_loop3A_366, %parallel_loop3A_367] {strides = array<i32>} : memref<96x256xf32, #tpu.memory_space<vmem>>, vector<1x16xf32>,
      %parallel_loop3A_369 = vector.shape_cast %parallel_loop3A_368 : vector<1x16xf32> to vector<16xf32>
      %parallel_loop3A_370 = arith.addf %parallel_loop3A_363, %parallel_loop3A_369 : vector<16xf32>
      %parallel_loop3A_371 = arith.constant 3.000000e+00 : f32
      %parallel_loop3A_372 = vector.broadcast %parallel_loop3A_371 : f32 to vector<16xf32>
      %parallel_loop3A_373 = arith.divf %parallel_loop3A_370, %parallel_loop3A_372 : vector<16xf32>
      %parallel_loop3A_374 = arith.index_cast %parallel_loop3A_39 : i32 to index
      %parallel_loop3A_375 = arith.constant 192 : index
      %parallel_loop3A_376 = tpu.vector_load %arg8[%parallel_loop3A_374, %parallel_loop3A_375] {strides = array<i32>} : memref<32x256xf32, #tpu.memory_space<vmem>>, vector<1x16xf32>,
      %parallel_loop3A_377 = vector.shape_cast %parallel_loop3A_376 : vector<1x16xf32> to vector<16xf32>
      %parallel_loop3A_378 = vector.shape_cast %parallel_loop3A_373 : vector<16xf32> to vector<1x16xf32>
      tpu.vector_store %arg8[%parallel_loop3A_374, %parallel_loop3A_375], %parallel_loop3A_378 {strides = array<i32>} : memref<32x256xf32, #tpu.memory_space<vmem>>, vector<1x16xf32>,
      %parallel_loop3A_379 = arith.index_cast %parallel_loop3A_39 : i32 to index
      %parallel_loop3A_380 = arith.constant 208 : index
      %parallel_loop3A_381 = tpu.vector_load %arg7[%parallel_loop3A_379, %parallel_loop3A_380] {strides = array<i32>} : memref<96x256xf32, #tpu.memory_space<vmem>>, vector<1x16xf32>,
      %parallel_loop3A_382 = vector.shape_cast %parallel_loop3A_381 : vector<1x16xf32> to vector<16xf32>
      %parallel_loop3A_383 = arith.constant 32 : i32
      %parallel_loop3A_384 = arith.addi %parallel_loop3A_383, %parallel_loop3A_39 : i32
      %parallel_loop3A_385 = arith.index_cast %parallel_loop3A_384 : i32 to index
      %parallel_loop3A_386 = arith.constant 208 : index
      %parallel_loop3A_387 = tpu.vector_load %arg7[%parallel_loop3A_385, %parallel_loop3A_386] {strides = array<i32>} : memref<96x256xf32, #tpu.memory_space<vmem>>, vector<1x16xf32>,
      %parallel_loop3A_388 = vector.shape_cast %parallel_loop3A_387 : vector<1x16xf32> to vector<16xf32>
      %parallel_loop3A_389 = arith.addf %parallel_loop3A_382, %parallel_loop3A_388 : vector<16xf32>
      %parallel_loop3A_390 = arith.constant 64 : i32
      %parallel_loop3A_391 = arith.addi %parallel_loop3A_390, %parallel_loop3A_39 : i32
      %parallel_loop3A_392 = arith.index_cast %parallel_loop3A_391 : i32 to index
      %parallel_loop3A_393 = arith.constant 208 : index
      %parallel_loop3A_394 = tpu.vector_load %arg7[%parallel_loop3A_392, %parallel_loop3A_393] {strides = array<i32>} : memref<96x256xf32, #tpu.memory_space<vmem>>, vector<1x16xf32>,
      %parallel_loop3A_395 = vector.shape_cast %parallel_loop3A_394 : vector<1x16xf32> to vector<16xf32>
      %parallel_loop3A_396 = arith.addf %parallel_loop3A_389, %parallel_loop3A_395 : vector<16xf32>
      %parallel_loop3A_397 = arith.constant 3.000000e+00 : f32
      %parallel_loop3A_398 = vector.broadcast %parallel_loop3A_397 : f32 to vector<16xf32>
      %parallel_loop3A_399 = arith.divf %parallel_loop3A_396, %parallel_loop3A_398 : vector<16xf32>
      %parallel_loop3A_400 = arith.index_cast %parallel_loop3A_39 : i32 to index
      %parallel_loop3A_401 = arith.constant 208 : index
      %parallel_loop3A_402 = tpu.vector_load %arg8[%parallel_loop3A_400, %parallel_loop3A_401] {strides = array<i32>} : memref<32x256xf32, #tpu.memory_space<vmem>>, vector<1x16xf32>,
      %parallel_loop3A_403 = vector.shape_cast %parallel_loop3A_402 : vector<1x16xf32> to vector<16xf32>
      %parallel_loop3A_404 = vector.shape_cast %parallel_loop3A_399 : vector<16xf32> to vector<1x16xf32>
      tpu.vector_store %arg8[%parallel_loop3A_400, %parallel_loop3A_401], %parallel_loop3A_404 {strides = array<i32>} : memref<32x256xf32, #tpu.memory_space<vmem>>, vector<1x16xf32>,
      %parallel_loop3A_405 = arith.index_cast %parallel_loop3A_39 : i32 to index
      %parallel_loop3A_406 = arith.constant 224 : index
      %parallel_loop3A_407 = tpu.vector_load %arg7[%parallel_loop3A_405, %parallel_loop3A_406] {strides = array<i32>} : memref<96x256xf32, #tpu.memory_space<vmem>>, vector<1x16xf32>,
      %parallel_loop3A_408 = vector.shape_cast %parallel_loop3A_407 : vector<1x16xf32> to vector<16xf32>
      %parallel_loop3A_409 = arith.constant 32 : i32
      %parallel_loop3A_410 = arith.addi %parallel_loop3A_409, %parallel_loop3A_39 : i32
      %parallel_loop3A_411 = arith.index_cast %parallel_loop3A_410 : i32 to index
      %parallel_loop3A_412 = arith.constant 224 : index
      %parallel_loop3A_413 = tpu.vector_load %arg7[%parallel_loop3A_411, %parallel_loop3A_412] {strides = array<i32>} : memref<96x256xf32, #tpu.memory_space<vmem>>, vector<1x16xf32>,
      %parallel_loop3A_414 = vector.shape_cast %parallel_loop3A_413 : vector<1x16xf32> to vector<16xf32>
      %parallel_loop3A_415 = arith.addf %parallel_loop3A_408, %parallel_loop3A_414 : vector<16xf32>
      %parallel_loop3A_416 = arith.constant 64 : i32
      %parallel_loop3A_417 = arith.addi %parallel_loop3A_416, %parallel_loop3A_39 : i32
      %parallel_loop3A_418 = arith.index_cast %parallel_loop3A_417 : i32 to index
      %parallel_loop3A_419 = arith.constant 224 : index
      %parallel_loop3A_420 = tpu.vector_load %arg7[%parallel_loop3A_418, %parallel_loop3A_419] {strides = array<i32>} : memref<96x256xf32, #tpu.memory_space<vmem>>, vector<1x16xf32>,
      %parallel_loop3A_421 = vector.shape_cast %parallel_loop3A_420 : vector<1x16xf32> to vector<16xf32>
      %parallel_loop3A_422 = arith.addf %parallel_loop3A_415, %parallel_loop3A_421 : vector<16xf32>
      %parallel_loop3A_423 = arith.constant 3.000000e+00 : f32
      %parallel_loop3A_424 = vector.broadcast %parallel_loop3A_423 : f32 to vector<16xf32>
      %parallel_loop3A_425 = arith.divf %parallel_loop3A_422, %parallel_loop3A_424 : vector<16xf32>
      %parallel_loop3A_426 = arith.index_cast %parallel_loop3A_39 : i32 to index
      %parallel_loop3A_427 = arith.constant 224 : index
      %parallel_loop3A_428 = tpu.vector_load %arg8[%parallel_loop3A_426, %parallel_loop3A_427] {strides = array<i32>} : memref<32x256xf32, #tpu.memory_space<vmem>>, vector<1x16xf32>,
      %parallel_loop3A_429 = vector.shape_cast %parallel_loop3A_428 : vector<1x16xf32> to vector<16xf32>
      %parallel_loop3A_430 = vector.shape_cast %parallel_loop3A_425 : vector<16xf32> to vector<1x16xf32>
      tpu.vector_store %arg8[%parallel_loop3A_426, %parallel_loop3A_427], %parallel_loop3A_430 {strides = array<i32>} : memref<32x256xf32, #tpu.memory_space<vmem>>, vector<1x16xf32>,
      %parallel_loop3A_431 = arith.index_cast %parallel_loop3A_39 : i32 to index
      %parallel_loop3A_432 = arith.constant 240 : index
      %parallel_loop3A_433 = tpu.vector_load %arg7[%parallel_loop3A_431, %parallel_loop3A_432] {strides = array<i32>} : memref<96x256xf32, #tpu.memory_space<vmem>>, vector<1x16xf32>,
      %parallel_loop3A_434 = vector.shape_cast %parallel_loop3A_433 : vector<1x16xf32> to vector<16xf32>
      %parallel_loop3A_435 = arith.constant 32 : i32
      %parallel_loop3A_436 = arith.addi %parallel_loop3A_435, %parallel_loop3A_39 : i32
      %parallel_loop3A_437 = arith.index_cast %parallel_loop3A_436 : i32 to index
      %parallel_loop3A_438 = arith.constant 240 : index
      %parallel_loop3A_439 = tpu.vector_load %arg7[%parallel_loop3A_437, %parallel_loop3A_438] {strides = array<i32>} : memref<96x256xf32, #tpu.memory_space<vmem>>, vector<1x16xf32>,
      %parallel_loop3A_440 = vector.shape_cast %parallel_loop3A_439 : vector<1x16xf32> to vector<16xf32>
      %parallel_loop3A_441 = arith.addf %parallel_loop3A_434, %parallel_loop3A_440 : vector<16xf32>
      %parallel_loop3A_442 = arith.constant 64 : i32
      %parallel_loop3A_443 = arith.addi %parallel_loop3A_442, %parallel_loop3A_39 : i32
      %parallel_loop3A_444 = arith.index_cast %parallel_loop3A_443 : i32 to index
      %parallel_loop3A_445 = arith.constant 240 : index
      %parallel_loop3A_446 = tpu.vector_load %arg7[%parallel_loop3A_444, %parallel_loop3A_445] {strides = array<i32>} : memref<96x256xf32, #tpu.memory_space<vmem>>, vector<1x16xf32>,
      %parallel_loop3A_447 = vector.shape_cast %parallel_loop3A_446 : vector<1x16xf32> to vector<16xf32>
      %parallel_loop3A_448 = arith.addf %parallel_loop3A_441, %parallel_loop3A_447 : vector<16xf32>
      %parallel_loop3A_449 = arith.constant 3.000000e+00 : f32
      %parallel_loop3A_450 = vector.broadcast %parallel_loop3A_449 : f32 to vector<16xf32>
      %parallel_loop3A_451 = arith.divf %parallel_loop3A_448, %parallel_loop3A_450 : vector<16xf32>
      %parallel_loop3A_452 = arith.index_cast %parallel_loop3A_39 : i32 to index
      %parallel_loop3A_453 = arith.constant 240 : index
      %parallel_loop3A_454 = tpu.vector_load %arg8[%parallel_loop3A_452, %parallel_loop3A_453] {strides = array<i32>} : memref<32x256xf32, #tpu.memory_space<vmem>>, vector<1x16xf32>,
      %parallel_loop3A_455 = vector.shape_cast %parallel_loop3A_454 : vector<1x16xf32> to vector<16xf32>
      %parallel_loop3A_456 = vector.shape_cast %parallel_loop3A_451 : vector<16xf32> to vector<1x16xf32>
      tpu.vector_store %arg8[%parallel_loop3A_452, %parallel_loop3A_453], %parallel_loop3A_456 {strides = array<i32>} : memref<32x256xf32, #tpu.memory_space<vmem>>, vector<1x16xf32>,
      scf.yield %parallel_loop3A_40 : i32
    } {sc.loop_unroll_factor = 1 : i64, sc.parallel_access}
    "tpu.region"() ({
      %run_scoped3A = tpu.sem_alloc : memref<!tpu.dma_semaphore, #tpu.memory_space<semaphore_mem>>
      %dma_start3A_39 = arith.constant 0 : i32
      %dma_start3A_40 = tpu.memref_slice %arg4[%mul3A_2, %dma_start3A_39] : memref<1024x256xf32, #tpu.memory_space<hbm>> -> memref<32x256xf32, #tpu.memory_space<hbm>>
      %dma_start3A_41 = arith.constant 0 : i32
      %dma_start3A_42 = tpu.memref_slice %arg4[%mul3A_2, %dma_start3A_41] : memref<1024x256xf32, #tpu.memory_space<hbm>> -> memref<32x256xf32, #tpu.memory_space<hbm>>
      tpu.enqueue_dma source(%arg8 : memref<32x256xf32, #tpu.memory_space<vmem>>) target(%dma_start3A_42 : memref<32x256xf32, #tpu.memory_space<hbm>>) target_semaphore(%run_scoped3A : memref<!tpu.dma_semaphore, #tpu.memory_space<semaphore_mem>>)
      %dma_wait3A_43 = arith.constant 0 : i32
      %dma_wait3A_44 = tpu.memref_slice %arg4[%mul3A_2, %dma_wait3A_43] : memref<1024x256xf32, #tpu.memory_space<hbm>> -> memref<32x256xf32, #tpu.memory_space<hbm>>
      %dma_wait3A_45 = arith.constant 0 : i32
      %dma_wait3A_46 = tpu.memref_slice %arg4[%mul3A_2, %dma_wait3A_45] : memref<1024x256xf32, #tpu.memory_space<hbm>> -> memref<32x256xf32, #tpu.memory_space<hbm>>
      tpu.wait_dma2 semaphore(%run_scoped3A : memref<!tpu.dma_semaphore, #tpu.memory_space<semaphore_mem>>) src(%arg8 : memref<32x256xf32, #tpu.memory_space<vmem>>) dst(%dma_wait3A_46 : memref<32x256xf32, #tpu.memory_space<hbm>>)
      tpu.yield
    }) : () -> ()
    return
  }
}

module attributes {stable_mosaic.version = 14 : i64} {
  func.func @_tc_b(%arg0: i32, %arg1: memref<1024x256xf32, #tpu.memory_space<vmem>>, %arg2: memref<1024x256xf32, #tpu.memory_space<vmem>>, %arg3: memref<500x256xf32, #tpu.memory_space<vmem>>, %arg4: memref<500xf32, #tpu.memory_space<vmem>>, %arg5: memref<128x256xf32, #tpu.memory_space<vmem>>, %arg6: memref<128xf32, #tpu.memory_space<vmem>>, %arg7: memref<2x128xf32, #tpu.memory_space<vmem>>, %arg8: memref<2xf32, #tpu.memory_space<vmem>>, %arg9: memref<256x256xf32, #tpu.memory_space<vmem>>, %arg10: memref<256xf32, #tpu.memory_space<vmem>>, %arg11: memref<1x256xf32, #tpu.memory_space<vmem>>, %arg12: memref<1xf32, #tpu.memory_space<vmem>>, %arg13: memref<1x256xf32, #tpu.memory_space<vmem>>, %arg14: memref<1xf32, #tpu.memory_space<vmem>>, %arg15: memref<1024x256xf32, #tpu.memory_space<vmem>>, %arg16: memref<1024xf32, #tpu.memory_space<vmem>>, %arg17: memref<512x1024xf32, #tpu.memory_space<vmem>>, %arg18: memref<512xf32, #tpu.memory_space<vmem>>, %arg19: memref<1024x512xf32, #tpu.memory_space<vmem>>, %arg20: memref<1024x256xf32, #tpu.memory_space<vmem>>, %arg21: memref<1x1024xf32, #tpu.memory_space<vmem>>, %arg22: memref<1x1024xi32, #tpu.memory_space<vmem>>, %arg23: memref<1x1024xf32, #tpu.memory_space<vmem>>, %arg24: memref<1x1024xf32, #tpu.memory_space<vmem>>, %arg25: memref<1x1024xf32, #tpu.memory_space<vmem>>, %arg26: memref<500x256xf32, #tpu.memory_space<vmem>>, %arg27: memref<1x500xf32, #tpu.memory_space<vmem>>, %arg28: memref<1024x1024xf32, #tpu.memory_space<vmem>>) attributes {dimension_semantics = [#tpu.dimension_semantics<arbitrary>], iteration_bounds = array<i64: 9>, scalar_prefetch = 0 : i64, scratch_operands = 1 : i64, tpu.core_type = #tpu.core_type<tc>, window_params = [{pipeline_mode = #tpu.pipeline_mode<synchronous>, transform_indices = @transform_0, window_bounds = array<i64: 1024, 256>}, {pipeline_mode = #tpu.pipeline_mode<synchronous>, transform_indices = @transform_1, window_bounds = array<i64: 1024, 256>}, {pipeline_mode = #tpu.pipeline_mode<synchronous>, transform_indices = @transform_2, window_bounds = array<i64: 500, 256>}, {pipeline_mode = #tpu.pipeline_mode<synchronous>, transform_indices = @transform_3, window_bounds = array<i64: 500>}, {pipeline_mode = #tpu.pipeline_mode<synchronous>, transform_indices = @transform_4, window_bounds = array<i64: 128, 256>}, {pipeline_mode = #tpu.pipeline_mode<synchronous>, transform_indices = @transform_5, window_bounds = array<i64: 128>}, {pipeline_mode = #tpu.pipeline_mode<synchronous>, transform_indices = @transform_6, window_bounds = array<i64: 2, 128>}, {pipeline_mode = #tpu.pipeline_mode<synchronous>, transform_indices = @transform_7, window_bounds = array<i64: 2>}, {pipeline_mode = #tpu.pipeline_mode<synchronous>, transform_indices = @transform_8, window_bounds = array<i64: 256, 256>}, {pipeline_mode = #tpu.pipeline_mode<synchronous>, transform_indices = @transform_9, window_bounds = array<i64: 256>}, {pipeline_mode = #tpu.pipeline_mode<synchronous>, transform_indices = @transform_10, window_bounds = array<i64: 1, 256>}, {pipeline_mode = #tpu.pipeline_mode<synchronous>, transform_indices = @transform_11, window_bounds = array<i64: 1>}, {pipeline_mode = #tpu.pipeline_mode<synchronous>, transform_indices = @transform_12, window_bounds = array<i64: 1, 256>}, {pipeline_mode = #tpu.pipeline_mode<synchronous>, transform_indices = @transform_13, window_bounds = array<i64: 1>}, {pipeline_mode = #tpu.pipeline_mode<synchronous>, transform_indices = @transform_14, window_bounds = array<i64: 1024, 256>}, {pipeline_mode = #tpu.pipeline_mode<synchronous>, transform_indices = @transform_15, window_bounds = array<i64: 1024>}, {transform_indices = @transform_16, window_bounds = array<i64: 512, 1024>}, {transform_indices = @transform_17, window_bounds = array<i64: 512>}, {transform_indices = @transform_18, window_bounds = array<i64: 1024, 512>}, {pipeline_mode = #tpu.pipeline_mode<synchronous>, transform_indices = @transform_19, window_bounds = array<i64: 1024, 256>}, {pipeline_mode = #tpu.pipeline_mode<synchronous>, transform_indices = @transform_20, window_bounds = array<i64: 1, 1024>}, {pipeline_mode = #tpu.pipeline_mode<synchronous>, transform_indices = @transform_21, window_bounds = array<i64: 1, 1024>}, {pipeline_mode = #tpu.pipeline_mode<synchronous>, transform_indices = @transform_22, window_bounds = array<i64: 1, 1024>}, {pipeline_mode = #tpu.pipeline_mode<synchronous>, transform_indices = @transform_23, window_bounds = array<i64: 1, 1024>}, {pipeline_mode = #tpu.pipeline_mode<synchronous>, transform_indices = @transform_24, window_bounds = array<i64: 1, 1024>}, {pipeline_mode = #tpu.pipeline_mode<synchronous>, transform_indices = @transform_25, window_bounds = array<i64: 500, 256>}, {pipeline_mode = #tpu.pipeline_mode<synchronous>, transform_indices = @transform_26, window_bounds = array<i64: 1, 500>}]} {
    %eq3A = arith.constant 0 : i32
    %eq3A_0 = arith.cmpi eq, %arg0, %eq3A : i32
    %convert_element_type3A = arith.extui %eq3A_0 : i1 to i32
    %cond3A = arith.constant 0 : i32
    %cond3A_1 = arith.cmpi ne, %convert_element_type3A, %cond3A : i32
    scf.if %cond3A_1 {
      %get3A = arith.constant 0 : index
      %get3A_6 = arith.constant 0 : index
      %get3A_7 = vector.load %arg1[%get3A, %get3A_6] : memref<1024x256xf32, #tpu.memory_space<vmem>>, vector<1024x256xf32>
      %mul3A = arith.constant 5.000000e-01 : f32
      %mul3A_8 = vector.broadcast %mul3A : f32 to vector<1024x256xf32>
      %mul3A_9 = arith.mulf %mul3A_8, %get3A_7 : vector<1024x256xf32>
      %get3A_10 = arith.constant 0 : index
      %get3A_11 = arith.constant 0 : index
      %get3A_12 = vector.load %arg2[%get3A_10, %get3A_11] : memref<1024x256xf32, #tpu.memory_space<vmem>>, vector<1024x256xf32>
      %mul3A_13 = arith.constant 5.000000e-01 : f32
      %mul3A_14 = vector.broadcast %mul3A_13 : f32 to vector<1024x256xf32>
      %mul3A_15 = arith.mulf %mul3A_14, %get3A_12 : vector<1024x256xf32>
      %add3A = arith.addf %mul3A_9, %mul3A_15 : vector<1024x256xf32>
      %get3A_16 = arith.constant 0 : index
      %get3A_17 = arith.constant 0 : index
      %get3A_18 = vector.load %arg5[%get3A_16, %get3A_17] : memref<128x256xf32, #tpu.memory_space<vmem>>, vector<128x256xf32>
      %dot_general3A = arith.constant dense<0.000000e+00> : vector<1024x128xf32>
      %dot_general3A_19 = tpu.matmul %add3A, %get3A_18, %dot_general3A {dimension_numbers = #tpu.dot_dimension_numbers<[1], [1], [0], [0], [0, 0, 1, 0], [], []>, transpose_lhs_hint = false} : vector<1024x256xf32>, vector<128x256xf32>, vector<1024x128xf32> -> vector<1024x128xf32>
      %get3A_20 = arith.constant 0 : index
      %get3A_21 = vector.load %arg6[%get3A_20] : memref<128xf32, #tpu.memory_space<vmem>>, vector<128xf32>
      %reshape3A = vector.shape_cast %get3A_21 : vector<128xf32> to vector<1x128xf32>
      %add3A_22 = vector.broadcast %reshape3A : vector<1x128xf32> to vector<1024x128xf32>
      %add3A_23 = arith.addf %dot_general3A_19, %add3A_22 : vector<1024x128xf32>
      %max3A = arith.constant 0.000000e+00 : f32
      %max3A_24 = vector.broadcast %max3A : f32 to vector<1024x128xf32>
      %max3A_25 = arith.maximumf %add3A_23, %max3A_24 : vector<1024x128xf32>
      %get3A_26 = arith.constant 0 : index
      %get3A_27 = arith.constant 0 : index
      %get3A_28 = vector.load %arg7[%get3A_26, %get3A_27] : memref<2x128xf32, #tpu.memory_space<vmem>>, vector<2x128xf32>
      %dot_general3A_29 = arith.constant dense<0.000000e+00> : vector<1024x2xf32>
      %dot_general3A_30 = tpu.matmul %max3A_25, %get3A_28, %dot_general3A_29 {dimension_numbers = #tpu.dot_dimension_numbers<[1], [1], [0], [0], [0, 0, 1, 0], [], []>, transpose_lhs_hint = false} : vector<1024x128xf32>, vector<2x128xf32>, vector<1024x2xf32> -> vector<1024x2xf32>
      %get3A_31 = arith.constant 0 : index
      %get3A_32 = vector.load %arg8[%get3A_31] : memref<2xf32, #tpu.memory_space<vmem>>, vector<2xf32>
      %reshape3A_33 = vector.shape_cast %get3A_32 : vector<2xf32> to vector<1x2xf32>
      %add3A_34 = vector.broadcast %reshape3A_33 : vector<1x2xf32> to vector<1024x2xf32>
      %add3A_35 = arith.addf %dot_general3A_30, %add3A_34 : vector<1024x2xf32>
      %reduce_max3A = arith.constant dense<0xFF800000> : vector<1024xf32>
      %reduce_max3A_36 = vector.multi_reduction <maximumf>, %add3A_35, %reduce_max3A [1] : vector<1024x2xf32> to vector<1024xf32>
      %broadcast_in_dim3A = vector.shape_cast %reduce_max3A_36 : vector<1024xf32> to vector<1024x1xf32>
      %sub3A = vector.broadcast %broadcast_in_dim3A : vector<1024x1xf32> to vector<1024x2xf32>
      %sub3A_37 = arith.subf %add3A_35, %sub3A : vector<1024x2xf32>
      %exp3A = math.exp %sub3A_37 : vector<1024x2xf32>
      %reduce_sum3A = arith.constant dense<0.000000e+00> : vector<1024xf32>
      %reduce_sum3A_38 = vector.multi_reduction <add>, %exp3A, %reduce_sum3A [1] : vector<1024x2xf32> to vector<1024xf32>
      %broadcast_in_dim3A_39 = vector.shape_cast %reduce_sum3A_38 : vector<1024xf32> to vector<1024x1xf32>
      %div3A = vector.broadcast %broadcast_in_dim3A_39 : vector<1024x1xf32> to vector<1024x2xf32>
      %div3A_40 = arith.divf %exp3A, %div3A : vector<1024x2xf32>
      %slice3A = vector.extract_strided_slice %div3A_40 {offsets = [0, 0], sizes = [1024, 1], strides = [1, 1]} : vector<1024x2xf32> to vector<1024x1xf32>
      %slice3A_41 = vector.extract_strided_slice %div3A_40 {offsets = [0, 1], sizes = [1024, 1], strides = [1, 1]} : vector<1024x2xf32> to vector<1024x1xf32>
      %gt3A_42 = arith.cmpf ogt, %slice3A_41, %slice3A : vector<1024x1xf32>
      %convert_element_type3A_43 = arith.extui %gt3A_42 : vector<1024x1xi1> to vector<1024x1xi32>
      %transpose3A = tpu.transpose %slice3A, [1, 0] : vector<1024x1xf32> -> vector<1x1024xf32>
      %swap3A = arith.constant 0 : index
      %swap3A_44 = arith.constant 0 : index
      %swap3A_45 = vector.load %arg21[%swap3A, %swap3A_44] : memref<1x1024xf32, #tpu.memory_space<vmem>>, vector<1x1024xf32>
      tpu.vector_store %arg21[%swap3A, %swap3A_44], %transpose3A {strides = array<i32>} : memref<1x1024xf32, #tpu.memory_space<vmem>>, vector<1x1024xf32>,
      %transpose3A_46 = tpu.transpose %convert_element_type3A_43, [1, 0] : vector<1024x1xi32> -> vector<1x1024xi32>
      %swap3A_47 = arith.constant 0 : index
      %swap3A_48 = arith.constant 0 : index
      %swap3A_49 = vector.load %arg22[%swap3A_47, %swap3A_48] : memref<1x1024xi32, #tpu.memory_space<vmem>>, vector<1x1024xi32>
      tpu.vector_store %arg22[%swap3A_47, %swap3A_48], %transpose3A_46 {strides = array<i32>} : memref<1x1024xi32, #tpu.memory_space<vmem>>, vector<1x1024xi32>,
      %gt3A_50 = arith.constant 0 : i32
      %gt3A_51 = vector.broadcast %gt3A_50 : i32 to vector<1024x1xi32>
      %gt3A_52 = arith.cmpi sgt, %convert_element_type3A_43, %gt3A_51 : vector<1024x1xi32>
      %select_n3A = arith.select %gt3A_52, %slice3A_41, %slice3A : vector<1024x1xi1>, vector<1024x1xf32>
      %log3A = math.log %select_n3A : vector<1024x1xf32>
      %transpose3A_53 = tpu.transpose %log3A, [1, 0] : vector<1024x1xf32> -> vector<1x1024xf32>
      %swap3A_54 = arith.constant 0 : index
      %swap3A_55 = arith.constant 0 : index
      %swap3A_56 = vector.load %arg23[%swap3A_54, %swap3A_55] : memref<1x1024xf32, #tpu.memory_space<vmem>>, vector<1x1024xf32>
      tpu.vector_store %arg23[%swap3A_54, %swap3A_55], %transpose3A_53 {strides = array<i32>} : memref<1x1024xf32, #tpu.memory_space<vmem>>, vector<1x1024xf32>,
      %add3A_57 = arith.constant 9.99999993E-9 : f32
      %add3A_58 = vector.broadcast %add3A_57 : f32 to vector<1024x1xf32>
      %add3A_59 = arith.addf %slice3A, %add3A_58 : vector<1024x1xf32>
      %log3A_60 = math.log %add3A_59 : vector<1024x1xf32>
      %mul3A_61 = arith.mulf %slice3A, %log3A_60 : vector<1024x1xf32>
      %add3A_62 = arith.constant 9.99999993E-9 : f32
      %add3A_63 = vector.broadcast %add3A_62 : f32 to vector<1024x1xf32>
      %add3A_64 = arith.addf %slice3A_41, %add3A_63 : vector<1024x1xf32>
      %log3A_65 = math.log %add3A_64 : vector<1024x1xf32>
      %mul3A_66 = arith.mulf %slice3A_41, %log3A_65 : vector<1024x1xf32>
      %add3A_67 = arith.addf %mul3A_61, %mul3A_66 : vector<1024x1xf32>
      %neg3A = arith.constant 0.000000e+00 : f32
      %neg3A_68 = vector.broadcast %neg3A : f32 to vector<1024x1xf32>
      %neg3A_69 = arith.subf %neg3A_68, %add3A_67 : vector<1024x1xf32>
      %transpose3A_70 = tpu.transpose %neg3A_69, [1, 0] : vector<1024x1xf32> -> vector<1x1024xf32>
      %swap3A_71 = arith.constant 0 : index
      %swap3A_72 = arith.constant 0 : index
      %swap3A_73 = vector.load %arg25[%swap3A_71, %swap3A_72] : memref<1x1024xf32, #tpu.memory_space<vmem>>, vector<1x1024xf32>
      tpu.vector_store %arg25[%swap3A_71, %swap3A_72], %transpose3A_70 {strides = array<i32>} : memref<1x1024xf32, #tpu.memory_space<vmem>>, vector<1x1024xf32>,
      %get3A_74 = arith.constant 0 : index
      %get3A_75 = arith.constant 0 : index
      %get3A_76 = vector.load %arg9[%get3A_74, %get3A_75] : memref<256x256xf32, #tpu.memory_space<vmem>>, vector<256x256xf32>
      %dot_general3A_77 = arith.constant dense<0.000000e+00> : vector<1024x256xf32>
      %dot_general3A_78 = tpu.matmul %add3A, %get3A_76, %dot_general3A_77 {dimension_numbers = #tpu.dot_dimension_numbers<[1], [1], [0], [0], [0, 0, 1, 0], [], []>, transpose_lhs_hint = false} : vector<1024x256xf32>, vector<256x256xf32>, vector<1024x256xf32> -> vector<1024x256xf32>
      %get3A_79 = arith.constant 0 : index
      %get3A_80 = vector.load %arg10[%get3A_79] : memref<256xf32, #tpu.memory_space<vmem>>, vector<256xf32>
      %reshape3A_81 = vector.shape_cast %get3A_80 : vector<256xf32> to vector<1x256xf32>
      %add3A_82 = vector.broadcast %reshape3A_81 : vector<1x256xf32> to vector<1024x256xf32>
      %add3A_83 = arith.addf %dot_general3A_78, %add3A_82 : vector<1024x256xf32>
      %mul3A_84 = arith.mulf %add3A_83, %add3A_83 : vector<1024x256xf32>
      %reduce_sum3A_85 = arith.constant dense<0.000000e+00> : vector<1024xf32>
      %reduce_sum3A_86 = vector.multi_reduction <add>, %mul3A_84, %reduce_sum3A_85 [1] : vector<1024x256xf32> to vector<1024xf32>
      %broadcast_in_dim3A_87 = vector.shape_cast %reduce_sum3A_86 : vector<1024xf32> to vector<1024x1xf32>
      %sqrt3A = math.sqrt %broadcast_in_dim3A_87 : vector<1024x1xf32>
      %max3A_88 = arith.constant 9.99999996E-13 : f32
      %max3A_89 = vector.broadcast %max3A_88 : f32 to vector<1024x1xf32>
      %max3A_90 = arith.maximumf %sqrt3A, %max3A_89 : vector<1024x1xf32>
      %div3A_91 = vector.broadcast %max3A_90 : vector<1024x1xf32> to vector<1024x256xf32>
      %div3A_92 = arith.divf %add3A_83, %div3A_91 : vector<1024x256xf32>
      %get3A_93 = arith.constant 0 : index
      %get3A_94 = arith.constant 0 : index
      %get3A_95 = vector.load %arg11[%get3A_93, %get3A_94] : memref<1x256xf32, #tpu.memory_space<vmem>>, vector<1x256xf32>
      %mul3A_96 = vector.broadcast %get3A_95 : vector<1x256xf32> to vector<1024x256xf32>
      %mul3A_97 = arith.mulf %add3A, %mul3A_96 : vector<1024x256xf32>
      %reduce_sum3A_98 = arith.constant dense<0.000000e+00> : vector<1024xf32>
      %reduce_sum3A_99 = vector.multi_reduction <add>, %mul3A_97, %reduce_sum3A_98 [1] : vector<1024x256xf32> to vector<1024xf32>
      %broadcast_in_dim3A_100 = vector.shape_cast %reduce_sum3A_99 : vector<1024xf32> to vector<1024x1xf32>
      %get3A_101 = arith.constant 0 : index
      %get3A_102 = vector.load %arg12[%get3A_101] : memref<1xf32, #tpu.memory_space<vmem>>, vector<1xf32>
      %reshape3A_103 = vector.shape_cast %get3A_102 : vector<1xf32> to vector<1x1xf32>
      %add3A_104 = vector.broadcast %reshape3A_103 : vector<1x1xf32> to vector<1024x1xf32>
      %add3A_105 = arith.addf %broadcast_in_dim3A_100, %add3A_104 : vector<1024x1xf32>
      %neg3A_106 = arith.constant 0.000000e+00 : f32
      %neg3A_107 = vector.broadcast %neg3A_106 : f32 to vector<1024x1xf32>
      %neg3A_108 = arith.subf %neg3A_107, %add3A_105 : vector<1024x1xf32>
      %exp3A_109 = math.exp %neg3A_108 : vector<1024x1xf32>
      %add3A_110 = arith.constant 1.000000e+00 : f32
      %add3A_111 = vector.broadcast %add3A_110 : f32 to vector<1024x1xf32>
      %add3A_112 = arith.addf %add3A_111, %exp3A_109 : vector<1024x1xf32>
      %div3A_113 = arith.constant 2.000000e+00 : f32
      %div3A_114 = vector.broadcast %div3A_113 : f32 to vector<1024x1xf32>
      %div3A_115 = arith.divf %div3A_114, %add3A_112 : vector<1024x1xf32>
      %get3A_116 = arith.constant 0 : index
      %get3A_117 = arith.constant 0 : index
      %get3A_118 = vector.load %arg13[%get3A_116, %get3A_117] : memref<1x256xf32, #tpu.memory_space<vmem>>, vector<1x256xf32>
      %mul3A_119 = vector.broadcast %get3A_118 : vector<1x256xf32> to vector<1024x256xf32>
      %mul3A_120 = arith.mulf %add3A, %mul3A_119 : vector<1024x256xf32>
      %reduce_sum3A_121 = arith.constant dense<0.000000e+00> : vector<1024xf32>
      %reduce_sum3A_122 = vector.multi_reduction <add>, %mul3A_120, %reduce_sum3A_121 [1] : vector<1024x256xf32> to vector<1024xf32>
      %broadcast_in_dim3A_123 = vector.shape_cast %reduce_sum3A_122 : vector<1024xf32> to vector<1024x1xf32>
      %get3A_124 = arith.constant 0 : index
      %get3A_125 = vector.load %arg14[%get3A_124] : memref<1xf32, #tpu.memory_space<vmem>>, vector<1xf32>
      %reshape3A_126 = vector.shape_cast %get3A_125 : vector<1xf32> to vector<1x1xf32>
      %add3A_127 = vector.broadcast %reshape3A_126 : vector<1x1xf32> to vector<1024x1xf32>
      %add3A_128 = arith.addf %broadcast_in_dim3A_123, %add3A_127 : vector<1024x1xf32>
      %transpose3A_129 = tpu.transpose %add3A_128, [1, 0] : vector<1024x1xf32> -> vector<1x1024xf32>
      %swap3A_130 = arith.constant 0 : index
      %swap3A_131 = arith.constant 0 : index
      %swap3A_132 = vector.load %arg24[%swap3A_130, %swap3A_131] : memref<1x1024xf32, #tpu.memory_space<vmem>>, vector<1x1024xf32>
      tpu.vector_store %arg24[%swap3A_130, %swap3A_131], %transpose3A_129 {strides = array<i32>} : memref<1x1024xf32, #tpu.memory_space<vmem>>, vector<1x1024xf32>,
      %mul3A_133 = vector.broadcast %div3A_115 : vector<1024x1xf32> to vector<1024x256xf32>
      %mul3A_134 = arith.mulf %mul3A_133, %div3A_92 : vector<1024x256xf32>
      %add3A_135 = arith.addf %add3A, %mul3A_134 : vector<1024x256xf32>
      %swap3A_136 = arith.constant 0 : index
      %swap3A_137 = arith.constant 0 : index
      %swap3A_138 = vector.load %arg20[%swap3A_136, %swap3A_137] : memref<1024x256xf32, #tpu.memory_space<vmem>>, vector<1024x256xf32>
      tpu.vector_store %arg20[%swap3A_136, %swap3A_137], %add3A_135 {strides = array<i32>} : memref<1024x256xf32, #tpu.memory_space<vmem>>, vector<1024x256xf32>,
      %reduce_sum3A_139 = arith.constant dense<0.000000e+00> : vector<256xf32>
      %reduce_sum3A_140 = vector.multi_reduction <add>, %add3A_135, %reduce_sum3A_139 [0] : vector<1024x256xf32> to vector<256xf32>
      %broadcast_in_dim3A_141 = vector.shape_cast %reduce_sum3A_140 : vector<256xf32> to vector<1x256xf32>
      %div3A_142 = arith.constant 1.024000e+03 : f32
      %div3A_143 = vector.broadcast %div3A_142 : f32 to vector<1x256xf32>
      %div3A_144 = arith.divf %broadcast_in_dim3A_141, %div3A_143 : vector<1x256xf32>
      %reduce_sum3A_145 = vector.shape_cast %add3A_128 : vector<1024x1xf32> to vector<1x1024x1xf32>
      %reduce_sum3A_146 = arith.constant dense<0.000000e+00> : vector<1xf32>
      %reduce_sum3A_147 = vector.multi_reduction <add>, %reduce_sum3A_145, %reduce_sum3A_146 [1, 2] : vector<1x1024x1xf32> to vector<1xf32>
      %reduce_sum3A_148 = vector.shape_cast %reduce_sum3A_147 : vector<1xf32> to vector<1x1x1xf32>
      %reduce_sum3A_149 = vector.extract %reduce_sum3A_148[0, 0, 0] : f32 from vector<1x1x1xf32>
      %div3A_150 = arith.constant 1.024000e+03 : f32
      %div3A_151 = arith.divf %reduce_sum3A_149, %div3A_150 : f32
      %iota3A = tpu.iota {dimensions = array<i32: 0>} : vector<500x256xi32>
      %eq3A_152 = arith.constant 0 : i32
      %eq3A_153 = vector.broadcast %eq3A_152 : i32 to vector<500x256xi32>
      %eq3A_154 = arith.cmpi eq, %iota3A, %eq3A_153 : vector<500x256xi32>
      %get3A_155 = arith.constant 0 : index
      %get3A_156 = arith.constant 0 : index
      %get3A_157 = vector.load %arg3[%get3A_155, %get3A_156] : memref<500x256xf32, #tpu.memory_space<vmem>>, vector<500x256xf32>
      %broadcast_in_dim3A_158 = vector.shape_cast %div3A_144 : vector<1x256xf32> to vector<1x256xf32>
      %broadcast_in_dim3A_159 = vector.broadcast %broadcast_in_dim3A_158 : vector<1x256xf32> to vector<500x256xf32>
      %select_n3A_160 = arith.select %eq3A_154, %broadcast_in_dim3A_159, %get3A_157 : vector<500x256xi1>, vector<500x256xf32>
      %swap3A_161 = arith.constant 0 : index
      %swap3A_162 = arith.constant 0 : index
      %swap3A_163 = vector.load %arg26[%swap3A_161, %swap3A_162] : memref<500x256xf32, #tpu.memory_space<vmem>>, vector<500x256xf32>
      tpu.vector_store %arg26[%swap3A_161, %swap3A_162], %select_n3A_160 {strides = array<i32>} : memref<500x256xf32, #tpu.memory_space<vmem>>, vector<500x256xf32>,
      %get3A_164 = arith.constant 0 : index
      %get3A_165 = vector.load %arg4[%get3A_164] : memref<500xf32, #tpu.memory_space<vmem>>, vector<500xf32>
      %reshape3A_166 = vector.shape_cast %get3A_165 : vector<500xf32> to vector<1x500xf32>
      %iota3A_167 = tpu.iota {dimensions = array<i32: 1>} : vector<1x500xi32>
      %eq3A_168 = arith.constant 0 : i32
      %eq3A_169 = vector.broadcast %eq3A_168 : i32 to vector<1x500xi32>
      %eq3A_170 = arith.cmpi eq, %iota3A_167, %eq3A_169 : vector<1x500xi32>
      %broadcast_in_dim3A_171 = vector.broadcast %div3A_151 : f32 to vector<1x500xf32>
      %select_n3A_172 = arith.select %eq3A_170, %broadcast_in_dim3A_171, %reshape3A_166 : vector<1x500xi1>, vector<1x500xf32>
      %swap3A_173 = arith.constant 0 : index
      %swap3A_174 = arith.constant 0 : index
      %swap3A_175 = vector.load %arg27[%swap3A_173, %swap3A_174] : memref<1x500xf32, #tpu.memory_space<vmem>>, vector<1x500xf32>
      tpu.vector_store %arg27[%swap3A_173, %swap3A_174], %select_n3A_172 {strides = array<i32>} : memref<1x500xf32, #tpu.memory_space<vmem>>, vector<1x500xf32>,
      %get3A_176 = arith.constant 0 : index
      %get3A_177 = arith.constant 0 : index
      %get3A_178 = vector.load %arg15[%get3A_176, %get3A_177] : memref<1024x256xf32, #tpu.memory_space<vmem>>, vector<1024x256xf32>
      %dot_general3A_179 = arith.constant dense<0.000000e+00> : vector<1024x1024xf32>
      %dot_general3A_180 = tpu.matmul %add3A_135, %get3A_178, %dot_general3A_179 {dimension_numbers = #tpu.dot_dimension_numbers<[1], [1], [0], [0], [0, 0, 1, 0], [], []>, transpose_lhs_hint = false} : vector<1024x256xf32>, vector<1024x256xf32>, vector<1024x1024xf32> -> vector<1024x1024xf32>
      %get3A_181 = arith.constant 0 : index
      %get3A_182 = vector.load %arg16[%get3A_181] : memref<1024xf32, #tpu.memory_space<vmem>>, vector<1024xf32>
      %reshape3A_183 = vector.shape_cast %get3A_182 : vector<1024xf32> to vector<1x1024xf32>
      %add3A_184 = vector.broadcast %reshape3A_183 : vector<1x1024xf32> to vector<1024x1024xf32>
      %add3A_185 = arith.addf %dot_general3A_180, %add3A_184 : vector<1024x1024xf32>
      %max3A_186 = arith.constant 0.000000e+00 : f32
      %max3A_187 = vector.broadcast %max3A_186 : f32 to vector<1024x1024xf32>
      %max3A_188 = arith.maximumf %add3A_185, %max3A_187 : vector<1024x1024xf32>
      %swap3A_189 = arith.constant 0 : index
      %swap3A_190 = arith.constant 0 : index
      %swap3A_191 = vector.load %arg28[%swap3A_189, %swap3A_190] : memref<1024x1024xf32, #tpu.memory_space<vmem>>, vector<1024x1024xf32>
      tpu.vector_store %arg28[%swap3A_189, %swap3A_190], %max3A_188 {strides = array<i32>} : memref<1024x1024xf32, #tpu.memory_space<vmem>>, vector<1024x1024xf32>,
    } else {
    }
    %gt3A = arith.constant 0 : i32
    %gt3A_2 = arith.cmpi sgt, %arg0, %gt3A : i32
    %convert_element_type3A_3 = arith.extui %gt3A_2 : i1 to i32
    %cond3A_4 = arith.constant 0 : i32
    %cond3A_5 = arith.cmpi ne, %convert_element_type3A_3, %cond3A_4 : i32
    scf.if %cond3A_5 {
      %get3A = arith.constant 0 : index
      %get3A_6 = arith.constant 0 : index
      %get3A_7 = vector.load %arg28[%get3A, %get3A_6] : memref<1024x1024xf32, #tpu.memory_space<vmem>>, vector<1024x1024xf32>
      %get3A_8 = arith.constant 0 : index
      %get3A_9 = arith.constant 0 : index
      %get3A_10 = vector.load %arg17[%get3A_8, %get3A_9] : memref<512x1024xf32, #tpu.memory_space<vmem>>, vector<512x1024xf32>
      %dot_general3A = arith.constant dense<0.000000e+00> : vector<1024x512xf32>
      %dot_general3A_11 = tpu.matmul %get3A_7, %get3A_10, %dot_general3A {dimension_numbers = #tpu.dot_dimension_numbers<[1], [1], [0], [0], [0, 0, 1, 0], [], []>, transpose_lhs_hint = false} : vector<1024x1024xf32>, vector<512x1024xf32>, vector<1024x512xf32> -> vector<1024x512xf32>
      %get3A_12 = arith.constant 0 : index
      %get3A_13 = vector.load %arg18[%get3A_12] : memref<512xf32, #tpu.memory_space<vmem>>, vector<512xf32>
      %reshape3A = vector.shape_cast %get3A_13 : vector<512xf32> to vector<1x512xf32>
      %add3A = vector.broadcast %reshape3A : vector<1x512xf32> to vector<1024x512xf32>
      %add3A_14 = arith.addf %dot_general3A_11, %add3A : vector<1024x512xf32>
      %swap3A = arith.constant 0 : index
      %swap3A_15 = arith.constant 0 : index
      %swap3A_16 = vector.load %arg19[%swap3A, %swap3A_15] : memref<1024x512xf32, #tpu.memory_space<vmem>>, vector<1024x512xf32>
      tpu.vector_store %arg19[%swap3A, %swap3A_15], %add3A_14 {strides = array<i32>} : memref<1024x512xf32, #tpu.memory_space<vmem>>, vector<1024x512xf32>,
    } else {
    }
    return
  }
  func.func @transform_0(%arg0: i32) -> (i32, i32) {
    %c0_i32 = arith.constant 0 : i32
    %c0_i32_0 = arith.constant 0 : i32
    %c0_i32_1 = arith.constant 0 : i32
    return %c0_i32, %c0_i32_0 : i32, i32
  }
  func.func @transform_1(%arg0: i32) -> (i32, i32) {
    %c0_i32 = arith.constant 0 : i32
    %c0_i32_0 = arith.constant 0 : i32
    %c0_i32_1 = arith.constant 0 : i32
    return %c0_i32, %c0_i32_0 : i32, i32
  }
  func.func @transform_2(%arg0: i32) -> (i32, i32) {
    %c0_i32 = arith.constant 0 : i32
    %c0_i32_0 = arith.constant 0 : i32
    %c0_i32_1 = arith.constant 0 : i32
    return %c0_i32, %c0_i32_0 : i32, i32
  }
  func.func @transform_3(%arg0: i32) -> i32 {
    %c0_i32 = arith.constant 0 : i32
    %c0_i32_0 = arith.constant 0 : i32
    return %c0_i32 : i32
  }
  func.func @transform_4(%arg0: i32) -> (i32, i32) {
    %c0_i32 = arith.constant 0 : i32
    %c0_i32_0 = arith.constant 0 : i32
    %c0_i32_1 = arith.constant 0 : i32
    return %c0_i32, %c0_i32_0 : i32, i32
  }
  func.func @transform_5(%arg0: i32) -> i32 {
    %c0_i32 = arith.constant 0 : i32
    %c0_i32_0 = arith.constant 0 : i32
    return %c0_i32 : i32
  }
  func.func @transform_6(%arg0: i32) -> (i32, i32) {
    %c0_i32 = arith.constant 0 : i32
    %c0_i32_0 = arith.constant 0 : i32
    %c0_i32_1 = arith.constant 0 : i32
    return %c0_i32, %c0_i32_0 : i32, i32
  }
  func.func @transform_7(%arg0: i32) -> i32 {
    %c0_i32 = arith.constant 0 : i32
    %c0_i32_0 = arith.constant 0 : i32
    return %c0_i32 : i32
  }
  func.func @transform_8(%arg0: i32) -> (i32, i32) {
    %c0_i32 = arith.constant 0 : i32
    %c0_i32_0 = arith.constant 0 : i32
    %c0_i32_1 = arith.constant 0 : i32
    return %c0_i32, %c0_i32_0 : i32, i32
  }
  func.func @transform_9(%arg0: i32) -> i32 {
    %c0_i32 = arith.constant 0 : i32
    %c0_i32_0 = arith.constant 0 : i32
    return %c0_i32 : i32
  }
  func.func @transform_10(%arg0: i32) -> (i32, i32) {
    %c0_i32 = arith.constant 0 : i32
    %c0_i32_0 = arith.constant 0 : i32
    %c0_i32_1 = arith.constant 0 : i32
    return %c0_i32, %c0_i32_0 : i32, i32
  }
  func.func @transform_11(%arg0: i32) -> i32 {
    %c0_i32 = arith.constant 0 : i32
    %c0_i32_0 = arith.constant 0 : i32
    return %c0_i32 : i32
  }
  func.func @transform_12(%arg0: i32) -> (i32, i32) {
    %c0_i32 = arith.constant 0 : i32
    %c0_i32_0 = arith.constant 0 : i32
    %c0_i32_1 = arith.constant 0 : i32
    return %c0_i32, %c0_i32_0 : i32, i32
  }
  func.func @transform_13(%arg0: i32) -> i32 {
    %c0_i32 = arith.constant 0 : i32
    %c0_i32_0 = arith.constant 0 : i32
    return %c0_i32 : i32
  }
  func.func @transform_14(%arg0: i32) -> (i32, i32) {
    %c0_i32 = arith.constant 0 : i32
    %c0_i32_0 = arith.constant 0 : i32
    %c0_i32_1 = arith.constant 0 : i32
    return %c0_i32, %c0_i32_0 : i32, i32
  }
  func.func @transform_15(%arg0: i32) -> i32 {
    %c0_i32 = arith.constant 0 : i32
    %c0_i32_0 = arith.constant 0 : i32
    return %c0_i32 : i32
  }
  func.func @transform_16(%arg0: i32) -> (i32, i32) {
    %sub3A = arith.constant 1 : i32
    %sub3A_0 = arith.subi %arg0, %sub3A : i32
    %max3A = arith.constant 0 : i32
    %max3A_1 = arith.maxsi %sub3A_0, %max3A : i32
    %c0_i32 = arith.constant 0 : i32
    %c0_i32_2 = arith.constant 0 : i32
    return %max3A_1, %c0_i32 : i32, i32
  }
  func.func @transform_17(%arg0: i32) -> i32 {
    %sub3A = arith.constant 1 : i32
    %sub3A_0 = arith.subi %arg0, %sub3A : i32
    %max3A = arith.constant 0 : i32
    %max3A_1 = arith.maxsi %sub3A_0, %max3A : i32
    %c0_i32 = arith.constant 0 : i32
    return %max3A_1 : i32
  }
  func.func @transform_18(%arg0: i32) -> (i32, i32) {
    %sub3A = arith.constant 1 : i32
    %sub3A_0 = arith.subi %arg0, %sub3A : i32
    %max3A = arith.constant 0 : i32
    %max3A_1 = arith.maxsi %sub3A_0, %max3A : i32
    %c0_i32 = arith.constant 0 : i32
    %c0_i32_2 = arith.constant 0 : i32
    return %c0_i32, %max3A_1 : i32, i32
  }
  func.func @transform_19(%arg0: i32) -> (i32, i32) {
    %c0_i32 = arith.constant 0 : i32
    %c0_i32_0 = arith.constant 0 : i32
    %c0_i32_1 = arith.constant 0 : i32
    return %c0_i32, %c0_i32_0 : i32, i32
  }
  func.func @transform_20(%arg0: i32) -> (i32, i32) {
    %c0_i32 = arith.constant 0 : i32
    %c0_i32_0 = arith.constant 0 : i32
    %c0_i32_1 = arith.constant 0 : i32
    return %c0_i32, %c0_i32_0 : i32, i32
  }
  func.func @transform_21(%arg0: i32) -> (i32, i32) {
    %c0_i32 = arith.constant 0 : i32
    %c0_i32_0 = arith.constant 0 : i32
    %c0_i32_1 = arith.constant 0 : i32
    return %c0_i32, %c0_i32_0 : i32, i32
  }
  func.func @transform_22(%arg0: i32) -> (i32, i32) {
    %c0_i32 = arith.constant 0 : i32
    %c0_i32_0 = arith.constant 0 : i32
    %c0_i32_1 = arith.constant 0 : i32
    return %c0_i32, %c0_i32_0 : i32, i32
  }
  func.func @transform_23(%arg0: i32) -> (i32, i32) {
    %c0_i32 = arith.constant 0 : i32
    %c0_i32_0 = arith.constant 0 : i32
    %c0_i32_1 = arith.constant 0 : i32
    return %c0_i32, %c0_i32_0 : i32, i32
  }
  func.func @transform_24(%arg0: i32) -> (i32, i32) {
    %c0_i32 = arith.constant 0 : i32
    %c0_i32_0 = arith.constant 0 : i32
    %c0_i32_1 = arith.constant 0 : i32
    return %c0_i32, %c0_i32_0 : i32, i32
  }
  func.func @transform_25(%arg0: i32) -> (i32, i32) {
    %c0_i32 = arith.constant 0 : i32
    %c0_i32_0 = arith.constant 0 : i32
    %c0_i32_1 = arith.constant 0 : i32
    return %c0_i32, %c0_i32_0 : i32, i32
  }
  func.func @transform_26(%arg0: i32) -> (i32, i32) {
    %c0_i32 = arith.constant 0 : i32
    %c0_i32_0 = arith.constant 0 : i32
    %c0_i32_1 = arith.constant 0 : i32
    return %c0_i32, %c0_i32_0 : i32, i32
  }
}

module attributes {stable_mosaic.version = 14 : i64} {
  func.func @_tc_a(%arg0: i32, %arg1: memref<1024x512xf32, #tpu.memory_space<vmem>>, %arg2: memref<1024x512xf32, #tpu.memory_space<vmem>>, %arg3: memref<1024xf32, #tpu.memory_space<vmem>>, %arg4: memref<256x1024xf32, #tpu.memory_space<vmem>>, %arg5: memref<256xf32, #tpu.memory_space<vmem>>, %arg6: memref<500x256xf32, #tpu.memory_space<vmem>>, %arg7: memref<500xf32, #tpu.memory_space<vmem>>, %arg8: memref<1024x256xf32, #tpu.memory_space<vmem>>, %arg9: memref<1024x512xf32, #tpu.memory_space<vmem>>, %arg10: memref<1024x1024xf32, #tpu.memory_space<vmem>>) attributes {dimension_semantics = [#tpu.dimension_semantics<arbitrary>], iteration_bounds = array<i64: 8>, scalar_prefetch = 0 : i64, scratch_operands = 1 : i64, tpu.core_type = #tpu.core_type<tc>, window_params = [{transform_indices = @transform_0, window_bounds = array<i64: 1024, 512>}, {transform_indices = @transform_1, window_bounds = array<i64: 1024, 512>}, {pipeline_mode = #tpu.pipeline_mode<synchronous>, transform_indices = @transform_2, window_bounds = array<i64: 1024>}, {pipeline_mode = #tpu.pipeline_mode<synchronous>, transform_indices = @transform_3, window_bounds = array<i64: 256, 1024>}, {pipeline_mode = #tpu.pipeline_mode<synchronous>, transform_indices = @transform_4, window_bounds = array<i64: 256>}, {pipeline_mode = #tpu.pipeline_mode<synchronous>, transform_indices = @transform_5, window_bounds = array<i64: 500, 256>}, {pipeline_mode = #tpu.pipeline_mode<synchronous>, transform_indices = @transform_6, window_bounds = array<i64: 500>}, {pipeline_mode = #tpu.pipeline_mode<synchronous>, transform_indices = @transform_7, window_bounds = array<i64: 1024, 256>}, {pipeline_mode = #tpu.pipeline_mode<synchronous>, transform_indices = @transform_8, window_bounds = array<i64: 1024, 512>}]} {
    %eq3A = arith.constant 0 : i32
    %eq3A_0 = arith.cmpi eq, %arg0, %eq3A : i32
    %convert_element_type3A = arith.extui %eq3A_0 : i1 to i32
    %cond3A = arith.constant 0 : i32
    %cond3A_1 = arith.cmpi ne, %convert_element_type3A, %cond3A : i32
    scf.if %cond3A_1 {
      %get3A = arith.constant 0 : index
      %get3A_11 = arith.constant 0 : index
      %get3A_12 = vector.load %arg1[%get3A, %get3A_11] : memref<1024x512xf32, #tpu.memory_space<vmem>>, vector<1024x512xf32>
      %get3A_13 = arith.constant 0 : index
      %get3A_14 = arith.constant 0 : index
      %get3A_15 = vector.load %arg2[%get3A_13, %get3A_14] : memref<1024x512xf32, #tpu.memory_space<vmem>>, vector<1024x512xf32>
      %dot_general3A = arith.constant dense<0.000000e+00> : vector<1024x1024xf32>
      %dot_general3A_16 = tpu.matmul %get3A_12, %get3A_15, %dot_general3A {dimension_numbers = #tpu.dot_dimension_numbers<[1], [1], [0], [0], [0, 0, 1, 0], [], []>, transpose_lhs_hint = false} : vector<1024x512xf32>, vector<1024x512xf32>, vector<1024x1024xf32> -> vector<1024x1024xf32>
      %swap3A = arith.constant 0 : index
      %swap3A_17 = arith.constant 0 : index
      %swap3A_18 = vector.load %arg10[%swap3A, %swap3A_17] : memref<1024x1024xf32, #tpu.memory_space<vmem>>, vector<1024x1024xf32>
      tpu.vector_store %arg10[%swap3A, %swap3A_17], %dot_general3A_16 {strides = array<i32>} : memref<1024x1024xf32, #tpu.memory_space<vmem>>, vector<1024x1024xf32>,
    } else {
    }
    %gt3A = arith.constant 0 : i32
    %gt3A_2 = arith.cmpi sgt, %arg0, %gt3A : i32
    %convert_element_type3A_3 = arith.extui %gt3A_2 : i1 to i32
    %cond3A_4 = arith.constant 0 : i32
    %cond3A_5 = arith.cmpi ne, %convert_element_type3A_3, %cond3A_4 : i32
    scf.if %cond3A_5 {
      %get3A = arith.constant 0 : index
      %get3A_11 = arith.constant 0 : index
      %get3A_12 = vector.load %arg10[%get3A, %get3A_11] : memref<1024x1024xf32, #tpu.memory_space<vmem>>, vector<1024x1024xf32>
      %get3A_13 = arith.constant 0 : index
      %get3A_14 = arith.constant 0 : index
      %get3A_15 = vector.load %arg1[%get3A_13, %get3A_14] : memref<1024x512xf32, #tpu.memory_space<vmem>>, vector<1024x512xf32>
      %get3A_16 = arith.constant 0 : index
      %get3A_17 = arith.constant 0 : index
      %get3A_18 = vector.load %arg2[%get3A_16, %get3A_17] : memref<1024x512xf32, #tpu.memory_space<vmem>>, vector<1024x512xf32>
      %dot_general3A = arith.constant dense<0.000000e+00> : vector<1024x1024xf32>
      %dot_general3A_19 = tpu.matmul %get3A_15, %get3A_18, %dot_general3A {dimension_numbers = #tpu.dot_dimension_numbers<[1], [1], [0], [0], [0, 0, 1, 0], [], []>, transpose_lhs_hint = false} : vector<1024x512xf32>, vector<1024x512xf32>, vector<1024x1024xf32> -> vector<1024x1024xf32>
      %add3A = arith.addf %get3A_12, %dot_general3A_19 : vector<1024x1024xf32>
      %swap3A = arith.constant 0 : index
      %swap3A_20 = arith.constant 0 : index
      %swap3A_21 = vector.load %arg10[%swap3A, %swap3A_20] : memref<1024x1024xf32, #tpu.memory_space<vmem>>, vector<1024x1024xf32>
      tpu.vector_store %arg10[%swap3A, %swap3A_20], %add3A {strides = array<i32>} : memref<1024x1024xf32, #tpu.memory_space<vmem>>, vector<1024x1024xf32>,
    } else {
    }
    %eq3A_6 = arith.constant 7 : i32
    %eq3A_7 = arith.cmpi eq, %arg0, %eq3A_6 : i32
    %convert_element_type3A_8 = arith.extui %eq3A_7 : i1 to i32
    %cond3A_9 = arith.constant 0 : i32
    %cond3A_10 = arith.cmpi ne, %convert_element_type3A_8, %cond3A_9 : i32
    scf.if %cond3A_10 {
      %get3A = arith.constant 0 : index
      %get3A_11 = arith.constant 0 : index
      %get3A_12 = vector.load %arg10[%get3A, %get3A_11] : memref<1024x1024xf32, #tpu.memory_space<vmem>>, vector<1024x1024xf32>
      %get3A_13 = arith.constant 0 : index
      %get3A_14 = vector.load %arg3[%get3A_13] : memref<1024xf32, #tpu.memory_space<vmem>>, vector<1024xf32>
      %reshape3A = vector.shape_cast %get3A_14 : vector<1024xf32> to vector<1x1024xf32>
      %add3A = vector.broadcast %reshape3A : vector<1x1024xf32> to vector<1024x1024xf32>
      %add3A_15 = arith.addf %get3A_12, %add3A : vector<1024x1024xf32>
      %max3A = arith.constant 0.000000e+00 : f32
      %max3A_16 = vector.broadcast %max3A : f32 to vector<1024x1024xf32>
      %max3A_17 = arith.maximumf %add3A_15, %max3A_16 : vector<1024x1024xf32>
      %get3A_18 = arith.constant 0 : index
      %get3A_19 = arith.constant 0 : index
      %get3A_20 = vector.load %arg4[%get3A_18, %get3A_19] : memref<256x1024xf32, #tpu.memory_space<vmem>>, vector<256x1024xf32>
      %dot_general3A = arith.constant dense<0.000000e+00> : vector<1024x256xf32>
      %dot_general3A_21 = tpu.matmul %max3A_17, %get3A_20, %dot_general3A {dimension_numbers = #tpu.dot_dimension_numbers<[1], [1], [0], [0], [0, 0, 1, 0], [], []>, transpose_lhs_hint = false} : vector<1024x1024xf32>, vector<256x1024xf32>, vector<1024x256xf32> -> vector<1024x256xf32>
      %get3A_22 = arith.constant 0 : index
      %get3A_23 = vector.load %arg5[%get3A_22] : memref<256xf32, #tpu.memory_space<vmem>>, vector<256xf32>
      %reshape3A_24 = vector.shape_cast %get3A_23 : vector<256xf32> to vector<1x256xf32>
      %add3A_25 = vector.broadcast %reshape3A_24 : vector<1x256xf32> to vector<1024x256xf32>
      %add3A_26 = arith.addf %dot_general3A_21, %add3A_25 : vector<1024x256xf32>
      %swap3A = arith.constant 0 : index
      %swap3A_27 = arith.constant 0 : index
      %swap3A_28 = vector.load %arg8[%swap3A, %swap3A_27] : memref<1024x256xf32, #tpu.memory_space<vmem>>, vector<1024x256xf32>
      tpu.vector_store %arg8[%swap3A, %swap3A_27], %add3A_26 {strides = array<i32>} : memref<1024x256xf32, #tpu.memory_space<vmem>>, vector<1024x256xf32>,
      %mul3A = arith.mulf %add3A_26, %add3A_26 : vector<1024x256xf32>
      %reduce_sum3A = arith.constant dense<0.000000e+00> : vector<1024xf32>
      %reduce_sum3A_29 = vector.multi_reduction <add>, %mul3A, %reduce_sum3A [1] : vector<1024x256xf32> to vector<1024xf32>
      %broadcast_in_dim3A = vector.shape_cast %reduce_sum3A_29 : vector<1024xf32> to vector<1024x1xf32>
      %sqrt3A = math.sqrt %broadcast_in_dim3A : vector<1024x1xf32>
      %max3A_30 = arith.constant 9.99999996E-13 : f32
      %max3A_31 = vector.broadcast %max3A_30 : f32 to vector<1024x1xf32>
      %max3A_32 = arith.maximumf %sqrt3A, %max3A_31 : vector<1024x1xf32>
      %div3A = vector.broadcast %max3A_32 : vector<1024x1xf32> to vector<1024x256xf32>
      %div3A_33 = arith.divf %add3A_26, %div3A : vector<1024x256xf32>
      %get3A_34 = arith.constant 0 : index
      %get3A_35 = arith.constant 0 : index
      %get3A_36 = vector.load %arg6[%get3A_34, %get3A_35] : memref<500x256xf32, #tpu.memory_space<vmem>>, vector<500x256xf32>
      %mul3A_37 = arith.mulf %get3A_36, %get3A_36 : vector<500x256xf32>
      %reduce_sum3A_38 = arith.constant dense<0.000000e+00> : vector<500xf32>
      %reduce_sum3A_39 = vector.multi_reduction <add>, %mul3A_37, %reduce_sum3A_38 [1] : vector<500x256xf32> to vector<500xf32>
      %broadcast_in_dim3A_40 = vector.shape_cast %reduce_sum3A_39 : vector<500xf32> to vector<500x1xf32>
      %sqrt3A_41 = math.sqrt %broadcast_in_dim3A_40 : vector<500x1xf32>
      %max3A_42 = arith.constant 9.99999996E-13 : f32
      %max3A_43 = vector.broadcast %max3A_42 : f32 to vector<500x1xf32>
      %max3A_44 = arith.maximumf %sqrt3A_41, %max3A_43 : vector<500x1xf32>
      %div3A_45 = vector.broadcast %max3A_44 : vector<500x1xf32> to vector<500x256xf32>
      %div3A_46 = arith.divf %get3A_36, %div3A_45 : vector<500x256xf32>
      %dot_general3A_47 = arith.constant dense<0.000000e+00> : vector<1024x500xf32>
      %dot_general3A_48 = tpu.matmul %div3A_33, %div3A_46, %dot_general3A_47 {dimension_numbers = #tpu.dot_dimension_numbers<[1], [1], [0], [0], [0, 0, 1, 0], [], []>, transpose_lhs_hint = false} : vector<1024x256xf32>, vector<500x256xf32>, vector<1024x500xf32> -> vector<1024x500xf32>
      %get3A_49 = arith.constant 0 : index
      %get3A_50 = vector.load %arg7[%get3A_49] : memref<500xf32, #tpu.memory_space<vmem>>, vector<500xf32>
      %reshape3A_51 = vector.shape_cast %get3A_50 : vector<500xf32> to vector<1x500xf32>
      %add3A_52 = arith.constant 9.99999993E-9 : f32
      %add3A_53 = vector.broadcast %add3A_52 : f32 to vector<1x500xf32>
      %add3A_54 = arith.addf %reshape3A_51, %add3A_53 : vector<1x500xf32>
      %mul3A_55 = vector.broadcast %add3A_54 : vector<1x500xf32> to vector<1024x500xf32>
      %mul3A_56 = arith.mulf %dot_general3A_48, %mul3A_55 : vector<1024x500xf32>
      %broadcast_in_dim3A_57 = arith.constant 0xFF800000 : f32
      %broadcast_in_dim3A_58 = vector.broadcast %broadcast_in_dim3A_57 : f32 to vector<1024x12xf32>
      %concatenate3A = tpu.concatenate %mul3A_56, %broadcast_in_dim3A_58 in 1 : vector<1024x500xf32>, vector<1024x12xf32> -> vector<1024x512xf32>
      %swap3A_59 = arith.constant 0 : index
      %swap3A_60 = arith.constant 0 : index
      %swap3A_61 = vector.load %arg9[%swap3A_59, %swap3A_60] : memref<1024x512xf32, #tpu.memory_space<vmem>>, vector<1024x512xf32>
      tpu.vector_store %arg9[%swap3A_59, %swap3A_60], %concatenate3A {strides = array<i32>} : memref<1024x512xf32, #tpu.memory_space<vmem>>, vector<1024x512xf32>,
    } else {
    }
    return
  }
  func.func @transform_0(%arg0: i32) -> (i32, i32) {
    %c0_i32 = arith.constant 0 : i32
    %c0_i32_0 = arith.constant 0 : i32
    return %c0_i32, %arg0 : i32, i32
  }
  func.func @transform_1(%arg0: i32) -> (i32, i32) {
    %c0_i32 = arith.constant 0 : i32
    %c0_i32_0 = arith.constant 0 : i32
    return %c0_i32, %arg0 : i32, i32
  }
  func.func @transform_2(%arg0: i32) -> i32 {
    %c0_i32 = arith.constant 0 : i32
    %c0_i32_0 = arith.constant 0 : i32
    return %c0_i32 : i32
  }
  func.func @transform_3(%arg0: i32) -> (i32, i32) {
    %c0_i32 = arith.constant 0 : i32
    %c0_i32_0 = arith.constant 0 : i32
    %c0_i32_1 = arith.constant 0 : i32
    return %c0_i32, %c0_i32_0 : i32, i32
  }
  func.func @transform_4(%arg0: i32) -> i32 {
    %c0_i32 = arith.constant 0 : i32
    %c0_i32_0 = arith.constant 0 : i32
    return %c0_i32 : i32
  }
  func.func @transform_5(%arg0: i32) -> (i32, i32) {
    %c0_i32 = arith.constant 0 : i32
    %c0_i32_0 = arith.constant 0 : i32
    %c0_i32_1 = arith.constant 0 : i32
    return %c0_i32, %c0_i32_0 : i32, i32
  }
  func.func @transform_6(%arg0: i32) -> i32 {
    %c0_i32 = arith.constant 0 : i32
    %c0_i32_0 = arith.constant 0 : i32
    return %c0_i32 : i32
  }
  func.func @transform_7(%arg0: i32) -> (i32, i32) {
    %c0_i32 = arith.constant 0 : i32
    %c0_i32_0 = arith.constant 0 : i32
    %c0_i32_1 = arith.constant 0 : i32
    return %c0_i32, %c0_i32_0 : i32, i32
  }
  func.func @transform_8(%arg0: i32) -> (i32, i32) {
    %c0_i32 = arith.constant 0 : i32
    %c0_i32_0 = arith.constant 0 : i32
    %c0_i32_1 = arith.constant 0 : i32
    return %c0_i32, %c0_i32_0 : i32, i32
  }
}

</mosaic_0001>

<sc_bundles>
// kernel: kernel.5.cloned.1.call-start
scs
__scs_entry_jumppad:
0x0: {  	(pc) =	sbr.rel $0x88, $3  }
0x1: {  	(tag) =	ssettag $0x0;
	lr =	simm.s32 $0x1  }
0x2: {  	[smem:$0x3F8B] =	sst lr;
	_ =	strace $0xD0000000  }
0x3: {  	_ = 	snop  }
0x4: {  	_ = 	snop  }
0x5: {  	_ = 	snop  }
0x6: {  	_ = 	snop  }
0x7: {  	_ = 	snop  }
__scs_overlays_trampoline_lowered:
0x8: {  	[smem:$0x3F9A] =	sst s0  }
0x9: {  	[smem:$0x3F9B] =	sst s1  }
0xa: {  	[smem:$0x3F9C] =	sst s2  }
0xb: {  	[smem:$0x3F9D] =	sst s3  }
0xc: {  	[smem:$0x3F9E] =	sst s4  }
0xd: {  	[smem:$0x3F9F] =	sst s5  }
0xe: {  	[smem:$0x3FA0] =	sst s6  }
0xf: {  	[smem:$0x3FA1] =	sst s7  }
0x10: {  	[smem:$0x3FA2] =	sst s8  }
0x11: {  	[smem:$0x3FA3] =	sst s9;
	s0 =	simm.s32 @!p0 $0x0  }
0x12: {  	s1 =	sld [smem:$0x3F89];
	s0 =	simm.s32 @p0 $0x1  }
0x13: {  	[smem:$0x3FA4] =	sst s0;
	s0 =	simm.s32 @!p1 $0x0  }
0x14: {  	s2 =	sld [smem:$0x3F88];
	s0 =	simm.s32 @p1 $0x1  }
0x15: {  	[smem:$0x3FA5] =	sst s0;
	s0 =	simm.s32 @!p2 $0x0  }
0x16: {  	s3 =	sld [smem:$0x3FDB];
	s0 =	simm.s32 @p2 $0x1  }
0x17: {  	s4 =	simm.s32 $0x1BF5;
	[smem:$0x3FA7] =	sst s0  }
0x18: {  	s0 =	sld [smem:$0x3F8A];
	_ =	swait.ge [sflag:s4], $0x0  }
0x19: {  	s7 =	sld [smem:$0x3F8B]  }
0x1a: {  	s8 =	sadd.s32 $0xFFFFE003, lr  }
0x1b: {  	s9 =	sadd.s32 $0xFFFFFEF7, lr;
	s5 =	simm.s32 $0xFFFFFFFF;
	p2 =	slt.u32 s8, $0xFFFFF086  }
0x1c: {  	p1 =	slt.u32 s9, $0xF7A;
	s5 =	simm.s32 @!p2 $0x0  }
0x1d: {  	s5 =	simm.s32 @p1 $0x1;
	p0 =	seq.s32 s7, s2  }
0x1e: {  	s7 =	smul.u32 @!p0 $0xF7A, s2;
	p2 =	seq.s32 @!p0 s5, $0x0  }
0x1f: {  	s9 =	smul.u32 $0xF7A, s1;
	s8 =	simm.s32 @!p0 $0x1BF5;
	p2 =	por !p2, p0  }
0x20: {  	[sflag:s8] =	ssyncset.s32 @!p0 $0xFFFFF086;
	s6 =	sadd.s32 @!p0 s3, s7;
	s7 =	simm.s32 @!p0 $0x108  }
0x21: {  	s3 =	sadd.s32 s3, s9;
	s6 =	sadd.s32 @!p0 $0x88, s6;
	s7 =	simm.s32 @p2 $0x1082  }
0x22: {  	[simem:s7], [sflag:s8] =	dma.local @!p0 [hbm:s6], $0xF7A  }
0x23: {  	s9 =	sor.u32 $0xD0000000, s2;
	s6 =	simm.s32 $0x108;
	_ =	swait.ge @!p0 [sflag:s8], $0x0  }
0x24: {  	s3 =	sadd.s32 $0x88, s3;
	s6 =	simm.s32 @!p1 $0x1082;
	[sflag:s4] =	ssyncset.s32 $0xFFFFF086  }
0x25: {  	[simem:s6], [sflag:s4] =	dma.local [hbm:s3], $0xF7A  }
0x26: {  	[smem:$0x3F8B] =	sst s1;
	(tag) =	ssettag s2;
	_ =	strace s9  }
0x27: {  	s1 =	sld [smem:$0x3F9B]  }
0x28: {  	s2 =	sld [smem:$0x3F9C]  }
0x29: {  	s4 =	sld [smem:$0x3F9E]  }
0x2a: {  	p0 =	seq.s32 s5, $0x0;
	s5 =	sld [smem:$0x3F9F]  }
0x2b: {  	s6 =	sld [smem:$0x3FA0]  }
0x2c: {  	s7 =	sld [smem:$0x3FA1]  }
0x2d: {  	s3 =	simm.s32 $0x108;
	s8 =	sld [smem:$0x3FA2]  }
0x2e: {  	s3 =	simm.s32 @!p0 $0x1082;
	s9 =	sld [smem:$0x3FA3]  }
0x2f: {  	lr =	sadd.s32 s0, s3;
	s0 =	sld [smem:$0x3F9A]  }
0x30: {  	s3 =	sld [smem:$0x3F9D]  }
0x31: {  	[smem:$0x3FA6] =	sst s10  }
0x32: {  	s10 =	sld [smem:$0x3FA4];
	_ =	sdelay $0x3  }
0x33: {  	p0 =	seq.s32 s10, $0x1;
	s10 =	sld [smem:$0x3FA6];
	_ =	sdelay $0x3  }
0x34: {  	[smem:$0x3FA6] =	sst s10  }
0x35: {  	s10 =	sld [smem:$0x3FA5];
	_ =	sdelay $0x3  }
0x36: {  	p1 =	seq.s32 s10, $0x1;
	s10 =	sld [smem:$0x3FA6];
	_ =	sdelay $0x3  }
0x37: {  	[smem:$0x3FA6] =	sst s10  }
0x38: {  	s10 =	sld [smem:$0x3FA7]  }
0x39: {  	_ = 	snop;
	(pc) =	sbr.ind lr, $3  }
0x3a: {  	_ = 	snop  }
0x3b: {  	_ = 	snop  }
0x3c: {  	p2 =	seq.s32 s10, $0x1;
	s10 =	sld [smem:$0x3FA6]  }
0x3d: {  	_ =	shalt  }
0x3e: {  	_ =	shalt  }
0x3f: {  	_ =	shalt  }
0x40: {  	_ =	shalt  }
0x41: {  	_ =	shalt  }
0x42: {  	_ =	shalt  }
0x43: {  	_ =	shalt  }
0x44: {  	_ =	shalt  }
0x45: {  	_ =	shalt  }
0x46: {  	_ =	shalt  }
0x47: {  	_ =	shalt  }
0x48: {  	_ =	shalt  }
0x49: {  	_ =	shalt  }
0x4a: {  	_ =	shalt  }
0x4b: {  	_ =	shalt  }
0x4c: {  	_ =	shalt  }
0x4d: {  	_ =	shalt  }
0x4e: {  	_ =	shalt  }
0x4f: {  	_ =	shalt  }
0x50: {  	_ =	shalt  }
0x51: {  	_ =	shalt  }
0x52: {  	_ =	shalt  }
0x53: {  	_ =	shalt  }
0x54: {  	_ =	shalt  }
0x55: {  	_ =	shalt  }
0x56: {  	_ =	shalt  }
0x57: {  	_ =	shalt  }
0x58: {  	_ =	shalt  }
0x59: {  	_ =	shalt  }
0x5a: {  	_ =	shalt  }
0x5b: {  	_ =	shalt  }
0x5c: {  	_ =	shalt  }
0x5d: {  	_ =	shalt  }
0x5e: {  	_ =	shalt  }
0x5f: {  	_ =	shalt  }
0x60: {  	_ =	shalt  }
0x61: {  	_ =	shalt  }
0x62: {  	_ =	shalt  }
0x63: {  	_ =	shalt  }
0x64: {  	_ =	shalt  }
0x65: {  	_ =	shalt  }
0x66: {  	_ =	shalt  }
0x67: {  	_ =	shalt  }
0x68: {  	_ =	shalt  }
0x69: {  	_ =	shalt  }
0x6a: {  	_ =	shalt  }
0x6b: {  	_ =	shalt  }
0x6c: {  	_ =	shalt  }
0x6d: {  	_ =	shalt  }
0x6e: {  	_ =	shalt  }
0x6f: {  	_ =	shalt  }
0x70: {  	_ =	shalt  }
0x71: {  	_ =	shalt  }
0x72: {  	_ =	shalt  }
0x73: {  	_ =	shalt  }
0x74: {  	_ =	shalt  }
0x75: {  	_ =	shalt  }
0x76: {  	_ =	shalt  }
0x77: {  	_ =	shalt  }
0x78: {  	_ =	shalt  }
0x79: {  	_ =	shalt  }
0x7a: {  	_ =	shalt  }
0x7b: {  	_ =	shalt  }
0x7c: {  	_ =	shalt  }
0x7d: {  	_ =	shalt  }
0x7e: {  	_ =	shalt  }
0x7f: {  	_ =	shalt  }
0x80: {  	_ =	shalt  }
0x81: {  	_ =	shalt  }
0x82: {  	_ =	shalt  }
0x83: {  	_ =	shalt  }
0x84: {  	_ =	shalt  }
0x85: {  	_ =	shalt  }
0x86: {  	_ =	shalt  }
0x87: {  	_ =	shalt  }
.Lfunc_end0:
.L_simem_size_0:
called_computation_lowered:
.L_overlay_start_0:
0x88: {  	s2 =	sld [smem:$0x3FD9]  }
0x89: {  	s3 =	sld [smem:$0x3FFE];
	_ =	sdelay $0x1  }
0x8a: {  	s1 =	srdreg.scid  }
0x8b: {  	s0 =	sand.u32 $0x1, s1  }
0x8c: {  	s15 =	sshll.u32 s0, $0xA;
	s2 =	sadd.s32 s3, s2  }
0x8d: {  	s2 =	sadd.s32 s2, s15  }
0x8e: {  	[smem:$0x3FB2] =	sst s2  }
0x8f: {  	_ = 	snop  }
0x90: {  	s2 =	sld [smem:$0x3FD0];
	_ =	sdelay $0x2  }
0x91: {  	s4 =	simm.s32 $0xA;
	s5 =	simm.s32 $0x10;
	s16 =	sld [smem:$0x3FB5]  }
0x92: {  	[smem:s5], [sflag:s4] =	dma.local [hbm:s2], $0x1  }
0x93: {  	_ =	swait.eq [sflag:s4], $0x1  }
0x94: {  	[sflag:s4] =	ssyncset.done $0x0  }
0x95: {  	s17 =	sld [smem:$0x10];
	[sflag:s4] =	ssyncadd.s32 $0xFFFFFFFF  }
0x96: {  	s18 =	sld [smem:$0x11];
	(tm) =	ssettm $0x1  }
0x97: {  	s19 =	sld [smem:$0x3FFB];
	_ =	sdelay $0x3  }
0x98: {  	_ =	strace s19  }
0x99: {  	s5 =	sld [smem:$0x3FFC];
	_ =	sdelay $0x3  }
0x9a: {  	_ =	strace s5  }
0x9b: {  	s5 =	sld [smem:$0x3FFD];
	_ =	sdelay $0x3  }
0x9c: {  	_ =	strace s5  }
0x9d: {  	_ =	strace $0x8FFFFFFF  }
0x9e: {  	s20 =	sld [smem:$0x3FDB];
	_ =	sdelay $0x1  }
0x9f: {  	s6 =	simm.s32 $_scs_section_size  }
0xa0: {  	s7 =	simm.s32 $_size__tile_overlayer_lowered;
	s8 =	simm.s32 $_tile_overlayer_lowered  }
0xa1: {  	s23 =	simm.s32 $0x1BFF;
	s22 =	sshll.u32 s8, $0x1;
	s5 =	sadd.s32 s6, s20  }
0xa2: {  	s9 =	simm.s32 $0x0;
	s21 =	sshll.u32 s7, $0x1;
	s7 =	sadd.s32 s22, s5  }
0xa3: {  	[timem:s9], [sflag:s23] =	dma.local [hbm:s7], s21  }
0xa4: {  	_ =	swait.ge [sflag:s23], s21  }
0xa5: {  	s6 =	ssub.s32 $0x0, s21;
	[sflag:s23] =	ssyncset.done $0x0  }
0xa6: {  	[sflag:s23] =	ssyncadd.s32 s6;
	_ =	sdelay $0x1  }
0xa7: {  	s24 =	simm.s32 $0x1B8B  }
0xa8: {  	_ =	swait.ge [sflag:s24], $0x1  }
0xa9: {  	[sflag:s24] =	ssyncset.done $0x0  }
0xaa: {  	s25 =	simm.s32 $0x1B8E;
	[sflag:s24] =	ssyncadd.s32 $0xFFFFFFFF  }
0xab: {  	s26 =	simm.s32 $execute0_lowered;
	[smem:$0x3FD2] =	sst s25  }
0xac: {  	s6 =	sshll.u32 s26, $0x1;
	_ =	strace $0x80000046;
	[dreg:$0x1] =	wrdreg $0xFFFFFFFF  }
0xad: {  	s28 =	simm.s32 $_size_execute0_lowered;
	s5 =	sadd.s32 s5, s6;
	[dreg:$0x0] =	wrdreg $0x0  }
0xae: {  	s6 =	sshll.u32 s28, $0x1;
	[dreg:$0x2] =	wrdreg s5  }
0xaf: {  	[dreg:$0x3] =	wrdreg s6  }
0xb0: {  	[dreg:$0x4] =	wrdreg $0xC0  }
0xb1: {  	_ =	task [dreg:s9], $0x5FFFF  }
0xb2: {  	[dreg:$0x1] =	wrdreg $0xFFFFFFFF  }
0xb3: {  	[dreg:$0x0] =	wrdreg $0x60  }
0xb4: {  	[dreg:$0x2] =	wrdreg s17  }
0xb5: {  	[dreg:$0x3] =	wrdreg s16  }
0xb6: {  	[dreg:$0x4] =	wrdreg s18  }
0xb7: {  	[dreg:$0x5] =	wrdreg $0x9  }
0xb8: {  	_ =	task.clear_ibuf [dreg:s9], $0x6FFFF;
	_ =	strace $0x90000046  }
0xb9: {  	s29 =	simm.s32 $0x9;
	_ =	strace $0x80000048  }
0xba: {  	_ =	swait.ge [sflag:s29], $0x1  }
0xbb: {  	[sflag:s29] =	ssyncadd.s32 $0xFFFFFFFF  }
0xbc: {  	_ =	strace $0x90000048  }
0xbd: {  	_ =	sfence  }
0xbe: {  	s30 =	sld [smem:$0x0];
	_ =	sdelay $0x2  }
0xbf: {  	s31 =	sshll.u32 s1, $0xD;
	s1 =	sshrl.u32 s1, $0x2  }
0xc0: {  	s3 =	sand.u32 $0x4000, s31;
	s1 =	sadd.s32 s1, s30  }
0xc1: {  	s0 =	sor.u32 s3, s0;
	s1 =	sshll.u32 s1, $0x11  }
0xc2: {  	s0 =	sor.u32 s1, s0  }
0xc3: {  	s0 =	sadd.s32 $0x8F2B, s0  }
0xc4: {  	[sflag:s0] =	ssyncadd.remote.s32 $0x1  }
0xc5: {  	_ =	sfence.sel $0xFFFF  }
0xc6: {  	[dreg:$0x0] =	wrdreg $0xFFFFFFFF;
	(pc) =	sbr.abs _section_cstart, $3  }
0xc7: {  	[dreg:$0x1] =	wrdreg $0xFFFFFFFF  }
0xc8: {  	_ =	task.clear_ibuf [dreg:s9], $0x2FFFF;
	_ =	strace $0x9FFFFFFF  }
0xc9: {  	(tm) =	ssettm $0x7FFFFFFF  }
tec
execute0_lowered:
.L_overlay_start_1:
0x0: {  	(tag) =	ssettag $0x1  }
0x1: {  	s4 =	rddreg [dreg:$0x0]  }
0x2: {  	s1 =	rddreg [dreg:$0x1]  }
0x3: {  	s5 =	rddreg [dreg:$0x2];
	s2 =	simm.s32 $0x0  }
0x4: {  	[smem:$0x7FF] =	sst s2  }
0x5: {  	s0 =	rddreg [dreg:$0x3];
	v0 =	vimm.f32 $3.000000000e+00;
	_ =	strace $0x80000047  }
0x6: {  	(erf) = vrcp.f32 v0;
	v0 =	vlaneseq.u32  }
0x7: {  	v1 =	vor.u32 $0x10, v0  }
0x8: {  	v26 =	vimm.s32 $0xFEDCBA98;
	v2 =	vor.u32 $0x20, v0;
	[tilespmem:$0x1FEB0] =	vst v1  }
0x9: {  	v30 =	vimm.s32 $0x76543210;
	v32 =	vimm.s32 $0x32107654;
	v3 =	vor.u32 $0x30, v0;
	[tilespmem:$0x1FEC0] =	vst v2  }
0xa: {  	v33 =	vimm.s32 $0xDCFE98BA;
	v34 =	vimm.s32 $0x54761032;
	v4 =	vor.u32 $0x40, v0;
	[tilespmem:$0x1FED0] =	vst v3  }
0xb: {  	v35 =	vimm.s32 $0xEFCDAB89;
	v36 =	vimm.s32 $0x67452301;
	v5 =	vor.u32 $0x50, v0;
	[tilespmem:$0x1FEE0] =	vst v4  }
0xc: {  	v28 =	vunpack.c.l.s4.s8 v26;
	v38 =	vunpack.c.l.s4.s8 v30;
	v6 =	vor.u32 $0x60, v0;
	[tilespmem:$0x1FEF0] =	vst v5  }
0xd: {  	v32 =	vunpack.c.l.s4.s8 v32;
	v33 =	vunpack.c.l.s4.s8 v33;
	v7 =	vor.u32 $0x70, v0;
	[tilespmem:$0x1FF00] =	vst v6  }
0xe: {  	v34 =	vunpack.c.l.s4.s8 v34;
	v35 =	vunpack.c.l.s4.s8 v35;
	v8 =	vor.u32 $0x80, v0;
	[tilespmem:$0x1FF10] =	vst v7  }
0xf: {  	v36 =	vunpack.c.l.s4.s8 v36;
	v31 =	vunpack.c.0.s8.s32 v28;
	v9 =	vor.u32 $0x90, v0;
	[tilespmem:$0x1FF20] =	vst v8  }
0x10: {  	v28 =	vimm.s32 $0xBA98FEDC;
	v32 =	vunpack.c.0.s8.s32 v32;
	v10 =	vor.u32 $0xA0, v0;
	[tilespmem:$0x1FF30] =	vst v9  }
0x11: {  	v33 =	vunpack.c.0.s8.s32 v33;
	v34 =	vunpack.c.0.s8.s32 v34;
	v11 =	vor.u32 $0xB0, v0;
	[tilespmem:$0x1FF40] =	vst v10  }
0x12: {  	v35 =	vunpack.c.0.s8.s32 v35;
	v36 =	vunpack.c.0.s8.s32 v36;
	v12 =	vor.u32 $0xC0, v0;
	[tilespmem:$0x1FF50] =	vst v11  }
0x13: {  	s10 =	simm.s32 $0x5080;
	s11 =	simm.s32 $0x5880;
	s12 =	simm.s32 $0x6080;
	v38 =	vunpack.c.0.s8.s32 v38;
	v13 =	vor.u32 $0xD0, v0;
	v19 =	vor.u32 $0xE0, v0;
	[tilespmem:$0x1FF60] =	vst v12  }
0x14: {  	s6 =	srdreg.scid;
	s13 =	simm.s32 $0x6880;
	s14 =	simm.s32 $0x7080;
	v20 =	vor.u32 $0xF0, v0;
	v21 =	vor.u32 $0x100, v0;
	v15 =	vor.u32 $0x1B0, v0;
	[tilespmem:$0x1FF70] =	vst v13  }
0x15: {  	s3 =	stileid.u32;
	s15 =	simm.s32 $0x7880;
	s16 =	simm.s32 $0x8080;
	v22 =	vor.u32 $0x110, v0;
	v23 =	vor.u32 $0x120, v0;
	v26 =	vor.u32 $0x1C0, v0;
	[tilespmem:$0x1FF80] =	vst v15  }
0x16: {  	s17 =	simm.s32 $0x8880;
	s18 =	simm.s32 $0x9080;
	s19 =	simm.s32 $0x9880;
	v24 =	vor.u32 $0x130, v0;
	v29 =	vor.u32 $0x160, v0;
	v28 =	vunpack.c.l.s4.s8 v28;
	[tilespmem:$0x1FF90] =	vst v26  }
0x17: {  	s20 =	simm.s32 $0x1;
	s21 =	simm.s32 $0xA080;
	s6 =	sand.u32 $0x1, s6;
	v25 =	vor.u32 $0x140, v0;
	v14 =	vor.u32 $0x150, v0;
	v27 =	vor.u32 $0x170, v0;
	[tilespmem:$0x1FFC0] =	vst v29  }
0x18: {  	s7 =	sshll.u32 s3, $0x6;
	s8 =	sshll.u32 s6, $0x5;
	s6 =	ssub.s32 $0x2, s6;
	v16 =	vor.u32 $0x180, v0;
	v17 =	vor.u32 $0x190, v0;
	[tilespmem:$0x1FFD0] =	vst v27;
	v37 =	vunpack.c.0.s8.s32 v28  }
0x19: {  	s22 =	simm.s32 $0x0;
	s7 =	sor.u32 s8, s7;
	s31 =	sshrl.u32 s6, $0x1;
	v18 =	vor.u32 $0x1A0, v0;
	v63 =	vand.u32 $0xF, v31;
	v39 =	vcombine.low v34, v33;
	[tilespmem:$0x1FFE0] =	vst v16  }
0x1a: {  	s8 =	simm.s32 $0x4080;
	s9 =	sshll.u32 s7, $0x6;
	s7 =	sshll.u32 s7, $0x5;
	v36 =	vcombine.low v36, v35;
	v31 =	vor.u32 $0x1F0, v0;
	[tilespmem:$0x1FFF0] =	vst v17;
	v37 =	vcombine.low v32, v37  }
0x1b: {  	s6 =	ssub.s32 s6, s31;
	v30 =	vor.u32 $0x1D0, v0;
	s4 =	sadd.s32 s4, s9;
	s5 =	sadd.s32 s5, s7;
	v28 =	vor.u32 $0x1E0, v0;
	[tilespmem:$0x1FFB0] =	vst v31;
	v35 =	vand.u32 $0xF, v39  }
0x1c: {  	s6 =	smax.u32 s6, $0x1;
	s7 =	simm.s32 $0x2;
	s9 =	simm.s32 $0x4880;
	v36 =	vand.u32 $0xF, v36;
	[tilespmem:$0x1FFA0] =	vst v28;
	v32 =	vcombine.low v63, v38;
	v34 =	vand.u32 $0xF, v37;
	v33 =	vpop (erf)  }
.LBB2_1:
0x1d: {  	[tilespmem:s2], [sflag:$0x2] =	stream.linear.gather [hbm4b:s4+s2], $0x4000, $0x38;
	[tilespmem:$0xC080] =	vst v63  }
0x1e: {  	_ =	swait.ge [sflag:s7], $0x4000  }
0x1f: {  	s23 =	sand.u32 $0x3000, s2;
	s24 =	sand.u32 $0x380, s2;
	[sflag:s7] =	ssyncset.done $0x0  }
0x20: {  	s23 =	sor.u32 s24, s23;
	[sflag:s7] =	ssyncadd.s32 $0xFFFFC000  }
0x21: {  	v37 =	vld [tilespmem:s23+$0x0];
	_ =	sdelay $0x2  }
0x22: {  	v38 =	vld [tilespmem:s23+$0x10];
	_ =	sdelay $0x1  }
0x23: {  	vm0 =	vlt.f32 v37, $-Inf;
	vm1 =	vgt.f32 v37, $-Inf  }
0x24: {  	v39 =	vld [tilespmem:s23+$0x20];
	vm0 =	vmor vm1, vm0  }
0x25: {  	v37 =	vnsel vm0, $0xFF800000, v37  }
0x26: {  	v41 =	vld [tilespmem:s23+$0x30];
	v40 =	vnsel vm0, $0x0, v0;
	vm0 =	vgt.f32 v38, v37  }
0x27: {  	v42 =	vsel vm0, v40, v1  }
0x28: {  	v43 =	vsel vm0, v38, v37;
	v40 =	vsel vm0, v1, v40;
	v37 =	vsel vm0, v37, v38  }
0x29: {  	vm0 =	vgt.f32 v39, v43;
	vm1 =	vlt.f32 v37, $-Inf;
	vm2 =	vgt.f32 v37, $-Inf  }
0x2a: {  	v44 =	vld [tilespmem:s23+$0x40];
	v51 =	vsel vm0, v40, v2;
	vm1 =	vmor vm2, vm1;
	v45 =	vsel vm0, v39, v43  }
0x2b: {  	v40 =	vsel vm0, v2, v40;
	v39 =	vsel vm0, v43, v39;
	vm0 =	vgt.f32 v41, v45  }
0x2c: {  	v42 =	vnsel vm1, $0x0, v42;
	v37 =	vnsel vm1, $0xFF800000, v37;
	v52 =	vsel vm0, v40, v3  }
0x2d: {  	v40 =	vsel vm0, v3, v40;
	vm1 =	vgt.f32 v39, v37;
	v46 =	vsel vm0, v45, v41  }
0x2e: {  	v53 =	vld [tilespmem:s23+$0x50];
	v41 =	vsel vm0, v41, v45;
	v47 =	vsel vm1, v42, v51;
	v38 =	vsel vm1, v51, v42  }
0x2f: {  	vm0 =	vgt.f32 v44, v41;
	v54 =	vsel vm1, v39, v37;
	v37 =	vsel vm1, v37, v39  }
0x30: {  	v55 =	vsel vm0, v40, v4;
	v48 =	vsel vm0, v41, v44;
	v40 =	vsel vm0, v4, v40  }
0x31: {  	vm1 =	vgt.f32 v46, v54;
	v41 =	vsel vm0, v44, v41;
	vm0 =	vlt.f32 v37, $-Inf  }
0x32: {  	vm2 =	vgt.f32 v37, $-Inf;
	v56 =	vsel vm1, v38, v52;
	v38 =	vsel vm1, v52, v38  }
0x33: {  	v57 =	vld [tilespmem:s23+$0x60];
	vm3 =	vgt.f32 v53, v41;
	v49 =	vsel vm1, v54, v46;
	v42 =	vsel vm1, v46, v54  }
0x34: {  	vm0 =	vmor vm2, vm0;
	v58 =	vsel vm3, v40, v5;
	v40 =	vsel vm3, v5, v40  }
0x35: {  	v47 =	vnsel vm0, $0x0, v47;
	v50 =	vsel vm3, v41, v53;
	vm1 =	vgt.f32 v48, v42  }
0x36: {  	v41 =	vsel vm3, v53, v41;
	v37 =	vnsel vm0, $0xFF800000, v37;
	v59 =	vsel vm1, v38, v55  }
0x37: {  	v60 =	vld [tilespmem:s23+$0x70];
	v38 =	vsel vm1, v55, v38;
	v51 =	vsel vm1, v42, v48;
	vm2 =	vgt.f32 v49, v37  }
0x38: {  	vm0 =	vgt.f32 v57, v41;
	v42 =	vsel vm1, v48, v42;
	v44 =	vsel vm2, v56, v47  }
0x39: {  	v61 =	vsel vm0, v40, v6;
	v40 =	vsel vm0, v6, v40;
	v62 =	vsel vm0, v41, v57  }
0x3a: {  	vm1 =	vgt.f32 v50, v42;
	v41 =	vsel vm0, v57, v41;
	v37 =	vsel vm2, v49, v37  }
0x3b: {  	v63 =	vsel vm1, v38, v58;
	v38 =	vsel vm1, v58, v38;
	v57 =	vsel vm1, v42, v50  }
0x3c: {  	vm0 =	vgt.f32 v60, v41;
	vm2 =	vgt.f32 v51, v37;
	v42 =	vsel vm1, v50, v42  }
0x3d: {  	v56 =	vld [tilespmem:s23+$0x400];
	v58 =	vsel vm0, v40, v7;
	v44 =	vsel vm2, v59, v44;
	v40 =	vsel vm0, v7, v40  }
0x3e: {  	v59 =	vsel vm0, v41, v60;
	v39 =	vsel vm0, v60, v41;
	vm0 =	vgt.f32 v62, v42  }
0x3f: {  	v37 =	vsel vm2, v51, v37;
	v54 =	vsel vm0, v38, v61;
	v38 =	vsel vm0, v61, v38  }
0x40: {  	v60 =	vsel vm0, v42, v62;
	v42 =	vsel vm0, v62, v42;
	vm0 =	vgt.f32 v57, v37  }
0x41: {  	v55 =	vld [tilespmem:s23+$0x410];
	v43 =	vsel vm0, v63, v44  }
0x42: {  	vm2 =	vgt.f32 v59, v42;
	v37 =	vsel vm0, v57, v37;
	vm1 =	vgt.f32 v56, v39  }
0x43: {  	v63 =	vsel vm2, v38, v58;
	v38 =	vsel vm2, v58, v38;
	v57 =	vsel vm2, v42, v59  }
0x44: {  	v42 =	vsel vm2, v59, v42;
	v61 =	vsel vm1, v40, v8;
	v40 =	vsel vm1, v8, v40  }
0x45: {  	v62 =	vsel vm1, v39, v56;
	v39 =	vsel vm1, v56, v39;
	vm1 =	vgt.f32 v60, v37  }
0x46: {  	vm0 =	vgt.f32 v55, v39;
	v41 =	vsel vm1, v54, v43;
	vm2 =	vgt.f32 v62, v42  }
0x47: {  	v56 =	vld [tilespmem:s23+$0x420];
	v37 =	vsel vm1, v60, v37;
	v58 =	vsel vm0, v40, v9;
	v40 =	vsel vm0, v9, v40  }
0x48: {  	v59 =	vsel vm0, v39, v55;
	v39 =	vsel vm0, v55, v39;
	v54 =	vsel vm2, v38, v61  }
0x49: {  	v55 =	vsel vm2, v42, v62;
	v42 =	vsel vm2, v62, v42;
	vm1 =	vgt.f32 v57, v37  }
0x4a: {  	v60 =	vld [tilespmem:s23+$0x430];
	v38 =	vsel vm2, v61, v38;
	vm2 =	vgt.f32 v59, v42;
	v37 =	vsel vm1, v57, v37  }
0x4b: {  	v41 =	vsel vm1, v63, v41;
	v63 =	vsel vm2, v38, v58;
	vm1 =	vgt.f32 v55, v37  }
0x4c: {  	v38 =	vsel vm2, v58, v38;
	vm0 =	vgt.f32 v56, v39;
	v41 =	vsel vm1, v54, v41  }
0x4d: {  	v37 =	vsel vm1, v55, v37;
	v61 =	vsel vm0, v40, v10;
	v40 =	vsel vm0, v10, v40  }
0x4e: {  	v57 =	vld [tilespmem:s23+$0x440];
	v62 =	vsel vm0, v39, v56;
	v39 =	vsel vm0, v56, v39;
	v56 =	vsel vm2, v42, v59  }
0x4f: {  	v42 =	vsel vm2, v59, v42;
	vm0 =	vgt.f32 v60, v39;
	vm2 =	vgt.f32 v56, v37  }
0x50: {  	v58 =	vsel vm0, v40, v11;
	v40 =	vsel vm0, v11, v40;
	v59 =	vsel vm0, v39, v60  }
0x51: {  	v55 =	vld [tilespmem:s23+$0x450];
	v39 =	vsel vm0, v60, v39;
	vm0 =	vgt.f32 v62, v42;
	v41 =	vsel vm2, v63, v41  }
0x52: {  	v37 =	vsel vm2, v56, v37;
	v54 =	vsel vm0, v38, v61;
	v38 =	vsel vm0, v61, v38  }
0x53: {  	vm1 =	vgt.f32 v57, v39;
	v60 =	vsel vm0, v42, v62;
	v42 =	vsel vm0, v62, v42  }
0x54: {  	v61 =	vsel vm1, v40, v12;
	v40 =	vsel vm1, v12, v40;
	vm0 =	vgt.f32 v59, v42  }
0x55: {  	v56 =	vld [tilespmem:s23+$0x460];
	v62 =	vsel vm1, v39, v57;
	v39 =	vsel vm1, v57, v39;
	v63 =	vsel vm0, v38, v58  }
0x56: {  	v38 =	vsel vm0, v58, v38;
	vm1 =	vgt.f32 v55, v39;
	v57 =	vsel vm0, v42, v59  }
0x57: {  	v42 =	vsel vm0, v59, v42;
	vm0 =	vgt.f32 v60, v37;
	v58 =	vsel vm1, v40, v13  }
0x58: {  	v41 =	vsel vm0, v54, v41;
	v59 =	vsel vm1, v39, v55;
	v40 =	vsel vm1, v13, v40  }
0x59: {  	vm2 =	vgt.f32 v62, v42;
	v39 =	vsel vm1, v55, v39;
	v37 =	vsel vm0, v60, v37  }
0x5a: {  	v54 =	vsel vm2, v38, v61;
	v38 =	vsel vm2, v61, v38;
	vm0 =	vgt.f32 v56, v39  }
0x5b: {  	vm1 =	vgt.f32 v57, v37;
	v60 =	vsel vm2, v42, v62;
	v42 =	vsel vm2, v62, v42  }
0x5c: {  	v55 =	vld [tilespmem:s23+$0x470];
	v49 =	vsel vm0, v40, v19;
	v40 =	vsel vm0, v19, v40;
	v41 =	vsel vm1, v63, v41  }
0x5d: {  	v61 =	vsel vm0, v39, v56;
	vm2 =	vgt.f32 v59, v42;
	v39 =	vsel vm0, v56, v39  }
0x5e: {  	v37 =	vsel vm1, v57, v37;
	v62 =	vsel vm2, v38, v58;
	v38 =	vsel vm2, v58, v38  }
0x5f: {  	v56 =	vsel vm2, v42, v59;
	vm1 =	vgt.f32 v60, v37;
	v42 =	vsel vm2, v59, v42  }
0x60: {  	v63 =	vld [tilespmem:s23+$0x800];
	v41 =	vsel vm1, v54, v41;
	vm2 =	vgt.f32 v61, v42;
	v37 =	vsel vm1, v60, v37  }
0x61: {  	vm0 =	vgt.f32 v55, v39;
	v59 =	vsel vm2, v38, v49;
	v52 =	vsel vm2, v42, v61  }
0x62: {  	v38 =	vsel vm2, v49, v38;
	vm1 =	vgt.f32 v56, v37;
	v42 =	vsel vm2, v61, v42  }
0x63: {  	v57 =	vsel vm0, v40, v20;
	v40 =	vsel vm0, v20, v40;
	v58 =	vsel vm0, v39, v55  }
0x64: {  	v60 =	vld [tilespmem:s23+$0x810];
	v39 =	vsel vm0, v55, v39;
	v41 =	vsel vm1, v62, v41;
	v37 =	vsel vm1, v56, v37  }
0x65: {  	vm0 =	vgt.f32 v63, v39;
	vm1 =	vgt.f32 v58, v42;
	vm2 =	vgt.f32 v52, v37  }
0x66: {  	v61 =	vsel vm0, v40, v21;
	v62 =	vsel vm0, v39, v63;
	v40 =	vsel vm0, v21, v40  }
0x67: {  	v39 =	vsel vm0, v63, v39;
	v63 =	vsel vm1, v38, v57;
	v38 =	vsel vm1, v57, v38  }
0x68: {  	v54 =	vld [tilespmem:s23+$0x820];
	v55 =	vsel vm1, v42, v58;
	v42 =	vsel vm1, v58, v42;
	v41 =	vsel vm2, v59, v41  }
0x69: {  	v37 =	vsel vm2, v52, v37;
	vm0 =	vgt.f32 v60, v39;
	vm1 =	vgt.f32 v62, v42  }
0x6a: {  	v44 =	vsel vm0, v40, v22;
	v40 =	vsel vm0, v22, v40;
	v50 =	vsel vm0, v39, v60  }
0x6b: {  	v39 =	vsel vm0, v60, v39;
	v56 =	vsel vm1, v38, v61;
	v38 =	vsel vm1, v61, v38  }
0x6c: {  	v57 =	vld [tilespmem:s23+$0x830];
	v58 =	vsel vm1, v42, v62;
	v42 =	vsel vm1, v62, v42;
	vm1 =	vgt.f32 v55, v37  }
0x6d: {  	vm0 =	vgt.f32 v54, v39;
	v41 =	vsel vm1, v63, v41;
	vm2 =	vgt.f32 v50, v42  }
0x6e: {  	v37 =	vsel vm1, v55, v37;
	v59 =	vsel vm0, v40, v23;
	v40 =	vsel vm0, v23, v40  }
0x6f: {  	v60 =	vsel vm0, v39, v54;
	v61 =	vsel vm2, v38, v44;
	v39 =	vsel vm0, v54, v39  }
0x70: {  	v62 =	vld [tilespmem:s23+$0x840];
	v63 =	vsel vm2, v42, v50;
	v38 =	vsel vm2, v44, v38;
	vm1 =	vgt.f32 v58, v37  }
0x71: {  	v42 =	vsel vm2, v50, v42;
	vm0 =	vgt.f32 v57, v39;
	v41 =	vsel vm1, v56, v41  }
0x72: {  	v37 =	vsel vm1, v58, v37;
	vm1 =	vgt.f32 v60, v42;
	v54 =	vsel vm0, v40, v24  }
0x73: {  	v55 =	vsel vm0, v39, v57;
	v40 =	vsel vm0, v24, v40;
	v39 =	vsel vm0, v57, v39  }
0x74: {  	v56 =	vsel vm1, v38, v59;
	v38 =	vsel vm1, v59, v38;
	vm2 =	vgt.f32 v63, v37  }
0x75: {  	v50 =	vsel vm1, v42, v60;
	v42 =	vsel vm1, v60, v42;
	vm0 =	vgt.f32 v62, v39  }
0x76: {  	v41 =	vsel vm2, v61, v41;
	vm1 =	vgt.f32 v55, v42;
	v37 =	vsel vm2, v63, v37  }
0x77: {  	v57 =	vld [tilespmem:s23+$0x850];
	v47 =	vsel vm0, v40, v25;
	v40 =	vsel vm0, v25, v40;
	v58 =	vsel vm0, v39, v62  }
0x78: {  	v39 =	vsel vm0, v62, v39;
	v59 =	vsel vm1, v38, v54;
	v38 =	vsel vm1, v54, v38  }
0x79: {  	v60 =	vsel vm1, v42, v55;
	v42 =	vsel vm1, v55, v42;
	vm1 =	vgt.f32 v50, v37  }
0x7a: {  	v44 =	vld [tilespmem:s23+$0x860];
	v41 =	vsel vm1, v56, v41;
	vm2 =	vgt.f32 v58, v42;
	v37 =	vsel vm1, v50, v37  }
0x7b: {  	v63 =	vsel vm2, v38, v47;
	v38 =	vsel vm2, v47, v38;
	vm1 =	vgt.f32 v60, v37  }
0x7c: {  	vm0 =	vgt.f32 v57, v39;
	v41 =	vsel vm1, v59, v41;
	v37 =	vsel vm1, v60, v37  }
0x7d: {  	v61 =	vsel vm0, v40, v14;
	v40 =	vsel vm0, v14, v40;
	v62 =	vsel vm0, v39, v57  }
0x7e: {  	v56 =	vld [tilespmem:s23+$0x870];
	v39 =	vsel vm0, v57, v39;
	v57 =	vsel vm2, v42, v58;
	v42 =	vsel vm2, v58, v42  }
0x7f: {  	vm0 =	vgt.f32 v44, v39;
	vm1 =	vgt.f32 v62, v42;
	vm2 =	vgt.f32 v57, v37  }
0x80: {  	v58 =	vsel vm0, v40, v29;
	v59 =	vsel vm0, v39, v44;
	v40 =	vsel vm0, v29, v40  }
0x81: {  	v39 =	vsel vm0, v44, v39;
	v60 =	vsel vm1, v38, v61;
	v38 =	vsel vm1, v61, v38  }
0x82: {  	v49 =	vsel vm1, v42, v62;
	v42 =	vsel vm1, v62, v42;
	v41 =	vsel vm2, v63, v41  }
0x83: {  	v37 =	vsel vm2, v57, v37;
	vm0 =	vgt.f32 v56, v39;
	vm1 =	vgt.f32 v59, v42  }
0x84: {  	v61 =	vld [tilespmem:s23+$0xC00];
	v45 =	vsel vm0, v40, v27;
	v40 =	vsel vm0, v27, v40;
	v62 =	vsel vm0, v39, v56  }
0x85: {  	v39 =	vsel vm0, v56, v39;
	v63 =	vsel vm1, v38, v58;
	v38 =	vsel vm1, v58, v38  }
0x86: {  	v57 =	vsel vm1, v42, v59;
	v42 =	vsel vm1, v59, v42;
	vm1 =	vgt.f32 v49, v37  }
0x87: {  	v56 =	vld [tilespmem:s23+$0xC10];
	v41 =	vsel vm1, v60, v41;
	vm2 =	vgt.f32 v62, v42;
	v37 =	vsel vm1, v49, v37  }
0x88: {  	v49 =	vsel vm2, v38, v45;
	v38 =	vsel vm2, v45, v38;
	vm1 =	vgt.f32 v57, v37  }
0x89: {  	vm0 =	vgt.f32 v61, v39;
	v41 =	vsel vm1, v63, v41;
	v37 =	vsel vm1, v57, v37  }
0x8a: {  	v58 =	vsel vm0, v40, v16;
	v40 =	vsel vm0, v16, v40;
	v59 =	vsel vm0, v39, v61  }
0x8b: {  	v60 =	vld [tilespmem:s23+$0xC20];
	v39 =	vsel vm0, v61, v39;
	v61 =	vsel vm2, v42, v62;
	v42 =	vsel vm2, v62, v42  }
0x8c: {  	v16 =	vimm.s32 $0x0;
	vm0 =	vgt.f32 v56, v39;
	vm1 =	vgt.f32 v59, v42  }
0x8d: {  	v45 =	vsel vm0, v40, v17;
	v62 =	vsel vm0, v39, v56;
	v40 =	vsel vm0, v17, v40  }
0x8e: {  	v63 =	vld [tilespmem:s23+$0xC30];
	v39 =	vsel vm0, v56, v39;
	v47 =	vsel vm1, v38, v58;
	v38 =	vsel vm1, v58, v38  }
0x8f: {  	vm0 =	vgt.f32 v61, v37;
	v56 =	vsel vm1, v42, v59;
	v42 =	vsel vm1, v59, v42  }
0x90: {  	vm6 =	vgt.f32 v60, v39;
	v16 =	vsel vm0, $0xFFFFFFFF, v16;
	v37 =	vsel vm0, v61, v37  }
0x91: {  	v57 =	vld [tilespmem:s23+$0xC40];
	vm4 =	vgt.f32 v62, v42;
	v58 =	vsel vm6, v39, v60;
	v39 =	vsel vm6, v60, v39  }
0x92: {  	[tilespmem:$0x1FE50] =	vst v16;
	vm0 =	vgt.f32 v56, v37;
	v16 =	vimm.s32 $0x0;
	v59 =	vsel vm4, v42, v62  }
0x93: {  	v42 =	vsel vm4, v62, v42;
	vm10 =	vgt.f32 v63, v39;
	v16 =	vsel vm0, $0xFFFFFFFF, v16  }
0x94: {  	vm9 =	vgt.f32 v58, v42;
	v37 =	vsel vm0, v56, v37;
	v61 =	vsel vm10, v39, v63  }
0x95: {  	v60 =	vld [tilespmem:s23+$0xC50];
	v39 =	vsel vm10, v63, v39;
	v62 =	vsel vm9, v42, v58;
	vm0 =	vgt.f32 v59, v37  }
0x96: {  	[tilespmem:$0x1FE60] =	vst v16;
	v16 =	vimm.s32 $0x0;
	v42 =	vsel vm9, v58, v42;
	vm5 =	vgt.f32 v57, v39  }
0x97: {  	v16 =	vsel vm0, $0xFFFFFFFF, v16;
	v37 =	vsel vm0, v59, v37;
	vm8 =	vgt.f32 v61, v42  }
0x98: {  	v56 =	vsel vm5, v39, v57;
	v39 =	vsel vm5, v57, v39;
	v57 =	vsel vm8, v42, v61  }
0x99: {  	[tilespmem:$0x1FE70] =	vst v16;
	vm12 =	vgt.f32 v62, v37;
	v42 =	vsel vm8, v61, v42;
	v16 =	vimm.s32 $0x0  }
0x9a: {  	v63 =	vld [tilespmem:s23+$0xC60];
	vm7 =	vgt.f32 v60, v39;
	v37 =	vsel vm12, v62, v37;
	vm14 =	vgt.f32 v56, v42  }
0x9b: {  	v59 =	vsel vm7, v39, v60;
	v39 =	vsel vm7, v60, v39;
	vm0 =	vgt.f32 v57, v37  }
0x9c: {  	v60 =	vsel vm14, v42, v56;
	v16 =	vsel vm0, $0xFFFFFFFF, v16;
	v37 =	vsel vm0, v57, v37  }
0x9d: {  	v58 =	vld [tilespmem:s23+$0xC70];
	[tilespmem:$0x1FE80] =	vst v16;
	vm0 =	vgt.f32 v60, v37;
	v16 =	vimm.s32 $0x0  }
0x9e: {  	v16 =	vsel vm0, $0xFFFFFFFF, v16  }
0x9f: {  	v53 =	vsel vm6, v40, v18;
	v42 =	vsel vm14, v56, v42;
	vm13 =	vgt.f32 v63, v39;
	[tilespmem:$0x1FE90] =	vst v16;
	v16 =	vld [tilespmem:$0x1FE50]  }
0xa0: {  	v40 =	vsel vm6, v18, v40;
	vm2 =	vgt.f32 v59, v42;
	v61 =	vsel vm13, v39, v63  }
0xa1: {  	v39 =	vsel vm13, v63, v39;
	v62 =	vsel vm2, v42, v59;
	v42 =	vsel vm2, v59, v42  }
0xa2: {  	v37 =	vsel vm0, v60, v37;
	vm0 =	vgt.f32 v58, v39;
	vm3 =	vgt.f32 v61, v42  }
0xa3: {  	v63 =	vsel vm0, v39, v58;
	vm15 =	vgt.f32 v62, v37;
	v52 =	vsel vm3, v42, v61  }
0xa4: {  	v42 =	vsel vm3, v61, v42;
	v37 =	vsel vm15, v62, v37;
	vm6 =	vnez.u8 v16;
	v16 =	vld [tilespmem:$0x1FE60]  }
0xa5: {  	v55 =	vsel vm4, v38, v45;
	vm1 =	vgt.f32 v63, v42;
	vm11 =	vgt.f32 v52, v37  }
0xa6: {  	v44 =	vsel vm0, v58, v39;
	v54 =	vsel vm1, v42, v63;
	v37 =	vsel vm11, v52, v37  }
0xa7: {  	v42 =	vsel vm1, v63, v42;
	v41 =	vsel vm6, v49, v41;
	vm6 =	vgt.f32 v54, v37  }
0xa8: {  	v38 =	vsel vm4, v45, v38;
	v56 =	vmax.f32 v44, v42;
	v43 =	vsel vm6, v54, v37  }
0xa9: {  	v57 =	vsel vm10, v40, v15;
	v37 =	vmax.f32 v56, v43;
	vm4 =	vnez.u8 v16;
	v16 =	vld [tilespmem:$0x1FE70]  }
0xaa: {  	v40 =	vsel vm10, v15, v40;
	v59 =	vsel vm9, v38, v53;
	v58 =	vperm.xlane v37, v32  }
0xab: {  	v38 =	vsel vm9, v53, v38;
	v60 =	vsel vm5, v40, v26;
	v40 =	vsel vm5, v26, v40  }
0xac: {  	v61 =	vsel vm8, v38, v57;
	v38 =	vsel vm8, v57, v38;
	v37 =	vmax.f32 v37, v58  }
0xad: {  	v63 =	vsel vm7, v40, v30;
	v40 =	vsel vm7, v30, v40;
	v62 =	vperm.xlane v37, v34  }
0xae: {  	v52 =	vsel vm14, v38, v60;
	v41 =	vsel vm4, v47, v41;
	vm4 =	vnez.u8 v16;
	v16 =	vld [tilespmem:$0x1FE80]  }
0xaf: {  	v17 =	vld [tilespmem:$0x1FE90];
	v38 =	vsel vm14, v60, v38;
	v53 =	vsel vm13, v40, v28;
	v37 =	vmax.f32 v37, v62  }
0xb0: {  	v54 =	vsel vm2, v38, v63;
	v38 =	vsel vm2, v63, v38;
	v45 =	vperm.xlane v37, v35  }
0xb1: {  	v40 =	vsel vm13, v28, v40;
	v57 =	vsel vm3, v53, v38;
	v38 =	vsel vm3, v38, v53  }
0xb2: {  	v39 =	vsel vm4, v55, v41;
	v55 =	vsel vm0, v40, v31;
	v37 =	vmax.f32 v37, v45  }
0xb3: {  	v39 =	vsel vm12, v59, v39;
	v58 =	vperm.xlane v37, v36;
	vm4 =	vnez.u8 v16  }
0xb4: {  	v16 =	vsel vm0, v31, v40;
	vm0 =	vnez.u8 v17;
	v46 =	vsel vm4, v61, v39  }
0xb5: {  	v59 =	vsel vm1, v57, v55;
	v37 =	vmax.f32 v37, v58;
	v56 =	vsel vm0, v52, v46  }
0xb6: {  	s25 =	simm.s32 $0x80;
	s26 =	simm.s32 $0x200;
	v41 =	vsel vm1, v55, v57;
	vm1 =	veq.f32 v42, v37;
	v40 =	vsel vm15, v54, v56  }
0xb7: {  	s29 =	sand.u32 $0x3000, s26;
	s30 =	sand.u32 $0x380, s25;
	vm0 =	veq.f32 v44, v37;
	v45 =	vnsel vm1, $0x200, v41;
	v38 =	vsel vm11, v38, v40  }
0xb8: {  	s24 =	sor.u32 s30, s29;
	v60 =	vnsel vm0, $0x200, v16;
	vm0 =	veq.f32 v43, v37;
	v40 =	vsel vm6, v59, v38  }
0xb9: {  	v61 =	vld [tilespmem:s24+$0x0];
	v38 =	vmin.u32 v60, v45;
	v37 =	vnsel vm0, $0x200, v40  }
0xba: {  	v37 =	vmin.u32 v38, v37  }
0xbb: {  	v62 =	vperm.xlane v37, v32  }
0xbc: {  	v63 =	vld [tilespmem:s24+$0x10]  }
0xbd: {  	v58 =	vmov s2;
	v17 =	vimm.s32 $0x0;
	vm0 =	vlt.s32 v37, v62  }
0xbe: {  	vm1 =	vgt.f32 v61, $-Inf;
	v45 =	vsel vm0, v37, v62;
	vm0 =	vlt.f32 v61, $-Inf  }
0xbf: {  	vm2 =	veq.s32 v58, v0;
	v57 =	vperm.xlane v45, v34;
	vm0 =	vmor vm1, vm0  }
0xc0: {  	v17 =	vsel vm2, $0xFFFFFFFF, v17;
	v38 =	vnsel vm0, $0xFF800000, v61  }
0xc1: {  	s31 =	simm.s32 $0xFFFFFFF0;
	v49 =	vld [tilespmem:s24+$0x20];
	v59 =	vnsel vm0, $0x0, v0;
	vm1 =	vlt.s32 v45, v57;
	vm0 =	vgt.f32 v63, v38  }
0xc2: {  	v61 =	vmov s31;
	v45 =	vsel vm1, v45, v57;
	v62 =	vsel vm0, v59, v1  }
0xc3: {  	v47 =	vsel vm0, v1, v59;
	v56 =	vsel vm0, v38, v63;
	v57 =	vld [tilespmem:s24+$0x30];
	v60 =	vperm.xlane v45, v35  }
0xc4: {  	v38 =	vsel vm0, v63, v38;
	vm0 =	vlt.f32 v56, $-Inf;
	vm2 =	vgt.f32 v56, $-Inf  }
0xc5: {  	vm4 =	veq.s32 v61, v0;
	vm0 =	vmor vm2, vm0;
	vm1 =	vlt.s32 v45, v60  }
0xc6: {  	v51 =	vnsel vm0, $0x0, v62;
	v45 =	vsel vm1, v45, v60;
	vm1 =	vgt.f32 v49, v38  }
0xc7: {  	v58 =	vperm.xlane v45, v36;
	v59 =	vsel vm1, v47, v2;
	v63 =	vsel vm1, v49, v38  }
0xc8: {  	v0 =	vld [tilespmem:s24+$0x40];
	v47 =	vsel vm1, v2, v47;
	v49 =	vsel vm1, v38, v49;
	vm1 =	vgt.f32 v57, v63  }
0xc9: {  	v39 =	vnsel vm0, $0xFF800000, v56;
	vm2 =	vlt.s32 v45, v58;
	v60 =	vsel vm1, v47, v3  }
0xca: {  	v47 =	vsel vm1, v3, v47;
	v61 =	vsel vm1, v63, v57;
	v38 =	vsel vm2, v45, v58  }
0xcb: {  	v52 =	vsel vm1, v57, v63;
	vm0 =	veq.s32 v16, v38;
	vm2 =	veq.s32 v41, v38  }
0xcc: {  	v54 =	vsel vm0, $0xFF800000, v44;
	v42 =	vsel vm2, $0xFF800000, v42;
	vm2 =	veq.s32 v40, v38  }
0xcd: {  	vm1 =	vgt.f32 v0, v52;
	v43 =	vsel vm2, $0xFF800000, v43;
	v55 =	vmax.f32 v54, v42  }
0xce: {  	v37 =	vimm.s32 $0x0;
	v57 =	vsel vm1, v47, v4;
	v55 =	vmax.f32 v55, v43  }
0xcf: {  	v58 =	vsel vm1, v52, v0;
	vm0 =	vgt.f32 v49, v39;
	v63 =	vperm.xlane v55, v32  }
0xd0: {  	v47 =	vsel vm1, v4, v47;
	v45 =	vsel vm1, v0, v52;
	v62 =	vsel vm0, v51, v59  }
0xd1: {  	v48 =	vsel vm0, v59, v51;
	v56 =	vsel vm0, v49, v39;
	v51 =	vmax.f32 v55, v63  }
0xd2: {  	v46 =	vsel vm0, v39, v49;
	v49 =	vld [tilespmem:s24+$0x50];
	vm0 =	vgt.f32 v61, v56;
	v0 =	vperm.xlane v51, v34  }
0xd3: {  	vm1 =	vlt.f32 v46, $-Inf;
	vm2 =	vgt.f32 v46, $-Inf;
	v50 =	vsel vm0, v56, v61  }
0xd4: {  	v44 =	vsel vm0, v61, v56;
	vm1 =	vmor vm2, vm1;
	v51 =	vmax.f32 v51, v0  }
0xd5: {  	v53 =	vnsel vm1, $0x0, v62;
	vm2 =	vgt.f32 v58, v44;
	v39 =	vperm.xlane v51, v35  }
0xd6: {  	v46 =	vnsel vm1, $0xFF800000, v46;
	v55 =	vsel vm0, v48, v60;
	v48 =	vsel vm0, v60, v48  }
0xd7: {  	v52 =	vld [tilespmem:s24+$0x60];
	vm1 =	vgt.f32 v50, v46;
	vm0 =	vgt.f32 v49, v45;
	v51 =	vmax.f32 v51, v39  }
0xd8: {  	v56 =	vsel vm2, v48, v57;
	v48 =	vsel vm2, v57, v48;
	v0 =	vperm.xlane v51, v36  }
0xd9: {  	v57 =	vsel vm2, v44, v58;
	v44 =	vsel vm2, v58, v44;
	v46 =	vsel vm1, v50, v46  }
0xda: {  	v60 =	vsel vm0, v45, v49;
	v45 =	vsel vm0, v49, v45;
	v49 =	vmax.f32 v51, v0  }
0xdb: {  	v59 =	vsel vm0, v47, v5;
	v47 =	vsel vm0, v5, v47;
	vm2 =	veq.f32 v54, v49  }
0xdc: {  	vm0 =	vgt.f32 v52, v45;
	v39 =	vnsel vm2, $0x200, v16;
	vm2 =	veq.f32 v42, v49  }
0xdd: {  	v51 =	vsel vm1, v55, v53;
	v0 =	vld [tilespmem:s24+$0x70];
	v61 =	vnsel vm2, $0x200, v41;
	vm2 =	veq.f32 v43, v49  }
0xde: {  	v55 =	vsel vm0, v47, v6;
	v47 =	vsel vm0, v6, v47;
	v49 =	vnsel vm2, $0x200, v40  }
0xdf: {  	v53 =	vmin.u32 v39, v61;
	v61 =	vsel vm0, v45, v52;
	v45 =	vsel vm0, v52, v45  }
0xe0: {  	vm0 =	vgt.f32 v60, v44;
	vm2 =	vgt.f32 v57, v46;
	v49 =	vmin.u32 v53, v49  }
0xe1: {  	v52 =	vsel vm0, v48, v59;
	v48 =	vsel vm0, v59, v48;
	v39 =	vperm.xlane v49, v32  }
0xe2: {  	v53 =	vsel vm0, v44, v60;
	vm1 =	vgt.f32 v0, v45;
	v59 =	vld [tilespmem:s24+$0x400];
	v44 =	vsel vm0, v60, v44  }
0xe3: {  	v50 =	vsel vm2, v56, v51;
	v46 =	vsel vm2, v57, v46;
	vm0 =	vlt.s32 v49, v39  }
0xe4: {  	v60 =	vsel vm1, v47, v7;
	v47 =	vsel vm1, v7, v47;
	v49 =	vsel vm0, v49, v39  }
0xe5: {  	v56 =	vsel vm1, v45, v0;
	vm0 =	vgt.f32 v61, v44;
	v63 =	vperm.xlane v49, v34  }
0xe6: {  	v45 =	vsel vm1, v0, v45;
	v57 =	vsel vm0, v48, v55;
	v48 =	vsel vm0, v55, v48  }
0xe7: {  	vm2 =	vgt.f32 v59, v45;
	v51 =	vsel vm0, v44, v61;
	vm1 =	vlt.s32 v49, v63  }
0xe8: {  	v44 =	vsel vm0, v61, v44;
	v39 =	vsel vm2, v47, v8;
	v49 =	vsel vm1, v49, v63  }
0xe9: {  	v55 =	vld [tilespmem:s24+$0x410];
	v47 =	vsel vm2, v8, v47;
	vm1 =	vgt.f32 v53, v46;
	v0 =	vperm.xlane v49, v35  }
0xea: {  	v50 =	vsel vm1, v52, v50;
	v52 =	vsel vm2, v45, v59;
	v45 =	vsel vm2, v59, v45  }
0xeb: {  	vm2 =	vgt.f32 v56, v44;
	v46 =	vsel vm1, v53, v46;
	vm0 =	vlt.s32 v49, v0  }
0xec: {  	v53 =	vsel vm2, v48, v60;
	v48 =	vsel vm2, v60, v48;
	v49 =	vsel vm0, v49, v0  }
0xed: {  	v59 =	vsel vm2, v44, v56;
	vm1 =	vgt.f32 v51, v46;
	v58 =	vperm.xlane v49, v36  }
0xee: {  	v56 =	vsel vm2, v56, v44;
	v46 =	vsel vm1, v51, v46;
	vm0 =	vgt.f32 v55, v45  }
0xef: {  	v60 =	vsel vm0, v47, v9;
	v47 =	vsel vm0, v9, v47;
	vm2 =	vlt.s32 v49, v58  }
0xf0: {  	v44 =	vsel vm2, v49, v58;
	v49 =	vsel vm1, v57, v50;
	v50 =	vsel vm0, v45, v55  }
0xf1: {  	v45 =	vsel vm0, v55, v45;
	vm2 =	veq.s32 v16, v44;
	vm0 =	veq.s32 v41, v44  }
0xf2: {  	v54 =	vsel vm2, $0xFF800000, v54;
	v42 =	vsel vm0, $0xFF800000, v42;
	vm0 =	veq.s32 v40, v44  }
0xf3: {  	v57 =	vld [tilespmem:s24+$0x420];
	vm1 =	vgt.f32 v59, v46;
	v43 =	vsel vm0, $0xFF800000, v43;
	v63 =	vmax.f32 v54, v42  }
0xf4: {  	v49 =	vsel vm1, v53, v49;
	vm2 =	vgt.f32 v52, v56;
	v51 =	vmax.f32 v63, v43  }
0xf5: {  	v0 =	vsel vm2, v48, v39;
	v48 =	vsel vm2, v39, v48;
	v39 =	vperm.xlane v51, v32  }
0xf6: {  	v46 =	vsel vm1, v59, v46;
	v58 =	vsel vm2, v56, v52;
	v52 =	vsel vm2, v52, v56;
	v56 =	vld [tilespmem:s24+$0x430]  }
0xf7: {  	vm2 =	vgt.f32 v50, v52;
	vm1 =	vgt.f32 v58, v46;
	v51 =	vmax.f32 v51, v39  }
0xf8: {  	vm0 =	vgt.f32 v57, v45;
	v59 =	vsel vm2, v52, v50;
	v61 =	vperm.xlane v51, v34  }
0xf9: {  	v50 =	vsel vm2, v50, v52;
	v52 =	vsel vm1, v0, v49;
	v62 =	vsel vm0, v47, v10  }
0xfa: {  	v53 =	vsel vm0, v45, v57;
	v45 =	vsel vm0, v57, v45;
	v51 =	vmax.f32 v51, v61  }
0xfb: {  	v47 =	vsel vm0, v10, v47;
	vm0 =	vgt.f32 v56, v45;
	v61 =	vperm.xlane v51, v35  }
0xfc: {  	v57 =	vsel vm2, v48, v60;
	v48 =	vsel vm2, v60, v48;
	v60 =	vld [tilespmem:s24+$0x440];
	v55 =	vsel vm0, v47, v11  }
0xfd: {  	v63 =	vsel vm0, v11, v47;
	v39 =	vsel vm0, v45, v56;
	v0 =	vmax.f32 v51, v61  }
0xfe: {  	v45 =	vsel vm0, v56, v45;
	vm0 =	vgt.f32 v53, v50;
	v51 =	vperm.xlane v0, v36  }
0xff: {  	v46 =	vsel vm1, v58, v46;
	v58 =	vsel vm0, v48, v62;
	v48 =	vsel vm0, v62, v48  }
0x100: {  	v49 =	vsel vm0, v50, v53;
	v50 =	vsel vm0, v53, v50;
	v47 =	vmax.f32 v0, v51  }
0x101: {  	vm1 =	vgt.f32 v60, v45;
	vm0 =	veq.f32 v54, v47;
	vm2 =	veq.f32 v42, v47  }
0x102: {  	v0 =	vsel vm1, v60, v45;
	v61 =	vnsel vm0, $0x200, v16;
	v41 =	vnsel vm2, $0x200, v41  }
0x103: {  	vm0 =	veq.f32 v43, v47;
	vm2 =	vgt.f32 v59, v46;
	v47 =	vsel vm1, v63, v12  }
0x104: {  	v42 =	vld [tilespmem:s24+$0x450];
	v63 =	vsel vm1, v12, v63;
	v43 =	vimm.s32 $0x0;
	v40 =	vnsel vm0, $0x200, v40  }
0x105: {  	v41 =	vmin.u32 v61, v41;
	v62 =	vsel vm2, v57, v52;
	vm0 =	vgt.f32 v39, v50  }
0x106: {  	v52 =	vsel vm1, v45, v60;
	v56 =	vsel vm2, v59, v46;
	v40 =	vmin.u32 v41, v40  }
0x107: {  	v51 =	vsel vm0, v48, v55;
	v57 =	vsel vm0, v55, v48;
	v41 =	vperm.xlane v40, v32  }
0x108: {  	v29 =	vmovc v26;
	v27 =	vmovc v28;
	v48 =	vsel vm0, v50, v39;
	v55 =	vsel vm0, v39, v50;
	v39 =	vimm.s32 $0x0  }
0x109: {  	v26 =	vmovc v14;
	vm0 =	vgt.f32 v52, v55;
	vm2 =	vgt.f32 v42, v0;
	vm1 =	vlt.s32 v40, v41  }
0x10a: {  	v14 =	vmovc v4;
	v53 =	vsel vm2, v63, v13;
	v50 =	vsel vm2, v0, v42;
	v45 =	vsel vm1, v40, v41  }
0x10b: {  	v28 =	vmovc v31;
	v60 =	vsel vm2, v13, v63;
	v59 =	vsel vm2, v42, v0;
	v46 =	vperm.xlane v45, v34  }
0x10c: {  	v31 =	vmovc v18;
	v18 =	vmovc v3;
	v42 =	vimm.s32 $0x0;
	vm1 =	vgt.f32 v49, v56;
	v40 =	vimm.s32 $0x0  }
0x10d: {  	s28 =	simm.s32 $0x2;
	s23 =	simm.s32 $0x1;
	[tilespmem:$0x1FEA0] =	vst v17;
	v17 =	vmovc v2;
	v54 =	vld [tilespmem:s24+$0x460];
	v16 =	vmovc v1;
	v41 =	vimm.s32 $0x0;
	v58 =	vsel vm1, v58, v62;
	vm2 =	vlt.s32 v45, v46  }
.LBB2_2:
0x10e: {  	v0 =	vimm.s32 $0x0;
	v49 =	vsel vm1, v49, v56  }
0x10f: {  	v56 =	vsel vm0, v57, v47;
	v45 =	vsel vm2, v45, v46;
	v46 =	vsel vm0, v47, v57  }
0x110: {  	v57 =	vsel vm0, v55, v52;
	v0 =	vsel vm4, $0xFFFFFFFF, v0;
	vm2 =	vgt.f32 v48, v49  }
0x111: {  	v1 =	vsel vm0, v52, v55;
	[tilespmem:$0x1FE40] =	vst v0;
	v0 =	vperm.xlane v45, v35;
	v48 =	vsel vm2, v48, v49  }
0x112: {  	v55 =	vld [tilespmem:s24+$0x470];
	v51 =	vsel vm2, v51, v58;
	vm3 =	vgt.f32 v57, v48;
	vm1 =	vgt.f32 v54, v59  }
0x113: {  	vm0 =	vlt.s32 v45, v0;
	v51 =	vsel vm3, v56, v51;
	v48 =	vsel vm3, v57, v48  }
0x114: {  	v61 =	vsel vm1, v60, v19;
	v2 =	vsel vm1, v19, v60;
	v58 =	vsel vm1, v59, v54  }
0x115: {  	v45 =	vsel vm0, v45, v0;
	vm0 =	vgt.f32 v50, v1;
	v62 =	vsel vm1, v54, v59  }
0x116: {  	v63 =	vperm.xlane v45, v36;
	v0 =	vsel vm0, v46, v53;
	v46 =	vsel vm0, v53, v46  }
0x117: {  	v59 =	vld [tilespmem:s24+$0x800];
	v53 =	vsel vm0, v1, v50;
	vm1 =	vgt.f32 v55, v62;
	v1 =	vsel vm0, v50, v1  }
0x118: {  	v52 =	vsel vm1, v2, v20;
	v2 =	vsel vm1, v20, v2;
	vm0 =	vgt.f32 v58, v1  }
0x119: {  	v56 =	vsel vm1, v62, v55;
	v47 =	vsel vm1, v55, v62;
	vm2 =	vlt.s32 v45, v63  }
0x11a: {  	v57 =	vsel vm0, v46, v61;
	v60 =	vsel vm0, v1, v58;
	v46 =	vsel vm0, v61, v46  }
0x11b: {  	v55 =	vld [tilespmem:s24+$0x810];
	v50 =	vsel vm0, v58, v1;
	v45 =	vsel vm2, v45, v63;
	vm2 =	vgt.f32 v53, v48  }
0x11c: {  	vm0 =	vgt.f32 v56, v50;
	v37 =	vsel vm4, v45, v37;
	vm1 =	vgt.f32 v59, v47  }
0x11d: {  	v49 =	vsel vm2, v0, v51;
	v48 =	vsel vm2, v53, v48;
	v1 =	vsel vm0, v46, v52  }
0x11e: {  	v46 =	vsel vm0, v52, v46;
	v63 =	vsel vm1, v2, v21;
	v0 =	vsel vm1, v47, v59  }
0x11f: {  	v54 =	vsel vm1, v21, v2;
	v47 =	vsel vm1, v59, v47;
	vm2 =	vgt.f32 v60, v48  }
0x120: {  	v2 =	vsel vm0, v50, v56;
	v50 =	vsel vm0, v56, v50;
	vm1 =	vgt.f32 v55, v47  }
0x121: {  	v52 =	vld [tilespmem:s24+$0x820];
	v49 =	vsel vm2, v57, v49;
	vm0 =	vgt.f32 v0, v50;
	v48 =	vsel vm2, v60, v48  }
0x122: {  	v56 =	vsel vm1, v54, v22;
	v54 =	vsel vm1, v22, v54;
	v57 =	vsel vm1, v47, v55  }
0x123: {  	v47 =	vsel vm1, v55, v47;
	v55 =	vsel vm0, v46, v63;
	v46 =	vsel vm0, v63, v46  }
0x124: {  	v60 =	vsel vm0, v50, v0;
	v50 =	vsel vm0, v0, v50;
	vm1 =	vgt.f32 v2, v48  }
0x125: {  	v58 =	vld [tilespmem:s24+$0x830];
	v49 =	vsel vm1, v1, v49;
	vm2 =	vgt.f32 v57, v50;
	v48 =	vsel vm1, v2, v48  }
0x126: {  	vm0 =	vgt.f32 v52, v47;
	v2 =	vsel vm2, v46, v56;
	v61 =	vsel vm2, v50, v57  }
0x127: {  	v46 =	vsel vm2, v56, v46;
	vm1 =	vgt.f32 v60, v48;
	v50 =	vsel vm2, v57, v50  }
0x128: {  	v0 =	vsel vm0, v54, v23;
	v54 =	vsel vm0, v23, v54;
	v1 =	vsel vm0, v47, v52  }
0x129: {  	v47 =	vsel vm0, v52, v47;
	v52 =	vld [tilespmem:s24+$0x840];
	v49 =	vsel vm1, v55, v49;
	v48 =	vsel vm1, v60, v48  }
0x12a: {  	vm0 =	vgt.f32 v58, v47;
	vm1 =	vgt.f32 v1, v50;
	vm2 =	vgt.f32 v61, v48  }
0x12b: {  	v63 =	vsel vm0, v54, v24;
	v55 =	vsel vm0, v47, v58;
	v54 =	vsel vm0, v24, v54  }
0x12c: {  	v47 =	vsel vm0, v58, v47;
	v57 =	vsel vm1, v46, v0;
	v46 =	vsel vm1, v0, v46  }
0x12d: {  	v51 =	vld [tilespmem:s24+$0x850];
	v0 =	vsel vm1, v50, v1;
	v50 =	vsel vm1, v1, v50;
	v49 =	vsel vm2, v2, v49  }
0x12e: {  	v48 =	vsel vm2, v61, v48;
	vm1 =	vgt.f32 v55, v50;
	vm0 =	vgt.f32 v52, v47  }
0x12f: {  	v60 =	vsel vm1, v50, v55;
	v50 =	vsel vm1, v55, v50;
	v1 =	vsel vm0, v54, v25  }
0x130: {  	v54 =	vsel vm0, v25, v54;
	v2 =	vsel vm0, v47, v52;
	v47 =	vsel vm0, v52, v47  }
0x131: {  	v56 =	vld [tilespmem:s24+$0x860];
	v52 =	vsel vm1, v46, v63;
	v46 =	vsel vm1, v63, v46;
	vm1 =	vgt.f32 v0, v48  }
0x132: {  	v62 =	vld [tilespmem:$0x1FFC0];
	vm0 =	vgt.f32 v51, v47;
	v49 =	vsel vm1, v57, v49;
	vm2 =	vgt.f32 v2, v50  }
0x133: {  	v48 =	vsel vm1, v0, v48;
	v55 =	vsel vm0, v54, v26;
	v54 =	vsel vm0, v26, v54  }
0x134: {  	v57 =	vsel vm0, v47, v51;
	v58 =	vsel vm2, v46, v1;
	v47 =	vsel vm0, v51, v47  }
0x135: {  	v61 =	vsel vm2, v50, v2;
	v46 =	vsel vm2, v1, v46;
	vm1 =	vgt.f32 v60, v48  }
0x136: {  	v51 =	vld [tilespmem:s24+$0x870];
	v50 =	vsel vm2, v2, v50;
	vm0 =	vgt.f32 v56, v47;
	v49 =	vsel vm1, v52, v49  }
0x137: {  	v48 =	vsel vm1, v60, v48;
	vm1 =	vgt.f32 v57, v50;
	v60 =	vld [tilespmem:$0x1FFD0];
	v63 =	vsel vm0, v54, v62  }
0x138: {  	v52 =	vsel vm0, v47, v56;
	v54 =	vsel vm0, v62, v54;
	v47 =	vsel vm0, v56, v47  }
0x139: {  	v56 =	vsel vm1, v46, v55;
	v46 =	vsel vm1, v55, v46;
	vm2 =	vgt.f32 v61, v48  }
0x13a: {  	v55 =	vld [tilespmem:s24+$0xC00];
	v59 =	vsel vm1, v50, v57;
	v50 =	vsel vm1, v57, v50;
	v49 =	vsel vm2, v58, v49  }
0x13b: {  	v62 =	vld [tilespmem:$0x1FFE0];
	vm1 =	vgt.f32 v52, v50;
	v48 =	vsel vm2, v61, v48;
	vm0 =	vgt.f32 v51, v47  }
0x13c: {  	v57 =	vsel vm0, v54, v60;
	v54 =	vsel vm0, v60, v54;
	v58 =	vsel vm0, v47, v51  }
0x13d: {  	v47 =	vsel vm0, v51, v47;
	v51 =	vsel vm1, v46, v63;
	v46 =	vsel vm1, v63, v46  }
0x13e: {  	v53 =	vld [tilespmem:s24+$0xC10];
	v60 =	vsel vm1, v50, v52;
	v50 =	vsel vm1, v52, v50;
	vm1 =	vgt.f32 v59, v48  }
0x13f: {  	vm0 =	vgt.f32 v55, v47;
	v49 =	vsel vm1, v56, v49;
	vm2 =	vgt.f32 v58, v50  }
0x140: {  	v48 =	vsel vm1, v59, v48;
	v52 =	vsel vm0, v54, v62;
	v54 =	vsel vm0, v62, v54  }
0x141: {  	v56 =	vsel vm0, v47, v55;
	v59 =	vsel vm2, v46, v57;
	v47 =	vsel vm0, v55, v47  }
0x142: {  	v63 =	vld [tilespmem:$0x1FFF0];
	v61 =	vsel vm2, v50, v58;
	v46 =	vsel vm2, v57, v46;
	vm1 =	vgt.f32 v60, v48  }
0x143: {  	v50 =	vsel vm2, v58, v50;
	vm0 =	vgt.f32 v53, v47;
	v49 =	vsel vm1, v51, v49  }
0x144: {  	v55 =	vld [tilespmem:s24+$0xC20];
	v48 =	vsel vm1, v60, v48;
	vm1 =	vgt.f32 v56, v50;
	v60 =	vimm.s32 $0x0  }
0x145: {  	v51 =	vsel vm0, v47, v53;
	v47 =	vsel vm0, v53, v47;
	v53 =	vsel vm1, v46, v52  }
0x146: {  	v46 =	vsel vm1, v52, v46;
	v52 =	vsel vm1, v50, v56;
	v50 =	vsel vm1, v56, v50  }
0x147: {  	v58 =	vld [tilespmem:s24+$0xC30];
	v57 =	vsel vm0, v54, v63;
	v54 =	vsel vm0, v63, v54;
	vm0 =	vgt.f32 v61, v48  }
0x148: {  	vm5 =	vgt.f32 v51, v50;
	v63 =	vimm.s32 $0x0;
	v0 =	vsel vm0, $0xFFFFFFFF, v60  }
0x149: {  	v48 =	vsel vm0, v61, v48;
	v61 =	vimm.s32 $0x0;
	vm8 =	vgt.f32 v55, v47  }
0x14a: {  	v56 =	vld [tilespmem:s24+$0xC40];
	vm0 =	vgt.f32 v52, v48;
	v60 =	vsel vm8, v47, v55;
	v47 =	vsel vm8, v55, v47  }
0x14b: {  	[tilespmem:$0x1FDF0] =	vst v0;
	v0 =	vsel vm0, $0xFFFFFFFF, v61;
	v55 =	vsel vm5, v50, v51;
	v50 =	vsel vm5, v51, v50  }
0x14c: {  	v48 =	vsel vm0, v52, v48;
	vm9 =	vgt.f32 v58, v47;
	vm7 =	vgt.f32 v60, v50  }
0x14d: {  	v51 =	vld [tilespmem:s24+$0xC50];
	vm0 =	vgt.f32 v55, v48;
	v61 =	vsel vm9, v47, v58;
	v47 =	vsel vm9, v58, v47  }
0x14e: {  	[tilespmem:$0x1FE00] =	vst v0;
	v52 =	vsel vm7, v50, v60;
	v0 =	vsel vm0, $0xFFFFFFFF, v63;
	v50 =	vsel vm7, v60, v50  }
0x14f: {  	v48 =	vsel vm0, v55, v48;
	vm6 =	vgt.f32 v56, v47;
	vm10 =	vgt.f32 v61, v50  }
0x150: {  	v58 =	vld [tilespmem:s24+$0xC60];
	vm12 =	vgt.f32 v52, v48;
	v60 =	vsel vm6, v47, v56;
	v47 =	vsel vm6, v56, v47  }
0x151: {  	v55 =	vsel vm10, v50, v61;
	v50 =	vsel vm10, v61, v50;
	v48 =	vsel vm12, v52, v48  }
0x152: {  	v52 =	vimm.s32 $0x0;
	vm11 =	vgt.f32 v51, v47;
	vm2 =	vgt.f32 v60, v50  }
0x153: {  	vm0 =	vgt.f32 v55, v48;
	v61 =	vsel vm11, v47, v51;
	v47 =	vsel vm11, v51, v47  }
0x154: {  	[tilespmem:$0x1FE10] =	vst v0;
	v0 =	vsel vm0, $0xFFFFFFFF, v52;
	v51 =	vsel vm2, v50, v60;
	v48 =	vsel vm0, v55, v48  }
0x155: {  	v56 =	vld [tilespmem:s24+$0xC70];
	v50 =	vsel vm2, v60, v50;
	vm4 =	vgt.f32 v58, v47;
	vm3 =	vgt.f32 v51, v48  }
0x156: {  	vm0 =	vgt.f32 v61, v50;
	v63 =	vsel vm4, v47, v58;
	v47 =	vsel vm4, v58, v47  }
0x157: {  	v48 =	vsel vm3, v51, v48;
	v58 =	vsel vm0, v50, v61;
	v50 =	vsel vm0, v61, v50  }
0x158: {  	v61 =	vld [tilespmem:$0x1FDF0];
	vm14 =	vgt.f32 v58, v48;
	vm15 =	vgt.f32 v63, v50  }
0x159: {  	v55 =	vimm.s32 $0x0;
	v48 =	vsel vm14, v58, v48;
	v60 =	vsel vm15, v50, v63  }
0x15a: {  	[tilespmem:$0x1FE20] =	vst v0;
	v0 =	vsel vm3, $0xFFFFFFFF, v55;
	vm1 =	vgt.f32 v56, v47;
	vm13 =	vgt.f32 v60, v48  }
0x15b: {  	v55 =	vsel vm1, v47, v56;
	v50 =	vsel vm15, v63, v50;
	v48 =	vsel vm13, v60, v48;
	v60 =	vld [tilespmem:$0x1FE00]  }
0x15c: {  	v62 =	vsel vm8, v54, v31;
	vm3 =	vgt.f32 v55, v50  }
0x15d: {  	v52 =	vsel vm8, v31, v54;
	v58 =	vsel vm3, v50, v55;
	vm8 =	vnez.u8 v61  }
0x15e: {  	v50 =	vsel vm3, v55, v50;
	v63 =	vsel vm8, v59, v49;
	v49 =	vsel vm1, v56, v47  }
0x15f: {  	vm8 =	vgt.f32 v58, v48;
	v47 =	vsel vm5, v46, v57;
	v46 =	vsel vm5, v57, v46  }
0x160: {  	v51 =	vsel vm8, v58, v48;
	v59 =	vmax.f32 v49, v50;
	vm5 =	vnez.u8 v60;
	v60 =	vld [tilespmem:$0x1FE10]  }
0x161: {  	v48 =	vmax.f32 v59, v51  }
0x162: {  	v61 =	vperm.xlane v48, v32  }
0x163: {  	v55 =	vsel vm9, v52, v15;
	v52 =	vsel vm9, v15, v52  }
0x164: {  	v56 =	vsel vm7, v46, v62;
	v46 =	vsel vm7, v62, v46;
	v48 =	vmax.f32 v48, v61  }
0x165: {  	v53 =	vsel vm5, v53, v63;
	v54 =	vperm.xlane v48, v34;
	vm5 =	vnez.u8 v60  }
0x166: {  	v63 =	vsel vm6, v52, v29;
	v61 =	vsel vm10, v46, v55;
	v47 =	vsel vm5, v47, v53  }
0x167: {  	v46 =	vsel vm10, v55, v46;
	v48 =	vmax.f32 v48, v54;
	v47 =	vsel vm12, v56, v47  }
0x168: {  	v56 =	vsel vm2, v46, v63;
	v46 =	vsel vm2, v63, v46;
	v63 =	vperm.xlane v48, v35  }
0x169: {  	[tilespmem:$0x1FE30] =	vst v0;
	v60 =	vld [tilespmem:$0x1FE20]  }
0x16a: {  	v48 =	vmax.f32 v48, v63;
	v63 =	vld [tilespmem:$0x1FE30]  }
0x16b: {  	v52 =	vsel vm6, v29, v52  }
0x16c: {  	v62 =	vsel vm11, v52, v30;
	v52 =	vsel vm11, v30, v52  }
0x16d: {  	v0 =	vlaneseq.u32;
	v54 =	vsel vm4, v52, v27;
	v55 =	vsel vm0, v62, v46  }
0x16e: {  	v52 =	vsel vm4, v27, v52;
	v1 =	vsel vm15, v54, v55;
	vm2 =	vnez.u8 v60  }
0x16f: {  	s25 =	sadd.s32 $0x80, s25;
	s26 =	sadd.s32 $0x200, s26;
	v47 =	vsel vm2, v61, v47;
	v61 =	vsel vm0, v46, v62;
	vm0 =	vnez.u8 v63  }
0x170: {  	s30 =	sand.u32 $0x3000, s26;
	s29 =	sand.u32 $0x380, s25;
	v59 =	vld [tilespmem:$0x1FEA0];
	v2 =	vperm.xlane v48, v36;
	v62 =	vsel vm1, v52, v28;
	v47 =	vsel vm0, v56, v47  }
0x171: {  	s24 =	sor.u32 s29, s30;
	v60 =	vsel vm15, v55, v54;
	v47 =	vsel vm14, v61, v47;
	v61 =	vsel vm3, v1, v62  }
0x172: {  	v63 =	vld [tilespmem:s24+$0x0];
	v53 =	vsel vm13, v60, v47;
	v47 =	vsel vm3, v62, v1;
	v62 =	vmax.f32 v48, v2  }
0x173: {  	v46 =	vsel vm1, v28, v52;
	v60 =	vld [tilespmem:$0x1FE40];
	v48 =	vsel vm8, v61, v53;
	vm0 =	veq.f32 v49, v62  }
0x174: {  	vm1 =	veq.f32 v50, v62;
	v57 =	vnsel vm0, $0x200, v46;
	vm0 =	veq.f32 v51, v62  }
0x175: {  	v58 =	vnsel vm1, $0x200, v47;
	v52 =	vnsel vm0, $0x200, v48;
	vm0 =	vnez.u8 v59  }
0x176: {  	v62 =	vmov s23;
	v53 =	vmin.u32 v57, v58;
	v39 =	vsel vm0, v45, v39  }
0x177: {  	v52 =	vmin.u32 v53, v52;
	v40 =	vsel vm0, v44, v40;
	v43 =	vsel vm0, v38, v43  }
0x178: {  	v45 =	vld [tilespmem:s24+$0x10];
	vm0 =	vlt.f32 v63, $-Inf;
	vm1 =	vnez.u8 v60;
	v61 =	vperm.xlane v52, v32  }
0x179: {  	v42 =	vsel vm1, v44, v42;
	v41 =	vsel vm1, v38, v41;
	vm1 =	vgt.f32 v63, $-Inf  }
0x17a: {  	v1 =	vimm.s32 $0x0;
	vm0 =	vmor vm1, vm0;
	vm1 =	veq.s32 v62, v0  }
0x17b: {  	s31 =	sadd.s32 $0xFFFFFFF0, s23;
	v53 =	vld [tilespmem:s24+$0x20];
	v1 =	vsel vm1, $0xFFFFFFFF, v1;
	vm1 =	vlt.s32 v52, v61  }
0x17c: {  	v2 =	vmov s31;
	v63 =	vnsel vm0, $0xFF800000, v63;
	v44 =	vsel vm1, v52, v61  }
0x17d: {  	v60 =	vnsel vm0, $0x0, v0;
	vm0 =	vgt.f32 v45, v63;
	v61 =	vperm.xlane v44, v34  }
0x17e: {  	vm4 =	veq.s32 v2, v0;
	v62 =	vsel vm0, v60, v16;
	v52 =	vsel vm0, v16, v60  }
0x17f: {  	[tilespmem:$0x1FEA0] =	vst v1;
	v1 =	vsel vm0, v63, v45;
	v38 =	vsel vm0, v45, v63;
	v45 =	vld [tilespmem:s24+$0x30];
	vm0 =	vlt.s32 v44, v61  }
0x180: {  	vm1 =	vlt.f32 v1, $-Inf;
	vm2 =	vgt.f32 v53, v38;
	v44 =	vsel vm0, v44, v61  }
0x181: {  	v2 =	vsel vm2, v52, v17;
	vm0 =	vgt.f32 v1, $-Inf;
	v63 =	vperm.xlane v44, v35  }
0x182: {  	v59 =	vld [tilespmem:s24+$0x40];
	v0 =	vsel vm2, v53, v38;
	v52 =	vsel vm2, v17, v52;
	vm0 =	vmor vm0, vm1  }
0x183: {  	v53 =	vsel vm2, v38, v53;
	v56 =	vnsel vm0, $0x0, v62;
	vm1 =	vlt.s32 v44, v63  }
0x184: {  	v54 =	vnsel vm0, $0xFF800000, v1;
	vm0 =	vgt.f32 v45, v0;
	v1 =	vsel vm1, v44, v63  }
0x185: {  	v60 =	vsel vm0, v0, v45;
	v58 =	vsel vm0, v45, v0;
	v57 =	vperm.xlane v1, v36  }
0x186: {  	v44 =	vsel vm0, v52, v18;
	v52 =	vsel vm0, v18, v52;
	vm1 =	vgt.f32 v53, v54  }
0x187: {  	vm2 =	vgt.f32 v59, v58;
	v61 =	vsel vm1, v56, v2;
	vm0 =	vlt.s32 v1, v57  }
0x188: {  	v55 =	vsel vm1, v2, v56;
	v2 =	vsel vm1, v53, v54;
	v38 =	vsel vm0, v1, v57  }
0x189: {  	v53 =	vsel vm1, v54, v53;
	v54 =	vld [tilespmem:s24+$0x50];
	vm0 =	veq.s32 v46, v38;
	vm1 =	veq.s32 v47, v38  }
0x18a: {  	v45 =	vsel vm0, $0xFF800000, v49;
	v49 =	vsel vm1, $0xFF800000, v50;
	vm0 =	veq.s32 v48, v38  }
0x18b: {  	v62 =	vsel vm2, v58, v59;
	v50 =	vsel vm0, $0xFF800000, v51;
	v0 =	vmax.f32 v45, v49  }
0x18c: {  	v58 =	vsel vm2, v59, v58;
	v57 =	vsel vm2, v52, v14;
	v51 =	vmax.f32 v0, v50  }
0x18d: {  	v52 =	vsel vm2, v14, v52;
	vm2 =	vgt.f32 v53, $-Inf;
	v1 =	vperm.xlane v51, v32  }
0x18e: {  	vm1 =	vlt.f32 v53, $-Inf;
	vm3 =	vgt.f32 v54, v58;
	vm0 =	vgt.f32 v60, v2  }
0x18f: {  	v59 =	vld [tilespmem:s24+$0x60];
	v63 =	vsel vm0, v55, v44;
	v44 =	vsel vm0, v44, v55;
	v51 =	vmax.f32 v51, v1  }
0x190: {  	v55 =	vsel vm0, v2, v60;
	v56 =	vsel vm0, v60, v2;
	v60 =	vperm.xlane v51, v34  }
0x191: {  	vm0 =	vmor vm2, vm1;
	v0 =	vsel vm3, v52, v5;
	v52 =	vsel vm3, v5, v52  }
0x192: {  	v61 =	vnsel vm0, $0x0, v61;
	v53 =	vnsel vm0, $0xFF800000, v53;
	v51 =	vmax.f32 v51, v60  }
0x193: {  	v1 =	vsel vm3, v58, v54;
	v54 =	vsel vm3, v54, v58;
	v2 =	vperm.xlane v51, v35  }
0x194: {  	vm1 =	vgt.f32 v62, v56;
	vm2 =	vgt.f32 v55, v53;
	vm0 =	vgt.f32 v59, v54  }
0x195: {  	v61 =	vsel vm2, v63, v61;
	v63 =	vsel vm0, v54, v59;
	v51 =	vmax.f32 v51, v2  }
0x196: {  	v54 =	vsel vm0, v59, v54;
	v60 =	vsel vm1, v44, v57;
	v58 =	vperm.xlane v51, v36  }
0x197: {  	v44 =	vsel vm1, v57, v44;
	v57 =	vsel vm1, v56, v62;
	v56 =	vsel vm1, v62, v56  }
0x198: {  	v59 =	vld [tilespmem:s24+$0x70];
	v62 =	vsel vm0, v52, v6;
	v52 =	vsel vm0, v6, v52;
	v51 =	vmax.f32 v51, v58  }
0x199: {  	vm0 =	vgt.f32 v1, v56;
	vm1 =	veq.f32 v45, v51;
	vm3 =	veq.f32 v49, v51  }
0x19a: {  	v58 =	vnsel vm1, $0x200, v46;
	v2 =	vnsel vm3, $0x200, v47;
	vm1 =	veq.f32 v50, v51  }
0x19b: {  	v51 =	vsel vm2, v55, v53;
	v53 =	vnsel vm1, $0x200, v48;
	v2 =	vmin.u32 v58, v2  }
0x19c: {  	v55 =	vsel vm0, v44, v0;
	v0 =	vsel vm0, v0, v44;
	v2 =	vmin.u32 v2, v53  }
0x19d: {  	v44 =	vsel vm0, v56, v1;
	vm1 =	vgt.f32 v59, v54;
	v58 =	vperm.xlane v2, v32  }
0x19e: {  	v1 =	vsel vm0, v1, v56;
	vm2 =	vgt.f32 v57, v51;
	v56 =	vsel vm1, v52, v7  }
0x19f: {  	v53 =	vld [tilespmem:s24+$0x400];
	v60 =	vsel vm2, v60, v61;
	v52 =	vsel vm1, v7, v52;
	vm0 =	vlt.s32 v2, v58  }
0x1a0: {  	v61 =	vsel vm1, v54, v59;
	v54 =	vsel vm1, v59, v54;
	v2 =	vsel vm0, v2, v58  }
0x1a1: {  	v51 =	vsel vm2, v57, v51;
	vm0 =	vgt.f32 v63, v1;
	v57 =	vperm.xlane v2, v34  }
0x1a2: {  	vm2 =	vgt.f32 v44, v51;
	v58 =	vsel vm0, v0, v62;
	v0 =	vsel vm0, v62, v0  }
0x1a3: {  	v59 =	vsel vm0, v1, v63;
	v1 =	vsel vm0, v63, v1;
	vm0 =	vlt.s32 v2, v57  }
0x1a4: {  	v55 =	vsel vm2, v55, v60;
	vm1 =	vgt.f32 v53, v54;
	v2 =	vsel vm0, v2, v57  }
0x1a5: {  	v51 =	vsel vm2, v44, v51;
	v62 =	vld [tilespmem:s24+$0x410];
	v63 =	vsel vm1, v52, v8;
	v57 =	vperm.xlane v2, v35  }
0x1a6: {  	v52 =	vsel vm1, v8, v52;
	v60 =	vsel vm1, v54, v53;
	vm0 =	vgt.f32 v61, v1  }
0x1a7: {  	v53 =	vsel vm1, v53, v54;
	v54 =	vsel vm0, v0, v56;
	vm1 =	vlt.s32 v2, v57  }
0x1a8: {  	v0 =	vsel vm0, v56, v0;
	v56 =	vsel vm0, v1, v61;
	v2 =	vsel vm1, v2, v57  }
0x1a9: {  	v1 =	vsel vm0, v61, v1;
	vm0 =	vgt.f32 v59, v51;
	v44 =	vperm.xlane v2, v36  }
0x1aa: {  	vm2 =	vgt.f32 v62, v53;
	v55 =	vsel vm0, v58, v55;
	vm3 =	vgt.f32 v60, v1  }
0x1ab: {  	v58 =	vsel vm2, v53, v62;
	v53 =	vsel vm2, v62, v53;
	vm1 =	vlt.s32 v2, v44  }
0x1ac: {  	v61 =	vld [tilespmem:s24+$0x420];
	v57 =	vsel vm2, v52, v9;
	v52 =	vsel vm2, v9, v52;
	v44 =	vsel vm1, v2, v44  }
0x1ad: {  	v2 =	vsel vm0, v59, v51;
	vm0 =	veq.s32 v46, v44;
	vm1 =	veq.s32 v47, v44  }
0x1ae: {  	v45 =	vsel vm0, $0xFF800000, v45;
	v51 =	vsel vm1, $0xFF800000, v49;
	vm0 =	veq.s32 v48, v44  }
0x1af: {  	v49 =	vsel vm3, v0, v63;
	v50 =	vsel vm0, $0xFF800000, v50;
	v62 =	vmax.f32 v45, v51  }
0x1b0: {  	v0 =	vsel vm3, v63, v0;
	vm1 =	vgt.f32 v56, v2;
	v59 =	vmax.f32 v62, v50  }
0x1b1: {  	vm0 =	vgt.f32 v61, v53;
	v54 =	vsel vm1, v54, v55;
	v63 =	vperm.xlane v59, v32  }
0x1b2: {  	v2 =	vsel vm1, v56, v2;
	v62 =	vsel vm3, v1, v60;
	v1 =	vsel vm3, v60, v1;
	v60 =	vld [tilespmem:s24+$0x430]  }
0x1b3: {  	v3 =	vsel vm0, v52, v10;
	v55 =	vsel vm0, v53, v61;
	v59 =	vmax.f32 v59, v63  }
0x1b4: {  	v53 =	vsel vm0, v61, v53;
	vm2 =	vgt.f32 v58, v1;
	v61 =	vperm.xlane v59, v34  }
0x1b5: {  	v52 =	vsel vm0, v10, v52;
	vm1 =	vgt.f32 v62, v2;
	v56 =	vsel vm2, v0, v57  }
0x1b6: {  	v0 =	vsel vm2, v57, v0;
	v57 =	vsel vm2, v1, v58;
	v59 =	vmax.f32 v59, v61  }
0x1b7: {  	v1 =	vsel vm2, v58, v1;
	vm0 =	vgt.f32 v60, v53;
	v58 =	vperm.xlane v59, v35  }
0x1b8: {  	v54 =	vsel vm1, v49, v54;
	v2 =	vsel vm1, v62, v2;
	v63 =	vld [tilespmem:s24+$0x440];
	v61 =	vsel vm0, v52, v11  }
0x1b9: {  	v52 =	vsel vm0, v11, v52;
	v4 =	vsel vm0, v53, v60;
	v58 =	vmax.f32 v59, v58  }
0x1ba: {  	v53 =	vsel vm0, v60, v53;
	vm0 =	vgt.f32 v55, v1;
	v59 =	vperm.xlane v58, v36  }
0x1bb: {  	v60 =	vsel vm0, v0, v3;
	v0 =	vsel vm0, v3, v0;
	v49 =	vsel vm0, v1, v55  }
0x1bc: {  	v1 =	vsel vm0, v55, v1;
	vm0 =	vgt.f32 v57, v2;
	v3 =	vmax.f32 v58, v59  }
0x1bd: {  	vm1 =	vgt.f32 v63, v53;
	vm2 =	veq.f32 v45, v3;
	vm3 =	veq.f32 v51, v3  }
0x1be: {  	v45 =	vnsel vm2, $0x200, v46;
	v62 =	vnsel vm3, $0x200, v47;
	vm2 =	veq.f32 v50, v3  }
0x1bf: {  	v47 =	vsel vm1, v52, v12;
	v3 =	vnsel vm2, $0x200, v48;
	v45 =	vmin.u32 v45, v62  }
0x1c0: {  	v59 =	vld [tilespmem:s24+$0x450];
	v50 =	vsel vm0, v56, v54;
	v56 =	vsel vm0, v57, v2;
	v3 =	vmin.u32 v45, v3  }
0x1c1: {  	v2 =	vsel vm1, v63, v53;
	v62 =	vsel vm1, v12, v52;
	v45 =	vperm.xlane v3, v32  }
0x1c2: {  	p0 =	sne.s32 s28, $0x1F;
	vm2 =	vgt.f32 v4, v1;
	v52 =	vsel vm1, v53, v63;
	vm1 =	vgt.f32 v49, v56  }
.Ltmp0:
0x1c3: {  	v51 =	vsel vm2, v0, v61;
	v57 =	vsel vm2, v61, v0;
	vm0 =	vlt.s32 v3, v45;
	(pc) =	sbr.rel @p0 .LBB2_2-.Ltmp0, $4  }
0x1c4: {  	v48 =	vsel vm2, v1, v4;
	v55 =	vsel vm2, v4, v1;
	v45 =	vsel vm0, v3, v45  }
0x1c5: {  	v58 =	vsel vm1, v60, v50;
	vm3 =	vgt.f32 v59, v2;
	v46 =	vperm.xlane v45, v34  }
0x1c6: {  	v53 =	vsel vm3, v62, v13;
	v50 =	vsel vm3, v2, v59;
	v60 =	vsel vm3, v13, v62  }
0x1c7: {  	s23 =	smov.u32 s28;
	s28 =	sadd.s32 $0x1, s28;
	v54 =	vld [tilespmem:s24+$0x460];
	v59 =	vsel vm3, v59, v2;
	vm0 =	vgt.f32 v52, v55;
	vm2 =	vlt.s32 v45, v46  }
0x1c8: {  	v0 =	vsel vm1, v49, v56;
	v1 =	vsel vm0, v57, v47;
	v2 =	vsel vm0, v47, v57  }
0x1c9: {  	v4 =	vsel vm0, v55, v52;
	v11 =	vsel vm0, v52, v55;
	v7 =	vimm.s32 $0x0  }
0x1ca: {  	vm3 =	vgt.f32 v48, v0;
	vm0 =	vgt.f32 v50, v11;
	v7 =	vsel vm4, $0xFFFFFFFF, v7  }
0x1cb: {  	v3 =	vld [tilespmem:s24+$0x470];
	v51 =	vsel vm3, v51, v58;
	v0 =	vsel vm3, v48, v0;
	v62 =	vsel vm0, v2, v53  }
0x1cc: {  	v2 =	vsel vm0, v53, v2;
	v63 =	vsel vm0, v11, v50;
	vm3 =	vgt.f32 v4, v0  }
0x1cd: {  	v47 =	vsel vm0, v50, v11;
	vm11 =	vgt.f32 v54, v59;
	v1 =	vsel vm3, v1, v51  }
0x1ce: {  	v0 =	vsel vm3, v4, v0;
	v49 =	vsel vm11, v60, v19;
	v60 =	vsel vm11, v19, v60  }
0x1cf: {  	v53 =	vld [tilespmem:s24+$0x800];
	v55 =	vsel vm11, v59, v54;
	v61 =	vsel vm11, v54, v59;
	vm3 =	vgt.f32 v63, v0  }
0x1d0: {  	vm1 =	vgt.f32 v3, v61;
	vm0 =	vgt.f32 v55, v47;
	v1 =	vsel vm3, v62, v1  }
0x1d1: {  	v0 =	vsel vm3, v63, v0;
	v8 =	vsel vm1, v60, v20;
	v52 =	vsel vm1, v20, v60  }
0x1d2: {  	v9 =	vsel vm1, v61, v3;
	v10 =	vsel vm0, v2, v49;
	v3 =	vsel vm1, v3, v61  }
0x1d3: {  	v11 =	vld [tilespmem:s24+$0x810];
	v60 =	vsel vm0, v47, v55;
	v2 =	vsel vm0, v49, v2;
	v47 =	vsel vm0, v55, v47  }
0x1d4: {  	vm1 =	vgt.f32 v53, v3;
	vm0 =	vgt.f32 v9, v47;
	vm3 =	vgt.f32 v60, v0  }
0x1d5: {  	v61 =	vsel vm1, v52, v21;
	v62 =	vsel vm1, v3, v53;
	v52 =	vsel vm1, v21, v52  }
0x1d6: {  	v3 =	vsel vm1, v53, v3;
	v63 =	vsel vm0, v2, v8;
	v2 =	vsel vm0, v8, v2  }
0x1d7: {  	v55 =	vsel vm0, v47, v9;
	v47 =	vsel vm0, v9, v47;
	v1 =	vsel vm3, v10, v1  }
0x1d8: {  	v0 =	vsel vm3, v60, v0;
	vm1 =	vgt.f32 v11, v3;
	vm0 =	vgt.f32 v62, v47  }
0x1d9: {  	v8 =	vld [tilespmem:s24+$0x820];
	vm13 =	vgt.f32 v55, v0;
	v4 =	vsel vm1, v52, v22;
	v9 =	vsel vm1, v22, v52  }
0x1da: {  	v10 =	vsel vm1, v3, v11;
	v3 =	vsel vm1, v11, v3;
	v11 =	vsel vm0, v2, v61  }
0x1db: {  	v2 =	vsel vm0, v61, v2;
	v61 =	vsel vm0, v47, v62;
	v47 =	vsel vm0, v62, v47  }
0x1dc: {  	v60 =	vld [tilespmem:s24+$0x830];
	v1 =	vsel vm13, v63, v1;
	v0 =	vsel vm13, v55, v0;
	vm14 =	vgt.f32 v10, v47  }
0x1dd: {  	vm1 =	vgt.f32 v61, v0;
	v63 =	vsel vm14, v2, v4;
	v2 =	vsel vm14, v4, v2  }
0x1de: {  	v1 =	vsel vm1, v11, v1;
	v0 =	vsel vm1, v61, v0;
	vm12 =	vgt.f32 v8, v3  }
0x1df: {  	v62 =	vsel vm12, v9, v23;
	v51 =	vsel vm12, v23, v9;
	v53 =	vsel vm12, v3, v8  }
0x1e0: {  	v50 =	vld [tilespmem:s24+$0x840];
	v3 =	vsel vm12, v8, v3;
	v8 =	vsel vm14, v47, v10;
	v9 =	vsel vm14, v10, v47  }
0x1e1: {  	vm0 =	vgt.f32 v60, v3;
	vm15 =	vgt.f32 v53, v9;
	vm6 =	vgt.f32 v8, v0  }
0x1e2: {  	v10 =	vsel vm0, v51, v24;
	v11 =	vsel vm0, v3, v60;
	v51 =	vsel vm0, v24, v51  }
0x1e3: {  	v3 =	vsel vm0, v60, v3;
	v60 =	vsel vm15, v2, v62;
	v2 =	vsel vm15, v62, v2  }
0x1e4: {  	v62 =	vsel vm15, v9, v53;
	v4 =	vsel vm15, v53, v9;
	v1 =	vsel vm6, v63, v1  }
0x1e5: {  	v61 =	vld [tilespmem:s24+$0x850];
	v0 =	vsel vm6, v8, v0;
	vm0 =	vgt.f32 v50, v3;
	vm1 =	vgt.f32 v11, v4  }
0x1e6: {  	vm7 =	vgt.f32 v62, v0;
	v53 =	vsel vm0, v51, v25;
	v51 =	vsel vm0, v25, v51  }
0x1e7: {  	v63 =	vsel vm0, v3, v50;
	v3 =	vsel vm0, v50, v3;
	v9 =	vsel vm1, v2, v10  }
0x1e8: {  	v2 =	vsel vm1, v10, v2;
	v10 =	vsel vm1, v4, v11;
	v4 =	vsel vm1, v11, v4  }
0x1e9: {  	v47 =	vld [tilespmem:s24+$0x860];
	v1 =	vsel vm7, v60, v1;
	v0 =	vsel vm7, v62, v0;
	v50 =	vimm.s32 $0x0  }
0x1ea: {  	v5 =	vld [tilespmem:$0x1FFC0];
	vm0 =	vgt.f32 v61, v3;
	vm8 =	vgt.f32 v63, v4;
	vm1 =	vgt.f32 v10, v0  }
0x1eb: {  	v11 =	vsel vm0, v51, v26;
	v51 =	vsel vm0, v26, v51;
	v8 =	vsel vm0, v3, v61  }
0x1ec: {  	v60 =	vsel vm8, v2, v53;
	v3 =	vsel vm0, v61, v3;
	v62 =	vsel vm8, v4, v63  }
0x1ed: {  	v2 =	vsel vm8, v53, v2;
	v4 =	vsel vm8, v63, v4;
	v1 =	vsel vm1, v9, v1  }
0x1ee: {  	v61 =	vld [tilespmem:s24+$0x870];
	v0 =	vsel vm1, v10, v0;
	vm0 =	vgt.f32 v47, v3;
	vm9 =	vgt.f32 v8, v4  }
0x1ef: {  	v6 =	vld [tilespmem:$0x1FFD0];
	vm10 =	vgt.f32 v62, v0;
	v63 =	vsel vm0, v51, v5;
	v9 =	vsel vm0, v3, v47  }
0x1f0: {  	v51 =	vsel vm0, v5, v51;
	v3 =	vsel vm0, v47, v3;
	v10 =	vsel vm9, v2, v11  }
0x1f1: {  	v2 =	vsel vm9, v11, v2;
	v55 =	vsel vm9, v4, v8;
	v0 =	vsel vm10, v62, v0  }
0x1f2: {  	v11 =	vld [tilespmem:s24+$0xC00];
	v4 =	vsel vm9, v8, v4;
	v1 =	vsel vm10, v60, v1;
	vm11 =	vgt.f32 v55, v0  }
0x1f3: {  	v16 =	vld [tilespmem:$0x1FFE0];
	vm1 =	vgt.f32 v9, v4;
	v1 =	vsel vm11, v10, v1;
	vm0 =	vgt.f32 v61, v3  }
0x1f4: {  	v0 =	vsel vm11, v55, v0;
	v49 =	vsel vm0, v51, v6;
	v51 =	vsel vm0, v6, v51  }
0x1f5: {  	v60 =	vsel vm0, v3, v61;
	v3 =	vsel vm0, v61, v3;
	v61 =	vsel vm1, v2, v63  }
0x1f6: {  	v62 =	vld [tilespmem:s24+$0xC10];
	v2 =	vsel vm1, v63, v2;
	v63 =	vsel vm1, v4, v9;
	v4 =	vsel vm1, v9, v4  }
0x1f7: {  	v17 =	vld [tilespmem:$0x1FFF0];
	vm0 =	vgt.f32 v11, v3;
	vm12 =	vgt.f32 v60, v4;
	vm1 =	vgt.f32 v63, v0  }
0x1f8: {  	v8 =	vsel vm0, v51, v16;
	v51 =	vsel vm0, v16, v51;
	v9 =	vsel vm0, v3, v11  }
0x1f9: {  	v55 =	vsel vm12, v2, v49;
	v3 =	vsel vm0, v11, v3;
	v11 =	vsel vm12, v4, v60  }
0x1fa: {  	v10 =	vld [tilespmem:s24+$0xC20];
	v2 =	vsel vm12, v49, v2;
	v4 =	vsel vm12, v60, v4;
	v1 =	vsel vm1, v61, v1  }
0x1fb: {  	v0 =	vsel vm1, v63, v0;
	vm0 =	vgt.f32 v62, v3;
	vm13 =	vgt.f32 v9, v4  }
0x1fc: {  	v49 =	vsel vm0, v51, v17;
	v60 =	vsel vm0, v3, v62;
	v51 =	vsel vm0, v17, v51  }
0x1fd: {  	v61 =	vld [tilespmem:s24+$0xC30];
	v3 =	vsel vm0, v62, v3;
	v53 =	vsel vm13, v2, v8;
	v2 =	vsel vm13, v8, v2  }
0x1fe: {  	vm0 =	vgt.f32 v11, v0;
	v62 =	vsel vm13, v4, v9;
	v4 =	vsel vm13, v9, v4  }
0x1ff: {  	vm4 =	vgt.f32 v10, v3;
	vm6 =	vgt.f32 v60, v4;
	v0 =	vsel vm0, v11, v0  }
0x200: {  	v1 =	vsel vm0, v55, v1;
	v63 =	vsel vm4, v3, v10;
	v3 =	vsel vm4, v10, v3  }
0x201: {  	v47 =	vld [tilespmem:s24+$0xC40];
	v9 =	vsel vm6, v60, v4;
	vm14 =	vgt.f32 v62, v0;
	v10 =	vimm.s32 $0x0  }
0x202: {  	[tilespmem:$0x1FE40] =	vst v7;
	v4 =	vsel vm6, v4, v60;
	vm11 =	vgt.f32 v61, v3;
	v7 =	vsel vm14, $0xFFFFFFFF, v10  }
0x203: {  	vm9 =	vgt.f32 v63, v9;
	v0 =	vsel vm14, v62, v0;
	v10 =	vimm.s32 $0x0  }
0x204: {  	v48 =	vld [tilespmem:s24+$0xC50];
	v11 =	vsel vm11, v3, v61;
	v3 =	vsel vm11, v61, v3;
	v60 =	vsel vm9, v9, v63  }
0x205: {  	v52 =	vsel vm9, v63, v9;
	vm1 =	vgt.f32 v4, v0;
	v61 =	vimm.s32 $0x0  }
0x206: {  	[tilespmem:$0x1FDA0] =	vst v7;
	vm5 =	vgt.f32 v47, v3;
	v7 =	vsel vm1, $0xFFFFFFFF, v61;
	vm7 =	vgt.f32 v11, v52  }
0x207: {  	v0 =	vsel vm1, v4, v0;
	v61 =	vimm.s32 $0x0;
	v62 =	vsel vm5, v3, v47  }
0x208: {  	v54 =	vld [tilespmem:s24+$0xC60];
	v3 =	vsel vm5, v47, v3;
	v63 =	vsel vm7, v52, v11;
	vm1 =	vgt.f32 v60, v0  }
0x209: {  	[tilespmem:$0x1FDB0] =	vst v7;
	v9 =	vsel vm7, v11, v52;
	vm8 =	vgt.f32 v48, v3;
	v7 =	vsel vm1, $0xFFFFFFFF, v10  }
0x20a: {  	v0 =	vsel vm1, v60, v0;
	vm13 =	vgt.f32 v62, v9;
	v11 =	vsel vm8, v3, v48  }
0x20b: {  	v3 =	vsel vm8, v48, v3;
	vm1 =	vgt.f32 v63, v0;
	v58 =	vsel vm13, v9, v62  }
0x20c: {  	v52 =	vld [tilespmem:s24+$0xC70];
	v59 =	vsel vm13, v62, v9;
	v9 =	vsel vm4, v51, v31;
	v51 =	vsel vm4, v31, v51  }
0x20d: {  	[tilespmem:$0x1FDC0] =	vst v7;
	v7 =	vsel vm1, $0xFFFFFFFF, v50;
	vm10 =	vgt.f32 v54, v3;
	v0 =	vsel vm1, v63, v0  }
0x20e: {  	vm1 =	vgt.f32 v11, v59;
	v57 =	vsel vm11, v51, v15;
	v51 =	vsel vm11, v15, v51  }
0x20f: {  	v60 =	vsel vm10, v3, v54;
	vm15 =	vgt.f32 v58, v0;
	v3 =	vsel vm10, v54, v3  }
0x210: {  	v56 =	vld [tilespmem:$0x1FDA0];
	v62 =	vsel vm1, v59, v11;
	v4 =	vsel vm1, v11, v59;
	v11 =	vsel vm6, v2, v49  }
0x211: {  	v2 =	vsel vm6, v49, v2;
	v0 =	vsel vm15, v58, v0;
	vm14 =	vgt.f32 v52, v3  }
0x212: {  	vm3 =	vgt.f32 v60, v4;
	v63 =	vsel vm14, v3, v52;
	vm12 =	vgt.f32 v62, v0  }
0x213: {  	v8 =	vsel vm3, v4, v60;
	v4 =	vsel vm3, v60, v4;
	v0 =	vsel vm12, v62, v0  }
0x214: {  	[tilespmem:$0x1FDD0] =	vst v7;
	v7 =	vsel vm15, $0xFFFFFFFF, v61;
	vm0 =	vgt.f32 v63, v4;
	vm15 =	vgt.f32 v8, v0  }
0x215: {  	vm6 =	vnez.u8 v56;
	v60 =	vld [tilespmem:$0x1FDB0];
	v10 =	vsel vm0, v4, v63;
	v0 =	vsel vm15, v8, v0  }
0x216: {  	v3 =	vsel vm14, v52, v3;
	v4 =	vsel vm0, v63, v4;
	vm4 =	vgt.f32 v10, v0  }
0x217: {  	v1 =	vsel vm6, v53, v1;
	v55 =	vmax.f32 v3, v4;
	v0 =	vsel vm4, v10, v0  }
0x218: {  	v59 =	vsel vm9, v2, v9;
	v2 =	vsel vm9, v9, v2;
	v10 =	vld [tilespmem:$0x1FDC0];
	v48 =	vmax.f32 v55, v0  }
0x219: {  	v61 =	vsel vm5, v51, v29;
	[tilespmem:$0x1FDE0] =	vst v7;
	v62 =	vsel vm5, v29, v51;
	v58 =	vperm.xlane v48, v32  }
0x21a: {  	v63 =	vsel vm7, v2, v57;
	v2 =	vsel vm7, v57, v2;
	vm11 =	vnez.u8 v60;
	v60 =	vld [tilespmem:$0x1FDE0]  }
0x21b: {  	v56 =	vsel vm13, v2, v61;
	v2 =	vsel vm13, v61, v2;
	v48 =	vmax.f32 v48, v58;
	v58 =	vld [tilespmem:$0x1FDD0]  }
0x21c: {  	v1 =	vsel vm11, v11, v1;
	v11 =	vsel vm8, v62, v30;
	v9 =	vperm.xlane v48, v34  }
0x21d: {  	v50 =	vsel vm8, v30, v62;
	v61 =	vsel vm1, v2, v11;
	vm9 =	vnez.u8 v10  }
0x21e: {  	v2 =	vsel vm1, v11, v2;
	v1 =	vsel vm9, v59, v1;
	v57 =	vmax.f32 v48, v9  }
0x21f: {  	v59 =	vsel vm10, v50, v27;
	v50 =	vsel vm10, v27, v50;
	v49 =	vperm.xlane v57, v35  }
0x220: {  	vm13 =	vnez.u8 v60;
	v62 =	vsel vm14, v50, v28;
	vm11 =	vnez.u8 v58  }
0x221: {  	v52 =	vsel vm3, v2, v59;
	v1 =	vsel vm11, v63, v1;
	v47 =	vmax.f32 v57, v49  }
0x222: {  	v2 =	vsel vm3, v59, v2;
	v1 =	vsel vm13, v56, v1;
	v63 =	vperm.xlane v47, v36  }
0x223: {  	v50 =	vsel vm14, v28, v50;
	v48 =	vsel vm0, v2, v62;
	v1 =	vsel vm12, v61, v1  }
0x224: {  	v2 =	vsel vm0, v62, v2;
	v1 =	vsel vm15, v52, v1;
	v47 =	vmax.f32 v47, v63  }
0x225: {  	v1 =	vsel vm4, v48, v1;
	vm7 =	veq.f32 v3, v47;
	vm8 =	veq.f32 v4, v47  }
0x226: {  	vm9 =	veq.f32 v0, v47;
	v7 =	vnsel vm7, $0x200, v50;
	v49 =	vnsel vm8, $0x200, v2  }
0x227: {  	v47 =	vnsel vm9, $0x200, v1;
	v48 =	vmin.u32 v7, v49  }
0x228: {  	v47 =	vmin.u32 v48, v47  }
0x229: {  	v48 =	vperm.xlane v47, v32;
	_ =	sdelay $0x1  }
0x22a: {  	vm10 =	vlt.s32 v47, v48  }
0x22b: {  	v47 =	vsel vm10, v47, v48  }
0x22c: {  	v48 =	vperm.xlane v47, v34;
	_ =	sdelay $0x1  }
0x22d: {  	vm0 =	vlt.s32 v47, v48  }
0x22e: {  	v47 =	vsel vm0, v47, v48  }
0x22f: {  	v48 =	vperm.xlane v47, v35;
	_ =	sdelay $0x1  }
0x230: {  	vm0 =	vlt.s32 v47, v48  }
0x231: {  	v47 =	vsel vm0, v47, v48  }
0x232: {  	v48 =	vperm.xlane v47, v36;
	_ =	sdelay $0x1  }
0x233: {  	vm0 =	vlt.s32 v47, v48  }
0x234: {  	v47 =	vsel vm0, v47, v48  }
0x235: {  	vm0 =	veq.s32 v50, v47;
	vm11 =	veq.s32 v2, v47  }
0x236: {  	vm12 =	veq.s32 v1, v47;
	v3 =	vsel vm0, $0xFF800000, v3;
	v4 =	vsel vm11, $0xFF800000, v4  }
0x237: {  	v0 =	vsel vm12, $0xFF800000, v0;
	v8 =	vmax.f32 v3, v4  }
0x238: {  	v48 =	vmax.f32 v8, v0  }
0x239: {  	v9 =	vperm.xlane v48, v32;
	_ =	sdelay $0x1  }
0x23a: {  	v48 =	vmax.f32 v48, v9  }
0x23b: {  	v49 =	vperm.xlane v48, v34;
	_ =	sdelay $0x1  }
0x23c: {  	v48 =	vmax.f32 v48, v49  }
0x23d: {  	v49 =	vperm.xlane v48, v35;
	_ =	sdelay $0x1  }
0x23e: {  	v48 =	vmax.f32 v48, v49  }
0x23f: {  	v49 =	vperm.xlane v48, v36;
	_ =	sdelay $0x1  }
0x240: {  	v48 =	vmax.f32 v48, v49  }
0x241: {  	vm13 =	veq.f32 v3, v48;
	vm1 =	veq.f32 v4, v48  }
0x242: {  	vm14 =	veq.f32 v0, v48;
	v10 =	vnsel vm13, $0x200, v50;
	v11 =	vnsel vm1, $0x200, v2  }
0x243: {  	v48 =	vnsel vm14, $0x200, v1;
	v49 =	vmin.u32 v10, v11  }
0x244: {  	v48 =	vmin.u32 v49, v48  }
0x245: {  	v49 =	vperm.xlane v48, v32;
	_ =	sdelay $0x1  }
0x246: {  	vm15 =	vlt.s32 v48, v49  }
0x247: {  	v48 =	vsel vm15, v48, v49  }
0x248: {  	v49 =	vperm.xlane v48, v34;
	_ =	sdelay $0x1  }
0x249: {  	vm0 =	vlt.s32 v48, v49  }
0x24a: {  	v48 =	vsel vm0, v48, v49  }
0x24b: {  	v49 =	vperm.xlane v48, v35;
	_ =	sdelay $0x1  }
0x24c: {  	vm0 =	vlt.s32 v48, v49  }
0x24d: {  	v48 =	vsel vm0, v48, v49  }
0x24e: {  	v49 =	vperm.xlane v48, v36;
	_ =	sdelay $0x1  }
0x24f: {  	vm0 =	vlt.s32 v48, v49  }
0x250: {  	v48 =	vsel vm0, v48, v49  }
0x251: {  	vm0 =	veq.s32 v50, v48;
	vm4 =	veq.s32 v2, v48  }
0x252: {  	vm5 =	veq.s32 v1, v48;
	v3 =	vsel vm0, $0xFF800000, v3;
	v4 =	vsel vm4, $0xFF800000, v4  }
0x253: {  	v0 =	vsel vm5, $0xFF800000, v0;
	v53 =	vmax.f32 v3, v4  }
0x254: {  	v49 =	vmax.f32 v53, v0  }
0x255: {  	v54 =	vperm.xlane v49, v32;
	_ =	sdelay $0x1  }
0x256: {  	v49 =	vmax.f32 v49, v54  }
0x257: {  	v51 =	vperm.xlane v49, v34;
	_ =	sdelay $0x1  }
0x258: {  	v49 =	vmax.f32 v49, v51  }
0x259: {  	v51 =	vperm.xlane v49, v35;
	_ =	sdelay $0x1  }
0x25a: {  	v49 =	vmax.f32 v49, v51  }
0x25b: {  	v51 =	vperm.xlane v49, v36;
	_ =	sdelay $0x1  }
0x25c: {  	v49 =	vmax.f32 v49, v51  }
0x25d: {  	vm6 =	veq.f32 v3, v49;
	vm1 =	veq.f32 v4, v49  }
0x25e: {  	v59 =	vld [tilespmem:$0x1FEA0];
	vm7 =	veq.f32 v0, v49;
	v3 =	vnsel vm6, $0x200, v50;
	v2 =	vnsel vm1, $0x200, v2  }
0x25f: {  	v62 =	vld [tilespmem:$0x1FE40];
	v0 =	vnsel vm7, $0x200, v1;
	v55 =	vmin.u32 v3, v2  }
0x260: {  	v56 =	vsel vm2, v45, v46;
	v0 =	vmin.u32 v55, v0  }
0x261: {  	v57 =	vperm.xlane v56, v35;
	v58 =	vperm.xlane v0, v32  }
0x262: {  	v60 =	vmov s23  }
0x263: {  	vm8 =	vlt.s32 v56, v57;
	vm10 =	vnez.u8 v59;
	vm9 =	vlt.s32 v0, v58  }
0x264: {  	vm11 =	vnez.u8 v62;
	v10 =	vlaneseq.u32;
	v0 =	vsel vm9, v0, v58  }
0x265: {  	v9 =	vsel vm10, v38, v43;
	vm12 =	veq.s32 v60, v10;
	v3 =	vperm.xlane v0, v34  }
0x266: {  	s28 =	sadd.s32 $0xFFFFFFF0, s23;
	v63 =	vsel vm11, v44, v42;
	v54 =	vand.u32 $0x7, v10;
	v49 =	vsel vm12, v47, v9  }
0x267: {  	v1 =	vsel vm8, v56, v57;
	v50 =	vmov s28;
	vm1 =	vlt.s32 v0, v3  }
0x268: {  	v51 =	vshll.u32 v49, $0x1;
	v53 =	vand.u32 $0x7, v49;
	v0 =	vsel vm1, v0, v3  }
0x269: {  	v2 =	vperm.xlane v1, v36;
	v4 =	vand.u32 $0xFFFFFFF0, v51;
	v61 =	vperm.xlane v0, v35  }
0x26a: {  	v57 =	vor.u32 $0x8, v10;
	vm13 =	veq.s32 v50, v10;
	v4 =	vor.u32 v53, v4  }
0x26b: {  	v55 =	vshrl.u32 v10, $0x3;
	vm0 =	vlt.s32 v1, v2;
	vm1 =	vlt.s32 v0, v61  }
0x26c: {  	v56 =	vperm.xlane v4, v54;
	v1 =	vsel vm0, v1, v2;
	v0 =	vsel vm1, v0, v61  }
0x26d: {  	v2 =	vsel vm10, v44, v40;
	v44 =	vmul.u32 $0x8, v55;
	v52 =	vperm.xlane v0, v36  }
0x26e: {  	v11 =	vsel vm11, v38, v41;
	[tilespmem:$0x4000] =	vst v49;
	v4 =	vperm.xlane v4, v57;
	v40 =	vsel vm13, v48, v63  }
0x26f: {  	v2 =	vsel vm12, v48, v2;
	[tilespmem:$0x4030] =	vst v40;
	v58 =	vadd.s32 v44, v56;
	vm14 =	vlt.s32 v0, v52  }
0x270: {  	v39 =	vsel vm10, v1, v39;
	[tilespmem:$0x4020] =	vst v2;
	v3 =	vsel vm13, v47, v11;
	v0 =	vsel vm14, v0, v52  }
0x271: {  	v1 =	vsel vm11, v1, v37;
	v4 =	vadd.s32 v44, v4;
	[tilespmem:$0x4010] =	vst v3;
	v59 =	vsel vm12, v0, v39  }
0x272: {  	v0 =	vsel vm13, v0, v1;
	[tilespmem:$0x4040] =	vst v59  }
0x273: {  	s29 =	simm.s32 $0x0;
	vm15 =	vmmov $0xffff;
	[tilespmem:$0x4050] =	vst v0  }
0x274: {  	[tilespmem:s8], [sflag:$0x1] =	stream.indirect_vreg.gather [hbm4b:s1+s29], $0x80, v58, vm15, $0xb8;
	[tilespmem:$0xC080] =	vst v63  }
0x275: {  	_ = 	snop  }
0x276: {  	[tilespmem:s9], [sflag:$0x1] =	stream.indirect_vreg.gather [hbm4b:s1+s29], $0x80, v4, vm15, $0xb8;
	[tilespmem:$0xC080] =	vst v63  }
0x277: {  	v60 =	vld [tilespmem:$0x4010];
	_ =	sdelay $0x4  }
0x278: {  	v61 =	vshll.u32 v60, $0x1  }
0x279: {  	v0 =	vand.u32 $0x7, v60;
	v1 =	vand.u32 $0xFFFFFFF0, v61  }
0x27a: {  	v0 =	vor.u32 v0, v1  }
0x27b: {  	v1 =	vperm.xlane v0, v54;
	_ =	sdelay $0x1  }
0x27c: {  	v0 =	vperm.xlane v0, v57;
	v1 =	vadd.s32 v44, v1;
	_ =	sdelay $0x1  }
0x27d: {  	v0 =	vadd.s32 v44, v0;
	_ =	sdelay $0x2  }
0x27e: {  	[tilespmem:s10], [sflag:$0x1] =	stream.indirect_vreg.gather [hbm4b:s1+s29], $0x80, v1, vm15, $0xb8;
	[tilespmem:$0xC080] =	vst v63  }
0x27f: {  	_ = 	snop  }
0x280: {  	[tilespmem:s11], [sflag:$0x1] =	stream.indirect_vreg.gather [hbm4b:s1+s29], $0x80, v0, vm15, $0xb8;
	[tilespmem:$0xC080] =	vst v63  }
0x281: {  	v0 =	vld [tilespmem:$0x4020];
	_ =	sdelay $0x4  }
0x282: {  	v62 =	vshll.u32 v0, $0x1  }
0x283: {  	v0 =	vand.u32 $0x7, v0;
	v1 =	vand.u32 $0xFFFFFFF0, v62  }
0x284: {  	v0 =	vor.u32 v0, v1  }
0x285: {  	v1 =	vperm.xlane v0, v54;
	_ =	sdelay $0x1  }
0x286: {  	v0 =	vperm.xlane v0, v57;
	v1 =	vadd.s32 v44, v1;
	_ =	sdelay $0x1  }
0x287: {  	v0 =	vadd.s32 v44, v0;
	_ =	sdelay $0x2  }
0x288: {  	[tilespmem:s12], [sflag:$0x1] =	stream.indirect_vreg.gather [hbm4b:s1+s29], $0x80, v1, vm15, $0xb8;
	[tilespmem:$0xC080] =	vst v63  }
0x289: {  	_ = 	snop  }
0x28a: {  	[tilespmem:s13], [sflag:$0x1] =	stream.indirect_vreg.gather [hbm4b:s1+s29], $0x80, v0, vm15, $0xb8;
	[tilespmem:$0xC080] =	vst v63  }
0x28b: {  	v0 =	vld [tilespmem:$0x4030];
	_ =	sdelay $0x4  }
0x28c: {  	v63 =	vshll.u32 v0, $0x1  }
0x28d: {  	v0 =	vand.u32 $0x7, v0;
	v1 =	vand.u32 $0xFFFFFFF0, v63  }
0x28e: {  	v0 =	vor.u32 v0, v1  }
0x28f: {  	v1 =	vperm.xlane v0, v54;
	_ =	sdelay $0x1  }
0x290: {  	v0 =	vperm.xlane v0, v57;
	v1 =	vadd.s32 v44, v1;
	_ =	sdelay $0x1  }
0x291: {  	v0 =	vadd.s32 v44, v0;
	_ =	sdelay $0x2  }
0x292: {  	[tilespmem:s14], [sflag:$0x1] =	stream.indirect_vreg.gather [hbm4b:s1+s29], $0x80, v1, vm15, $0xb8;
	[tilespmem:$0xC080] =	vst v63  }
0x293: {  	_ = 	snop  }
0x294: {  	[tilespmem:s15], [sflag:$0x1] =	stream.indirect_vreg.gather [hbm4b:s1+s29], $0x80, v0, vm15, $0xb8;
	[tilespmem:$0xC080] =	vst v63  }
0x295: {  	v0 =	vld [tilespmem:$0x4040];
	_ =	sdelay $0x4  }
0x296: {  	v4 =	vshll.u32 v0, $0x1  }
0x297: {  	v0 =	vand.u32 $0x7, v0;
	v1 =	vand.u32 $0xFFFFFFF0, v4  }
0x298: {  	v0 =	vor.u32 v0, v1  }
0x299: {  	v1 =	vperm.xlane v0, v54;
	_ =	sdelay $0x1  }
0x29a: {  	v0 =	vperm.xlane v0, v57;
	v1 =	vadd.s32 v44, v1;
	_ =	sdelay $0x1  }
0x29b: {  	v0 =	vadd.s32 v44, v0;
	_ =	sdelay $0x2  }
0x29c: {  	[tilespmem:s16], [sflag:$0x1] =	stream.indirect_vreg.gather [hbm4b:s1+s29], $0x80, v1, vm15, $0xb8;
	[tilespmem:$0xC080] =	vst v63  }
0x29d: {  	_ = 	snop  }
0x29e: {  	[tilespmem:s17], [sflag:$0x1] =	stream.indirect_vreg.gather [hbm4b:s1+s29], $0x80, v0, vm15, $0xb8;
	[tilespmem:$0xC080] =	vst v63  }
0x29f: {  	v0 =	vld [tilespmem:$0x4050];
	_ =	sdelay $0x4  }
0x2a0: {  	v7 =	vshll.u32 v0, $0x1  }
0x2a1: {  	v0 =	vand.u32 $0x7, v0;
	v1 =	vand.u32 $0xFFFFFFF0, v7  }
0x2a2: {  	v0 =	vor.u32 v0, v1  }
0x2a3: {  	v1 =	vperm.xlane v0, v54;
	_ =	sdelay $0x1  }
0x2a4: {  	v0 =	vperm.xlane v0, v57;
	v1 =	vadd.s32 v44, v1;
	_ =	sdelay $0x1  }
0x2a5: {  	v0 =	vadd.s32 v44, v0;
	_ =	sdelay $0x2  }
0x2a6: {  	[tilespmem:s18], [sflag:$0x1] =	stream.indirect_vreg.gather [hbm4b:s1+s29], $0x80, v1, vm15, $0xb8;
	[tilespmem:$0xC080] =	vst v63  }
0x2a7: {  	_ = 	snop  }
0x2a8: {  	[tilespmem:s19], [sflag:$0x1] =	stream.indirect_vreg.gather [hbm4b:s1+s29], $0x80, v0, vm15, $0xb8;
	[tilespmem:$0xC080] =	vst v63  }
0x2a9: {  	_ =	swait.ge [sflag:s20], $0x6000  }
0x2aa: {  	s30 =	sand.u32 $0x1800, s29;
	s23 =	sand.u32 $0x380, s29;
	[sflag:s20] =	ssyncset.done $0x0  }
0x2ab: {  	s23 =	sor.u32 s23, s30;
	[sflag:s20] =	ssyncadd.s32 $0xFFFFA000  }
0x2ac: {  	v8 =	vld [tilespmem:s23+$0x44F0]  }
0x2ad: {  	v9 =	vld [tilespmem:s23+$0x64F0]  }
0x2ae: {  	v2 =	vld [tilespmem:s23+$0x4080]  }
0x2af: {  	v10 =	vld [tilespmem:s23+$0x84F0]  }
0x2b0: {  	v4 =	vld [tilespmem:s23+$0x6080]  }
0x2b1: {  	v37 =	vld [tilespmem:s23+$0x4090]  }
0x2b2: {  	v38 =	vld [tilespmem:s23+$0x6090]  }
0x2b3: {  	v40 =	vld [tilespmem:s23+$0x40A0]  }
0x2b4: {  	v39 =	vld [tilespmem:s23+$0x60A0]  }
0x2b5: {  	v42 =	vld [tilespmem:s23+$0x40B0]  }
0x2b6: {  	v41 =	vld [tilespmem:s23+$0x60B0]  }
0x2b7: {  	v45 =	vld [tilespmem:s23+$0x40C0]  }
0x2b8: {  	v43 =	vld [tilespmem:s23+$0x60C0]  }
0x2b9: {  	v49 =	vld [tilespmem:s23+$0x40D0]  }
0x2ba: {  	v47 =	vld [tilespmem:s23+$0x60D0]  }
0x2bb: {  	v57 =	vld [tilespmem:s23+$0x40E0]  }
0x2bc: {  	v51 =	vld [tilespmem:s23+$0x60E0]  }
0x2bd: {  	v52 =	vld [tilespmem:s23+$0x40F0]  }
0x2be: {  	v48 =	vld [tilespmem:s23+$0x60F0]  }
0x2bf: {  	v53 =	vld [tilespmem:s23+$0x4480]  }
0x2c0: {  	v50 =	vld [tilespmem:s23+$0x6480]  }
0x2c1: {  	v60 =	vld [tilespmem:s23+$0x4490]  }
0x2c2: {  	v58 =	vld [tilespmem:s23+$0x6490]  }
0x2c3: {  	v59 =	vld [tilespmem:s23+$0x44A0]  }
0x2c4: {  	v54 =	vld [tilespmem:s23+$0x64A0]  }
0x2c5: {  	v55 =	vld [tilespmem:s23+$0x44B0]  }
0x2c6: {  	v56 =	vld [tilespmem:s23+$0x64B0]  }
0x2c7: {  	v61 =	vld [tilespmem:s23+$0x64C0]  }
0x2c8: {  	v7 =	vld [tilespmem:s23+$0x44D0]  }
0x2c9: {  	v62 =	vld [tilespmem:s23+$0x64E0]  }
0x2ca: {  	v44 =	vld [tilespmem:s23+$0x8080];
	v0 =	vadd.f32 v9, v8  }
0x2cb: {  	v63 =	vld [tilespmem:s23+$0x8090]  }
0x2cc: {  	v11 =	vld [tilespmem:s23+$0x80B0];
	v0 =	vadd.f32 v10, v0  }
0x2cd: {  	v1 =	vld [tilespmem:s23+$0x80C0];
	v2 =	vadd.f32 v4, v2  }
0x2ce: {  	v3 =	vld [tilespmem:s23+$0x80E0];
	v37 =	vadd.f32 v38, v37;
	v0 =	vmul.f32 v0, v33  }
0x2cf: {  	v38 =	vld [tilespmem:s23+$0x80D0];
	v2 =	vadd.f32 v44, v2  }
0x2d0: {  	v37 =	vadd.f32 v63, v37;
	v44 =	vadd.f32 v41, v42;
	[tilespmem:s23+$0xA4F0] =	vst v0;
	v0 =	vld [tilespmem:s23+$0x80A0]  }
0x2d1: {  	v46 =	vld [tilespmem:s23+$0x8480]  }
0x2d2: {  	v8 =	vld [tilespmem:s23+$0x64D0];
	v37 =	vmul.f32 v37, v33;
	v4 =	vadd.f32 v11, v44;
	v11 =	vadd.f32 v47, v49  }
0x2d3: {  	v9 =	vld [tilespmem:s23+$0x44E0];
	v39 =	vadd.f32 v39, v40;
	v51 =	vadd.f32 v51, v57  }
0x2d4: {  	v52 =	vadd.f32 v48, v52;
	v63 =	vld [tilespmem:s23+$0x80F0];
	v2 =	vmul.f32 v2, v33;
	[tilespmem:s23+$0xA090] =	vst v37;
	v37 =	vadd.f32 v38, v11  }
0x2d5: {  	v14 =	vmovc v26;
	v18 =	vmovc v31;
	v29 =	vmov v5;
	v10 =	vld [tilespmem:s23+$0x44C0];
	v0 =	vadd.f32 v0, v39;
	v39 =	vadd.f32 v43, v45  }
0x2d6: {  	v57 =	vadd.f32 v50, v53;
	v58 =	vadd.f32 v58, v60;
	[tilespmem:s23+$0xA080] =	vst v2;
	v2 =	vld [tilespmem:s23+$0x8490];
	v49 =	vmul.f32 v4, v33  }
0x2d7: {  	v27 =	vmovc v6;
	v40 =	vadd.f32 v56, v55;
	v44 =	vld [tilespmem:s23+$0x84A0];
	v60 =	vmul.f32 v37, v33;
	v1 =	vadd.f32 v1, v39  }
0x2d8: {  	v41 =	vadd.f32 v54, v59;
	v3 =	vadd.f32 v3, v51;
	[tilespmem:s23+$0xA0B0] =	vst v49;
	v43 =	vld [tilespmem:s23+$0x84B0];
	v0 =	vmul.f32 v0, v33  }
0x2d9: {  	s31 =	simm.s32 $0x100;
	s25 =	simm.s32 $0x80;
	v42 =	vld [tilespmem:s23+$0x84C0];
	v38 =	vadd.f32 v8, v7;
	v63 =	vadd.f32 v63, v52;
	[tilespmem:s23+$0xA0D0] =	vst v60;
	v1 =	vmul.f32 v1, v33  }
0x2da: {  	s26 =	sand.u32 $0x380, s25;
	s24 =	sand.u32 $0x1800, s31;
	v48 =	vmul.f32 v3, v33;
	v37 =	vadd.f32 v62, v9;
	v49 =	vadd.f32 v46, v57;
	v45 =	vld [tilespmem:s23+$0x84D0];
	[tilespmem:s23+$0xA0A0] =	vst v0  }
0x2db: {  	s24 =	sor.u32 s26, s24;
	s26 =	simm.s32 $0x200;
	v46 =	vld [tilespmem:s23+$0x84E0];
	v50 =	vmul.f32 v63, v33;
	v47 =	vadd.f32 v2, v58;
	v39 =	vadd.f32 v61, v10;
	[tilespmem:s23+$0xA0C0] =	vst v1  }
.LBB2_4:
0x2dc: {  	p0 =	sne.s32 s26, $0x1F00;
	v0 =	vld [tilespmem:s24+$0x44F0];
	[tilespmem:s23+$0xA0E0] =	vst v48;
	v1 =	vmul.f32 v49, v33;
	v2 =	vadd.f32 v44, v41  }
0x2dd: {  	v3 =	vld [tilespmem:s24+$0x64F0];
	[tilespmem:s23+$0xA0F0] =	vst v50;
	v4 =	vmul.f32 v47, v33;
	v40 =	vadd.f32 v43, v40  }
0x2de: {  	v41 =	vld [tilespmem:s24+$0x4080];
	[tilespmem:s23+$0xA480] =	vst v1;
	v1 =	vmul.f32 v2, v33;
	v2 =	vadd.f32 v42, v39  }
0x2df: {  	v39 =	vld [tilespmem:s24+$0x84F0];
	[tilespmem:s23+$0xA490] =	vst v4;
	v4 =	vmul.f32 v40, v33;
	v38 =	vadd.f32 v45, v38  }
0x2e0: {  	v40 =	vld [tilespmem:s24+$0x6080];
	[tilespmem:s23+$0xA4A0] =	vst v1;
	v1 =	vmul.f32 v2, v33;
	v2 =	vadd.f32 v46, v37  }
0x2e1: {  	v37 =	vld [tilespmem:s24+$0x4090];
	[tilespmem:s23+$0xA4B0] =	vst v4;
	v4 =	vmul.f32 v38, v33  }
0x2e2: {  	v38 =	vld [tilespmem:s24+$0x6090];
	v0 =	vadd.f32 v3, v0;
	[tilespmem:s23+$0xA4C0] =	vst v1;
	v1 =	vmul.f32 v2, v33  }
0x2e3: {  	v2 =	vld [tilespmem:s24+$0x40A0];
	[tilespmem:s23+$0xA4D0] =	vst v4  }
0x2e4: {  	v3 =	vld [tilespmem:s24+$0x60A0];
	v0 =	vadd.f32 v39, v0;
	[tilespmem:s23+$0xA4E0] =	vst v1;
	s23 =	smov.u32 s24  }
0x2e5: {  	v1 =	vadd.f32 v40, v41;
	v4 =	vld [tilespmem:s23+$0x40B0]  }
0x2e6: {  	v39 =	vld [tilespmem:s23+$0x60B0];
	v0 =	vmul.f32 v0, v33  }
0x2e7: {  	v42 =	vadd.f32 v38, v37;
	v37 =	vld [tilespmem:s23+$0x40C0]  }
0x2e8: {  	v38 =	vld [tilespmem:s23+$0x60C0];
	[tilespmem:s23+$0xA4F0] =	vst v0  }
0x2e9: {  	v0 =	vadd.f32 v3, v2;
	v2 =	vld [tilespmem:s23+$0x40D0]  }
0x2ea: {  	v3 =	vld [tilespmem:s23+$0x60D0]  }
0x2eb: {  	v4 =	vadd.f32 v39, v4;
	v39 =	vld [tilespmem:s23+$0x40E0]  }
0x2ec: {  	v40 =	vld [tilespmem:s23+$0x60E0]  }
0x2ed: {  	v43 =	vadd.f32 v38, v37;
	v37 =	vld [tilespmem:s23+$0x40F0]  }
0x2ee: {  	v38 =	vld [tilespmem:s23+$0x60F0]  }
0x2ef: {  	v2 =	vadd.f32 v3, v2;
	v3 =	vld [tilespmem:s23+$0x4480]  }
0x2f0: {  	v41 =	vld [tilespmem:s23+$0x6480]  }
0x2f1: {  	v45 =	vadd.f32 v40, v39;
	v39 =	vld [tilespmem:s23+$0x4490]  }
0x2f2: {  	v40 =	vld [tilespmem:s23+$0x6490]  }
0x2f3: {  	v46 =	vadd.f32 v38, v37;
	v37 =	vld [tilespmem:s23+$0x44A0]  }
0x2f4: {  	v38 =	vld [tilespmem:s23+$0x64A0]  }
0x2f5: {  	v3 =	vadd.f32 v41, v3;
	v44 =	vld [tilespmem:s23+$0x44B0]  }
0x2f6: {  	v47 =	vld [tilespmem:s23+$0x64B0]  }
0x2f7: {  	v51 =	vadd.f32 v40, v39;
	v39 =	vld [tilespmem:s23+$0x44C0]  }
0x2f8: {  	v48 =	vld [tilespmem:s23+$0x64C0]  }
0x2f9: {  	v41 =	vadd.f32 v38, v37;
	v37 =	vld [tilespmem:s23+$0x44D0]  }
0x2fa: {  	v38 =	vld [tilespmem:s23+$0x64D0]  }
0x2fb: {  	v40 =	vadd.f32 v47, v44;
	v44 =	vld [tilespmem:s23+$0x44E0]  }
0x2fc: {  	v47 =	vld [tilespmem:s23+$0x64E0]  }
0x2fd: {  	v49 =	vld [tilespmem:s23+$0x8080];
	v39 =	vadd.f32 v48, v39  }
0x2fe: {  	v48 =	vld [tilespmem:s23+$0x8090]  }
0x2ff: {  	v50 =	vld [tilespmem:s23+$0x80A0];
	v38 =	vadd.f32 v38, v37  }
0x300: {  	v52 =	vld [tilespmem:s23+$0x80B0]  }
0x301: {  	v53 =	vld [tilespmem:s23+$0x80C0];
	v37 =	vadd.f32 v47, v44  }
0x302: {  	v1 =	vadd.f32 v49, v1;
	v44 =	vld [tilespmem:s23+$0x80D0]  }
0x303: {  	v42 =	vadd.f32 v48, v42;
	v47 =	vld [tilespmem:s23+$0x80E0]  }
0x304: {  	v1 =	vmul.f32 v1, v33;
	v0 =	vadd.f32 v50, v0;
	v48 =	vld [tilespmem:s23+$0x80F0]  }
0x305: {  	v42 =	vmul.f32 v42, v33;
	v4 =	vadd.f32 v52, v4;
	v49 =	vld [tilespmem:s23+$0x8480]  }
0x306: {  	[tilespmem:s23+$0xA080] =	vst v1;
	v0 =	vmul.f32 v0, v33;
	v1 =	vadd.f32 v53, v43;
	v52 =	vld [tilespmem:s23+$0x8490]  }
.Ltmp1:
0x307: {  	[tilespmem:s23+$0xA090] =	vst v42;
	v4 =	vmul.f32 v4, v33;
	v2 =	vadd.f32 v44, v2;
	v44 =	vld [tilespmem:s23+$0x84A0];
	(pc) =	sbr.rel @p0 .LBB2_4-.Ltmp1, $4  }
0x308: {  	[tilespmem:s23+$0xA0A0] =	vst v0;
	v0 =	vmul.f32 v1, v33;
	v1 =	vadd.f32 v47, v45;
	v43 =	vld [tilespmem:s23+$0x84B0]  }
0x309: {  	s25 =	sadd.s32 $0x80, s25;
	[tilespmem:s23+$0xA0B0] =	vst v4;
	v2 =	vmul.f32 v2, v33;
	v4 =	vadd.f32 v48, v46;
	v42 =	vld [tilespmem:s23+$0x84C0]  }
0x30a: {  	s28 =	sand.u32 $0x380, s25;
	s24 =	sand.u32 $0x1800, s26;
	[tilespmem:s23+$0xA0C0] =	vst v0;
	v48 =	vmul.f32 v1, v33;
	v49 =	vadd.f32 v49, v3;
	v45 =	vld [tilespmem:s23+$0x84D0]  }
0x30b: {  	s26 =	sadd.s32 $0x100, s26;
	s24 =	sor.u32 s28, s24;
	[tilespmem:s23+$0xA0D0] =	vst v2;
	v50 =	vmul.f32 v4, v33;
	v47 =	vadd.f32 v52, v51;
	v46 =	vld [tilespmem:s23+$0x84E0]  }
0x30c: {  	v0 =	vld [tilespmem:s24+$0x44F0]  }
0x30d: {  	v1 =	vld [tilespmem:s24+$0x64F0]  }
0x30e: {  	v53 =	vld [tilespmem:s24+$0x4080]  }
0x30f: {  	v3 =	vld [tilespmem:s24+$0x84F0]  }
0x310: {  	v4 =	vld [tilespmem:s24+$0x6080]  }
0x311: {  	v51 =	vld [tilespmem:s24+$0x4090]  }
0x312: {  	v52 =	vld [tilespmem:s24+$0x6090]  }
0x313: {  	v55 =	vld [tilespmem:s24+$0x40A0];
	v0 =	vadd.f32 v1, v0  }
0x314: {  	v54 =	vld [tilespmem:s24+$0x60A0]  }
0x315: {  	v57 =	vld [tilespmem:s24+$0x40B0];
	v0 =	vadd.f32 v3, v0  }
0x316: {  	v56 =	vld [tilespmem:s24+$0x60B0]  }
0x317: {  	v59 =	vld [tilespmem:s24+$0x40C0];
	v0 =	vmul.f32 v0, v33  }
0x318: {  	v58 =	vld [tilespmem:s24+$0x60C0]  }
0x319: {  	[tilespmem:s24+$0xA4F0] =	vst v0;
	v0 =	vld [tilespmem:s24+$0x60F0]  }
0x31a: {  	v61 =	vld [tilespmem:s24+$0x40D0]  }
0x31b: {  	v60 =	vld [tilespmem:s24+$0x60D0]  }
0x31c: {  	v63 =	vld [tilespmem:s24+$0x40E0]  }
0x31d: {  	v62 =	vld [tilespmem:s24+$0x60E0]  }
0x31e: {  	v31 =	vld [tilespmem:s24+$0x40F0];
	[tilespmem:$0x1FD70] =	vst v0  }
0x31f: {  	v0 =	vld [tilespmem:s24+$0x4480];
	_ =	sdelay $0x4  }
0x320: {  	[tilespmem:$0x1FD80] =	vst v0  }
0x321: {  	v0 =	vld [tilespmem:s24+$0x6480];
	_ =	sdelay $0x4  }
0x322: {  	[tilespmem:$0x1FD90] =	vst v0  }
0x323: {  	v26 =	vld [tilespmem:s24+$0x4490]  }
0x324: {  	v28 =	vld [tilespmem:s24+$0x6490]  }
0x325: {  	v13 =	vld [tilespmem:s24+$0x44A0]  }
0x326: {  	v0 =	vld [tilespmem:s24+$0x8080]  }
0x327: {  	v15 =	vld [tilespmem:s24+$0x64A0]  }
0x328: {  	v1 =	vld [tilespmem:s24+$0x8090]  }
0x329: {  	v4 =	vadd.f32 v4, v53;
	v11 =	vld [tilespmem:s24+$0x44B0]  }
0x32a: {  	v2 =	vld [tilespmem:s24+$0x80A0]  }
0x32b: {  	v51 =	vadd.f32 v52, v51;
	v12 =	vld [tilespmem:s24+$0x64B0];
	v0 =	vadd.f32 v0, v4  }
0x32c: {  	v41 =	vadd.f32 v44, v41;
	v54 =	vadd.f32 v54, v55;
	v55 =	vmul.f32 v47, v33;
	v53 =	vld [tilespmem:s24+$0x80B0];
	[tilespmem:s23+$0xA0E0] =	vst v48  }
0x32d: {  	v9 =	vld [tilespmem:s24+$0x44C0];
	[tilespmem:s23+$0xA0F0] =	vst v50;
	v1 =	vadd.f32 v1, v51;
	v0 =	vmul.f32 v0, v33  }
0x32e: {  	v56 =	vadd.f32 v56, v57;
	v57 =	vmul.f32 v41, v33;
	v10 =	vld [tilespmem:s24+$0x64C0];
	[tilespmem:s23+$0xA490] =	vst v55  }
0x32f: {  	v7 =	vld [tilespmem:s24+$0x44D0];
	v2 =	vadd.f32 v2, v54;
	[tilespmem:s24+$0xA080] =	vst v0;
	v0 =	vmul.f32 v1, v33  }
0x330: {  	v8 =	vld [tilespmem:s24+$0x64D0];
	v48 =	vmul.f32 v49, v33;
	[tilespmem:s23+$0xA4A0] =	vst v57;
	v1 =	vadd.f32 v43, v40  }
0x331: {  	v5 =	vld [tilespmem:s24+$0x44E0];
	v53 =	vadd.f32 v53, v56;
	[tilespmem:s24+$0xA090] =	vst v0;
	v0 =	vmul.f32 v2, v33  }
0x332: {  	v6 =	vld [tilespmem:s24+$0x64E0];
	[tilespmem:s23+$0xA480] =	vst v48;
	v2 =	vadd.f32 v42, v39;
	v1 =	vmul.f32 v1, v33  }
0x333: {  	v3 =	vld [tilespmem:s24+$0x80C0];
	[tilespmem:s24+$0xA0A0] =	vst v0;
	v0 =	vmul.f32 v53, v33  }
0x334: {  	v49 =	vld [tilespmem:s24+$0x80E0];
	v2 =	vmul.f32 v2, v33;
	[tilespmem:s23+$0xA4B0] =	vst v1  }
0x335: {  	v50 =	vld [tilespmem:s24+$0x8490];
	[tilespmem:s24+$0xA0B0] =	vst v0  }
0x336: {  	v52 =	vadd.f32 v58, v59;
	v4 =	vld [tilespmem:s24+$0x80D0];
	[tilespmem:s23+$0xA4C0] =	vst v2  }
0x337: {  	v57 =	vld [tilespmem:$0x1FD70]  }
0x338: {  	v51 =	vld [tilespmem:s24+$0x80F0];
	v3 =	vadd.f32 v3, v52  }
0x339: {  	v38 =	vadd.f32 v45, v38;
	v55 =	vadd.f32 v60, v61;
	v54 =	vld [tilespmem:s24+$0x84A0]  }
0x33a: {  	v1 =	vld [tilespmem:s24+$0x84B0];
	v0 =	vmul.f32 v3, v33  }
0x33b: {  	v56 =	vadd.f32 v62, v63;
	v4 =	vadd.f32 v4, v55;
	v2 =	vmul.f32 v38, v33;
	v59 =	vld [tilespmem:$0x1FD90]  }
0x33c: {  	v3 =	vadd.f32 v46, v37;
	v37 =	vadd.f32 v57, v31;
	v31 =	vld [tilespmem:$0x1FD80];
	[tilespmem:s24+$0xA0C0] =	vst v0  }
0x33d: {  	v58 =	vld [tilespmem:s24+$0x84C0];
	v42 =	vadd.f32 v49, v56;
	v0 =	vmul.f32 v4, v33;
	[tilespmem:s23+$0xA4D0] =	vst v2;
	v2 =	vadd.f32 v28, v26  }
0x33e: {  	v60 =	vld [tilespmem:s24+$0x84D0];
	v61 =	vadd.f32 v15, v13;
	v3 =	vmul.f32 v3, v33;
	v4 =	vadd.f32 v51, v37  }
0x33f: {  	v47 =	vld [tilespmem:s24+$0x8480];
	v42 =	vmul.f32 v42, v33;
	[tilespmem:s24+$0xA0D0] =	vst v0;
	v0 =	vadd.f32 v12, v11;
	v2 =	vadd.f32 v50, v2  }
0x340: {  	v62 =	vadd.f32 v10, v9;
	v39 =	vadd.f32 v54, v61;
	[tilespmem:s23+$0xA4E0] =	vst v3;
	v3 =	vmul.f32 v4, v33;
	v4 =	vld [tilespmem:s24+$0x84E0]  }
0x341: {  	v63 =	vadd.f32 v8, v7;
	[tilespmem:s24+$0xA0E0] =	vst v42;
	v2 =	vmul.f32 v2, v33;
	v0 =	vadd.f32 v1, v0  }
0x342: {  	v38 =	vadd.f32 v58, v62;
	v40 =	vadd.f32 v59, v31;
	[tilespmem:s24+$0xA0F0] =	vst v3;
	v3 =	vmul.f32 v39, v33  }
0x343: {  	v1 =	vadd.f32 v6, v5;
	[tilespmem:s24+$0xA490] =	vst v2;
	v0 =	vmul.f32 v0, v33;
	v2 =	vadd.f32 v60, v63  }
0x344: {  	v40 =	vadd.f32 v47, v40;
	[tilespmem:s24+$0xA4A0] =	vst v3;
	v3 =	vmul.f32 v38, v33  }
0x345: {  	[tilespmem:s24+$0xA4B0] =	vst v0;
	v0 =	vmul.f32 v2, v33;
	v1 =	vadd.f32 v4, v1  }
0x346: {  	v40 =	vmul.f32 v40, v33;
	[tilespmem:s24+$0xA4C0] =	vst v3  }
0x347: {  	[tilespmem:s24+$0xA4D0] =	vst v0;
	v1 =	vmul.f32 v1, v33  }
0x348: {  	[tilespmem:s24+$0xA480] =	vst v40  }
0x349: {  	[tilespmem:s24+$0xA4E0] =	vst v1  }
0x34a: {  	[hbm4b:s5+s2] =	stream.linear.scatter [tilespmem:s21], [sflag:$0x2], $0x2000, $0x38;
	[tilespmem:$0xC080] =	vst v63  }
0x34b: {  	_ =	swait.ge [sflag:s7], $0x2000  }
0x34c: {  	v1 =	vld [tilespmem:$0x1FEB0]  }
0x34d: {  	v2 =	vld [tilespmem:$0x1FEC0]  }
0x34e: {  	v3 =	vld [tilespmem:$0x1FED0]  }
0x34f: {  	v4 =	vld [tilespmem:$0x1FEE0]  }
0x350: {  	v5 =	vld [tilespmem:$0x1FEF0]  }
0x351: {  	v6 =	vld [tilespmem:$0x1FF00]  }
0x352: {  	v7 =	vld [tilespmem:$0x1FF10]  }
0x353: {  	v8 =	vld [tilespmem:$0x1FF20]  }
0x354: {  	v9 =	vld [tilespmem:$0x1FF30]  }
0x355: {  	v10 =	vld [tilespmem:$0x1FF40]  }
0x356: {  	s22 =	sadd.s32 $0x1, s22;
	v11 =	vld [tilespmem:$0x1FF50]  }
0x357: {  	p0 =	sne.s32 s22, s6;
	v12 =	vld [tilespmem:$0x1FF60]  }
.Ltmp2:
0x358: {  	v13 =	vld [tilespmem:$0x1FF70];
	(pc) =	sbr.rel @p0 .LBB2_1-.Ltmp2, $4  }
0x359: {  	v15 =	vld [tilespmem:$0x1FF80]  }
0x35a: {  	v26 =	vld [tilespmem:$0x1FF90]  }
0x35b: {  	[sflag:s7] =	ssyncset.done $0x0;
	v28 =	vld [tilespmem:$0x1FFA0]  }
0x35c: {  	v0 =	vlaneseq.u32;
	v31 =	vld [tilespmem:$0x1FFB0];
	[sflag:s7] =	ssyncadd.s32 $0xFFFFE000  }
0x35d: {  	_ =	sfence.sel $0x180000  }
0x35e: {  	[bflag:$0x0] =	sbarrier.arrive $0xFFFF  }
0x35f: {  	p0 =	sne.s32 s3, $0x0;
	_ =	strace $0x90000047  }
0x360: {  	s0 =	sadd.s32 @!p0 $0x100000, s0;
	[bflag:$0x2] =	sbarrier.arrive $0xFFFF  }
0x361: {  	[sflag:s0] =	ssyncadd.tile.s32 @!p0 $0x1;
	_ =	shalt  }
.Lfunc_end2:
_tile_overlayer_lowered:
.L_overlay_start_2:
0x362: {  	(tag) =	ssettag $0x2  }
0x363: {  	s0 =	rddreg [dreg:$0x0];
	s2 =	stileid.u32  }
0x364: {  	s1 =	rddreg [dreg:$0x1];
	p0 =	sne.s32 s2, $0x0  }
0x365: {  	s3 =	rddreg [dreg:$0x2];
	[bflag:$0x3] =	sbarrier.arrive $0xFFFF;
	s2 =	simm.s32 @!p0 $0x1C02  }
0x366: {  	[timem:s3], [sflag:s2] =	dma.local @!p0 [hbm:s0], s1  }
0x367: {  	s0 =	simm.s32 @!p0 $0x2  }
0x368: {  	_ =	swait.ge @!p0 [sflag:s0], s1  }
0x369: {  	s1 =	ssub.s32 @!p0 $0x0, s1;
	[sflag:s0] =	ssyncset.done @!p0 $0x0  }
0x36a: {  	[sflag:s0] =	ssyncadd.s32 @!p0 s1  }
0x36b: {  	[bflag:$0x3] =	sbarrier.arrive $0xFFFF  }
0x36c: {  	_ =	shalt  }

</sc_bundles>
